<compile_context>
chip_gen: v7x
topology: tpu7x:2x2x1
jax: 0.10.2.dev20260603
libtpu: 0.0.44.dev20260713+nightly
codegen_flags: <defaults>
</compile_context>

<pallas_src>
import functools

import jax
import jax.numpy as jnp
from jax import lax
from jax.experimental import pallas as pl
from jax.experimental.pallas import tpu as pltpu
from jax.experimental.pallas import tpu_sc as plsc

_NC = 2
_NS = 16
_NW = _NC * _NS
_L = 16

_SPLIT = 128


_NBUF = 4


def _pooled_gather_body(n_per_w, seq, dim, idx_a, idx_b, table_hbm,
                        out_a, out_b, *scratch):
  ias = scratch[0:_NBUF]
  ibs = scratch[_NBUF:2 * _NBUF]
  rs = scratch[2 * _NBUF:3 * _NBUF]
  out_buf = scratch[3 * _NBUF]
  sis = scratch[3 * _NBUF + 1:3 * _NBUF + 1 + _NBUF]
  sgs = scratch[3 * _NBUF + 1 + _NBUF:3 * _NBUF + 1 + 2 * _NBUF]
  rem = seq - _SPLIT
  wid = lax.axis_index("s") * _NC + lax.axis_index("c")
  nacc = dim // _L
  unroll = 8

  def run_pipeline(idx_hbm, out_hbm, base):
    def fetch_idx(i_local, ia, ib, sem):
      row = base + lax.rem(i_local, n_per_w)
      pltpu.async_copy(idx_hbm.at[row, pl.ds(0, _SPLIT)], ia, sem)
      pltpu.async_copy(idx_hbm.at[row, pl.ds(_SPLIT, rem)], ib, sem)

    def wait_idx(ia, ib, sem):
      pltpu.make_async_copy(idx_hbm.at[0, pl.ds(0, _SPLIT)], ia, sem).wait()
      pltpu.make_async_copy(idx_hbm.at[0, pl.ds(_SPLIT, rem)], ib, sem).wait()

    def start_gather(ia, ib, r, sem):
      pltpu.async_copy(table_hbm.at[ia], r.at[pl.ds(0, _SPLIT)], sem)
      pltpu.async_copy(table_hbm.at[ib], r.at[pl.ds(_SPLIT, rem)], sem)

    def wait_gather(ia, ib, r, sem):
      pltpu.make_async_copy(table_hbm.at[ia], r.at[pl.ds(0, _SPLIT)], sem).wait()
      pltpu.make_async_copy(table_hbm.at[ib], r.at[pl.ds(_SPLIT, rem)],
                            sem).wait()

    def reduce(r, i_local):
      def body(j, accs):
        rr = j * unroll
        out = []
        for c in range(nacc):
          sl = pl.ds(c * _L, _L)
          xs = [r[rr + u, sl] for u in range(unroll)]
          while len(xs) > 1:
            xs = [xs[i] + xs[i + 1] for i in range(0, len(xs), 2)]
          out.append(accs[c] + xs[0])
        return tuple(out)

      zero = jnp.zeros((_L,), jnp.float32)
      accs = lax.fori_loop(0, seq // unroll, body, (zero,) * nacc)
      for c in range(nacc):
        out_buf[i_local, pl.ds(c * _L, _L)] = accs[c]

    for k in range(_NBUF):
      fetch_idx(k, ias[k], ibs[k], sis[k])
    for k in range(_NBUF - 1):
      wait_idx(ias[k], ibs[k], sis[k])
      start_gather(ias[k], ibs[k], rs[k], sgs[k])

    def outer(g, carry):
      i0 = _NBUF * g
      for k in range(_NBUF):
        t = i0 + k
        bn = (k + _NBUF - 1) % _NBUF
        wait_gather(ias[k], ibs[k], rs[k], sgs[k])
        fetch_idx(t + _NBUF, ias[k], ibs[k], sis[k])
        wait_idx(ias[bn], ibs[bn], sis[bn])
        start_gather(ias[bn], ibs[bn], rs[bn], sgs[bn])
        reduce(rs[k], t)
      return carry

    lax.fori_loop(0, n_per_w // _NBUF, outer, 0)

    for k in range(_NBUF - 1):
      wait_gather(ias[k], ibs[k], rs[k], sgs[k])
    wait_idx(ias[_NBUF - 1], ibs[_NBUF - 1], sis[_NBUF - 1])

    pltpu.sync_copy(out_buf, out_hbm.at[pl.ds(base, n_per_w)])

  @pl.when(wid < _NS)
  def _():
    run_pipeline(idx_a, out_a, wid * n_per_w)

  @pl.when(wid >= _NS)
  def _():
    run_pipeline(idx_b, out_b, (wid - _NS) * n_per_w)


@functools.lru_cache(maxsize=None)
def _build(batch, seq, dim):
  assert batch % _NS == 0 and dim % _L == 0 and seq % 4 == 0
  n_per_w = batch // _NS
  assert n_per_w % _NBUF == 0
  rem = seq - _SPLIT
  assert 0 < rem <= _SPLIT and _SPLIT % 8 == 0

  mesh = plsc.VectorSubcoreMesh(
      core_axis_name="c", subcore_axis_name="s",
      num_cores=_NC, num_subcores=_NS)
  out_t = jax.ShapeDtypeStruct((batch, dim), jnp.float32)
  return pl.kernel(
      functools.partial(_pooled_gather_body, n_per_w, seq, dim),
      out_type=(out_t, out_t),
      mesh=mesh,
      compiler_params=pltpu.CompilerParams(use_tc_tiling_on_sc=False),
      scratch_types=(
          [pltpu.VMEM((_SPLIT,), jnp.int32) for _ in range(_NBUF)]
          + [pltpu.VMEM((rem,), jnp.int32) for _ in range(_NBUF)]
          + [pltpu.VMEM((seq, dim), jnp.float32) for _ in range(_NBUF)]
          + [pltpu.VMEM((n_per_w, dim), jnp.float32)]
          + [pltpu.SemaphoreType.DMA for _ in range(2 * _NBUF)]
      ),
  )


def kernel(input_a, input_b, embedding_matrix):
  b, seq = input_a.shape
  dim = embedding_matrix.shape[1]
  return _build(b, seq, dim)(input_a.astype(jnp.int32),
                             input_b.astype(jnp.int32),
                             embedding_matrix)

# --- scband reference (transcript-rebuilt; emitter-appended) ---
"""Pipeline reference for scband-decompose-attention-layer-67430986547726 (READ-ONLY COPY).

The authoritative reference and input builder live on the scoring server;
editing this copy changes nothing except your own understanding.
"""

import jax, jax.numpy as jnp
import numpy as np

VOCAB = 1000000
EMB_DIM = 64
BATCH = 4096
SEQ = 200

def setup_inputs(seed: int = 0) -> dict:
    key = jax.random.key(seed)
    k1, k2, k3 = jax.random.split(key, 3)
    input_a = jax.random.randint(k1, (BATCH, SEQ), 0, VOCAB)
    input_b = jax.random.randint(k2, (BATCH, SEQ), 0, VOCAB)
    embedding_matrix = jax.random.normal(k3, (VOCAB, EMB_DIM), dtype=jnp.float32) * 0.02
    return {"input_a": input_a, "input_b": input_b, "embedding_matrix": embedding_matrix}

def reference(input_a, input_b, embedding_matrix):
    # Embedding lookup (gather) for both sentence inputs
    emb_a = jnp.take(embedding_matrix, input_a, axis=0)  # [B, S, D]
    emb_b = jnp.take(embedding_matrix, input_b, axis=0)  # [B, S, D]
    # Sum-pool over sequence axis, matching tf.reduce_sum(..., axis=1)
    v1 = jnp.sum(emb_a, axis=1)  # [B, D]
    v2 = jnp.sum(emb_b, axis=1)  # [B, D]
    return (v1, v2)

if __name__ == "__main__":
    import jax
    _d = setup_inputs()
    print(jax.jit(kernel)(*tuple(_d.values())))

</pallas_src>

<mosaic_0001>
#map = affine_map<(d0, d1) -> (0, 0)>
module attributes {stable_mosaic.version = 14 : i64} {
  func.func @_pooled_gather_body(%arg0: i32, %arg1: i32, %arg2: memref<4096x200xi32, #tpu.memory_space<hbm>>, %arg3: memref<4096x200xi32, #tpu.memory_space<hbm>>, %arg4: memref<1000000x64xf32, #tpu.memory_space<hbm>>, %arg5: memref<4096x64xf32, #tpu.memory_space<hbm>>, %arg6: memref<4096x64xf32, #tpu.memory_space<hbm>>, %arg7: memref<128xi32, #tpu.memory_space<vmem>>, %arg8: memref<128xi32, #tpu.memory_space<vmem>>, %arg9: memref<128xi32, #tpu.memory_space<vmem>>, %arg10: memref<128xi32, #tpu.memory_space<vmem>>, %arg11: memref<72xi32, #tpu.memory_space<vmem>>, %arg12: memref<72xi32, #tpu.memory_space<vmem>>, %arg13: memref<72xi32, #tpu.memory_space<vmem>>, %arg14: memref<72xi32, #tpu.memory_space<vmem>>, %arg15: memref<200x64xf32, #tpu.memory_space<vmem>>, %arg16: memref<200x64xf32, #tpu.memory_space<vmem>>, %arg17: memref<200x64xf32, #tpu.memory_space<vmem>>, %arg18: memref<200x64xf32, #tpu.memory_space<vmem>>, %arg19: memref<256x64xf32, #tpu.memory_space<vmem>>, %arg20: memref<!tpu.dma_semaphore, #tpu.memory_space<semaphore_mem>>, %arg21: memref<!tpu.dma_semaphore, #tpu.memory_space<semaphore_mem>>, %arg22: memref<!tpu.dma_semaphore, #tpu.memory_space<semaphore_mem>>, %arg23: memref<!tpu.dma_semaphore, #tpu.memory_space<semaphore_mem>>, %arg24: memref<!tpu.dma_semaphore, #tpu.memory_space<semaphore_mem>>, %arg25: memref<!tpu.dma_semaphore, #tpu.memory_space<semaphore_mem>>, %arg26: memref<!tpu.dma_semaphore, #tpu.memory_space<semaphore_mem>>, %arg27: memref<!tpu.dma_semaphore, #tpu.memory_space<semaphore_mem>>) attributes {dimension_semantics = [#tpu.dimension_semantics<core_parallel>, #tpu.dimension_semantics<subcore_parallel>], iteration_bounds = array<i64: 2, 16>, scalar_prefetch = 0 : i64, scratch_operands = 21 : i64, tpu.core_type = #tpu.core_type<sc_vector_subcore>, window_params = [{transform_indices = #map}, {transform_indices = #map}, {transform_indices = #map}, {transform_indices = #map}, {transform_indices = #map}]} {
    %mul3A = arith.constant 2 : i32
    %mul3A_0 = arith.muli %arg1, %mul3A : i32
    %add3A = arith.addi %mul3A_0, %arg0 : i32
    %lt3A = arith.constant 16 : i32
    %lt3A_1 = arith.cmpi slt, %add3A, %lt3A : i32
    %convert_element_type3A = arith.extui %lt3A_1 : i1 to i32
    %cond3A = arith.constant 0 : i32
    %cond3A_2 = arith.cmpi ne, %convert_element_type3A, %cond3A : i32
    scf.if %cond3A_2 {
      %mul3A_7 = arith.constant 256 : i32
      %mul3A_8 = arith.muli %add3A, %mul3A_7 : i32
      %rem3A = arith.constant 0 : i32
      %rem3A_9 = arith.constant 256 : i32
      %rem3A_10 = arith.remsi %rem3A, %rem3A_9 : i32
      %add3A_11 = arith.addi %mul3A_8, %rem3A_10 : i32
      %dma_start3A = arith.constant 0 : i32
      %dma_start3A_12 = tpu.memref_slice %arg2[%add3A_11, %dma_start3A] : memref<4096x200xi32, #tpu.memory_space<hbm>> -> memref<1x128xi32, #tpu.memory_space<hbm>>
      %dma_start3A_13 = tpu.memref_squeeze %dma_start3A_12 : memref<1x128xi32, #tpu.memory_space<hbm>> -> memref<128xi32, #tpu.memory_space<hbm>>
      %dma_start3A_14 = arith.constant 0 : i32
      %dma_start3A_15 = tpu.memref_slice %arg2[%add3A_11, %dma_start3A_14] : memref<4096x200xi32, #tpu.memory_space<hbm>> -> memref<1x128xi32, #tpu.memory_space<hbm>>
      %dma_start3A_16 = tpu.memref_squeeze %dma_start3A_15 : memref<1x128xi32, #tpu.memory_space<hbm>> -> memref<128xi32, #tpu.memory_space<hbm>>
      tpu.enqueue_dma source(%dma_start3A_16 : memref<128xi32, #tpu.memory_space<hbm>>) target(%arg7 : memref<128xi32, #tpu.memory_space<vmem>>) target_semaphore(%arg20 : memref<!tpu.dma_semaphore, #tpu.memory_space<semaphore_mem>>)
      %dma_start3A_17 = arith.constant 128 : i32
      %dma_start3A_18 = tpu.memref_slice %arg2[%add3A_11, %dma_start3A_17] : memref<4096x200xi32, #tpu.memory_space<hbm>> -> memref<1x72xi32, #tpu.memory_space<hbm>>
      %dma_start3A_19 = tpu.memref_squeeze %dma_start3A_18 : memref<1x72xi32, #tpu.memory_space<hbm>> -> memref<72xi32, #tpu.memory_space<hbm>>
      %dma_start3A_20 = arith.constant 128 : i32
      %dma_start3A_21 = tpu.memref_slice %arg2[%add3A_11, %dma_start3A_20] : memref<4096x200xi32, #tpu.memory_space<hbm>> -> memref<1x72xi32, #tpu.memory_space<hbm>>
      %dma_start3A_22 = tpu.memref_squeeze %dma_start3A_21 : memref<1x72xi32, #tpu.memory_space<hbm>> -> memref<72xi32, #tpu.memory_space<hbm>>
      tpu.enqueue_dma source(%dma_start3A_22 : memref<72xi32, #tpu.memory_space<hbm>>) target(%arg11 : memref<72xi32, #tpu.memory_space<vmem>>) target_semaphore(%arg20 : memref<!tpu.dma_semaphore, #tpu.memory_space<semaphore_mem>>)
      %rem3A_23 = arith.constant 1 : i32
      %rem3A_24 = arith.constant 256 : i32
      %rem3A_25 = arith.remsi %rem3A_23, %rem3A_24 : i32
      %add3A_26 = arith.addi %mul3A_8, %rem3A_25 : i32
      %dma_start3A_27 = arith.constant 0 : i32
      %dma_start3A_28 = tpu.memref_slice %arg2[%add3A_26, %dma_start3A_27] : memref<4096x200xi32, #tpu.memory_space<hbm>> -> memref<1x128xi32, #tpu.memory_space<hbm>>
      %dma_start3A_29 = tpu.memref_squeeze %dma_start3A_28 : memref<1x128xi32, #tpu.memory_space<hbm>> -> memref<128xi32, #tpu.memory_space<hbm>>
      %dma_start3A_30 = arith.constant 0 : i32
      %dma_start3A_31 = tpu.memref_slice %arg2[%add3A_26, %dma_start3A_30] : memref<4096x200xi32, #tpu.memory_space<hbm>> -> memref<1x128xi32, #tpu.memory_space<hbm>>
      %dma_start3A_32 = tpu.memref_squeeze %dma_start3A_31 : memref<1x128xi32, #tpu.memory_space<hbm>> -> memref<128xi32, #tpu.memory_space<hbm>>
      tpu.enqueue_dma source(%dma_start3A_32 : memref<128xi32, #tpu.memory_space<hbm>>) target(%arg8 : memref<128xi32, #tpu.memory_space<vmem>>) target_semaphore(%arg21 : memref<!tpu.dma_semaphore, #tpu.memory_space<semaphore_mem>>)
      %dma_start3A_33 = arith.constant 128 : i32
      %dma_start3A_34 = tpu.memref_slice %arg2[%add3A_26, %dma_start3A_33] : memref<4096x200xi32, #tpu.memory_space<hbm>> -> memref<1x72xi32, #tpu.memory_space<hbm>>
      %dma_start3A_35 = tpu.memref_squeeze %dma_start3A_34 : memref<1x72xi32, #tpu.memory_space<hbm>> -> memref<72xi32, #tpu.memory_space<hbm>>
      %dma_start3A_36 = arith.constant 128 : i32
      %dma_start3A_37 = tpu.memref_slice %arg2[%add3A_26, %dma_start3A_36] : memref<4096x200xi32, #tpu.memory_space<hbm>> -> memref<1x72xi32, #tpu.memory_space<hbm>>
      %dma_start3A_38 = tpu.memref_squeeze %dma_start3A_37 : memref<1x72xi32, #tpu.memory_space<hbm>> -> memref<72xi32, #tpu.memory_space<hbm>>
      tpu.enqueue_dma source(%dma_start3A_38 : memref<72xi32, #tpu.memory_space<hbm>>) target(%arg12 : memref<72xi32, #tpu.memory_space<vmem>>) target_semaphore(%arg21 : memref<!tpu.dma_semaphore, #tpu.memory_space<semaphore_mem>>)
      %rem3A_39 = arith.constant 2 : i32
      %rem3A_40 = arith.constant 256 : i32
      %rem3A_41 = arith.remsi %rem3A_39, %rem3A_40 : i32
      %add3A_42 = arith.addi %mul3A_8, %rem3A_41 : i32
      %dma_start3A_43 = arith.constant 0 : i32
      %dma_start3A_44 = tpu.memref_slice %arg2[%add3A_42, %dma_start3A_43] : memref<4096x200xi32, #tpu.memory_space<hbm>> -> memref<1x128xi32, #tpu.memory_space<hbm>>
      %dma_start3A_45 = tpu.memref_squeeze %dma_start3A_44 : memref<1x128xi32, #tpu.memory_space<hbm>> -> memref<128xi32, #tpu.memory_space<hbm>>
      %dma_start3A_46 = arith.constant 0 : i32
      %dma_start3A_47 = tpu.memref_slice %arg2[%add3A_42, %dma_start3A_46] : memref<4096x200xi32, #tpu.memory_space<hbm>> -> memref<1x128xi32, #tpu.memory_space<hbm>>
      %dma_start3A_48 = tpu.memref_squeeze %dma_start3A_47 : memref<1x128xi32, #tpu.memory_space<hbm>> -> memref<128xi32, #tpu.memory_space<hbm>>
      tpu.enqueue_dma source(%dma_start3A_48 : memref<128xi32, #tpu.memory_space<hbm>>) target(%arg9 : memref<128xi32, #tpu.memory_space<vmem>>) target_semaphore(%arg22 : memref<!tpu.dma_semaphore, #tpu.memory_space<semaphore_mem>>)
      %dma_start3A_49 = arith.constant 128 : i32
      %dma_start3A_50 = tpu.memref_slice %arg2[%add3A_42, %dma_start3A_49] : memref<4096x200xi32, #tpu.memory_space<hbm>> -> memref<1x72xi32, #tpu.memory_space<hbm>>
      %dma_start3A_51 = tpu.memref_squeeze %dma_start3A_50 : memref<1x72xi32, #tpu.memory_space<hbm>> -> memref<72xi32, #tpu.memory_space<hbm>>
      %dma_start3A_52 = arith.constant 128 : i32
      %dma_start3A_53 = tpu.memref_slice %arg2[%add3A_42, %dma_start3A_52] : memref<4096x200xi32, #tpu.memory_space<hbm>> -> memref<1x72xi32, #tpu.memory_space<hbm>>
      %dma_start3A_54 = tpu.memref_squeeze %dma_start3A_53 : memref<1x72xi32, #tpu.memory_space<hbm>> -> memref<72xi32, #tpu.memory_space<hbm>>
      tpu.enqueue_dma source(%dma_start3A_54 : memref<72xi32, #tpu.memory_space<hbm>>) target(%arg13 : memref<72xi32, #tpu.memory_space<vmem>>) target_semaphore(%arg22 : memref<!tpu.dma_semaphore, #tpu.memory_space<semaphore_mem>>)
      %rem3A_55 = arith.constant 3 : i32
      %rem3A_56 = arith.constant 256 : i32
      %rem3A_57 = arith.remsi %rem3A_55, %rem3A_56 : i32
      %add3A_58 = arith.addi %mul3A_8, %rem3A_57 : i32
      %dma_start3A_59 = arith.constant 0 : i32
      %dma_start3A_60 = tpu.memref_slice %arg2[%add3A_58, %dma_start3A_59] : memref<4096x200xi32, #tpu.memory_space<hbm>> -> memref<1x128xi32, #tpu.memory_space<hbm>>
      %dma_start3A_61 = tpu.memref_squeeze %dma_start3A_60 : memref<1x128xi32, #tpu.memory_space<hbm>> -> memref<128xi32, #tpu.memory_space<hbm>>
      %dma_start3A_62 = arith.constant 0 : i32
      %dma_start3A_63 = tpu.memref_slice %arg2[%add3A_58, %dma_start3A_62] : memref<4096x200xi32, #tpu.memory_space<hbm>> -> memref<1x128xi32, #tpu.memory_space<hbm>>
      %dma_start3A_64 = tpu.memref_squeeze %dma_start3A_63 : memref<1x128xi32, #tpu.memory_space<hbm>> -> memref<128xi32, #tpu.memory_space<hbm>>
      tpu.enqueue_dma source(%dma_start3A_64 : memref<128xi32, #tpu.memory_space<hbm>>) target(%arg10 : memref<128xi32, #tpu.memory_space<vmem>>) target_semaphore(%arg23 : memref<!tpu.dma_semaphore, #tpu.memory_space<semaphore_mem>>)
      %dma_start3A_65 = arith.constant 128 : i32
      %dma_start3A_66 = tpu.memref_slice %arg2[%add3A_58, %dma_start3A_65] : memref<4096x200xi32, #tpu.memory_space<hbm>> -> memref<1x72xi32, #tpu.memory_space<hbm>>
      %dma_start3A_67 = tpu.memref_squeeze %dma_start3A_66 : memref<1x72xi32, #tpu.memory_space<hbm>> -> memref<72xi32, #tpu.memory_space<hbm>>
      %dma_start3A_68 = arith.constant 128 : i32
      %dma_start3A_69 = tpu.memref_slice %arg2[%add3A_58, %dma_start3A_68] : memref<4096x200xi32, #tpu.memory_space<hbm>> -> memref<1x72xi32, #tpu.memory_space<hbm>>
      %dma_start3A_70 = tpu.memref_squeeze %dma_start3A_69 : memref<1x72xi32, #tpu.memory_space<hbm>> -> memref<72xi32, #tpu.memory_space<hbm>>
      tpu.enqueue_dma source(%dma_start3A_70 : memref<72xi32, #tpu.memory_space<hbm>>) target(%arg14 : memref<72xi32, #tpu.memory_space<vmem>>) target_semaphore(%arg23 : memref<!tpu.dma_semaphore, #tpu.memory_space<semaphore_mem>>)
      %dma_wait3A = arith.constant 0 : i32
      %dma_wait3A_71 = arith.constant 0 : i32
      %dma_wait3A_72 = tpu.memref_slice %arg2[%dma_wait3A, %dma_wait3A_71] : memref<4096x200xi32, #tpu.memory_space<hbm>> -> memref<1x128xi32, #tpu.memory_space<hbm>>
      %dma_wait3A_73 = tpu.memref_squeeze %dma_wait3A_72 : memref<1x128xi32, #tpu.memory_space<hbm>> -> memref<128xi32, #tpu.memory_space<hbm>>
      %dma_wait3A_74 = arith.constant 0 : i32
      %dma_wait3A_75 = tpu.memref_slice %arg2[%dma_wait3A, %dma_wait3A_74] : memref<4096x200xi32, #tpu.memory_space<hbm>> -> memref<1x128xi32, #tpu.memory_space<hbm>>
      %dma_wait3A_76 = tpu.memref_squeeze %dma_wait3A_75 : memref<1x128xi32, #tpu.memory_space<hbm>> -> memref<128xi32, #tpu.memory_space<hbm>>
      tpu.wait_dma2 semaphore(%arg20 : memref<!tpu.dma_semaphore, #tpu.memory_space<semaphore_mem>>) src(%dma_wait3A_76 : memref<128xi32, #tpu.memory_space<hbm>>) dst(%arg7 : memref<128xi32, #tpu.memory_space<vmem>>)
      %dma_wait3A_77 = arith.constant 0 : i32
      %dma_wait3A_78 = arith.constant 128 : i32
      %dma_wait3A_79 = tpu.memref_slice %arg2[%dma_wait3A_77, %dma_wait3A_78] : memref<4096x200xi32, #tpu.memory_space<hbm>> -> memref<1x72xi32, #tpu.memory_space<hbm>>
      %dma_wait3A_80 = tpu.memref_squeeze %dma_wait3A_79 : memref<1x72xi32, #tpu.memory_space<hbm>> -> memref<72xi32, #tpu.memory_space<hbm>>
      %dma_wait3A_81 = arith.constant 128 : i32
      %dma_wait3A_82 = tpu.memref_slice %arg2[%dma_wait3A_77, %dma_wait3A_81] : memref<4096x200xi32, #tpu.memory_space<hbm>> -> memref<1x72xi32, #tpu.memory_space<hbm>>
      %dma_wait3A_83 = tpu.memref_squeeze %dma_wait3A_82 : memref<1x72xi32, #tpu.memory_space<hbm>> -> memref<72xi32, #tpu.memory_space<hbm>>
      tpu.wait_dma2 semaphore(%arg20 : memref<!tpu.dma_semaphore, #tpu.memory_space<semaphore_mem>>) src(%dma_wait3A_83 : memref<72xi32, #tpu.memory_space<hbm>>) dst(%arg11 : memref<72xi32, #tpu.memory_space<vmem>>)
      %dma_start3A_84 = arith.constant 0 : i32
      %dma_start3A_85 = arith.constant 0 : i32
      %dma_start3A_86 = tpu.memref_slice %arg15[%dma_start3A_84, %dma_start3A_85] : memref<200x64xf32, #tpu.memory_space<vmem>> -> memref<128x64xf32, #tpu.memory_space<vmem>>
      %dma_start3A_87 = arith.constant 0 : i32
      %dma_start3A_88 = arith.constant 0 : i32
      %dma_start3A_89 = tpu.memref_slice %arg4[%dma_start3A_87, %dma_start3A_88] : memref<1000000x64xf32, #tpu.memory_space<hbm>> -> memref<1000000x64xf32, #tpu.memory_space<hbm>>
      tpu.enqueue_indirect_dma source(%dma_start3A_89 : memref<1000000x64xf32, #tpu.memory_space<hbm>>) target(%dma_start3A_86 : memref<128x64xf32, #tpu.memory_space<vmem>>) offsets(%arg7 : memref<128xi32, #tpu.memory_space<vmem>>) semaphore(%arg24 : memref<!tpu.dma_semaphore, #tpu.memory_space<semaphore_mem>>)
      %dma_start3A_90 = arith.constant 128 : i32
      %dma_start3A_91 = arith.constant 0 : i32
      %dma_start3A_92 = tpu.memref_slice %arg15[%dma_start3A_90, %dma_start3A_91] : memref<200x64xf32, #tpu.memory_space<vmem>> -> memref<72x64xf32, #tpu.memory_space<vmem>>
      %dma_start3A_93 = arith.constant 0 : i32
      %dma_start3A_94 = arith.constant 0 : i32
      %dma_start3A_95 = tpu.memref_slice %arg4[%dma_start3A_93, %dma_start3A_94] : memref<1000000x64xf32, #tpu.memory_space<hbm>> -> memref<1000000x64xf32, #tpu.memory_space<hbm>>
      tpu.enqueue_indirect_dma source(%dma_start3A_95 : memref<1000000x64xf32, #tpu.memory_space<hbm>>) target(%dma_start3A_92 : memref<72x64xf32, #tpu.memory_space<vmem>>) offsets(%arg11 : memref<72xi32, #tpu.memory_space<vmem>>) semaphore(%arg24 : memref<!tpu.dma_semaphore, #tpu.memory_space<semaphore_mem>>)
      %dma_wait3A_96 = arith.constant 0 : i32
      %dma_wait3A_97 = arith.constant 0 : i32
      %dma_wait3A_98 = tpu.memref_slice %arg2[%dma_wait3A_96, %dma_wait3A_97] : memref<4096x200xi32, #tpu.memory_space<hbm>> -> memref<1x128xi32, #tpu.memory_space<hbm>>
      %dma_wait3A_99 = tpu.memref_squeeze %dma_wait3A_98 : memref<1x128xi32, #tpu.memory_space<hbm>> -> memref<128xi32, #tpu.memory_space<hbm>>
      %dma_wait3A_100 = arith.constant 0 : i32
      %dma_wait3A_101 = tpu.memref_slice %arg2[%dma_wait3A_96, %dma_wait3A_100] : memref<4096x200xi32, #tpu.memory_space<hbm>> -> memref<1x128xi32, #tpu.memory_space<hbm>>
      %dma_wait3A_102 = tpu.memref_squeeze %dma_wait3A_101 : memref<1x128xi32, #tpu.memory_space<hbm>> -> memref<128xi32, #tpu.memory_space<hbm>>
      tpu.wait_dma2 semaphore(%arg21 : memref<!tpu.dma_semaphore, #tpu.memory_space<semaphore_mem>>) src(%dma_wait3A_102 : memref<128xi32, #tpu.memory_space<hbm>>) dst(%arg8 : memref<128xi32, #tpu.memory_space<vmem>>)
      %dma_wait3A_103 = arith.constant 0 : i32
      %dma_wait3A_104 = arith.constant 128 : i32
      %dma_wait3A_105 = tpu.memref_slice %arg2[%dma_wait3A_103, %dma_wait3A_104] : memref<4096x200xi32, #tpu.memory_space<hbm>> -> memref<1x72xi32, #tpu.memory_space<hbm>>
      %dma_wait3A_106 = tpu.memref_squeeze %dma_wait3A_105 : memref<1x72xi32, #tpu.memory_space<hbm>> -> memref<72xi32, #tpu.memory_space<hbm>>
      %dma_wait3A_107 = arith.constant 128 : i32
      %dma_wait3A_108 = tpu.memref_slice %arg2[%dma_wait3A_103, %dma_wait3A_107] : memref<4096x200xi32, #tpu.memory_space<hbm>> -> memref<1x72xi32, #tpu.memory_space<hbm>>
      %dma_wait3A_109 = tpu.memref_squeeze %dma_wait3A_108 : memref<1x72xi32, #tpu.memory_space<hbm>> -> memref<72xi32, #tpu.memory_space<hbm>>
      tpu.wait_dma2 semaphore(%arg21 : memref<!tpu.dma_semaphore, #tpu.memory_space<semaphore_mem>>) src(%dma_wait3A_109 : memref<72xi32, #tpu.memory_space<hbm>>) dst(%arg12 : memref<72xi32, #tpu.memory_space<vmem>>)
      %dma_start3A_110 = arith.constant 0 : i32
      %dma_start3A_111 = arith.constant 0 : i32
      %dma_start3A_112 = tpu.memref_slice %arg16[%dma_start3A_110, %dma_start3A_111] : memref<200x64xf32, #tpu.memory_space<vmem>> -> memref<128x64xf32, #tpu.memory_space<vmem>>
      %dma_start3A_113 = arith.constant 0 : i32
      %dma_start3A_114 = arith.constant 0 : i32
      %dma_start3A_115 = tpu.memref_slice %arg4[%dma_start3A_113, %dma_start3A_114] : memref<1000000x64xf32, #tpu.memory_space<hbm>> -> memref<1000000x64xf32, #tpu.memory_space<hbm>>
      tpu.enqueue_indirect_dma source(%dma_start3A_115 : memref<1000000x64xf32, #tpu.memory_space<hbm>>) target(%dma_start3A_112 : memref<128x64xf32, #tpu.memory_space<vmem>>) offsets(%arg8 : memref<128xi32, #tpu.memory_space<vmem>>) semaphore(%arg25 : memref<!tpu.dma_semaphore, #tpu.memory_space<semaphore_mem>>)
      %dma_start3A_116 = arith.constant 128 : i32
      %dma_start3A_117 = arith.constant 0 : i32
      %dma_start3A_118 = tpu.memref_slice %arg16[%dma_start3A_116, %dma_start3A_117] : memref<200x64xf32, #tpu.memory_space<vmem>> -> memref<72x64xf32, #tpu.memory_space<vmem>>
      %dma_start3A_119 = arith.constant 0 : i32
      %dma_start3A_120 = arith.constant 0 : i32
      %dma_start3A_121 = tpu.memref_slice %arg4[%dma_start3A_119, %dma_start3A_120] : memref<1000000x64xf32, #tpu.memory_space<hbm>> -> memref<1000000x64xf32, #tpu.memory_space<hbm>>
      tpu.enqueue_indirect_dma source(%dma_start3A_121 : memref<1000000x64xf32, #tpu.memory_space<hbm>>) target(%dma_start3A_118 : memref<72x64xf32, #tpu.memory_space<vmem>>) offsets(%arg12 : memref<72xi32, #tpu.memory_space<vmem>>) semaphore(%arg25 : memref<!tpu.dma_semaphore, #tpu.memory_space<semaphore_mem>>)
      %dma_wait3A_122 = arith.constant 0 : i32
      %dma_wait3A_123 = arith.constant 0 : i32
      %dma_wait3A_124 = tpu.memref_slice %arg2[%dma_wait3A_122, %dma_wait3A_123] : memref<4096x200xi32, #tpu.memory_space<hbm>> -> memref<1x128xi32, #tpu.memory_space<hbm>>
      %dma_wait3A_125 = tpu.memref_squeeze %dma_wait3A_124 : memref<1x128xi32, #tpu.memory_space<hbm>> -> memref<128xi32, #tpu.memory_space<hbm>>
      %dma_wait3A_126 = arith.constant 0 : i32
      %dma_wait3A_127 = tpu.memref_slice %arg2[%dma_wait3A_122, %dma_wait3A_126] : memref<4096x200xi32, #tpu.memory_space<hbm>> -> memref<1x128xi32, #tpu.memory_space<hbm>>
      %dma_wait3A_128 = tpu.memref_squeeze %dma_wait3A_127 : memref<1x128xi32, #tpu.memory_space<hbm>> -> memref<128xi32, #tpu.memory_space<hbm>>
      tpu.wait_dma2 semaphore(%arg22 : memref<!tpu.dma_semaphore, #tpu.memory_space<semaphore_mem>>) src(%dma_wait3A_128 : memref<128xi32, #tpu.memory_space<hbm>>) dst(%arg9 : memref<128xi32, #tpu.memory_space<vmem>>)
      %dma_wait3A_129 = arith.constant 0 : i32
      %dma_wait3A_130 = arith.constant 128 : i32
      %dma_wait3A_131 = tpu.memref_slice %arg2[%dma_wait3A_129, %dma_wait3A_130] : memref<4096x200xi32, #tpu.memory_space<hbm>> -> memref<1x72xi32, #tpu.memory_space<hbm>>
      %dma_wait3A_132 = tpu.memref_squeeze %dma_wait3A_131 : memref<1x72xi32, #tpu.memory_space<hbm>> -> memref<72xi32, #tpu.memory_space<hbm>>
      %dma_wait3A_133 = arith.constant 128 : i32
      %dma_wait3A_134 = tpu.memref_slice %arg2[%dma_wait3A_129, %dma_wait3A_133] : memref<4096x200xi32, #tpu.memory_space<hbm>> -> memref<1x72xi32, #tpu.memory_space<hbm>>
      %dma_wait3A_135 = tpu.memref_squeeze %dma_wait3A_134 : memref<1x72xi32, #tpu.memory_space<hbm>> -> memref<72xi32, #tpu.memory_space<hbm>>
      tpu.wait_dma2 semaphore(%arg22 : memref<!tpu.dma_semaphore, #tpu.memory_space<semaphore_mem>>) src(%dma_wait3A_135 : memref<72xi32, #tpu.memory_space<hbm>>) dst(%arg13 : memref<72xi32, #tpu.memory_space<vmem>>)
      %dma_start3A_136 = arith.constant 0 : i32
      %dma_start3A_137 = arith.constant 0 : i32
      %dma_start3A_138 = tpu.memref_slice %arg17[%dma_start3A_136, %dma_start3A_137] : memref<200x64xf32, #tpu.memory_space<vmem>> -> memref<128x64xf32, #tpu.memory_space<vmem>>
      %dma_start3A_139 = arith.constant 0 : i32
      %dma_start3A_140 = arith.constant 0 : i32
      %dma_start3A_141 = tpu.memref_slice %arg4[%dma_start3A_139, %dma_start3A_140] : memref<1000000x64xf32, #tpu.memory_space<hbm>> -> memref<1000000x64xf32, #tpu.memory_space<hbm>>
      tpu.enqueue_indirect_dma source(%dma_start3A_141 : memref<1000000x64xf32, #tpu.memory_space<hbm>>) target(%dma_start3A_138 : memref<128x64xf32, #tpu.memory_space<vmem>>) offsets(%arg9 : memref<128xi32, #tpu.memory_space<vmem>>) semaphore(%arg26 : memref<!tpu.dma_semaphore, #tpu.memory_space<semaphore_mem>>)
      %dma_start3A_142 = arith.constant 128 : i32
      %dma_start3A_143 = arith.constant 0 : i32
      %dma_start3A_144 = tpu.memref_slice %arg17[%dma_start3A_142, %dma_start3A_143] : memref<200x64xf32, #tpu.memory_space<vmem>> -> memref<72x64xf32, #tpu.memory_space<vmem>>
      %dma_start3A_145 = arith.constant 0 : i32
      %dma_start3A_146 = arith.constant 0 : i32
      %dma_start3A_147 = tpu.memref_slice %arg4[%dma_start3A_145, %dma_start3A_146] : memref<1000000x64xf32, #tpu.memory_space<hbm>> -> memref<1000000x64xf32, #tpu.memory_space<hbm>>
      tpu.enqueue_indirect_dma source(%dma_start3A_147 : memref<1000000x64xf32, #tpu.memory_space<hbm>>) target(%dma_start3A_144 : memref<72x64xf32, #tpu.memory_space<vmem>>) offsets(%arg13 : memref<72xi32, #tpu.memory_space<vmem>>) semaphore(%arg26 : memref<!tpu.dma_semaphore, #tpu.memory_space<semaphore_mem>>)
      %scan3A = arith.constant 0 : i32
      %scan3A_148 = arith.constant 0 : i32
      %scan3A_149 = arith.constant 64 : i32
      %scan3A_150 = arith.addi %scan3A_148, %scan3A_149 : i32
      %scan3A_151 = arith.constant 1 : i32
      scf.for %scan3A_203 = %scan3A_148 to %scan3A_150 step %scan3A_151  : i32 {
        %mul3A_204 = arith.constant 4 : i32
        %mul3A_205 = arith.muli %mul3A_204, %scan3A_203 : i32
        %add3A_206 = arith.constant 0 : i32
        %add3A_207 = arith.addi %mul3A_205, %add3A_206 : i32
        %dma_wait3A_208 = arith.constant 0 : i32
        %dma_wait3A_209 = arith.constant 0 : i32
        %dma_wait3A_210 = tpu.memref_slice %arg15[%dma_wait3A_208, %dma_wait3A_209] : memref<200x64xf32, #tpu.memory_space<vmem>> -> memref<128x64xf32, #tpu.memory_space<vmem>>
        %dma_wait3A_211 = arith.constant 0 : i32
        %dma_wait3A_212 = arith.constant 0 : i32
        %dma_wait3A_213 = tpu.memref_slice %arg4[%dma_wait3A_211, %dma_wait3A_212] : memref<1000000x64xf32, #tpu.memory_space<hbm>> -> memref<1000000x64xf32, #tpu.memory_space<hbm>>
        tpu.wait_indirect_dma semaphore(%arg24 : memref<!tpu.dma_semaphore, #tpu.memory_space<semaphore_mem>>) src(%dma_wait3A_213 : memref<1000000x64xf32, #tpu.memory_space<hbm>>) dst(%dma_wait3A_210 : memref<128x64xf32, #tpu.memory_space<vmem>>)
        %dma_wait3A_214 = arith.constant 128 : i32
        %dma_wait3A_215 = arith.constant 0 : i32
        %dma_wait3A_216 = tpu.memref_slice %arg15[%dma_wait3A_214, %dma_wait3A_215] : memref<200x64xf32, #tpu.memory_space<vmem>> -> memref<72x64xf32, #tpu.memory_space<vmem>>
        %dma_wait3A_217 = arith.constant 0 : i32
        %dma_wait3A_218 = arith.constant 0 : i32
        %dma_wait3A_219 = tpu.memref_slice %arg4[%dma_wait3A_217, %dma_wait3A_218] : memref<1000000x64xf32, #tpu.memory_space<hbm>> -> memref<1000000x64xf32, #tpu.memory_space<hbm>>
        tpu.wait_indirect_dma semaphore(%arg24 : memref<!tpu.dma_semaphore, #tpu.memory_space<semaphore_mem>>) src(%dma_wait3A_219 : memref<1000000x64xf32, #tpu.memory_space<hbm>>) dst(%dma_wait3A_216 : memref<72x64xf32, #tpu.memory_space<vmem>>)
        %add3A_220 = arith.constant 4 : i32
        %add3A_221 = arith.addi %add3A_207, %add3A_220 : i32
        %rem3A_222 = arith.constant 256 : i32
        %rem3A_223 = arith.remsi %add3A_221, %rem3A_222 : i32
        %add3A_224 = arith.addi %mul3A_8, %rem3A_223 : i32
        %dma_start3A_225 = arith.constant 0 : i32
        %dma_start3A_226 = tpu.memref_slice %arg2[%add3A_224, %dma_start3A_225] : memref<4096x200xi32, #tpu.memory_space<hbm>> -> memref<1x128xi32, #tpu.memory_space<hbm>>
        %dma_start3A_227 = tpu.memref_squeeze %dma_start3A_226 : memref<1x128xi32, #tpu.memory_space<hbm>> -> memref<128xi32, #tpu.memory_space<hbm>>
        %dma_start3A_228 = arith.constant 0 : i32
        %dma_start3A_229 = tpu.memref_slice %arg2[%add3A_224, %dma_start3A_228] : memref<4096x200xi32, #tpu.memory_space<hbm>> -> memref<1x128xi32, #tpu.memory_space<hbm>>
        %dma_start3A_230 = tpu.memref_squeeze %dma_start3A_229 : memref<1x128xi32, #tpu.memory_space<hbm>> -> memref<128xi32, #tpu.memory_space<hbm>>
        tpu.enqueue_dma source(%dma_start3A_230 : memref<128xi32, #tpu.memory_space<hbm>>) target(%arg7 : memref<128xi32, #tpu.memory_space<vmem>>) target_semaphore(%arg20 : memref<!tpu.dma_semaphore, #tpu.memory_space<semaphore_mem>>)
        %dma_start3A_231 = arith.constant 128 : i32
        %dma_start3A_232 = tpu.memref_slice %arg2[%add3A_224, %dma_start3A_231] : memref<4096x200xi32, #tpu.memory_space<hbm>> -> memref<1x72xi32, #tpu.memory_space<hbm>>
        %dma_start3A_233 = tpu.memref_squeeze %dma_start3A_232 : memref<1x72xi32, #tpu.memory_space<hbm>> -> memref<72xi32, #tpu.memory_space<hbm>>
        %dma_start3A_234 = arith.constant 128 : i32
        %dma_start3A_235 = tpu.memref_slice %arg2[%add3A_224, %dma_start3A_234] : memref<4096x200xi32, #tpu.memory_space<hbm>> -> memref<1x72xi32, #tpu.memory_space<hbm>>
        %dma_start3A_236 = tpu.memref_squeeze %dma_start3A_235 : memref<1x72xi32, #tpu.memory_space<hbm>> -> memref<72xi32, #tpu.memory_space<hbm>>
        tpu.enqueue_dma source(%dma_start3A_236 : memref<72xi32, #tpu.memory_space<hbm>>) target(%arg11 : memref<72xi32, #tpu.memory_space<vmem>>) target_semaphore(%arg20 : memref<!tpu.dma_semaphore, #tpu.memory_space<semaphore_mem>>)
        %dma_wait3A_237 = arith.constant 0 : i32
        %dma_wait3A_238 = arith.constant 0 : i32
        %dma_wait3A_239 = tpu.memref_slice %arg2[%dma_wait3A_237, %dma_wait3A_238] : memref<4096x200xi32, #tpu.memory_space<hbm>> -> memref<1x128xi32, #tpu.memory_space<hbm>>
        %dma_wait3A_240 = tpu.memref_squeeze %dma_wait3A_239 : memref<1x128xi32, #tpu.memory_space<hbm>> -> memref<128xi32, #tpu.memory_space<hbm>>
        %dma_wait3A_241 = arith.constant 0 : i32
        %dma_wait3A_242 = tpu.memref_slice %arg2[%dma_wait3A_237, %dma_wait3A_241] : memref<4096x200xi32, #tpu.memory_space<hbm>> -> memref<1x128xi32, #tpu.memory_space<hbm>>
        %dma_wait3A_243 = tpu.memref_squeeze %dma_wait3A_242 : memref<1x128xi32, #tpu.memory_space<hbm>> -> memref<128xi32, #tpu.memory_space<hbm>>
        tpu.wait_dma2 semaphore(%arg23 : memref<!tpu.dma_semaphore, #tpu.memory_space<semaphore_mem>>) src(%dma_wait3A_243 : memref<128xi32, #tpu.memory_space<hbm>>) dst(%arg10 : memref<128xi32, #tpu.memory_space<vmem>>)
        %dma_wait3A_244 = arith.constant 0 : i32
        %dma_wait3A_245 = arith.constant 128 : i32
        %dma_wait3A_246 = tpu.memref_slice %arg2[%dma_wait3A_244, %dma_wait3A_245] : memref<4096x200xi32, #tpu.memory_space<hbm>> -> memref<1x72xi32, #tpu.memory_space<hbm>>
        %dma_wait3A_247 = tpu.memref_squeeze %dma_wait3A_246 : memref<1x72xi32, #tpu.memory_space<hbm>> -> memref<72xi32, #tpu.memory_space<hbm>>
        %dma_wait3A_248 = arith.constant 128 : i32
        %dma_wait3A_249 = tpu.memref_slice %arg2[%dma_wait3A_244, %dma_wait3A_248] : memref<4096x200xi32, #tpu.memory_space<hbm>> -> memref<1x72xi32, #tpu.memory_space<hbm>>
        %dma_wait3A_250 = tpu.memref_squeeze %dma_wait3A_249 : memref<1x72xi32, #tpu.memory_space<hbm>> -> memref<72xi32, #tpu.memory_space<hbm>>
        tpu.wait_dma2 semaphore(%arg23 : memref<!tpu.dma_semaphore, #tpu.memory_space<semaphore_mem>>) src(%dma_wait3A_250 : memref<72xi32, #tpu.memory_space<hbm>>) dst(%arg14 : memref<72xi32, #tpu.memory_space<vmem>>)
        %dma_start3A_251 = arith.constant 0 : i32
        %dma_start3A_252 = arith.constant 0 : i32
        %dma_start3A_253 = tpu.memref_slice %arg18[%dma_start3A_251, %dma_start3A_252] : memref<200x64xf32, #tpu.memory_space<vmem>> -> memref<128x64xf32, #tpu.memory_space<vmem>>
        %dma_start3A_254 = arith.constant 0 : i32
        %dma_start3A_255 = arith.constant 0 : i32
        %dma_start3A_256 = tpu.memref_slice %arg4[%dma_start3A_254, %dma_start3A_255] : memref<1000000x64xf32, #tpu.memory_space<hbm>> -> memref<1000000x64xf32, #tpu.memory_space<hbm>>
        tpu.enqueue_indirect_dma source(%dma_start3A_256 : memref<1000000x64xf32, #tpu.memory_space<hbm>>) target(%dma_start3A_253 : memref<128x64xf32, #tpu.memory_space<vmem>>) offsets(%arg10 : memref<128xi32, #tpu.memory_space<vmem>>) semaphore(%arg27 : memref<!tpu.dma_semaphore, #tpu.memory_space<semaphore_mem>>)
        %dma_start3A_257 = arith.constant 128 : i32
        %dma_start3A_258 = arith.constant 0 : i32
        %dma_start3A_259 = tpu.memref_slice %arg18[%dma_start3A_257, %dma_start3A_258] : memref<200x64xf32, #tpu.memory_space<vmem>> -> memref<72x64xf32, #tpu.memory_space<vmem>>
        %dma_start3A_260 = arith.constant 0 : i32
        %dma_start3A_261 = arith.constant 0 : i32
        %dma_start3A_262 = tpu.memref_slice %arg4[%dma_start3A_260, %dma_start3A_261] : memref<1000000x64xf32, #tpu.memory_space<hbm>> -> memref<1000000x64xf32, #tpu.memory_space<hbm>>
        tpu.enqueue_indirect_dma source(%dma_start3A_262 : memref<1000000x64xf32, #tpu.memory_space<hbm>>) target(%dma_start3A_259 : memref<72x64xf32, #tpu.memory_space<vmem>>) offsets(%arg14 : memref<72xi32, #tpu.memory_space<vmem>>) semaphore(%arg27 : memref<!tpu.dma_semaphore, #tpu.memory_space<semaphore_mem>>)
        %broadcast_in_dim3A = arith.constant 0.000000e+00 : f32
        %broadcast_in_dim3A_263 = vector.broadcast %broadcast_in_dim3A : f32 to vector<16xf32>
        %scan3A_264 = arith.constant 0 : i32
        %scan3A_265 = arith.constant 25 : i32
        %scan3A_266 = arith.addi %scan3A_264, %scan3A_265 : i32
        %scan3A_267 = arith.constant 1 : i32
        %scan3A_268:4 = scf.for %scan3A_544 = %scan3A_264 to %scan3A_266 step %scan3A_267 iter_args(%scan3A_545 = %broadcast_in_dim3A_263, %scan3A_546 = %broadcast_in_dim3A_263, %scan3A_547 = %broadcast_in_dim3A_263, %scan3A_548 = %broadcast_in_dim3A_263) -> (vector<16xf32>, vector<16xf32>, vector<16xf32>, vector<16xf32>)  : i32 {
          %mul3A_549 = arith.constant 8 : i32
          %mul3A_550 = arith.muli %scan3A_544, %mul3A_549 : i32
          %add3A_551 = arith.constant 0 : i32
          %add3A_552 = arith.addi %mul3A_550, %add3A_551 : i32
          %get3A = arith.index_cast %add3A_552 : i32 to index
          %get3A_553 = arith.constant 0 : index
          %get3A_554 = tpu.vector_load %arg15[%get3A, %get3A_553] {strides = array<i32>} : memref<200x64xf32, #tpu.memory_space<vmem>>, vector<1x16xf32>,
          %get3A_555 = vector.shape_cast %get3A_554 : vector<1x16xf32> to vector<16xf32>
          %add3A_556 = arith.constant 1 : i32
          %add3A_557 = arith.addi %mul3A_550, %add3A_556 : i32
          %get3A_558 = arith.index_cast %add3A_557 : i32 to index
          %get3A_559 = arith.constant 0 : index
          %get3A_560 = tpu.vector_load %arg15[%get3A_558, %get3A_559] {strides = array<i32>} : memref<200x64xf32, #tpu.memory_space<vmem>>, vector<1x16xf32>,
          %get3A_561 = vector.shape_cast %get3A_560 : vector<1x16xf32> to vector<16xf32>
          %add3A_562 = arith.constant 2 : i32
          %add3A_563 = arith.addi %mul3A_550, %add3A_562 : i32
          %get3A_564 = arith.index_cast %add3A_563 : i32 to index
          %get3A_565 = arith.constant 0 : index
          %get3A_566 = tpu.vector_load %arg15[%get3A_564, %get3A_565] {strides = array<i32>} : memref<200x64xf32, #tpu.memory_space<vmem>>, vector<1x16xf32>,
          %get3A_567 = vector.shape_cast %get3A_566 : vector<1x16xf32> to vector<16xf32>
          %add3A_568 = arith.constant 3 : i32
          %add3A_569 = arith.addi %mul3A_550, %add3A_568 : i32
          %get3A_570 = arith.index_cast %add3A_569 : i32 to index
          %get3A_571 = arith.constant 0 : index
          %get3A_572 = tpu.vector_load %arg15[%get3A_570, %get3A_571] {strides = array<i32>} : memref<200x64xf32, #tpu.memory_space<vmem>>, vector<1x16xf32>,
          %get3A_573 = vector.shape_cast %get3A_572 : vector<1x16xf32> to vector<16xf32>
          %add3A_574 = arith.constant 4 : i32
          %add3A_575 = arith.addi %mul3A_550, %add3A_574 : i32
          %get3A_576 = arith.index_cast %add3A_575 : i32 to index
          %get3A_577 = arith.constant 0 : index
          %get3A_578 = tpu.vector_load %arg15[%get3A_576, %get3A_577] {strides = array<i32>} : memref<200x64xf32, #tpu.memory_space<vmem>>, vector<1x16xf32>,
          %get3A_579 = vector.shape_cast %get3A_578 : vector<1x16xf32> to vector<16xf32>
          %add3A_580 = arith.constant 5 : i32
          %add3A_581 = arith.addi %mul3A_550, %add3A_580 : i32
          %get3A_582 = arith.index_cast %add3A_581 : i32 to index
          %get3A_583 = arith.constant 0 : index
          %get3A_584 = tpu.vector_load %arg15[%get3A_582, %get3A_583] {strides = array<i32>} : memref<200x64xf32, #tpu.memory_space<vmem>>, vector<1x16xf32>,
          %get3A_585 = vector.shape_cast %get3A_584 : vector<1x16xf32> to vector<16xf32>
          %add3A_586 = arith.constant 6 : i32
          %add3A_587 = arith.addi %mul3A_550, %add3A_586 : i32
          %get3A_588 = arith.index_cast %add3A_587 : i32 to index
          %get3A_589 = arith.constant 0 : index
          %get3A_590 = tpu.vector_load %arg15[%get3A_588, %get3A_589] {strides = array<i32>} : memref<200x64xf32, #tpu.memory_space<vmem>>, vector<1x16xf32>,
          %get3A_591 = vector.shape_cast %get3A_590 : vector<1x16xf32> to vector<16xf32>
          %add3A_592 = arith.constant 7 : i32
          %add3A_593 = arith.addi %mul3A_550, %add3A_592 : i32
          %get3A_594 = arith.index_cast %add3A_593 : i32 to index
          %get3A_595 = arith.constant 0 : index
          %get3A_596 = tpu.vector_load %arg15[%get3A_594, %get3A_595] {strides = array<i32>} : memref<200x64xf32, #tpu.memory_space<vmem>>, vector<1x16xf32>,
          %get3A_597 = vector.shape_cast %get3A_596 : vector<1x16xf32> to vector<16xf32>
          %add3A_598 = arith.addf %get3A_555, %get3A_561 : vector<16xf32>
          %add3A_599 = arith.addf %get3A_567, %get3A_573 : vector<16xf32>
          %add3A_600 = arith.addf %get3A_579, %get3A_585 : vector<16xf32>
          %add3A_601 = arith.addf %get3A_591, %get3A_597 : vector<16xf32>
          %add3A_602 = arith.addf %add3A_598, %add3A_599 : vector<16xf32>
          %add3A_603 = arith.addf %add3A_600, %add3A_601 : vector<16xf32>
          %add3A_604 = arith.addf %add3A_602, %add3A_603 : vector<16xf32>
          %add3A_605 = arith.addf %scan3A_545, %add3A_604 : vector<16xf32>
          %add3A_606 = arith.constant 0 : i32
          %add3A_607 = arith.addi %mul3A_550, %add3A_606 : i32
          %get3A_608 = arith.index_cast %add3A_607 : i32 to index
          %get3A_609 = arith.constant 16 : index
          %get3A_610 = tpu.vector_load %arg15[%get3A_608, %get3A_609] {strides = array<i32>} : memref<200x64xf32, #tpu.memory_space<vmem>>, vector<1x16xf32>,
          %get3A_611 = vector.shape_cast %get3A_610 : vector<1x16xf32> to vector<16xf32>
          %add3A_612 = arith.constant 1 : i32
          %add3A_613 = arith.addi %mul3A_550, %add3A_612 : i32
          %get3A_614 = arith.index_cast %add3A_613 : i32 to index
          %get3A_615 = arith.constant 16 : index
          %get3A_616 = tpu.vector_load %arg15[%get3A_614, %get3A_615] {strides = array<i32>} : memref<200x64xf32, #tpu.memory_space<vmem>>, vector<1x16xf32>,
          %get3A_617 = vector.shape_cast %get3A_616 : vector<1x16xf32> to vector<16xf32>
          %add3A_618 = arith.constant 2 : i32
          %add3A_619 = arith.addi %mul3A_550, %add3A_618 : i32
          %get3A_620 = arith.index_cast %add3A_619 : i32 to index
          %get3A_621 = arith.constant 16 : index
          %get3A_622 = tpu.vector_load %arg15[%get3A_620, %get3A_621] {strides = array<i32>} : memref<200x64xf32, #tpu.memory_space<vmem>>, vector<1x16xf32>,
          %get3A_623 = vector.shape_cast %get3A_622 : vector<1x16xf32> to vector<16xf32>
          %add3A_624 = arith.constant 3 : i32
          %add3A_625 = arith.addi %mul3A_550, %add3A_624 : i32
          %get3A_626 = arith.index_cast %add3A_625 : i32 to index
          %get3A_627 = arith.constant 16 : index
          %get3A_628 = tpu.vector_load %arg15[%get3A_626, %get3A_627] {strides = array<i32>} : memref<200x64xf32, #tpu.memory_space<vmem>>, vector<1x16xf32>,
          %get3A_629 = vector.shape_cast %get3A_628 : vector<1x16xf32> to vector<16xf32>
          %add3A_630 = arith.constant 4 : i32
          %add3A_631 = arith.addi %mul3A_550, %add3A_630 : i32
          %get3A_632 = arith.index_cast %add3A_631 : i32 to index
          %get3A_633 = arith.constant 16 : index
          %get3A_634 = tpu.vector_load %arg15[%get3A_632, %get3A_633] {strides = array<i32>} : memref<200x64xf32, #tpu.memory_space<vmem>>, vector<1x16xf32>,
          %get3A_635 = vector.shape_cast %get3A_634 : vector<1x16xf32> to vector<16xf32>
          %add3A_636 = arith.constant 5 : i32
          %add3A_637 = arith.addi %mul3A_550, %add3A_636 : i32
          %get3A_638 = arith.index_cast %add3A_637 : i32 to index
          %get3A_639 = arith.constant 16 : index
          %get3A_640 = tpu.vector_load %arg15[%get3A_638, %get3A_639] {strides = array<i32>} : memref<200x64xf32, #tpu.memory_space<vmem>>, vector<1x16xf32>,
          %get3A_641 = vector.shape_cast %get3A_640 : vector<1x16xf32> to vector<16xf32>
          %add3A_642 = arith.constant 6 : i32
          %add3A_643 = arith.addi %mul3A_550, %add3A_642 : i32
          %get3A_644 = arith.index_cast %add3A_643 : i32 to index
          %get3A_645 = arith.constant 16 : index
          %get3A_646 = tpu.vector_load %arg15[%get3A_644, %get3A_645] {strides = array<i32>} : memref<200x64xf32, #tpu.memory_space<vmem>>, vector<1x16xf32>,
          %get3A_647 = vector.shape_cast %get3A_646 : vector<1x16xf32> to vector<16xf32>
          %add3A_648 = arith.constant 7 : i32
          %add3A_649 = arith.addi %mul3A_550, %add3A_648 : i32
          %get3A_650 = arith.index_cast %add3A_649 : i32 to index
          %get3A_651 = arith.constant 16 : index
          %get3A_652 = tpu.vector_load %arg15[%get3A_650, %get3A_651] {strides = array<i32>} : memref<200x64xf32, #tpu.memory_space<vmem>>, vector<1x16xf32>,
          %get3A_653 = vector.shape_cast %get3A_652 : vector<1x16xf32> to vector<16xf32>
          %add3A_654 = arith.addf %get3A_611, %get3A_617 : vector<16xf32>
          %add3A_655 = arith.addf %get3A_623, %get3A_629 : vector<16xf32>
          %add3A_656 = arith.addf %get3A_635, %get3A_641 : vector<16xf32>
          %add3A_657 = arith.addf %get3A_647, %get3A_653 : vector<16xf32>
          %add3A_658 = arith.addf %add3A_654, %add3A_655 : vector<16xf32>
          %add3A_659 = arith.addf %add3A_656, %add3A_657 : vector<16xf32>
          %add3A_660 = arith.addf %add3A_658, %add3A_659 : vector<16xf32>
          %add3A_661 = arith.addf %scan3A_546, %add3A_660 : vector<16xf32>
          %add3A_662 = arith.constant 0 : i32
          %add3A_663 = arith.addi %mul3A_550, %add3A_662 : i32
          %get3A_664 = arith.index_cast %add3A_663 : i32 to index
          %get3A_665 = arith.constant 32 : index
          %get3A_666 = tpu.vector_load %arg15[%get3A_664, %get3A_665] {strides = array<i32>} : memref<200x64xf32, #tpu.memory_space<vmem>>, vector<1x16xf32>,
          %get3A_667 = vector.shape_cast %get3A_666 : vector<1x16xf32> to vector<16xf32>
          %add3A_668 = arith.constant 1 : i32
          %add3A_669 = arith.addi %mul3A_550, %add3A_668 : i32
          %get3A_670 = arith.index_cast %add3A_669 : i32 to index
          %get3A_671 = arith.constant 32 : index
          %get3A_672 = tpu.vector_load %arg15[%get3A_670, %get3A_671] {strides = array<i32>} : memref<200x64xf32, #tpu.memory_space<vmem>>, vector<1x16xf32>,
          %get3A_673 = vector.shape_cast %get3A_672 : vector<1x16xf32> to vector<16xf32>
          %add3A_674 = arith.constant 2 : i32
          %add3A_675 = arith.addi %mul3A_550, %add3A_674 : i32
          %get3A_676 = arith.index_cast %add3A_675 : i32 to index
          %get3A_677 = arith.constant 32 : index
          %get3A_678 = tpu.vector_load %arg15[%get3A_676, %get3A_677] {strides = array<i32>} : memref<200x64xf32, #tpu.memory_space<vmem>>, vector<1x16xf32>,
          %get3A_679 = vector.shape_cast %get3A_678 : vector<1x16xf32> to vector<16xf32>
          %add3A_680 = arith.constant 3 : i32
          %add3A_681 = arith.addi %mul3A_550, %add3A_680 : i32
          %get3A_682 = arith.index_cast %add3A_681 : i32 to index
          %get3A_683 = arith.constant 32 : index
          %get3A_684 = tpu.vector_load %arg15[%get3A_682, %get3A_683] {strides = array<i32>} : memref<200x64xf32, #tpu.memory_space<vmem>>, vector<1x16xf32>,
          %get3A_685 = vector.shape_cast %get3A_684 : vector<1x16xf32> to vector<16xf32>
          %add3A_686 = arith.constant 4 : i32
          %add3A_687 = arith.addi %mul3A_550, %add3A_686 : i32
          %get3A_688 = arith.index_cast %add3A_687 : i32 to index
          %get3A_689 = arith.constant 32 : index
          %get3A_690 = tpu.vector_load %arg15[%get3A_688, %get3A_689] {strides = array<i32>} : memref<200x64xf32, #tpu.memory_space<vmem>>, vector<1x16xf32>,
          %get3A_691 = vector.shape_cast %get3A_690 : vector<1x16xf32> to vector<16xf32>
          %add3A_692 = arith.constant 5 : i32
          %add3A_693 = arith.addi %mul3A_550, %add3A_692 : i32
          %get3A_694 = arith.index_cast %add3A_693 : i32 to index
          %get3A_695 = arith.constant 32 : index
          %get3A_696 = tpu.vector_load %arg15[%get3A_694, %get3A_695] {strides = array<i32>} : memref<200x64xf32, #tpu.memory_space<vmem>>, vector<1x16xf32>,
          %get3A_697 = vector.shape_cast %get3A_696 : vector<1x16xf32> to vector<16xf32>
          %add3A_698 = arith.constant 6 : i32
          %add3A_699 = arith.addi %mul3A_550, %add3A_698 : i32
          %get3A_700 = arith.index_cast %add3A_699 : i32 to index
          %get3A_701 = arith.constant 32 : index
          %get3A_702 = tpu.vector_load %arg15[%get3A_700, %get3A_701] {strides = array<i32>} : memref<200x64xf32, #tpu.memory_space<vmem>>, vector<1x16xf32>,
          %get3A_703 = vector.shape_cast %get3A_702 : vector<1x16xf32> to vector<16xf32>
          %add3A_704 = arith.constant 7 : i32
          %add3A_705 = arith.addi %mul3A_550, %add3A_704 : i32
          %get3A_706 = arith.index_cast %add3A_705 : i32 to index
          %get3A_707 = arith.constant 32 : index
          %get3A_708 = tpu.vector_load %arg15[%get3A_706, %get3A_707] {strides = array<i32>} : memref<200x64xf32, #tpu.memory_space<vmem>>, vector<1x16xf32>,
          %get3A_709 = vector.shape_cast %get3A_708 : vector<1x16xf32> to vector<16xf32>
          %add3A_710 = arith.addf %get3A_667, %get3A_673 : vector<16xf32>
          %add3A_711 = arith.addf %get3A_679, %get3A_685 : vector<16xf32>
          %add3A_712 = arith.addf %get3A_691, %get3A_697 : vector<16xf32>
          %add3A_713 = arith.addf %get3A_703, %get3A_709 : vector<16xf32>
          %add3A_714 = arith.addf %add3A_710, %add3A_711 : vector<16xf32>
          %add3A_715 = arith.addf %add3A_712, %add3A_713 : vector<16xf32>
          %add3A_716 = arith.addf %add3A_714, %add3A_715 : vector<16xf32>
          %add3A_717 = arith.addf %scan3A_547, %add3A_716 : vector<16xf32>
          %add3A_718 = arith.constant 0 : i32
          %add3A_719 = arith.addi %mul3A_550, %add3A_718 : i32
          %get3A_720 = arith.index_cast %add3A_719 : i32 to index
          %get3A_721 = arith.constant 48 : index
          %get3A_722 = tpu.vector_load %arg15[%get3A_720, %get3A_721] {strides = array<i32>} : memref<200x64xf32, #tpu.memory_space<vmem>>, vector<1x16xf32>,
          %get3A_723 = vector.shape_cast %get3A_722 : vector<1x16xf32> to vector<16xf32>
          %add3A_724 = arith.constant 1 : i32
          %add3A_725 = arith.addi %mul3A_550, %add3A_724 : i32
          %get3A_726 = arith.index_cast %add3A_725 : i32 to index
          %get3A_727 = arith.constant 48 : index
          %get3A_728 = tpu.vector_load %arg15[%get3A_726, %get3A_727] {strides = array<i32>} : memref<200x64xf32, #tpu.memory_space<vmem>>, vector<1x16xf32>,
          %get3A_729 = vector.shape_cast %get3A_728 : vector<1x16xf32> to vector<16xf32>
          %add3A_730 = arith.constant 2 : i32
          %add3A_731 = arith.addi %mul3A_550, %add3A_730 : i32
          %get3A_732 = arith.index_cast %add3A_731 : i32 to index
          %get3A_733 = arith.constant 48 : index
          %get3A_734 = tpu.vector_load %arg15[%get3A_732, %get3A_733] {strides = array<i32>} : memref<200x64xf32, #tpu.memory_space<vmem>>, vector<1x16xf32>,
          %get3A_735 = vector.shape_cast %get3A_734 : vector<1x16xf32> to vector<16xf32>
          %add3A_736 = arith.constant 3 : i32
          %add3A_737 = arith.addi %mul3A_550, %add3A_736 : i32
          %get3A_738 = arith.index_cast %add3A_737 : i32 to index
          %get3A_739 = arith.constant 48 : index
          %get3A_740 = tpu.vector_load %arg15[%get3A_738, %get3A_739] {strides = array<i32>} : memref<200x64xf32, #tpu.memory_space<vmem>>, vector<1x16xf32>,
          %get3A_741 = vector.shape_cast %get3A_740 : vector<1x16xf32> to vector<16xf32>
          %add3A_742 = arith.constant 4 : i32
          %add3A_743 = arith.addi %mul3A_550, %add3A_742 : i32
          %get3A_744 = arith.index_cast %add3A_743 : i32 to index
          %get3A_745 = arith.constant 48 : index
          %get3A_746 = tpu.vector_load %arg15[%get3A_744, %get3A_745] {strides = array<i32>} : memref<200x64xf32, #tpu.memory_space<vmem>>, vector<1x16xf32>,
          %get3A_747 = vector.shape_cast %get3A_746 : vector<1x16xf32> to vector<16xf32>
          %add3A_748 = arith.constant 5 : i32
          %add3A_749 = arith.addi %mul3A_550, %add3A_748 : i32
          %get3A_750 = arith.index_cast %add3A_749 : i32 to index
          %get3A_751 = arith.constant 48 : index
          %get3A_752 = tpu.vector_load %arg15[%get3A_750, %get3A_751] {strides = array<i32>} : memref<200x64xf32, #tpu.memory_space<vmem>>, vector<1x16xf32>,
          %get3A_753 = vector.shape_cast %get3A_752 : vector<1x16xf32> to vector<16xf32>
          %add3A_754 = arith.constant 6 : i32
          %add3A_755 = arith.addi %mul3A_550, %add3A_754 : i32
          %get3A_756 = arith.index_cast %add3A_755 : i32 to index
          %get3A_757 = arith.constant 48 : index
          %get3A_758 = tpu.vector_load %arg15[%get3A_756, %get3A_757] {strides = array<i32>} : memref<200x64xf32, #tpu.memory_space<vmem>>, vector<1x16xf32>,
          %get3A_759 = vector.shape_cast %get3A_758 : vector<1x16xf32> to vector<16xf32>
          %add3A_760 = arith.constant 7 : i32
          %add3A_761 = arith.addi %mul3A_550, %add3A_760 : i32
          %get3A_762 = arith.index_cast %add3A_761 : i32 to index
          %get3A_763 = arith.constant 48 : index
          %get3A_764 = tpu.vector_load %arg15[%get3A_762, %get3A_763] {strides = array<i32>} : memref<200x64xf32, #tpu.memory_space<vmem>>, vector<1x16xf32>,
          %get3A_765 = vector.shape_cast %get3A_764 : vector<1x16xf32> to vector<16xf32>
          %add3A_766 = arith.addf %get3A_723, %get3A_729 : vector<16xf32>
          %add3A_767 = arith.addf %get3A_735, %get3A_741 : vector<16xf32>
          %add3A_768 = arith.addf %get3A_747, %get3A_753 : vector<16xf32>
          %add3A_769 = arith.addf %get3A_759, %get3A_765 : vector<16xf32>
          %add3A_770 = arith.addf %add3A_766, %add3A_767 : vector<16xf32>
          %add3A_771 = arith.addf %add3A_768, %add3A_769 : vector<16xf32>
          %add3A_772 = arith.addf %add3A_770, %add3A_771 : vector<16xf32>
          %add3A_773 = arith.addf %scan3A_548, %add3A_772 : vector<16xf32>
          scf.yield %add3A_605, %add3A_661, %add3A_717, %add3A_773 : vector<16xf32>, vector<16xf32>, vector<16xf32>, vector<16xf32>
        }
        %scan3A_269 = arith.constant 25 : i32
        %swap3A = arith.index_cast %add3A_207 : i32 to index
        %swap3A_270 = arith.constant 0 : index
        %swap3A_271 = tpu.vector_load %arg19[%swap3A, %swap3A_270] {strides = array<i32>} : memref<256x64xf32, #tpu.memory_space<vmem>>, vector<1x16xf32>,
        %swap3A_272 = vector.shape_cast %swap3A_271 : vector<1x16xf32> to vector<16xf32>
        %swap3A_273 = vector.shape_cast %scan3A_268#0 : vector<16xf32> to vector<1x16xf32>
        tpu.vector_store %arg19[%swap3A, %swap3A_270], %swap3A_273 {strides = array<i32>} : memref<256x64xf32, #tpu.memory_space<vmem>>, vector<1x16xf32>,
        %swap3A_274 = arith.index_cast %add3A_207 : i32 to index
        %swap3A_275 = arith.constant 16 : index
        %swap3A_276 = tpu.vector_load %arg19[%swap3A_274, %swap3A_275] {strides = array<i32>} : memref<256x64xf32, #tpu.memory_space<vmem>>, vector<1x16xf32>,
        %swap3A_277 = vector.shape_cast %swap3A_276 : vector<1x16xf32> to vector<16xf32>
        %swap3A_278 = vector.shape_cast %scan3A_268#1 : vector<16xf32> to vector<1x16xf32>
        tpu.vector_store %arg19[%swap3A_274, %swap3A_275], %swap3A_278 {strides = array<i32>} : memref<256x64xf32, #tpu.memory_space<vmem>>, vector<1x16xf32>,
        %swap3A_279 = arith.index_cast %add3A_207 : i32 to index
        %swap3A_280 = arith.constant 32 : index
        %swap3A_281 = tpu.vector_load %arg19[%swap3A_279, %swap3A_280] {strides = array<i32>} : memref<256x64xf32, #tpu.memory_space<vmem>>, vector<1x16xf32>,
        %swap3A_282 = vector.shape_cast %swap3A_281 : vector<1x16xf32> to vector<16xf32>
        %swap3A_283 = vector.shape_cast %scan3A_268#2 : vector<16xf32> to vector<1x16xf32>
        tpu.vector_store %arg19[%swap3A_279, %swap3A_280], %swap3A_283 {strides = array<i32>} : memref<256x64xf32, #tpu.memory_space<vmem>>, vector<1x16xf32>,
        %swap3A_284 = arith.index_cast %add3A_207 : i32 to index
        %swap3A_285 = arith.constant 48 : index
        %swap3A_286 = tpu.vector_load %arg19[%swap3A_284, %swap3A_285] {strides = array<i32>} : memref<256x64xf32, #tpu.memory_space<vmem>>, vector<1x16xf32>,
        %swap3A_287 = vector.shape_cast %swap3A_286 : vector<1x16xf32> to vector<16xf32>
        %swap3A_288 = vector.shape_cast %scan3A_268#3 : vector<16xf32> to vector<1x16xf32>
        tpu.vector_store %arg19[%swap3A_284, %swap3A_285], %swap3A_288 {strides = array<i32>} : memref<256x64xf32, #tpu.memory_space<vmem>>, vector<1x16xf32>,
        %add3A_289 = arith.constant 1 : i32
        %add3A_290 = arith.addi %mul3A_205, %add3A_289 : i32
        %dma_wait3A_291 = arith.constant 0 : i32
        %dma_wait3A_292 = arith.constant 0 : i32
        %dma_wait3A_293 = tpu.memref_slice %arg16[%dma_wait3A_291, %dma_wait3A_292] : memref<200x64xf32, #tpu.memory_space<vmem>> -> memref<128x64xf32, #tpu.memory_space<vmem>>
        %dma_wait3A_294 = arith.constant 0 : i32
        %dma_wait3A_295 = arith.constant 0 : i32
        %dma_wait3A_296 = tpu.memref_slice %arg4[%dma_wait3A_294, %dma_wait3A_295] : memref<1000000x64xf32, #tpu.memory_space<hbm>> -> memref<1000000x64xf32, #tpu.memory_space<hbm>>
        tpu.wait_indirect_dma semaphore(%arg25 : memref<!tpu.dma_semaphore, #tpu.memory_space<semaphore_mem>>) src(%dma_wait3A_296 : memref<1000000x64xf32, #tpu.memory_space<hbm>>) dst(%dma_wait3A_293 : memref<128x64xf32, #tpu.memory_space<vmem>>)
        %dma_wait3A_297 = arith.constant 128 : i32
        %dma_wait3A_298 = arith.constant 0 : i32
        %dma_wait3A_299 = tpu.memref_slice %arg16[%dma_wait3A_297, %dma_wait3A_298] : memref<200x64xf32, #tpu.memory_space<vmem>> -> memref<72x64xf32, #tpu.memory_space<vmem>>
        %dma_wait3A_300 = arith.constant 0 : i32
        %dma_wait3A_301 = arith.constant 0 : i32
        %dma_wait3A_302 = tpu.memref_slice %arg4[%dma_wait3A_300, %dma_wait3A_301] : memref<1000000x64xf32, #tpu.memory_space<hbm>> -> memref<1000000x64xf32, #tpu.memory_space<hbm>>
        tpu.wait_indirect_dma semaphore(%arg25 : memref<!tpu.dma_semaphore, #tpu.memory_space<semaphore_mem>>) src(%dma_wait3A_302 : memref<1000000x64xf32, #tpu.memory_space<hbm>>) dst(%dma_wait3A_299 : memref<72x64xf32, #tpu.memory_space<vmem>>)
        %add3A_303 = arith.constant 4 : i32
        %add3A_304 = arith.addi %add3A_290, %add3A_303 : i32
        %rem3A_305 = arith.constant 256 : i32
        %rem3A_306 = arith.remsi %add3A_304, %rem3A_305 : i32
        %add3A_307 = arith.addi %mul3A_8, %rem3A_306 : i32
        %dma_start3A_308 = arith.constant 0 : i32
        %dma_start3A_309 = tpu.memref_slice %arg2[%add3A_307, %dma_start3A_308] : memref<4096x200xi32, #tpu.memory_space<hbm>> -> memref<1x128xi32, #tpu.memory_space<hbm>>
        %dma_start3A_310 = tpu.memref_squeeze %dma_start3A_309 : memref<1x128xi32, #tpu.memory_space<hbm>> -> memref<128xi32, #tpu.memory_space<hbm>>
        %dma_start3A_311 = arith.constant 0 : i32
        %dma_start3A_312 = tpu.memref_slice %arg2[%add3A_307, %dma_start3A_311] : memref<4096x200xi32, #tpu.memory_space<hbm>> -> memref<1x128xi32, #tpu.memory_space<hbm>>
        %dma_start3A_313 = tpu.memref_squeeze %dma_start3A_312 : memref<1x128xi32, #tpu.memory_space<hbm>> -> memref<128xi32, #tpu.memory_space<hbm>>
        tpu.enqueue_dma source(%dma_start3A_313 : memref<128xi32, #tpu.memory_space<hbm>>) target(%arg8 : memref<128xi32, #tpu.memory_space<vmem>>) target_semaphore(%arg21 : memref<!tpu.dma_semaphore, #tpu.memory_space<semaphore_mem>>)
        %dma_start3A_314 = arith.constant 128 : i32
        %dma_start3A_315 = tpu.memref_slice %arg2[%add3A_307, %dma_start3A_314] : memref<4096x200xi32, #tpu.memory_space<hbm>> -> memref<1x72xi32, #tpu.memory_space<hbm>>
        %dma_start3A_316 = tpu.memref_squeeze %dma_start3A_315 : memref<1x72xi32, #tpu.memory_space<hbm>> -> memref<72xi32, #tpu.memory_space<hbm>>
        %dma_start3A_317 = arith.constant 128 : i32
        %dma_start3A_318 = tpu.memref_slice %arg2[%add3A_307, %dma_start3A_317] : memref<4096x200xi32, #tpu.memory_space<hbm>> -> memref<1x72xi32, #tpu.memory_space<hbm>>
        %dma_start3A_319 = tpu.memref_squeeze %dma_start3A_318 : memref<1x72xi32, #tpu.memory_space<hbm>> -> memref<72xi32, #tpu.memory_space<hbm>>
        tpu.enqueue_dma source(%dma_start3A_319 : memref<72xi32, #tpu.memory_space<hbm>>) target(%arg12 : memref<72xi32, #tpu.memory_space<vmem>>) target_semaphore(%arg21 : memref<!tpu.dma_semaphore, #tpu.memory_space<semaphore_mem>>)
        %dma_wait3A_320 = arith.constant 0 : i32
        %dma_wait3A_321 = arith.constant 0 : i32
        %dma_wait3A_322 = tpu.memref_slice %arg2[%dma_wait3A_320, %dma_wait3A_321] : memref<4096x200xi32, #tpu.memory_space<hbm>> -> memref<1x128xi32, #tpu.memory_space<hbm>>
        %dma_wait3A_323 = tpu.memref_squeeze %dma_wait3A_322 : memref<1x128xi32, #tpu.memory_space<hbm>> -> memref<128xi32, #tpu.memory_space<hbm>>
        %dma_wait3A_324 = arith.constant 0 : i32
        %dma_wait3A_325 = tpu.memref_slice %arg2[%dma_wait3A_320, %dma_wait3A_324] : memref<4096x200xi32, #tpu.memory_space<hbm>> -> memref<1x128xi32, #tpu.memory_space<hbm>>
        %dma_wait3A_326 = tpu.memref_squeeze %dma_wait3A_325 : memref<1x128xi32, #tpu.memory_space<hbm>> -> memref<128xi32, #tpu.memory_space<hbm>>
        tpu.wait_dma2 semaphore(%arg20 : memref<!tpu.dma_semaphore, #tpu.memory_space<semaphore_mem>>) src(%dma_wait3A_326 : memref<128xi32, #tpu.memory_space<hbm>>) dst(%arg7 : memref<128xi32, #tpu.memory_space<vmem>>)
        %dma_wait3A_327 = arith.constant 0 : i32
        %dma_wait3A_328 = arith.constant 128 : i32
        %dma_wait3A_329 = tpu.memref_slice %arg2[%dma_wait3A_327, %dma_wait3A_328] : memref<4096x200xi32, #tpu.memory_space<hbm>> -> memref<1x72xi32, #tpu.memory_space<hbm>>
        %dma_wait3A_330 = tpu.memref_squeeze %dma_wait3A_329 : memref<1x72xi32, #tpu.memory_space<hbm>> -> memref<72xi32, #tpu.memory_space<hbm>>
        %dma_wait3A_331 = arith.constant 128 : i32
        %dma_wait3A_332 = tpu.memref_slice %arg2[%dma_wait3A_327, %dma_wait3A_331] : memref<4096x200xi32, #tpu.memory_space<hbm>> -> memref<1x72xi32, #tpu.memory_space<hbm>>
        %dma_wait3A_333 = tpu.memref_squeeze %dma_wait3A_332 : memref<1x72xi32, #tpu.memory_space<hbm>> -> memref<72xi32, #tpu.memory_space<hbm>>
        tpu.wait_dma2 semaphore(%arg20 : memref<!tpu.dma_semaphore, #tpu.memory_space<semaphore_mem>>) src(%dma_wait3A_333 : memref<72xi32, #tpu.memory_space<hbm>>) dst(%arg11 : memref<72xi32, #tpu.memory_space<vmem>>)
        %dma_start3A_334 = arith.constant 0 : i32
        %dma_start3A_335 = arith.constant 0 : i32
        %dma_start3A_336 = tpu.memref_slice %arg15[%dma_start3A_334, %dma_start3A_335] : memref<200x64xf32, #tpu.memory_space<vmem>> -> memref<128x64xf32, #tpu.memory_space<vmem>>
        %dma_start3A_337 = arith.constant 0 : i32
        %dma_start3A_338 = arith.constant 0 : i32
        %dma_start3A_339 = tpu.memref_slice %arg4[%dma_start3A_337, %dma_start3A_338] : memref<1000000x64xf32, #tpu.memory_space<hbm>> -> memref<1000000x64xf32, #tpu.memory_space<hbm>>
        tpu.enqueue_indirect_dma source(%dma_start3A_339 : memref<1000000x64xf32, #tpu.memory_space<hbm>>) target(%dma_start3A_336 : memref<128x64xf32, #tpu.memory_space<vmem>>) offsets(%arg7 : memref<128xi32, #tpu.memory_space<vmem>>) semaphore(%arg24 : memref<!tpu.dma_semaphore, #tpu.memory_space<semaphore_mem>>)
        %dma_start3A_340 = arith.constant 128 : i32
        %dma_start3A_341 = arith.constant 0 : i32
        %dma_start3A_342 = tpu.memref_slice %arg15[%dma_start3A_340, %dma_start3A_341] : memref<200x64xf32, #tpu.memory_space<vmem>> -> memref<72x64xf32, #tpu.memory_space<vmem>>
        %dma_start3A_343 = arith.constant 0 : i32
        %dma_start3A_344 = arith.constant 0 : i32
        %dma_start3A_345 = tpu.memref_slice %arg4[%dma_start3A_343, %dma_start3A_344] : memref<1000000x64xf32, #tpu.memory_space<hbm>> -> memref<1000000x64xf32, #tpu.memory_space<hbm>>
        tpu.enqueue_indirect_dma source(%dma_start3A_345 : memref<1000000x64xf32, #tpu.memory_space<hbm>>) target(%dma_start3A_342 : memref<72x64xf32, #tpu.memory_space<vmem>>) offsets(%arg11 : memref<72xi32, #tpu.memory_space<vmem>>) semaphore(%arg24 : memref<!tpu.dma_semaphore, #tpu.memory_space<semaphore_mem>>)
        %broadcast_in_dim3A_346 = arith.constant 0.000000e+00 : f32
        %broadcast_in_dim3A_347 = vector.broadcast %broadcast_in_dim3A_346 : f32 to vector<16xf32>
        %scan3A_348 = arith.constant 0 : i32
        %scan3A_349 = arith.constant 25 : i32
        %scan3A_350 = arith.addi %scan3A_348, %scan3A_349 : i32
        %scan3A_351 = arith.constant 1 : i32
        %scan3A_352:4 = scf.for %scan3A_544 = %scan3A_348 to %scan3A_350 step %scan3A_351 iter_args(%scan3A_545 = %broadcast_in_dim3A_347, %scan3A_546 = %broadcast_in_dim3A_347, %scan3A_547 = %broadcast_in_dim3A_347, %scan3A_548 = %broadcast_in_dim3A_347) -> (vector<16xf32>, vector<16xf32>, vector<16xf32>, vector<16xf32>)  : i32 {
          %mul3A_549 = arith.constant 8 : i32
          %mul3A_550 = arith.muli %scan3A_544, %mul3A_549 : i32
          %add3A_551 = arith.constant 0 : i32
          %add3A_552 = arith.addi %mul3A_550, %add3A_551 : i32
          %get3A = arith.index_cast %add3A_552 : i32 to index
          %get3A_553 = arith.constant 0 : index
          %get3A_554 = tpu.vector_load %arg16[%get3A, %get3A_553] {strides = array<i32>} : memref<200x64xf32, #tpu.memory_space<vmem>>, vector<1x16xf32>,
          %get3A_555 = vector.shape_cast %get3A_554 : vector<1x16xf32> to vector<16xf32>
          %add3A_556 = arith.constant 1 : i32
          %add3A_557 = arith.addi %mul3A_550, %add3A_556 : i32
          %get3A_558 = arith.index_cast %add3A_557 : i32 to index
          %get3A_559 = arith.constant 0 : index
          %get3A_560 = tpu.vector_load %arg16[%get3A_558, %get3A_559] {strides = array<i32>} : memref<200x64xf32, #tpu.memory_space<vmem>>, vector<1x16xf32>,
          %get3A_561 = vector.shape_cast %get3A_560 : vector<1x16xf32> to vector<16xf32>
          %add3A_562 = arith.constant 2 : i32
          %add3A_563 = arith.addi %mul3A_550, %add3A_562 : i32
          %get3A_564 = arith.index_cast %add3A_563 : i32 to index
          %get3A_565 = arith.constant 0 : index
          %get3A_566 = tpu.vector_load %arg16[%get3A_564, %get3A_565] {strides = array<i32>} : memref<200x64xf32, #tpu.memory_space<vmem>>, vector<1x16xf32>,
          %get3A_567 = vector.shape_cast %get3A_566 : vector<1x16xf32> to vector<16xf32>
          %add3A_568 = arith.constant 3 : i32
          %add3A_569 = arith.addi %mul3A_550, %add3A_568 : i32
          %get3A_570 = arith.index_cast %add3A_569 : i32 to index
          %get3A_571 = arith.constant 0 : index
          %get3A_572 = tpu.vector_load %arg16[%get3A_570, %get3A_571] {strides = array<i32>} : memref<200x64xf32, #tpu.memory_space<vmem>>, vector<1x16xf32>,
          %get3A_573 = vector.shape_cast %get3A_572 : vector<1x16xf32> to vector<16xf32>
          %add3A_574 = arith.constant 4 : i32
          %add3A_575 = arith.addi %mul3A_550, %add3A_574 : i32
          %get3A_576 = arith.index_cast %add3A_575 : i32 to index
          %get3A_577 = arith.constant 0 : index
          %get3A_578 = tpu.vector_load %arg16[%get3A_576, %get3A_577] {strides = array<i32>} : memref<200x64xf32, #tpu.memory_space<vmem>>, vector<1x16xf32>,
          %get3A_579 = vector.shape_cast %get3A_578 : vector<1x16xf32> to vector<16xf32>
          %add3A_580 = arith.constant 5 : i32
          %add3A_581 = arith.addi %mul3A_550, %add3A_580 : i32
          %get3A_582 = arith.index_cast %add3A_581 : i32 to index
          %get3A_583 = arith.constant 0 : index
          %get3A_584 = tpu.vector_load %arg16[%get3A_582, %get3A_583] {strides = array<i32>} : memref<200x64xf32, #tpu.memory_space<vmem>>, vector<1x16xf32>,
          %get3A_585 = vector.shape_cast %get3A_584 : vector<1x16xf32> to vector<16xf32>
          %add3A_586 = arith.constant 6 : i32
          %add3A_587 = arith.addi %mul3A_550, %add3A_586 : i32
          %get3A_588 = arith.index_cast %add3A_587 : i32 to index
          %get3A_589 = arith.constant 0 : index
          %get3A_590 = tpu.vector_load %arg16[%get3A_588, %get3A_589] {strides = array<i32>} : memref<200x64xf32, #tpu.memory_space<vmem>>, vector<1x16xf32>,
          %get3A_591 = vector.shape_cast %get3A_590 : vector<1x16xf32> to vector<16xf32>
          %add3A_592 = arith.constant 7 : i32
          %add3A_593 = arith.addi %mul3A_550, %add3A_592 : i32
          %get3A_594 = arith.index_cast %add3A_593 : i32 to index
          %get3A_595 = arith.constant 0 : index
          %get3A_596 = tpu.vector_load %arg16[%get3A_594, %get3A_595] {strides = array<i32>} : memref<200x64xf32, #tpu.memory_space<vmem>>, vector<1x16xf32>,
          %get3A_597 = vector.shape_cast %get3A_596 : vector<1x16xf32> to vector<16xf32>
          %add3A_598 = arith.addf %get3A_555, %get3A_561 : vector<16xf32>
          %add3A_599 = arith.addf %get3A_567, %get3A_573 : vector<16xf32>
          %add3A_600 = arith.addf %get3A_579, %get3A_585 : vector<16xf32>
          %add3A_601 = arith.addf %get3A_591, %get3A_597 : vector<16xf32>
          %add3A_602 = arith.addf %add3A_598, %add3A_599 : vector<16xf32>
          %add3A_603 = arith.addf %add3A_600, %add3A_601 : vector<16xf32>
          %add3A_604 = arith.addf %add3A_602, %add3A_603 : vector<16xf32>
          %add3A_605 = arith.addf %scan3A_545, %add3A_604 : vector<16xf32>
          %add3A_606 = arith.constant 0 : i32
          %add3A_607 = arith.addi %mul3A_550, %add3A_606 : i32
          %get3A_608 = arith.index_cast %add3A_607 : i32 to index
          %get3A_609 = arith.constant 16 : index
          %get3A_610 = tpu.vector_load %arg16[%get3A_608, %get3A_609] {strides = array<i32>} : memref<200x64xf32, #tpu.memory_space<vmem>>, vector<1x16xf32>,
          %get3A_611 = vector.shape_cast %get3A_610 : vector<1x16xf32> to vector<16xf32>
          %add3A_612 = arith.constant 1 : i32
          %add3A_613 = arith.addi %mul3A_550, %add3A_612 : i32
          %get3A_614 = arith.index_cast %add3A_613 : i32 to index
          %get3A_615 = arith.constant 16 : index
          %get3A_616 = tpu.vector_load %arg16[%get3A_614, %get3A_615] {strides = array<i32>} : memref<200x64xf32, #tpu.memory_space<vmem>>, vector<1x16xf32>,
          %get3A_617 = vector.shape_cast %get3A_616 : vector<1x16xf32> to vector<16xf32>
          %add3A_618 = arith.constant 2 : i32
          %add3A_619 = arith.addi %mul3A_550, %add3A_618 : i32
          %get3A_620 = arith.index_cast %add3A_619 : i32 to index
          %get3A_621 = arith.constant 16 : index
          %get3A_622 = tpu.vector_load %arg16[%get3A_620, %get3A_621] {strides = array<i32>} : memref<200x64xf32, #tpu.memory_space<vmem>>, vector<1x16xf32>,
          %get3A_623 = vector.shape_cast %get3A_622 : vector<1x16xf32> to vector<16xf32>
          %add3A_624 = arith.constant 3 : i32
          %add3A_625 = arith.addi %mul3A_550, %add3A_624 : i32
          %get3A_626 = arith.index_cast %add3A_625 : i32 to index
          %get3A_627 = arith.constant 16 : index
          %get3A_628 = tpu.vector_load %arg16[%get3A_626, %get3A_627] {strides = array<i32>} : memref<200x64xf32, #tpu.memory_space<vmem>>, vector<1x16xf32>,
          %get3A_629 = vector.shape_cast %get3A_628 : vector<1x16xf32> to vector<16xf32>
          %add3A_630 = arith.constant 4 : i32
          %add3A_631 = arith.addi %mul3A_550, %add3A_630 : i32
          %get3A_632 = arith.index_cast %add3A_631 : i32 to index
          %get3A_633 = arith.constant 16 : index
          %get3A_634 = tpu.vector_load %arg16[%get3A_632, %get3A_633] {strides = array<i32>} : memref<200x64xf32, #tpu.memory_space<vmem>>, vector<1x16xf32>,
          %get3A_635 = vector.shape_cast %get3A_634 : vector<1x16xf32> to vector<16xf32>
          %add3A_636 = arith.constant 5 : i32
          %add3A_637 = arith.addi %mul3A_550, %add3A_636 : i32
          %get3A_638 = arith.index_cast %add3A_637 : i32 to index
          %get3A_639 = arith.constant 16 : index
          %get3A_640 = tpu.vector_load %arg16[%get3A_638, %get3A_639] {strides = array<i32>} : memref<200x64xf32, #tpu.memory_space<vmem>>, vector<1x16xf32>,
          %get3A_641 = vector.shape_cast %get3A_640 : vector<1x16xf32> to vector<16xf32>
          %add3A_642 = arith.constant 6 : i32
          %add3A_643 = arith.addi %mul3A_550, %add3A_642 : i32
          %get3A_644 = arith.index_cast %add3A_643 : i32 to index
          %get3A_645 = arith.constant 16 : index
          %get3A_646 = tpu.vector_load %arg16[%get3A_644, %get3A_645] {strides = array<i32>} : memref<200x64xf32, #tpu.memory_space<vmem>>, vector<1x16xf32>,
          %get3A_647 = vector.shape_cast %get3A_646 : vector<1x16xf32> to vector<16xf32>
          %add3A_648 = arith.constant 7 : i32
          %add3A_649 = arith.addi %mul3A_550, %add3A_648 : i32
          %get3A_650 = arith.index_cast %add3A_649 : i32 to index
          %get3A_651 = arith.constant 16 : index
          %get3A_652 = tpu.vector_load %arg16[%get3A_650, %get3A_651] {strides = array<i32>} : memref<200x64xf32, #tpu.memory_space<vmem>>, vector<1x16xf32>,
          %get3A_653 = vector.shape_cast %get3A_652 : vector<1x16xf32> to vector<16xf32>
          %add3A_654 = arith.addf %get3A_611, %get3A_617 : vector<16xf32>
          %add3A_655 = arith.addf %get3A_623, %get3A_629 : vector<16xf32>
          %add3A_656 = arith.addf %get3A_635, %get3A_641 : vector<16xf32>
          %add3A_657 = arith.addf %get3A_647, %get3A_653 : vector<16xf32>
          %add3A_658 = arith.addf %add3A_654, %add3A_655 : vector<16xf32>
          %add3A_659 = arith.addf %add3A_656, %add3A_657 : vector<16xf32>
          %add3A_660 = arith.addf %add3A_658, %add3A_659 : vector<16xf32>
          %add3A_661 = arith.addf %scan3A_546, %add3A_660 : vector<16xf32>
          %add3A_662 = arith.constant 0 : i32
          %add3A_663 = arith.addi %mul3A_550, %add3A_662 : i32
          %get3A_664 = arith.index_cast %add3A_663 : i32 to index
          %get3A_665 = arith.constant 32 : index
          %get3A_666 = tpu.vector_load %arg16[%get3A_664, %get3A_665] {strides = array<i32>} : memref<200x64xf32, #tpu.memory_space<vmem>>, vector<1x16xf32>,
          %get3A_667 = vector.shape_cast %get3A_666 : vector<1x16xf32> to vector<16xf32>
          %add3A_668 = arith.constant 1 : i32
          %add3A_669 = arith.addi %mul3A_550, %add3A_668 : i32
          %get3A_670 = arith.index_cast %add3A_669 : i32 to index
          %get3A_671 = arith.constant 32 : index
          %get3A_672 = tpu.vector_load %arg16[%get3A_670, %get3A_671] {strides = array<i32>} : memref<200x64xf32, #tpu.memory_space<vmem>>, vector<1x16xf32>,
          %get3A_673 = vector.shape_cast %get3A_672 : vector<1x16xf32> to vector<16xf32>
          %add3A_674 = arith.constant 2 : i32
          %add3A_675 = arith.addi %mul3A_550, %add3A_674 : i32
          %get3A_676 = arith.index_cast %add3A_675 : i32 to index
          %get3A_677 = arith.constant 32 : index
          %get3A_678 = tpu.vector_load %arg16[%get3A_676, %get3A_677] {strides = array<i32>} : memref<200x64xf32, #tpu.memory_space<vmem>>, vector<1x16xf32>,
          %get3A_679 = vector.shape_cast %get3A_678 : vector<1x16xf32> to vector<16xf32>
          %add3A_680 = arith.constant 3 : i32
          %add3A_681 = arith.addi %mul3A_550, %add3A_680 : i32
          %get3A_682 = arith.index_cast %add3A_681 : i32 to index
          %get3A_683 = arith.constant 32 : index
          %get3A_684 = tpu.vector_load %arg16[%get3A_682, %get3A_683] {strides = array<i32>} : memref<200x64xf32, #tpu.memory_space<vmem>>, vector<1x16xf32>,
          %get3A_685 = vector.shape_cast %get3A_684 : vector<1x16xf32> to vector<16xf32>
          %add3A_686 = arith.constant 4 : i32
          %add3A_687 = arith.addi %mul3A_550, %add3A_686 : i32
          %get3A_688 = arith.index_cast %add3A_687 : i32 to index
          %get3A_689 = arith.constant 32 : index
          %get3A_690 = tpu.vector_load %arg16[%get3A_688, %get3A_689] {strides = array<i32>} : memref<200x64xf32, #tpu.memory_space<vmem>>, vector<1x16xf32>,
          %get3A_691 = vector.shape_cast %get3A_690 : vector<1x16xf32> to vector<16xf32>
          %add3A_692 = arith.constant 5 : i32
          %add3A_693 = arith.addi %mul3A_550, %add3A_692 : i32
          %get3A_694 = arith.index_cast %add3A_693 : i32 to index
          %get3A_695 = arith.constant 32 : index
          %get3A_696 = tpu.vector_load %arg16[%get3A_694, %get3A_695] {strides = array<i32>} : memref<200x64xf32, #tpu.memory_space<vmem>>, vector<1x16xf32>,
          %get3A_697 = vector.shape_cast %get3A_696 : vector<1x16xf32> to vector<16xf32>
          %add3A_698 = arith.constant 6 : i32
          %add3A_699 = arith.addi %mul3A_550, %add3A_698 : i32
          %get3A_700 = arith.index_cast %add3A_699 : i32 to index
          %get3A_701 = arith.constant 32 : index
          %get3A_702 = tpu.vector_load %arg16[%get3A_700, %get3A_701] {strides = array<i32>} : memref<200x64xf32, #tpu.memory_space<vmem>>, vector<1x16xf32>,
          %get3A_703 = vector.shape_cast %get3A_702 : vector<1x16xf32> to vector<16xf32>
          %add3A_704 = arith.constant 7 : i32
          %add3A_705 = arith.addi %mul3A_550, %add3A_704 : i32
          %get3A_706 = arith.index_cast %add3A_705 : i32 to index
          %get3A_707 = arith.constant 32 : index
          %get3A_708 = tpu.vector_load %arg16[%get3A_706, %get3A_707] {strides = array<i32>} : memref<200x64xf32, #tpu.memory_space<vmem>>, vector<1x16xf32>,
          %get3A_709 = vector.shape_cast %get3A_708 : vector<1x16xf32> to vector<16xf32>
          %add3A_710 = arith.addf %get3A_667, %get3A_673 : vector<16xf32>
          %add3A_711 = arith.addf %get3A_679, %get3A_685 : vector<16xf32>
          %add3A_712 = arith.addf %get3A_691, %get3A_697 : vector<16xf32>
          %add3A_713 = arith.addf %get3A_703, %get3A_709 : vector<16xf32>
          %add3A_714 = arith.addf %add3A_710, %add3A_711 : vector<16xf32>
          %add3A_715 = arith.addf %add3A_712, %add3A_713 : vector<16xf32>
          %add3A_716 = arith.addf %add3A_714, %add3A_715 : vector<16xf32>
          %add3A_717 = arith.addf %scan3A_547, %add3A_716 : vector<16xf32>
          %add3A_718 = arith.constant 0 : i32
          %add3A_719 = arith.addi %mul3A_550, %add3A_718 : i32
          %get3A_720 = arith.index_cast %add3A_719 : i32 to index
          %get3A_721 = arith.constant 48 : index
          %get3A_722 = tpu.vector_load %arg16[%get3A_720, %get3A_721] {strides = array<i32>} : memref<200x64xf32, #tpu.memory_space<vmem>>, vector<1x16xf32>,
          %get3A_723 = vector.shape_cast %get3A_722 : vector<1x16xf32> to vector<16xf32>
          %add3A_724 = arith.constant 1 : i32
          %add3A_725 = arith.addi %mul3A_550, %add3A_724 : i32
          %get3A_726 = arith.index_cast %add3A_725 : i32 to index
          %get3A_727 = arith.constant 48 : index
          %get3A_728 = tpu.vector_load %arg16[%get3A_726, %get3A_727] {strides = array<i32>} : memref<200x64xf32, #tpu.memory_space<vmem>>, vector<1x16xf32>,
          %get3A_729 = vector.shape_cast %get3A_728 : vector<1x16xf32> to vector<16xf32>
          %add3A_730 = arith.constant 2 : i32
          %add3A_731 = arith.addi %mul3A_550, %add3A_730 : i32
          %get3A_732 = arith.index_cast %add3A_731 : i32 to index
          %get3A_733 = arith.constant 48 : index
          %get3A_734 = tpu.vector_load %arg16[%get3A_732, %get3A_733] {strides = array<i32>} : memref<200x64xf32, #tpu.memory_space<vmem>>, vector<1x16xf32>,
          %get3A_735 = vector.shape_cast %get3A_734 : vector<1x16xf32> to vector<16xf32>
          %add3A_736 = arith.constant 3 : i32
          %add3A_737 = arith.addi %mul3A_550, %add3A_736 : i32
          %get3A_738 = arith.index_cast %add3A_737 : i32 to index
          %get3A_739 = arith.constant 48 : index
          %get3A_740 = tpu.vector_load %arg16[%get3A_738, %get3A_739] {strides = array<i32>} : memref<200x64xf32, #tpu.memory_space<vmem>>, vector<1x16xf32>,
          %get3A_741 = vector.shape_cast %get3A_740 : vector<1x16xf32> to vector<16xf32>
          %add3A_742 = arith.constant 4 : i32
          %add3A_743 = arith.addi %mul3A_550, %add3A_742 : i32
          %get3A_744 = arith.index_cast %add3A_743 : i32 to index
          %get3A_745 = arith.constant 48 : index
          %get3A_746 = tpu.vector_load %arg16[%get3A_744, %get3A_745] {strides = array<i32>} : memref<200x64xf32, #tpu.memory_space<vmem>>, vector<1x16xf32>,
          %get3A_747 = vector.shape_cast %get3A_746 : vector<1x16xf32> to vector<16xf32>
          %add3A_748 = arith.constant 5 : i32
          %add3A_749 = arith.addi %mul3A_550, %add3A_748 : i32
          %get3A_750 = arith.index_cast %add3A_749 : i32 to index
          %get3A_751 = arith.constant 48 : index
          %get3A_752 = tpu.vector_load %arg16[%get3A_750, %get3A_751] {strides = array<i32>} : memref<200x64xf32, #tpu.memory_space<vmem>>, vector<1x16xf32>,
          %get3A_753 = vector.shape_cast %get3A_752 : vector<1x16xf32> to vector<16xf32>
          %add3A_754 = arith.constant 6 : i32
          %add3A_755 = arith.addi %mul3A_550, %add3A_754 : i32
          %get3A_756 = arith.index_cast %add3A_755 : i32 to index
          %get3A_757 = arith.constant 48 : index
          %get3A_758 = tpu.vector_load %arg16[%get3A_756, %get3A_757] {strides = array<i32>} : memref<200x64xf32, #tpu.memory_space<vmem>>, vector<1x16xf32>,
          %get3A_759 = vector.shape_cast %get3A_758 : vector<1x16xf32> to vector<16xf32>
          %add3A_760 = arith.constant 7 : i32
          %add3A_761 = arith.addi %mul3A_550, %add3A_760 : i32
          %get3A_762 = arith.index_cast %add3A_761 : i32 to index
          %get3A_763 = arith.constant 48 : index
          %get3A_764 = tpu.vector_load %arg16[%get3A_762, %get3A_763] {strides = array<i32>} : memref<200x64xf32, #tpu.memory_space<vmem>>, vector<1x16xf32>,
          %get3A_765 = vector.shape_cast %get3A_764 : vector<1x16xf32> to vector<16xf32>
          %add3A_766 = arith.addf %get3A_723, %get3A_729 : vector<16xf32>
          %add3A_767 = arith.addf %get3A_735, %get3A_741 : vector<16xf32>
          %add3A_768 = arith.addf %get3A_747, %get3A_753 : vector<16xf32>
          %add3A_769 = arith.addf %get3A_759, %get3A_765 : vector<16xf32>
          %add3A_770 = arith.addf %add3A_766, %add3A_767 : vector<16xf32>
          %add3A_771 = arith.addf %add3A_768, %add3A_769 : vector<16xf32>
          %add3A_772 = arith.addf %add3A_770, %add3A_771 : vector<16xf32>
          %add3A_773 = arith.addf %scan3A_548, %add3A_772 : vector<16xf32>
          scf.yield %add3A_605, %add3A_661, %add3A_717, %add3A_773 : vector<16xf32>, vector<16xf32>, vector<16xf32>, vector<16xf32>
        }
        %scan3A_353 = arith.constant 25 : i32
        %swap3A_354 = arith.index_cast %add3A_290 : i32 to index
        %swap3A_355 = arith.constant 0 : index
        %swap3A_356 = tpu.vector_load %arg19[%swap3A_354, %swap3A_355] {strides = array<i32>} : memref<256x64xf32, #tpu.memory_space<vmem>>, vector<1x16xf32>,
        %swap3A_357 = vector.shape_cast %swap3A_356 : vector<1x16xf32> to vector<16xf32>
        %swap3A_358 = vector.shape_cast %scan3A_352#0 : vector<16xf32> to vector<1x16xf32>
        tpu.vector_store %arg19[%swap3A_354, %swap3A_355], %swap3A_358 {strides = array<i32>} : memref<256x64xf32, #tpu.memory_space<vmem>>, vector<1x16xf32>,
        %swap3A_359 = arith.index_cast %add3A_290 : i32 to index
        %swap3A_360 = arith.constant 16 : index
        %swap3A_361 = tpu.vector_load %arg19[%swap3A_359, %swap3A_360] {strides = array<i32>} : memref<256x64xf32, #tpu.memory_space<vmem>>, vector<1x16xf32>,
        %swap3A_362 = vector.shape_cast %swap3A_361 : vector<1x16xf32> to vector<16xf32>
        %swap3A_363 = vector.shape_cast %scan3A_352#1 : vector<16xf32> to vector<1x16xf32>
        tpu.vector_store %arg19[%swap3A_359, %swap3A_360], %swap3A_363 {strides = array<i32>} : memref<256x64xf32, #tpu.memory_space<vmem>>, vector<1x16xf32>,
        %swap3A_364 = arith.index_cast %add3A_290 : i32 to index
        %swap3A_365 = arith.constant 32 : index
        %swap3A_366 = tpu.vector_load %arg19[%swap3A_364, %swap3A_365] {strides = array<i32>} : memref<256x64xf32, #tpu.memory_space<vmem>>, vector<1x16xf32>,
        %swap3A_367 = vector.shape_cast %swap3A_366 : vector<1x16xf32> to vector<16xf32>
        %swap3A_368 = vector.shape_cast %scan3A_352#2 : vector<16xf32> to vector<1x16xf32>
        tpu.vector_store %arg19[%swap3A_364, %swap3A_365], %swap3A_368 {strides = array<i32>} : memref<256x64xf32, #tpu.memory_space<vmem>>, vector<1x16xf32>,
        %swap3A_369 = arith.index_cast %add3A_290 : i32 to index
        %swap3A_370 = arith.constant 48 : index
        %swap3A_371 = tpu.vector_load %arg19[%swap3A_369, %swap3A_370] {strides = array<i32>} : memref<256x64xf32, #tpu.memory_space<vmem>>, vector<1x16xf32>,
        %swap3A_372 = vector.shape_cast %swap3A_371 : vector<1x16xf32> to vector<16xf32>
        %swap3A_373 = vector.shape_cast %scan3A_352#3 : vector<16xf32> to vector<1x16xf32>
        tpu.vector_store %arg19[%swap3A_369, %swap3A_370], %swap3A_373 {strides = array<i32>} : memref<256x64xf32, #tpu.memory_space<vmem>>, vector<1x16xf32>,
        %add3A_374 = arith.constant 2 : i32
        %add3A_375 = arith.addi %mul3A_205, %add3A_374 : i32
        %dma_wait3A_376 = arith.constant 0 : i32
        %dma_wait3A_377 = arith.constant 0 : i32
        %dma_wait3A_378 = tpu.memref_slice %arg17[%dma_wait3A_376, %dma_wait3A_377] : memref<200x64xf32, #tpu.memory_space<vmem>> -> memref<128x64xf32, #tpu.memory_space<vmem>>
        %dma_wait3A_379 = arith.constant 0 : i32
        %dma_wait3A_380 = arith.constant 0 : i32
        %dma_wait3A_381 = tpu.memref_slice %arg4[%dma_wait3A_379, %dma_wait3A_380] : memref<1000000x64xf32, #tpu.memory_space<hbm>> -> memref<1000000x64xf32, #tpu.memory_space<hbm>>
        tpu.wait_indirect_dma semaphore(%arg26 : memref<!tpu.dma_semaphore, #tpu.memory_space<semaphore_mem>>) src(%dma_wait3A_381 : memref<1000000x64xf32, #tpu.memory_space<hbm>>) dst(%dma_wait3A_378 : memref<128x64xf32, #tpu.memory_space<vmem>>)
        %dma_wait3A_382 = arith.constant 128 : i32
        %dma_wait3A_383 = arith.constant 0 : i32
        %dma_wait3A_384 = tpu.memref_slice %arg17[%dma_wait3A_382, %dma_wait3A_383] : memref<200x64xf32, #tpu.memory_space<vmem>> -> memref<72x64xf32, #tpu.memory_space<vmem>>
        %dma_wait3A_385 = arith.constant 0 : i32
        %dma_wait3A_386 = arith.constant 0 : i32
        %dma_wait3A_387 = tpu.memref_slice %arg4[%dma_wait3A_385, %dma_wait3A_386] : memref<1000000x64xf32, #tpu.memory_space<hbm>> -> memref<1000000x64xf32, #tpu.memory_space<hbm>>
        tpu.wait_indirect_dma semaphore(%arg26 : memref<!tpu.dma_semaphore, #tpu.memory_space<semaphore_mem>>) src(%dma_wait3A_387 : memref<1000000x64xf32, #tpu.memory_space<hbm>>) dst(%dma_wait3A_384 : memref<72x64xf32, #tpu.memory_space<vmem>>)
        %add3A_388 = arith.constant 4 : i32
        %add3A_389 = arith.addi %add3A_375, %add3A_388 : i32
        %rem3A_390 = arith.constant 256 : i32
        %rem3A_391 = arith.remsi %add3A_389, %rem3A_390 : i32
        %add3A_392 = arith.addi %mul3A_8, %rem3A_391 : i32
        %dma_start3A_393 = arith.constant 0 : i32
        %dma_start3A_394 = tpu.memref_slice %arg2[%add3A_392, %dma_start3A_393] : memref<4096x200xi32, #tpu.memory_space<hbm>> -> memref<1x128xi32, #tpu.memory_space<hbm>>
        %dma_start3A_395 = tpu.memref_squeeze %dma_start3A_394 : memref<1x128xi32, #tpu.memory_space<hbm>> -> memref<128xi32, #tpu.memory_space<hbm>>
        %dma_start3A_396 = arith.constant 0 : i32
        %dma_start3A_397 = tpu.memref_slice %arg2[%add3A_392, %dma_start3A_396] : memref<4096x200xi32, #tpu.memory_space<hbm>> -> memref<1x128xi32, #tpu.memory_space<hbm>>
        %dma_start3A_398 = tpu.memref_squeeze %dma_start3A_397 : memref<1x128xi32, #tpu.memory_space<hbm>> -> memref<128xi32, #tpu.memory_space<hbm>>
        tpu.enqueue_dma source(%dma_start3A_398 : memref<128xi32, #tpu.memory_space<hbm>>) target(%arg9 : memref<128xi32, #tpu.memory_space<vmem>>) target_semaphore(%arg22 : memref<!tpu.dma_semaphore, #tpu.memory_space<semaphore_mem>>)
        %dma_start3A_399 = arith.constant 128 : i32
        %dma_start3A_400 = tpu.memref_slice %arg2[%add3A_392, %dma_start3A_399] : memref<4096x200xi32, #tpu.memory_space<hbm>> -> memref<1x72xi32, #tpu.memory_space<hbm>>
        %dma_start3A_401 = tpu.memref_squeeze %dma_start3A_400 : memref<1x72xi32, #tpu.memory_space<hbm>> -> memref<72xi32, #tpu.memory_space<hbm>>
        %dma_start3A_402 = arith.constant 128 : i32
        %dma_start3A_403 = tpu.memref_slice %arg2[%add3A_392, %dma_start3A_402] : memref<4096x200xi32, #tpu.memory_space<hbm>> -> memref<1x72xi32, #tpu.memory_space<hbm>>
        %dma_start3A_404 = tpu.memref_squeeze %dma_start3A_403 : memref<1x72xi32, #tpu.memory_space<hbm>> -> memref<72xi32, #tpu.memory_space<hbm>>
        tpu.enqueue_dma source(%dma_start3A_404 : memref<72xi32, #tpu.memory_space<hbm>>) target(%arg13 : memref<72xi32, #tpu.memory_space<vmem>>) target_semaphore(%arg22 : memref<!tpu.dma_semaphore, #tpu.memory_space<semaphore_mem>>)
        %dma_wait3A_405 = arith.constant 0 : i32
        %dma_wait3A_406 = arith.constant 0 : i32
        %dma_wait3A_407 = tpu.memref_slice %arg2[%dma_wait3A_405, %dma_wait3A_406] : memref<4096x200xi32, #tpu.memory_space<hbm>> -> memref<1x128xi32, #tpu.memory_space<hbm>>
        %dma_wait3A_408 = tpu.memref_squeeze %dma_wait3A_407 : memref<1x128xi32, #tpu.memory_space<hbm>> -> memref<128xi32, #tpu.memory_space<hbm>>
        %dma_wait3A_409 = arith.constant 0 : i32
        %dma_wait3A_410 = tpu.memref_slice %arg2[%dma_wait3A_405, %dma_wait3A_409] : memref<4096x200xi32, #tpu.memory_space<hbm>> -> memref<1x128xi32, #tpu.memory_space<hbm>>
        %dma_wait3A_411 = tpu.memref_squeeze %dma_wait3A_410 : memref<1x128xi32, #tpu.memory_space<hbm>> -> memref<128xi32, #tpu.memory_space<hbm>>
        tpu.wait_dma2 semaphore(%arg21 : memref<!tpu.dma_semaphore, #tpu.memory_space<semaphore_mem>>) src(%dma_wait3A_411 : memref<128xi32, #tpu.memory_space<hbm>>) dst(%arg8 : memref<128xi32, #tpu.memory_space<vmem>>)
        %dma_wait3A_412 = arith.constant 0 : i32
        %dma_wait3A_413 = arith.constant 128 : i32
        %dma_wait3A_414 = tpu.memref_slice %arg2[%dma_wait3A_412, %dma_wait3A_413] : memref<4096x200xi32, #tpu.memory_space<hbm>> -> memref<1x72xi32, #tpu.memory_space<hbm>>
        %dma_wait3A_415 = tpu.memref_squeeze %dma_wait3A_414 : memref<1x72xi32, #tpu.memory_space<hbm>> -> memref<72xi32, #tpu.memory_space<hbm>>
        %dma_wait3A_416 = arith.constant 128 : i32
        %dma_wait3A_417 = tpu.memref_slice %arg2[%dma_wait3A_412, %dma_wait3A_416] : memref<4096x200xi32, #tpu.memory_space<hbm>> -> memref<1x72xi32, #tpu.memory_space<hbm>>
        %dma_wait3A_418 = tpu.memref_squeeze %dma_wait3A_417 : memref<1x72xi32, #tpu.memory_space<hbm>> -> memref<72xi32, #tpu.memory_space<hbm>>
        tpu.wait_dma2 semaphore(%arg21 : memref<!tpu.dma_semaphore, #tpu.memory_space<semaphore_mem>>) src(%dma_wait3A_418 : memref<72xi32, #tpu.memory_space<hbm>>) dst(%arg12 : memref<72xi32, #tpu.memory_space<vmem>>)
        %dma_start3A_419 = arith.constant 0 : i32
        %dma_start3A_420 = arith.constant 0 : i32
        %dma_start3A_421 = tpu.memref_slice %arg16[%dma_start3A_419, %dma_start3A_420] : memref<200x64xf32, #tpu.memory_space<vmem>> -> memref<128x64xf32, #tpu.memory_space<vmem>>
        %dma_start3A_422 = arith.constant 0 : i32
        %dma_start3A_423 = arith.constant 0 : i32
        %dma_start3A_424 = tpu.memref_slice %arg4[%dma_start3A_422, %dma_start3A_423] : memref<1000000x64xf32, #tpu.memory_space<hbm>> -> memref<1000000x64xf32, #tpu.memory_space<hbm>>
        tpu.enqueue_indirect_dma source(%dma_start3A_424 : memref<1000000x64xf32, #tpu.memory_space<hbm>>) target(%dma_start3A_421 : memref<128x64xf32, #tpu.memory_space<vmem>>) offsets(%arg8 : memref<128xi32, #tpu.memory_space<vmem>>) semaphore(%arg25 : memref<!tpu.dma_semaphore, #tpu.memory_space<semaphore_mem>>)
        %dma_start3A_425 = arith.constant 128 : i32
        %dma_start3A_426 = arith.constant 0 : i32
        %dma_start3A_427 = tpu.memref_slice %arg16[%dma_start3A_425, %dma_start3A_426] : memref<200x64xf32, #tpu.memory_space<vmem>> -> memref<72x64xf32, #tpu.memory_space<vmem>>
        %dma_start3A_428 = arith.constant 0 : i32
        %dma_start3A_429 = arith.constant 0 : i32
        %dma_start3A_430 = tpu.memref_slice %arg4[%dma_start3A_428, %dma_start3A_429] : memref<1000000x64xf32, #tpu.memory_space<hbm>> -> memref<1000000x64xf32, #tpu.memory_space<hbm>>
        tpu.enqueue_indirect_dma source(%dma_start3A_430 : memref<1000000x64xf32, #tpu.memory_space<hbm>>) target(%dma_start3A_427 : memref<72x64xf32, #tpu.memory_space<vmem>>) offsets(%arg12 : memref<72xi32, #tpu.memory_space<vmem>>) semaphore(%arg25 : memref<!tpu.dma_semaphore, #tpu.memory_space<semaphore_mem>>)
        %broadcast_in_dim3A_431 = arith.constant 0.000000e+00 : f32
        %broadcast_in_dim3A_432 = vector.broadcast %broadcast_in_dim3A_431 : f32 to vector<16xf32>
        %scan3A_433 = arith.constant 0 : i32
        %scan3A_434 = arith.constant 25 : i32
        %scan3A_435 = arith.addi %scan3A_433, %scan3A_434 : i32
        %scan3A_436 = arith.constant 1 : i32
        %scan3A_437:4 = scf.for %scan3A_544 = %scan3A_433 to %scan3A_435 step %scan3A_436 iter_args(%scan3A_545 = %broadcast_in_dim3A_432, %scan3A_546 = %broadcast_in_dim3A_432, %scan3A_547 = %broadcast_in_dim3A_432, %scan3A_548 = %broadcast_in_dim3A_432) -> (vector<16xf32>, vector<16xf32>, vector<16xf32>, vector<16xf32>)  : i32 {
          %mul3A_549 = arith.constant 8 : i32
          %mul3A_550 = arith.muli %scan3A_544, %mul3A_549 : i32
          %add3A_551 = arith.constant 0 : i32
          %add3A_552 = arith.addi %mul3A_550, %add3A_551 : i32
          %get3A = arith.index_cast %add3A_552 : i32 to index
          %get3A_553 = arith.constant 0 : index
          %get3A_554 = tpu.vector_load %arg17[%get3A, %get3A_553] {strides = array<i32>} : memref<200x64xf32, #tpu.memory_space<vmem>>, vector<1x16xf32>,
          %get3A_555 = vector.shape_cast %get3A_554 : vector<1x16xf32> to vector<16xf32>
          %add3A_556 = arith.constant 1 : i32
          %add3A_557 = arith.addi %mul3A_550, %add3A_556 : i32
          %get3A_558 = arith.index_cast %add3A_557 : i32 to index
          %get3A_559 = arith.constant 0 : index
          %get3A_560 = tpu.vector_load %arg17[%get3A_558, %get3A_559] {strides = array<i32>} : memref<200x64xf32, #tpu.memory_space<vmem>>, vector<1x16xf32>,
          %get3A_561 = vector.shape_cast %get3A_560 : vector<1x16xf32> to vector<16xf32>
          %add3A_562 = arith.constant 2 : i32
          %add3A_563 = arith.addi %mul3A_550, %add3A_562 : i32
          %get3A_564 = arith.index_cast %add3A_563 : i32 to index
          %get3A_565 = arith.constant 0 : index
          %get3A_566 = tpu.vector_load %arg17[%get3A_564, %get3A_565] {strides = array<i32>} : memref<200x64xf32, #tpu.memory_space<vmem>>, vector<1x16xf32>,
          %get3A_567 = vector.shape_cast %get3A_566 : vector<1x16xf32> to vector<16xf32>
          %add3A_568 = arith.constant 3 : i32
          %add3A_569 = arith.addi %mul3A_550, %add3A_568 : i32
          %get3A_570 = arith.index_cast %add3A_569 : i32 to index
          %get3A_571 = arith.constant 0 : index
          %get3A_572 = tpu.vector_load %arg17[%get3A_570, %get3A_571] {strides = array<i32>} : memref<200x64xf32, #tpu.memory_space<vmem>>, vector<1x16xf32>,
          %get3A_573 = vector.shape_cast %get3A_572 : vector<1x16xf32> to vector<16xf32>
          %add3A_574 = arith.constant 4 : i32
          %add3A_575 = arith.addi %mul3A_550, %add3A_574 : i32
          %get3A_576 = arith.index_cast %add3A_575 : i32 to index
          %get3A_577 = arith.constant 0 : index
          %get3A_578 = tpu.vector_load %arg17[%get3A_576, %get3A_577] {strides = array<i32>} : memref<200x64xf32, #tpu.memory_space<vmem>>, vector<1x16xf32>,
          %get3A_579 = vector.shape_cast %get3A_578 : vector<1x16xf32> to vector<16xf32>
          %add3A_580 = arith.constant 5 : i32
          %add3A_581 = arith.addi %mul3A_550, %add3A_580 : i32
          %get3A_582 = arith.index_cast %add3A_581 : i32 to index
          %get3A_583 = arith.constant 0 : index
          %get3A_584 = tpu.vector_load %arg17[%get3A_582, %get3A_583] {strides = array<i32>} : memref<200x64xf32, #tpu.memory_space<vmem>>, vector<1x16xf32>,
          %get3A_585 = vector.shape_cast %get3A_584 : vector<1x16xf32> to vector<16xf32>
          %add3A_586 = arith.constant 6 : i32
          %add3A_587 = arith.addi %mul3A_550, %add3A_586 : i32
          %get3A_588 = arith.index_cast %add3A_587 : i32 to index
          %get3A_589 = arith.constant 0 : index
          %get3A_590 = tpu.vector_load %arg17[%get3A_588, %get3A_589] {strides = array<i32>} : memref<200x64xf32, #tpu.memory_space<vmem>>, vector<1x16xf32>,
          %get3A_591 = vector.shape_cast %get3A_590 : vector<1x16xf32> to vector<16xf32>
          %add3A_592 = arith.constant 7 : i32
          %add3A_593 = arith.addi %mul3A_550, %add3A_592 : i32
          %get3A_594 = arith.index_cast %add3A_593 : i32 to index
          %get3A_595 = arith.constant 0 : index
          %get3A_596 = tpu.vector_load %arg17[%get3A_594, %get3A_595] {strides = array<i32>} : memref<200x64xf32, #tpu.memory_space<vmem>>, vector<1x16xf32>,
          %get3A_597 = vector.shape_cast %get3A_596 : vector<1x16xf32> to vector<16xf32>
          %add3A_598 = arith.addf %get3A_555, %get3A_561 : vector<16xf32>
          %add3A_599 = arith.addf %get3A_567, %get3A_573 : vector<16xf32>
          %add3A_600 = arith.addf %get3A_579, %get3A_585 : vector<16xf32>
          %add3A_601 = arith.addf %get3A_591, %get3A_597 : vector<16xf32>
          %add3A_602 = arith.addf %add3A_598, %add3A_599 : vector<16xf32>
          %add3A_603 = arith.addf %add3A_600, %add3A_601 : vector<16xf32>
          %add3A_604 = arith.addf %add3A_602, %add3A_603 : vector<16xf32>
          %add3A_605 = arith.addf %scan3A_545, %add3A_604 : vector<16xf32>
          %add3A_606 = arith.constant 0 : i32
          %add3A_607 = arith.addi %mul3A_550, %add3A_606 : i32
          %get3A_608 = arith.index_cast %add3A_607 : i32 to index
          %get3A_609 = arith.constant 16 : index
          %get3A_610 = tpu.vector_load %arg17[%get3A_608, %get3A_609] {strides = array<i32>} : memref<200x64xf32, #tpu.memory_space<vmem>>, vector<1x16xf32>,
          %get3A_611 = vector.shape_cast %get3A_610 : vector<1x16xf32> to vector<16xf32>
          %add3A_612 = arith.constant 1 : i32
          %add3A_613 = arith.addi %mul3A_550, %add3A_612 : i32
          %get3A_614 = arith.index_cast %add3A_613 : i32 to index
          %get3A_615 = arith.constant 16 : index
          %get3A_616 = tpu.vector_load %arg17[%get3A_614, %get3A_615] {strides = array<i32>} : memref<200x64xf32, #tpu.memory_space<vmem>>, vector<1x16xf32>,
          %get3A_617 = vector.shape_cast %get3A_616 : vector<1x16xf32> to vector<16xf32>
          %add3A_618 = arith.constant 2 : i32
          %add3A_619 = arith.addi %mul3A_550, %add3A_618 : i32
          %get3A_620 = arith.index_cast %add3A_619 : i32 to index
          %get3A_621 = arith.constant 16 : index
          %get3A_622 = tpu.vector_load %arg17[%get3A_620, %get3A_621] {strides = array<i32>} : memref<200x64xf32, #tpu.memory_space<vmem>>, vector<1x16xf32>,
          %get3A_623 = vector.shape_cast %get3A_622 : vector<1x16xf32> to vector<16xf32>
          %add3A_624 = arith.constant 3 : i32
          %add3A_625 = arith.addi %mul3A_550, %add3A_624 : i32
          %get3A_626 = arith.index_cast %add3A_625 : i32 to index
          %get3A_627 = arith.constant 16 : index
          %get3A_628 = tpu.vector_load %arg17[%get3A_626, %get3A_627] {strides = array<i32>} : memref<200x64xf32, #tpu.memory_space<vmem>>, vector<1x16xf32>,
          %get3A_629 = vector.shape_cast %get3A_628 : vector<1x16xf32> to vector<16xf32>
          %add3A_630 = arith.constant 4 : i32
          %add3A_631 = arith.addi %mul3A_550, %add3A_630 : i32
          %get3A_632 = arith.index_cast %add3A_631 : i32 to index
          %get3A_633 = arith.constant 16 : index
          %get3A_634 = tpu.vector_load %arg17[%get3A_632, %get3A_633] {strides = array<i32>} : memref<200x64xf32, #tpu.memory_space<vmem>>, vector<1x16xf32>,
          %get3A_635 = vector.shape_cast %get3A_634 : vector<1x16xf32> to vector<16xf32>
          %add3A_636 = arith.constant 5 : i32
          %add3A_637 = arith.addi %mul3A_550, %add3A_636 : i32
          %get3A_638 = arith.index_cast %add3A_637 : i32 to index
          %get3A_639 = arith.constant 16 : index
          %get3A_640 = tpu.vector_load %arg17[%get3A_638, %get3A_639] {strides = array<i32>} : memref<200x64xf32, #tpu.memory_space<vmem>>, vector<1x16xf32>,
          %get3A_641 = vector.shape_cast %get3A_640 : vector<1x16xf32> to vector<16xf32>
          %add3A_642 = arith.constant 6 : i32
          %add3A_643 = arith.addi %mul3A_550, %add3A_642 : i32
          %get3A_644 = arith.index_cast %add3A_643 : i32 to index
          %get3A_645 = arith.constant 16 : index
          %get3A_646 = tpu.vector_load %arg17[%get3A_644, %get3A_645] {strides = array<i32>} : memref<200x64xf32, #tpu.memory_space<vmem>>, vector<1x16xf32>,
          %get3A_647 = vector.shape_cast %get3A_646 : vector<1x16xf32> to vector<16xf32>
          %add3A_648 = arith.constant 7 : i32
          %add3A_649 = arith.addi %mul3A_550, %add3A_648 : i32
          %get3A_650 = arith.index_cast %add3A_649 : i32 to index
          %get3A_651 = arith.constant 16 : index
          %get3A_652 = tpu.vector_load %arg17[%get3A_650, %get3A_651] {strides = array<i32>} : memref<200x64xf32, #tpu.memory_space<vmem>>, vector<1x16xf32>,
          %get3A_653 = vector.shape_cast %get3A_652 : vector<1x16xf32> to vector<16xf32>
          %add3A_654 = arith.addf %get3A_611, %get3A_617 : vector<16xf32>
          %add3A_655 = arith.addf %get3A_623, %get3A_629 : vector<16xf32>
          %add3A_656 = arith.addf %get3A_635, %get3A_641 : vector<16xf32>
          %add3A_657 = arith.addf %get3A_647, %get3A_653 : vector<16xf32>
          %add3A_658 = arith.addf %add3A_654, %add3A_655 : vector<16xf32>
          %add3A_659 = arith.addf %add3A_656, %add3A_657 : vector<16xf32>
          %add3A_660 = arith.addf %add3A_658, %add3A_659 : vector<16xf32>
          %add3A_661 = arith.addf %scan3A_546, %add3A_660 : vector<16xf32>
          %add3A_662 = arith.constant 0 : i32
          %add3A_663 = arith.addi %mul3A_550, %add3A_662 : i32
          %get3A_664 = arith.index_cast %add3A_663 : i32 to index
          %get3A_665 = arith.constant 32 : index
          %get3A_666 = tpu.vector_load %arg17[%get3A_664, %get3A_665] {strides = array<i32>} : memref<200x64xf32, #tpu.memory_space<vmem>>, vector<1x16xf32>,
          %get3A_667 = vector.shape_cast %get3A_666 : vector<1x16xf32> to vector<16xf32>
          %add3A_668 = arith.constant 1 : i32
          %add3A_669 = arith.addi %mul3A_550, %add3A_668 : i32
          %get3A_670 = arith.index_cast %add3A_669 : i32 to index
          %get3A_671 = arith.constant 32 : index
          %get3A_672 = tpu.vector_load %arg17[%get3A_670, %get3A_671] {strides = array<i32>} : memref<200x64xf32, #tpu.memory_space<vmem>>, vector<1x16xf32>,
          %get3A_673 = vector.shape_cast %get3A_672 : vector<1x16xf32> to vector<16xf32>
          %add3A_674 = arith.constant 2 : i32
          %add3A_675 = arith.addi %mul3A_550, %add3A_674 : i32
          %get3A_676 = arith.index_cast %add3A_675 : i32 to index
          %get3A_677 = arith.constant 32 : index
          %get3A_678 = tpu.vector_load %arg17[%get3A_676, %get3A_677] {strides = array<i32>} : memref<200x64xf32, #tpu.memory_space<vmem>>, vector<1x16xf32>,
          %get3A_679 = vector.shape_cast %get3A_678 : vector<1x16xf32> to vector<16xf32>
          %add3A_680 = arith.constant 3 : i32
          %add3A_681 = arith.addi %mul3A_550, %add3A_680 : i32
          %get3A_682 = arith.index_cast %add3A_681 : i32 to index
          %get3A_683 = arith.constant 32 : index
          %get3A_684 = tpu.vector_load %arg17[%get3A_682, %get3A_683] {strides = array<i32>} : memref<200x64xf32, #tpu.memory_space<vmem>>, vector<1x16xf32>,
          %get3A_685 = vector.shape_cast %get3A_684 : vector<1x16xf32> to vector<16xf32>
          %add3A_686 = arith.constant 4 : i32
          %add3A_687 = arith.addi %mul3A_550, %add3A_686 : i32
          %get3A_688 = arith.index_cast %add3A_687 : i32 to index
          %get3A_689 = arith.constant 32 : index
          %get3A_690 = tpu.vector_load %arg17[%get3A_688, %get3A_689] {strides = array<i32>} : memref<200x64xf32, #tpu.memory_space<vmem>>, vector<1x16xf32>,
          %get3A_691 = vector.shape_cast %get3A_690 : vector<1x16xf32> to vector<16xf32>
          %add3A_692 = arith.constant 5 : i32
          %add3A_693 = arith.addi %mul3A_550, %add3A_692 : i32
          %get3A_694 = arith.index_cast %add3A_693 : i32 to index
          %get3A_695 = arith.constant 32 : index
          %get3A_696 = tpu.vector_load %arg17[%get3A_694, %get3A_695] {strides = array<i32>} : memref<200x64xf32, #tpu.memory_space<vmem>>, vector<1x16xf32>,
          %get3A_697 = vector.shape_cast %get3A_696 : vector<1x16xf32> to vector<16xf32>
          %add3A_698 = arith.constant 6 : i32
          %add3A_699 = arith.addi %mul3A_550, %add3A_698 : i32
          %get3A_700 = arith.index_cast %add3A_699 : i32 to index
          %get3A_701 = arith.constant 32 : index
          %get3A_702 = tpu.vector_load %arg17[%get3A_700, %get3A_701] {strides = array<i32>} : memref<200x64xf32, #tpu.memory_space<vmem>>, vector<1x16xf32>,
          %get3A_703 = vector.shape_cast %get3A_702 : vector<1x16xf32> to vector<16xf32>
          %add3A_704 = arith.constant 7 : i32
          %add3A_705 = arith.addi %mul3A_550, %add3A_704 : i32
          %get3A_706 = arith.index_cast %add3A_705 : i32 to index
          %get3A_707 = arith.constant 32 : index
          %get3A_708 = tpu.vector_load %arg17[%get3A_706, %get3A_707] {strides = array<i32>} : memref<200x64xf32, #tpu.memory_space<vmem>>, vector<1x16xf32>,
          %get3A_709 = vector.shape_cast %get3A_708 : vector<1x16xf32> to vector<16xf32>
          %add3A_710 = arith.addf %get3A_667, %get3A_673 : vector<16xf32>
          %add3A_711 = arith.addf %get3A_679, %get3A_685 : vector<16xf32>
          %add3A_712 = arith.addf %get3A_691, %get3A_697 : vector<16xf32>
          %add3A_713 = arith.addf %get3A_703, %get3A_709 : vector<16xf32>
          %add3A_714 = arith.addf %add3A_710, %add3A_711 : vector<16xf32>
          %add3A_715 = arith.addf %add3A_712, %add3A_713 : vector<16xf32>
          %add3A_716 = arith.addf %add3A_714, %add3A_715 : vector<16xf32>
          %add3A_717 = arith.addf %scan3A_547, %add3A_716 : vector<16xf32>
          %add3A_718 = arith.constant 0 : i32
          %add3A_719 = arith.addi %mul3A_550, %add3A_718 : i32
          %get3A_720 = arith.index_cast %add3A_719 : i32 to index
          %get3A_721 = arith.constant 48 : index
          %get3A_722 = tpu.vector_load %arg17[%get3A_720, %get3A_721] {strides = array<i32>} : memref<200x64xf32, #tpu.memory_space<vmem>>, vector<1x16xf32>,
          %get3A_723 = vector.shape_cast %get3A_722 : vector<1x16xf32> to vector<16xf32>
          %add3A_724 = arith.constant 1 : i32
          %add3A_725 = arith.addi %mul3A_550, %add3A_724 : i32
          %get3A_726 = arith.index_cast %add3A_725 : i32 to index
          %get3A_727 = arith.constant 48 : index
          %get3A_728 = tpu.vector_load %arg17[%get3A_726, %get3A_727] {strides = array<i32>} : memref<200x64xf32, #tpu.memory_space<vmem>>, vector<1x16xf32>,
          %get3A_729 = vector.shape_cast %get3A_728 : vector<1x16xf32> to vector<16xf32>
          %add3A_730 = arith.constant 2 : i32
          %add3A_731 = arith.addi %mul3A_550, %add3A_730 : i32
          %get3A_732 = arith.index_cast %add3A_731 : i32 to index
          %get3A_733 = arith.constant 48 : index
          %get3A_734 = tpu.vector_load %arg17[%get3A_732, %get3A_733] {strides = array<i32>} : memref<200x64xf32, #tpu.memory_space<vmem>>, vector<1x16xf32>,
          %get3A_735 = vector.shape_cast %get3A_734 : vector<1x16xf32> to vector<16xf32>
          %add3A_736 = arith.constant 3 : i32
          %add3A_737 = arith.addi %mul3A_550, %add3A_736 : i32
          %get3A_738 = arith.index_cast %add3A_737 : i32 to index
          %get3A_739 = arith.constant 48 : index
          %get3A_740 = tpu.vector_load %arg17[%get3A_738, %get3A_739] {strides = array<i32>} : memref<200x64xf32, #tpu.memory_space<vmem>>, vector<1x16xf32>,
          %get3A_741 = vector.shape_cast %get3A_740 : vector<1x16xf32> to vector<16xf32>
          %add3A_742 = arith.constant 4 : i32
          %add3A_743 = arith.addi %mul3A_550, %add3A_742 : i32
          %get3A_744 = arith.index_cast %add3A_743 : i32 to index
          %get3A_745 = arith.constant 48 : index
          %get3A_746 = tpu.vector_load %arg17[%get3A_744, %get3A_745] {strides = array<i32>} : memref<200x64xf32, #tpu.memory_space<vmem>>, vector<1x16xf32>,
          %get3A_747 = vector.shape_cast %get3A_746 : vector<1x16xf32> to vector<16xf32>
          %add3A_748 = arith.constant 5 : i32
          %add3A_749 = arith.addi %mul3A_550, %add3A_748 : i32
          %get3A_750 = arith.index_cast %add3A_749 : i32 to index
          %get3A_751 = arith.constant 48 : index
          %get3A_752 = tpu.vector_load %arg17[%get3A_750, %get3A_751] {strides = array<i32>} : memref<200x64xf32, #tpu.memory_space<vmem>>, vector<1x16xf32>,
          %get3A_753 = vector.shape_cast %get3A_752 : vector<1x16xf32> to vector<16xf32>
          %add3A_754 = arith.constant 6 : i32
          %add3A_755 = arith.addi %mul3A_550, %add3A_754 : i32
          %get3A_756 = arith.index_cast %add3A_755 : i32 to index
          %get3A_757 = arith.constant 48 : index
          %get3A_758 = tpu.vector_load %arg17[%get3A_756, %get3A_757] {strides = array<i32>} : memref<200x64xf32, #tpu.memory_space<vmem>>, vector<1x16xf32>,
          %get3A_759 = vector.shape_cast %get3A_758 : vector<1x16xf32> to vector<16xf32>
          %add3A_760 = arith.constant 7 : i32
          %add3A_761 = arith.addi %mul3A_550, %add3A_760 : i32
          %get3A_762 = arith.index_cast %add3A_761 : i32 to index
          %get3A_763 = arith.constant 48 : index
          %get3A_764 = tpu.vector_load %arg17[%get3A_762, %get3A_763] {strides = array<i32>} : memref<200x64xf32, #tpu.memory_space<vmem>>, vector<1x16xf32>,
          %get3A_765 = vector.shape_cast %get3A_764 : vector<1x16xf32> to vector<16xf32>
          %add3A_766 = arith.addf %get3A_723, %get3A_729 : vector<16xf32>
          %add3A_767 = arith.addf %get3A_735, %get3A_741 : vector<16xf32>
          %add3A_768 = arith.addf %get3A_747, %get3A_753 : vector<16xf32>
          %add3A_769 = arith.addf %get3A_759, %get3A_765 : vector<16xf32>
          %add3A_770 = arith.addf %add3A_766, %add3A_767 : vector<16xf32>
          %add3A_771 = arith.addf %add3A_768, %add3A_769 : vector<16xf32>
          %add3A_772 = arith.addf %add3A_770, %add3A_771 : vector<16xf32>
          %add3A_773 = arith.addf %scan3A_548, %add3A_772 : vector<16xf32>
          scf.yield %add3A_605, %add3A_661, %add3A_717, %add3A_773 : vector<16xf32>, vector<16xf32>, vector<16xf32>, vector<16xf32>
        }
        %scan3A_438 = arith.constant 25 : i32
        %swap3A_439 = arith.index_cast %add3A_375 : i32 to index
        %swap3A_440 = arith.constant 0 : index
        %swap3A_441 = tpu.vector_load %arg19[%swap3A_439, %swap3A_440] {strides = array<i32>} : memref<256x64xf32, #tpu.memory_space<vmem>>, vector<1x16xf32>,
        %swap3A_442 = vector.shape_cast %swap3A_441 : vector<1x16xf32> to vector<16xf32>
        %swap3A_443 = vector.shape_cast %scan3A_437#0 : vector<16xf32> to vector<1x16xf32>
        tpu.vector_store %arg19[%swap3A_439, %swap3A_440], %swap3A_443 {strides = array<i32>} : memref<256x64xf32, #tpu.memory_space<vmem>>, vector<1x16xf32>,
        %swap3A_444 = arith.index_cast %add3A_375 : i32 to index
        %swap3A_445 = arith.constant 16 : index
        %swap3A_446 = tpu.vector_load %arg19[%swap3A_444, %swap3A_445] {strides = array<i32>} : memref<256x64xf32, #tpu.memory_space<vmem>>, vector<1x16xf32>,
        %swap3A_447 = vector.shape_cast %swap3A_446 : vector<1x16xf32> to vector<16xf32>
        %swap3A_448 = vector.shape_cast %scan3A_437#1 : vector<16xf32> to vector<1x16xf32>
        tpu.vector_store %arg19[%swap3A_444, %swap3A_445], %swap3A_448 {strides = array<i32>} : memref<256x64xf32, #tpu.memory_space<vmem>>, vector<1x16xf32>,
        %swap3A_449 = arith.index_cast %add3A_375 : i32 to index
        %swap3A_450 = arith.constant 32 : index
        %swap3A_451 = tpu.vector_load %arg19[%swap3A_449, %swap3A_450] {strides = array<i32>} : memref<256x64xf32, #tpu.memory_space<vmem>>, vector<1x16xf32>,
        %swap3A_452 = vector.shape_cast %swap3A_451 : vector<1x16xf32> to vector<16xf32>
        %swap3A_453 = vector.shape_cast %scan3A_437#2 : vector<16xf32> to vector<1x16xf32>
        tpu.vector_store %arg19[%swap3A_449, %swap3A_450], %swap3A_453 {strides = array<i32>} : memref<256x64xf32, #tpu.memory_space<vmem>>, vector<1x16xf32>,
        %swap3A_454 = arith.index_cast %add3A_375 : i32 to index
        %swap3A_455 = arith.constant 48 : index
        %swap3A_456 = tpu.vector_load %arg19[%swap3A_454, %swap3A_455] {strides = array<i32>} : memref<256x64xf32, #tpu.memory_space<vmem>>, vector<1x16xf32>,
        %swap3A_457 = vector.shape_cast %swap3A_456 : vector<1x16xf32> to vector<16xf32>
        %swap3A_458 = vector.shape_cast %scan3A_437#3 : vector<16xf32> to vector<1x16xf32>
        tpu.vector_store %arg19[%swap3A_454, %swap3A_455], %swap3A_458 {strides = array<i32>} : memref<256x64xf32, #tpu.memory_space<vmem>>, vector<1x16xf32>,
        %add3A_459 = arith.constant 3 : i32
        %add3A_460 = arith.addi %mul3A_205, %add3A_459 : i32
        %dma_wait3A_461 = arith.constant 0 : i32
        %dma_wait3A_462 = arith.constant 0 : i32
        %dma_wait3A_463 = tpu.memref_slice %arg18[%dma_wait3A_461, %dma_wait3A_462] : memref<200x64xf32, #tpu.memory_space<vmem>> -> memref<128x64xf32, #tpu.memory_space<vmem>>
        %dma_wait3A_464 = arith.constant 0 : i32
        %dma_wait3A_465 = arith.constant 0 : i32
        %dma_wait3A_466 = tpu.memref_slice %arg4[%dma_wait3A_464, %dma_wait3A_465] : memref<1000000x64xf32, #tpu.memory_space<hbm>> -> memref<1000000x64xf32, #tpu.memory_space<hbm>>
        tpu.wait_indirect_dma semaphore(%arg27 : memref<!tpu.dma_semaphore, #tpu.memory_space<semaphore_mem>>) src(%dma_wait3A_466 : memref<1000000x64xf32, #tpu.memory_space<hbm>>) dst(%dma_wait3A_463 : memref<128x64xf32, #tpu.memory_space<vmem>>)
        %dma_wait3A_467 = arith.constant 128 : i32
        %dma_wait3A_468 = arith.constant 0 : i32
        %dma_wait3A_469 = tpu.memref_slice %arg18[%dma_wait3A_467, %dma_wait3A_468] : memref<200x64xf32, #tpu.memory_space<vmem>> -> memref<72x64xf32, #tpu.memory_space<vmem>>
        %dma_wait3A_470 = arith.constant 0 : i32
        %dma_wait3A_471 = arith.constant 0 : i32
        %dma_wait3A_472 = tpu.memref_slice %arg4[%dma_wait3A_470, %dma_wait3A_471] : memref<1000000x64xf32, #tpu.memory_space<hbm>> -> memref<1000000x64xf32, #tpu.memory_space<hbm>>
        tpu.wait_indirect_dma semaphore(%arg27 : memref<!tpu.dma_semaphore, #tpu.memory_space<semaphore_mem>>) src(%dma_wait3A_472 : memref<1000000x64xf32, #tpu.memory_space<hbm>>) dst(%dma_wait3A_469 : memref<72x64xf32, #tpu.memory_space<vmem>>)
        %add3A_473 = arith.constant 4 : i32
        %add3A_474 = arith.addi %add3A_460, %add3A_473 : i32
        %rem3A_475 = arith.constant 256 : i32
        %rem3A_476 = arith.remsi %add3A_474, %rem3A_475 : i32
        %add3A_477 = arith.addi %mul3A_8, %rem3A_476 : i32
        %dma_start3A_478 = arith.constant 0 : i32
        %dma_start3A_479 = tpu.memref_slice %arg2[%add3A_477, %dma_start3A_478] : memref<4096x200xi32, #tpu.memory_space<hbm>> -> memref<1x128xi32, #tpu.memory_space<hbm>>
        %dma_start3A_480 = tpu.memref_squeeze %dma_start3A_479 : memref<1x128xi32, #tpu.memory_space<hbm>> -> memref<128xi32, #tpu.memory_space<hbm>>
        %dma_start3A_481 = arith.constant 0 : i32
        %dma_start3A_482 = tpu.memref_slice %arg2[%add3A_477, %dma_start3A_481] : memref<4096x200xi32, #tpu.memory_space<hbm>> -> memref<1x128xi32, #tpu.memory_space<hbm>>
        %dma_start3A_483 = tpu.memref_squeeze %dma_start3A_482 : memref<1x128xi32, #tpu.memory_space<hbm>> -> memref<128xi32, #tpu.memory_space<hbm>>
        tpu.enqueue_dma source(%dma_start3A_483 : memref<128xi32, #tpu.memory_space<hbm>>) target(%arg10 : memref<128xi32, #tpu.memory_space<vmem>>) target_semaphore(%arg23 : memref<!tpu.dma_semaphore, #tpu.memory_space<semaphore_mem>>)
        %dma_start3A_484 = arith.constant 128 : i32
        %dma_start3A_485 = tpu.memref_slice %arg2[%add3A_477, %dma_start3A_484] : memref<4096x200xi32, #tpu.memory_space<hbm>> -> memref<1x72xi32, #tpu.memory_space<hbm>>
        %dma_start3A_486 = tpu.memref_squeeze %dma_start3A_485 : memref<1x72xi32, #tpu.memory_space<hbm>> -> memref<72xi32, #tpu.memory_space<hbm>>
        %dma_start3A_487 = arith.constant 128 : i32
        %dma_start3A_488 = tpu.memref_slice %arg2[%add3A_477, %dma_start3A_487] : memref<4096x200xi32, #tpu.memory_space<hbm>> -> memref<1x72xi32, #tpu.memory_space<hbm>>
        %dma_start3A_489 = tpu.memref_squeeze %dma_start3A_488 : memref<1x72xi32, #tpu.memory_space<hbm>> -> memref<72xi32, #tpu.memory_space<hbm>>
        tpu.enqueue_dma source(%dma_start3A_489 : memref<72xi32, #tpu.memory_space<hbm>>) target(%arg14 : memref<72xi32, #tpu.memory_space<vmem>>) target_semaphore(%arg23 : memref<!tpu.dma_semaphore, #tpu.memory_space<semaphore_mem>>)
        %dma_wait3A_490 = arith.constant 0 : i32
        %dma_wait3A_491 = arith.constant 0 : i32
        %dma_wait3A_492 = tpu.memref_slice %arg2[%dma_wait3A_490, %dma_wait3A_491] : memref<4096x200xi32, #tpu.memory_space<hbm>> -> memref<1x128xi32, #tpu.memory_space<hbm>>
        %dma_wait3A_493 = tpu.memref_squeeze %dma_wait3A_492 : memref<1x128xi32, #tpu.memory_space<hbm>> -> memref<128xi32, #tpu.memory_space<hbm>>
        %dma_wait3A_494 = arith.constant 0 : i32
        %dma_wait3A_495 = tpu.memref_slice %arg2[%dma_wait3A_490, %dma_wait3A_494] : memref<4096x200xi32, #tpu.memory_space<hbm>> -> memref<1x128xi32, #tpu.memory_space<hbm>>
        %dma_wait3A_496 = tpu.memref_squeeze %dma_wait3A_495 : memref<1x128xi32, #tpu.memory_space<hbm>> -> memref<128xi32, #tpu.memory_space<hbm>>
        tpu.wait_dma2 semaphore(%arg22 : memref<!tpu.dma_semaphore, #tpu.memory_space<semaphore_mem>>) src(%dma_wait3A_496 : memref<128xi32, #tpu.memory_space<hbm>>) dst(%arg9 : memref<128xi32, #tpu.memory_space<vmem>>)
        %dma_wait3A_497 = arith.constant 0 : i32
        %dma_wait3A_498 = arith.constant 128 : i32
        %dma_wait3A_499 = tpu.memref_slice %arg2[%dma_wait3A_497, %dma_wait3A_498] : memref<4096x200xi32, #tpu.memory_space<hbm>> -> memref<1x72xi32, #tpu.memory_space<hbm>>
        %dma_wait3A_500 = tpu.memref_squeeze %dma_wait3A_499 : memref<1x72xi32, #tpu.memory_space<hbm>> -> memref<72xi32, #tpu.memory_space<hbm>>
        %dma_wait3A_501 = arith.constant 128 : i32
        %dma_wait3A_502 = tpu.memref_slice %arg2[%dma_wait3A_497, %dma_wait3A_501] : memref<4096x200xi32, #tpu.memory_space<hbm>> -> memref<1x72xi32, #tpu.memory_space<hbm>>
        %dma_wait3A_503 = tpu.memref_squeeze %dma_wait3A_502 : memref<1x72xi32, #tpu.memory_space<hbm>> -> memref<72xi32, #tpu.memory_space<hbm>>
        tpu.wait_dma2 semaphore(%arg22 : memref<!tpu.dma_semaphore, #tpu.memory_space<semaphore_mem>>) src(%dma_wait3A_503 : memref<72xi32, #tpu.memory_space<hbm>>) dst(%arg13 : memref<72xi32, #tpu.memory_space<vmem>>)
        %dma_start3A_504 = arith.constant 0 : i32
        %dma_start3A_505 = arith.constant 0 : i32
        %dma_start3A_506 = tpu.memref_slice %arg17[%dma_start3A_504, %dma_start3A_505] : memref<200x64xf32, #tpu.memory_space<vmem>> -> memref<128x64xf32, #tpu.memory_space<vmem>>
        %dma_start3A_507 = arith.constant 0 : i32
        %dma_start3A_508 = arith.constant 0 : i32
        %dma_start3A_509 = tpu.memref_slice %arg4[%dma_start3A_507, %dma_start3A_508] : memref<1000000x64xf32, #tpu.memory_space<hbm>> -> memref<1000000x64xf32, #tpu.memory_space<hbm>>
        tpu.enqueue_indirect_dma source(%dma_start3A_509 : memref<1000000x64xf32, #tpu.memory_space<hbm>>) target(%dma_start3A_506 : memref<128x64xf32, #tpu.memory_space<vmem>>) offsets(%arg9 : memref<128xi32, #tpu.memory_space<vmem>>) semaphore(%arg26 : memref<!tpu.dma_semaphore, #tpu.memory_space<semaphore_mem>>)
        %dma_start3A_510 = arith.constant 128 : i32
        %dma_start3A_511 = arith.constant 0 : i32
        %dma_start3A_512 = tpu.memref_slice %arg17[%dma_start3A_510, %dma_start3A_511] : memref<200x64xf32, #tpu.memory_space<vmem>> -> memref<72x64xf32, #tpu.memory_space<vmem>>
        %dma_start3A_513 = arith.constant 0 : i32
        %dma_start3A_514 = arith.constant 0 : i32
        %dma_start3A_515 = tpu.memref_slice %arg4[%dma_start3A_513, %dma_start3A_514] : memref<1000000x64xf32, #tpu.memory_space<hbm>> -> memref<1000000x64xf32, #tpu.memory_space<hbm>>
        tpu.enqueue_indirect_dma source(%dma_start3A_515 : memref<1000000x64xf32, #tpu.memory_space<hbm>>) target(%dma_start3A_512 : memref<72x64xf32, #tpu.memory_space<vmem>>) offsets(%arg13 : memref<72xi32, #tpu.memory_space<vmem>>) semaphore(%arg26 : memref<!tpu.dma_semaphore, #tpu.memory_space<semaphore_mem>>)
        %broadcast_in_dim3A_516 = arith.constant 0.000000e+00 : f32
        %broadcast_in_dim3A_517 = vector.broadcast %broadcast_in_dim3A_516 : f32 to vector<16xf32>
        %scan3A_518 = arith.constant 0 : i32
        %scan3A_519 = arith.constant 25 : i32
        %scan3A_520 = arith.addi %scan3A_518, %scan3A_519 : i32
        %scan3A_521 = arith.constant 1 : i32
        %scan3A_522:4 = scf.for %scan3A_544 = %scan3A_518 to %scan3A_520 step %scan3A_521 iter_args(%scan3A_545 = %broadcast_in_dim3A_517, %scan3A_546 = %broadcast_in_dim3A_517, %scan3A_547 = %broadcast_in_dim3A_517, %scan3A_548 = %broadcast_in_dim3A_517) -> (vector<16xf32>, vector<16xf32>, vector<16xf32>, vector<16xf32>)  : i32 {
          %mul3A_549 = arith.constant 8 : i32
          %mul3A_550 = arith.muli %scan3A_544, %mul3A_549 : i32
          %add3A_551 = arith.constant 0 : i32
          %add3A_552 = arith.addi %mul3A_550, %add3A_551 : i32
          %get3A = arith.index_cast %add3A_552 : i32 to index
          %get3A_553 = arith.constant 0 : index
          %get3A_554 = tpu.vector_load %arg18[%get3A, %get3A_553] {strides = array<i32>} : memref<200x64xf32, #tpu.memory_space<vmem>>, vector<1x16xf32>,
          %get3A_555 = vector.shape_cast %get3A_554 : vector<1x16xf32> to vector<16xf32>
          %add3A_556 = arith.constant 1 : i32
          %add3A_557 = arith.addi %mul3A_550, %add3A_556 : i32
          %get3A_558 = arith.index_cast %add3A_557 : i32 to index
          %get3A_559 = arith.constant 0 : index
          %get3A_560 = tpu.vector_load %arg18[%get3A_558, %get3A_559] {strides = array<i32>} : memref<200x64xf32, #tpu.memory_space<vmem>>, vector<1x16xf32>,
          %get3A_561 = vector.shape_cast %get3A_560 : vector<1x16xf32> to vector<16xf32>
          %add3A_562 = arith.constant 2 : i32
          %add3A_563 = arith.addi %mul3A_550, %add3A_562 : i32
          %get3A_564 = arith.index_cast %add3A_563 : i32 to index
          %get3A_565 = arith.constant 0 : index
          %get3A_566 = tpu.vector_load %arg18[%get3A_564, %get3A_565] {strides = array<i32>} : memref<200x64xf32, #tpu.memory_space<vmem>>, vector<1x16xf32>,
          %get3A_567 = vector.shape_cast %get3A_566 : vector<1x16xf32> to vector<16xf32>
          %add3A_568 = arith.constant 3 : i32
          %add3A_569 = arith.addi %mul3A_550, %add3A_568 : i32
          %get3A_570 = arith.index_cast %add3A_569 : i32 to index
          %get3A_571 = arith.constant 0 : index
          %get3A_572 = tpu.vector_load %arg18[%get3A_570, %get3A_571] {strides = array<i32>} : memref<200x64xf32, #tpu.memory_space<vmem>>, vector<1x16xf32>,
          %get3A_573 = vector.shape_cast %get3A_572 : vector<1x16xf32> to vector<16xf32>
          %add3A_574 = arith.constant 4 : i32
          %add3A_575 = arith.addi %mul3A_550, %add3A_574 : i32
          %get3A_576 = arith.index_cast %add3A_575 : i32 to index
          %get3A_577 = arith.constant 0 : index
          %get3A_578 = tpu.vector_load %arg18[%get3A_576, %get3A_577] {strides = array<i32>} : memref<200x64xf32, #tpu.memory_space<vmem>>, vector<1x16xf32>,
          %get3A_579 = vector.shape_cast %get3A_578 : vector<1x16xf32> to vector<16xf32>
          %add3A_580 = arith.constant 5 : i32
          %add3A_581 = arith.addi %mul3A_550, %add3A_580 : i32
          %get3A_582 = arith.index_cast %add3A_581 : i32 to index
          %get3A_583 = arith.constant 0 : index
          %get3A_584 = tpu.vector_load %arg18[%get3A_582, %get3A_583] {strides = array<i32>} : memref<200x64xf32, #tpu.memory_space<vmem>>, vector<1x16xf32>,
          %get3A_585 = vector.shape_cast %get3A_584 : vector<1x16xf32> to vector<16xf32>
          %add3A_586 = arith.constant 6 : i32
          %add3A_587 = arith.addi %mul3A_550, %add3A_586 : i32
          %get3A_588 = arith.index_cast %add3A_587 : i32 to index
          %get3A_589 = arith.constant 0 : index
          %get3A_590 = tpu.vector_load %arg18[%get3A_588, %get3A_589] {strides = array<i32>} : memref<200x64xf32, #tpu.memory_space<vmem>>, vector<1x16xf32>,
          %get3A_591 = vector.shape_cast %get3A_590 : vector<1x16xf32> to vector<16xf32>
          %add3A_592 = arith.constant 7 : i32
          %add3A_593 = arith.addi %mul3A_550, %add3A_592 : i32
          %get3A_594 = arith.index_cast %add3A_593 : i32 to index
          %get3A_595 = arith.constant 0 : index
          %get3A_596 = tpu.vector_load %arg18[%get3A_594, %get3A_595] {strides = array<i32>} : memref<200x64xf32, #tpu.memory_space<vmem>>, vector<1x16xf32>,
          %get3A_597 = vector.shape_cast %get3A_596 : vector<1x16xf32> to vector<16xf32>
          %add3A_598 = arith.addf %get3A_555, %get3A_561 : vector<16xf32>
          %add3A_599 = arith.addf %get3A_567, %get3A_573 : vector<16xf32>
          %add3A_600 = arith.addf %get3A_579, %get3A_585 : vector<16xf32>
          %add3A_601 = arith.addf %get3A_591, %get3A_597 : vector<16xf32>
          %add3A_602 = arith.addf %add3A_598, %add3A_599 : vector<16xf32>
          %add3A_603 = arith.addf %add3A_600, %add3A_601 : vector<16xf32>
          %add3A_604 = arith.addf %add3A_602, %add3A_603 : vector<16xf32>
          %add3A_605 = arith.addf %scan3A_545, %add3A_604 : vector<16xf32>
          %add3A_606 = arith.constant 0 : i32
          %add3A_607 = arith.addi %mul3A_550, %add3A_606 : i32
          %get3A_608 = arith.index_cast %add3A_607 : i32 to index
          %get3A_609 = arith.constant 16 : index
          %get3A_610 = tpu.vector_load %arg18[%get3A_608, %get3A_609] {strides = array<i32>} : memref<200x64xf32, #tpu.memory_space<vmem>>, vector<1x16xf32>,
          %get3A_611 = vector.shape_cast %get3A_610 : vector<1x16xf32> to vector<16xf32>
          %add3A_612 = arith.constant 1 : i32
          %add3A_613 = arith.addi %mul3A_550, %add3A_612 : i32
          %get3A_614 = arith.index_cast %add3A_613 : i32 to index
          %get3A_615 = arith.constant 16 : index
          %get3A_616 = tpu.vector_load %arg18[%get3A_614, %get3A_615] {strides = array<i32>} : memref<200x64xf32, #tpu.memory_space<vmem>>, vector<1x16xf32>,
          %get3A_617 = vector.shape_cast %get3A_616 : vector<1x16xf32> to vector<16xf32>
          %add3A_618 = arith.constant 2 : i32
          %add3A_619 = arith.addi %mul3A_550, %add3A_618 : i32
          %get3A_620 = arith.index_cast %add3A_619 : i32 to index
          %get3A_621 = arith.constant 16 : index
          %get3A_622 = tpu.vector_load %arg18[%get3A_620, %get3A_621] {strides = array<i32>} : memref<200x64xf32, #tpu.memory_space<vmem>>, vector<1x16xf32>,
          %get3A_623 = vector.shape_cast %get3A_622 : vector<1x16xf32> to vector<16xf32>
          %add3A_624 = arith.constant 3 : i32
          %add3A_625 = arith.addi %mul3A_550, %add3A_624 : i32
          %get3A_626 = arith.index_cast %add3A_625 : i32 to index
          %get3A_627 = arith.constant 16 : index
          %get3A_628 = tpu.vector_load %arg18[%get3A_626, %get3A_627] {strides = array<i32>} : memref<200x64xf32, #tpu.memory_space<vmem>>, vector<1x16xf32>,
          %get3A_629 = vector.shape_cast %get3A_628 : vector<1x16xf32> to vector<16xf32>
          %add3A_630 = arith.constant 4 : i32
          %add3A_631 = arith.addi %mul3A_550, %add3A_630 : i32
          %get3A_632 = arith.index_cast %add3A_631 : i32 to index
          %get3A_633 = arith.constant 16 : index
          %get3A_634 = tpu.vector_load %arg18[%get3A_632, %get3A_633] {strides = array<i32>} : memref<200x64xf32, #tpu.memory_space<vmem>>, vector<1x16xf32>,
          %get3A_635 = vector.shape_cast %get3A_634 : vector<1x16xf32> to vector<16xf32>
          %add3A_636 = arith.constant 5 : i32
          %add3A_637 = arith.addi %mul3A_550, %add3A_636 : i32
          %get3A_638 = arith.index_cast %add3A_637 : i32 to index
          %get3A_639 = arith.constant 16 : index
          %get3A_640 = tpu.vector_load %arg18[%get3A_638, %get3A_639] {strides = array<i32>} : memref<200x64xf32, #tpu.memory_space<vmem>>, vector<1x16xf32>,
          %get3A_641 = vector.shape_cast %get3A_640 : vector<1x16xf32> to vector<16xf32>
          %add3A_642 = arith.constant 6 : i32
          %add3A_643 = arith.addi %mul3A_550, %add3A_642 : i32
          %get3A_644 = arith.index_cast %add3A_643 : i32 to index
          %get3A_645 = arith.constant 16 : index
          %get3A_646 = tpu.vector_load %arg18[%get3A_644, %get3A_645] {strides = array<i32>} : memref<200x64xf32, #tpu.memory_space<vmem>>, vector<1x16xf32>,
          %get3A_647 = vector.shape_cast %get3A_646 : vector<1x16xf32> to vector<16xf32>
          %add3A_648 = arith.constant 7 : i32
          %add3A_649 = arith.addi %mul3A_550, %add3A_648 : i32
          %get3A_650 = arith.index_cast %add3A_649 : i32 to index
          %get3A_651 = arith.constant 16 : index
          %get3A_652 = tpu.vector_load %arg18[%get3A_650, %get3A_651] {strides = array<i32>} : memref<200x64xf32, #tpu.memory_space<vmem>>, vector<1x16xf32>,
          %get3A_653 = vector.shape_cast %get3A_652 : vector<1x16xf32> to vector<16xf32>
          %add3A_654 = arith.addf %get3A_611, %get3A_617 : vector<16xf32>
          %add3A_655 = arith.addf %get3A_623, %get3A_629 : vector<16xf32>
          %add3A_656 = arith.addf %get3A_635, %get3A_641 : vector<16xf32>
          %add3A_657 = arith.addf %get3A_647, %get3A_653 : vector<16xf32>
          %add3A_658 = arith.addf %add3A_654, %add3A_655 : vector<16xf32>
          %add3A_659 = arith.addf %add3A_656, %add3A_657 : vector<16xf32>
          %add3A_660 = arith.addf %add3A_658, %add3A_659 : vector<16xf32>
          %add3A_661 = arith.addf %scan3A_546, %add3A_660 : vector<16xf32>
          %add3A_662 = arith.constant 0 : i32
          %add3A_663 = arith.addi %mul3A_550, %add3A_662 : i32
          %get3A_664 = arith.index_cast %add3A_663 : i32 to index
          %get3A_665 = arith.constant 32 : index
          %get3A_666 = tpu.vector_load %arg18[%get3A_664, %get3A_665] {strides = array<i32>} : memref<200x64xf32, #tpu.memory_space<vmem>>, vector<1x16xf32>,
          %get3A_667 = vector.shape_cast %get3A_666 : vector<1x16xf32> to vector<16xf32>
          %add3A_668 = arith.constant 1 : i32
          %add3A_669 = arith.addi %mul3A_550, %add3A_668 : i32
          %get3A_670 = arith.index_cast %add3A_669 : i32 to index
          %get3A_671 = arith.constant 32 : index
          %get3A_672 = tpu.vector_load %arg18[%get3A_670, %get3A_671] {strides = array<i32>} : memref<200x64xf32, #tpu.memory_space<vmem>>, vector<1x16xf32>,
          %get3A_673 = vector.shape_cast %get3A_672 : vector<1x16xf32> to vector<16xf32>
          %add3A_674 = arith.constant 2 : i32
          %add3A_675 = arith.addi %mul3A_550, %add3A_674 : i32
          %get3A_676 = arith.index_cast %add3A_675 : i32 to index
          %get3A_677 = arith.constant 32 : index
          %get3A_678 = tpu.vector_load %arg18[%get3A_676, %get3A_677] {strides = array<i32>} : memref<200x64xf32, #tpu.memory_space<vmem>>, vector<1x16xf32>,
          %get3A_679 = vector.shape_cast %get3A_678 : vector<1x16xf32> to vector<16xf32>
          %add3A_680 = arith.constant 3 : i32
          %add3A_681 = arith.addi %mul3A_550, %add3A_680 : i32
          %get3A_682 = arith.index_cast %add3A_681 : i32 to index
          %get3A_683 = arith.constant 32 : index
          %get3A_684 = tpu.vector_load %arg18[%get3A_682, %get3A_683] {strides = array<i32>} : memref<200x64xf32, #tpu.memory_space<vmem>>, vector<1x16xf32>,
          %get3A_685 = vector.shape_cast %get3A_684 : vector<1x16xf32> to vector<16xf32>
          %add3A_686 = arith.constant 4 : i32
          %add3A_687 = arith.addi %mul3A_550, %add3A_686 : i32
          %get3A_688 = arith.index_cast %add3A_687 : i32 to index
          %get3A_689 = arith.constant 32 : index
          %get3A_690 = tpu.vector_load %arg18[%get3A_688, %get3A_689] {strides = array<i32>} : memref<200x64xf32, #tpu.memory_space<vmem>>, vector<1x16xf32>,
          %get3A_691 = vector.shape_cast %get3A_690 : vector<1x16xf32> to vector<16xf32>
          %add3A_692 = arith.constant 5 : i32
          %add3A_693 = arith.addi %mul3A_550, %add3A_692 : i32
          %get3A_694 = arith.index_cast %add3A_693 : i32 to index
          %get3A_695 = arith.constant 32 : index
          %get3A_696 = tpu.vector_load %arg18[%get3A_694, %get3A_695] {strides = array<i32>} : memref<200x64xf32, #tpu.memory_space<vmem>>, vector<1x16xf32>,
          %get3A_697 = vector.shape_cast %get3A_696 : vector<1x16xf32> to vector<16xf32>
          %add3A_698 = arith.constant 6 : i32
          %add3A_699 = arith.addi %mul3A_550, %add3A_698 : i32
          %get3A_700 = arith.index_cast %add3A_699 : i32 to index
          %get3A_701 = arith.constant 32 : index
          %get3A_702 = tpu.vector_load %arg18[%get3A_700, %get3A_701] {strides = array<i32>} : memref<200x64xf32, #tpu.memory_space<vmem>>, vector<1x16xf32>,
          %get3A_703 = vector.shape_cast %get3A_702 : vector<1x16xf32> to vector<16xf32>
          %add3A_704 = arith.constant 7 : i32
          %add3A_705 = arith.addi %mul3A_550, %add3A_704 : i32
          %get3A_706 = arith.index_cast %add3A_705 : i32 to index
          %get3A_707 = arith.constant 32 : index
          %get3A_708 = tpu.vector_load %arg18[%get3A_706, %get3A_707] {strides = array<i32>} : memref<200x64xf32, #tpu.memory_space<vmem>>, vector<1x16xf32>,
          %get3A_709 = vector.shape_cast %get3A_708 : vector<1x16xf32> to vector<16xf32>
          %add3A_710 = arith.addf %get3A_667, %get3A_673 : vector<16xf32>
          %add3A_711 = arith.addf %get3A_679, %get3A_685 : vector<16xf32>
          %add3A_712 = arith.addf %get3A_691, %get3A_697 : vector<16xf32>
          %add3A_713 = arith.addf %get3A_703, %get3A_709 : vector<16xf32>
          %add3A_714 = arith.addf %add3A_710, %add3A_711 : vector<16xf32>
          %add3A_715 = arith.addf %add3A_712, %add3A_713 : vector<16xf32>
          %add3A_716 = arith.addf %add3A_714, %add3A_715 : vector<16xf32>
          %add3A_717 = arith.addf %scan3A_547, %add3A_716 : vector<16xf32>
          %add3A_718 = arith.constant 0 : i32
          %add3A_719 = arith.addi %mul3A_550, %add3A_718 : i32
          %get3A_720 = arith.index_cast %add3A_719 : i32 to index
          %get3A_721 = arith.constant 48 : index
          %get3A_722 = tpu.vector_load %arg18[%get3A_720, %get3A_721] {strides = array<i32>} : memref<200x64xf32, #tpu.memory_space<vmem>>, vector<1x16xf32>,
          %get3A_723 = vector.shape_cast %get3A_722 : vector<1x16xf32> to vector<16xf32>
          %add3A_724 = arith.constant 1 : i32
          %add3A_725 = arith.addi %mul3A_550, %add3A_724 : i32
          %get3A_726 = arith.index_cast %add3A_725 : i32 to index
          %get3A_727 = arith.constant 48 : index
          %get3A_728 = tpu.vector_load %arg18[%get3A_726, %get3A_727] {strides = array<i32>} : memref<200x64xf32, #tpu.memory_space<vmem>>, vector<1x16xf32>,
          %get3A_729 = vector.shape_cast %get3A_728 : vector<1x16xf32> to vector<16xf32>
          %add3A_730 = arith.constant 2 : i32
          %add3A_731 = arith.addi %mul3A_550, %add3A_730 : i32
          %get3A_732 = arith.index_cast %add3A_731 : i32 to index
          %get3A_733 = arith.constant 48 : index
          %get3A_734 = tpu.vector_load %arg18[%get3A_732, %get3A_733] {strides = array<i32>} : memref<200x64xf32, #tpu.memory_space<vmem>>, vector<1x16xf32>,
          %get3A_735 = vector.shape_cast %get3A_734 : vector<1x16xf32> to vector<16xf32>
          %add3A_736 = arith.constant 3 : i32
          %add3A_737 = arith.addi %mul3A_550, %add3A_736 : i32
          %get3A_738 = arith.index_cast %add3A_737 : i32 to index
          %get3A_739 = arith.constant 48 : index
          %get3A_740 = tpu.vector_load %arg18[%get3A_738, %get3A_739] {strides = array<i32>} : memref<200x64xf32, #tpu.memory_space<vmem>>, vector<1x16xf32>,
          %get3A_741 = vector.shape_cast %get3A_740 : vector<1x16xf32> to vector<16xf32>
          %add3A_742 = arith.constant 4 : i32
          %add3A_743 = arith.addi %mul3A_550, %add3A_742 : i32
          %get3A_744 = arith.index_cast %add3A_743 : i32 to index
          %get3A_745 = arith.constant 48 : index
          %get3A_746 = tpu.vector_load %arg18[%get3A_744, %get3A_745] {strides = array<i32>} : memref<200x64xf32, #tpu.memory_space<vmem>>, vector<1x16xf32>,
          %get3A_747 = vector.shape_cast %get3A_746 : vector<1x16xf32> to vector<16xf32>
          %add3A_748 = arith.constant 5 : i32
          %add3A_749 = arith.addi %mul3A_550, %add3A_748 : i32
          %get3A_750 = arith.index_cast %add3A_749 : i32 to index
          %get3A_751 = arith.constant 48 : index
          %get3A_752 = tpu.vector_load %arg18[%get3A_750, %get3A_751] {strides = array<i32>} : memref<200x64xf32, #tpu.memory_space<vmem>>, vector<1x16xf32>,
          %get3A_753 = vector.shape_cast %get3A_752 : vector<1x16xf32> to vector<16xf32>
          %add3A_754 = arith.constant 6 : i32
          %add3A_755 = arith.addi %mul3A_550, %add3A_754 : i32
          %get3A_756 = arith.index_cast %add3A_755 : i32 to index
          %get3A_757 = arith.constant 48 : index
          %get3A_758 = tpu.vector_load %arg18[%get3A_756, %get3A_757] {strides = array<i32>} : memref<200x64xf32, #tpu.memory_space<vmem>>, vector<1x16xf32>,
          %get3A_759 = vector.shape_cast %get3A_758 : vector<1x16xf32> to vector<16xf32>
          %add3A_760 = arith.constant 7 : i32
          %add3A_761 = arith.addi %mul3A_550, %add3A_760 : i32
          %get3A_762 = arith.index_cast %add3A_761 : i32 to index
          %get3A_763 = arith.constant 48 : index
          %get3A_764 = tpu.vector_load %arg18[%get3A_762, %get3A_763] {strides = array<i32>} : memref<200x64xf32, #tpu.memory_space<vmem>>, vector<1x16xf32>,
          %get3A_765 = vector.shape_cast %get3A_764 : vector<1x16xf32> to vector<16xf32>
          %add3A_766 = arith.addf %get3A_723, %get3A_729 : vector<16xf32>
          %add3A_767 = arith.addf %get3A_735, %get3A_741 : vector<16xf32>
          %add3A_768 = arith.addf %get3A_747, %get3A_753 : vector<16xf32>
          %add3A_769 = arith.addf %get3A_759, %get3A_765 : vector<16xf32>
          %add3A_770 = arith.addf %add3A_766, %add3A_767 : vector<16xf32>
          %add3A_771 = arith.addf %add3A_768, %add3A_769 : vector<16xf32>
          %add3A_772 = arith.addf %add3A_770, %add3A_771 : vector<16xf32>
          %add3A_773 = arith.addf %scan3A_548, %add3A_772 : vector<16xf32>
          scf.yield %add3A_605, %add3A_661, %add3A_717, %add3A_773 : vector<16xf32>, vector<16xf32>, vector<16xf32>, vector<16xf32>
        }
        %scan3A_523 = arith.constant 25 : i32
        %swap3A_524 = arith.index_cast %add3A_460 : i32 to index
        %swap3A_525 = arith.constant 0 : index
        %swap3A_526 = tpu.vector_load %arg19[%swap3A_524, %swap3A_525] {strides = array<i32>} : memref<256x64xf32, #tpu.memory_space<vmem>>, vector<1x16xf32>,
        %swap3A_527 = vector.shape_cast %swap3A_526 : vector<1x16xf32> to vector<16xf32>
        %swap3A_528 = vector.shape_cast %scan3A_522#0 : vector<16xf32> to vector<1x16xf32>
        tpu.vector_store %arg19[%swap3A_524, %swap3A_525], %swap3A_528 {strides = array<i32>} : memref<256x64xf32, #tpu.memory_space<vmem>>, vector<1x16xf32>,
        %swap3A_529 = arith.index_cast %add3A_460 : i32 to index
        %swap3A_530 = arith.constant 16 : index
        %swap3A_531 = tpu.vector_load %arg19[%swap3A_529, %swap3A_530] {strides = array<i32>} : memref<256x64xf32, #tpu.memory_space<vmem>>, vector<1x16xf32>,
        %swap3A_532 = vector.shape_cast %swap3A_531 : vector<1x16xf32> to vector<16xf32>
        %swap3A_533 = vector.shape_cast %scan3A_522#1 : vector<16xf32> to vector<1x16xf32>
        tpu.vector_store %arg19[%swap3A_529, %swap3A_530], %swap3A_533 {strides = array<i32>} : memref<256x64xf32, #tpu.memory_space<vmem>>, vector<1x16xf32>,
        %swap3A_534 = arith.index_cast %add3A_460 : i32 to index
        %swap3A_535 = arith.constant 32 : index
        %swap3A_536 = tpu.vector_load %arg19[%swap3A_534, %swap3A_535] {strides = array<i32>} : memref<256x64xf32, #tpu.memory_space<vmem>>, vector<1x16xf32>,
        %swap3A_537 = vector.shape_cast %swap3A_536 : vector<1x16xf32> to vector<16xf32>
        %swap3A_538 = vector.shape_cast %scan3A_522#2 : vector<16xf32> to vector<1x16xf32>
        tpu.vector_store %arg19[%swap3A_534, %swap3A_535], %swap3A_538 {strides = array<i32>} : memref<256x64xf32, #tpu.memory_space<vmem>>, vector<1x16xf32>,
        %swap3A_539 = arith.index_cast %add3A_460 : i32 to index
        %swap3A_540 = arith.constant 48 : index
        %swap3A_541 = tpu.vector_load %arg19[%swap3A_539, %swap3A_540] {strides = array<i32>} : memref<256x64xf32, #tpu.memory_space<vmem>>, vector<1x16xf32>,
        %swap3A_542 = vector.shape_cast %swap3A_541 : vector<1x16xf32> to vector<16xf32>
        %swap3A_543 = vector.shape_cast %scan3A_522#3 : vector<16xf32> to vector<1x16xf32>
        tpu.vector_store %arg19[%swap3A_539, %swap3A_540], %swap3A_543 {strides = array<i32>} : memref<256x64xf32, #tpu.memory_space<vmem>>, vector<1x16xf32>,
      }
      %scan3A_152 = arith.constant 64 : i32
      %dma_wait3A_153 = arith.constant 0 : i32
      %dma_wait3A_154 = arith.constant 0 : i32
      %dma_wait3A_155 = tpu.memref_slice %arg15[%dma_wait3A_153, %dma_wait3A_154] : memref<200x64xf32, #tpu.memory_space<vmem>> -> memref<128x64xf32, #tpu.memory_space<vmem>>
      %dma_wait3A_156 = arith.constant 0 : i32
      %dma_wait3A_157 = arith.constant 0 : i32
      %dma_wait3A_158 = tpu.memref_slice %arg4[%dma_wait3A_156, %dma_wait3A_157] : memref<1000000x64xf32, #tpu.memory_space<hbm>> -> memref<1000000x64xf32, #tpu.memory_space<hbm>>
      tpu.wait_indirect_dma semaphore(%arg24 : memref<!tpu.dma_semaphore, #tpu.memory_space<semaphore_mem>>) src(%dma_wait3A_158 : memref<1000000x64xf32, #tpu.memory_space<hbm>>) dst(%dma_wait3A_155 : memref<128x64xf32, #tpu.memory_space<vmem>>)
      %dma_wait3A_159 = arith.constant 128 : i32
      %dma_wait3A_160 = arith.constant 0 : i32
      %dma_wait3A_161 = tpu.memref_slice %arg15[%dma_wait3A_159, %dma_wait3A_160] : memref<200x64xf32, #tpu.memory_space<vmem>> -> memref<72x64xf32, #tpu.memory_space<vmem>>
      %dma_wait3A_162 = arith.constant 0 : i32
      %dma_wait3A_163 = arith.constant 0 : i32
      %dma_wait3A_164 = tpu.memref_slice %arg4[%dma_wait3A_162, %dma_wait3A_163] : memref<1000000x64xf32, #tpu.memory_space<hbm>> -> memref<1000000x64xf32, #tpu.memory_space<hbm>>
      tpu.wait_indirect_dma semaphore(%arg24 : memref<!tpu.dma_semaphore, #tpu.memory_space<semaphore_mem>>) src(%dma_wait3A_164 : memref<1000000x64xf32, #tpu.memory_space<hbm>>) dst(%dma_wait3A_161 : memref<72x64xf32, #tpu.memory_space<vmem>>)
      %dma_wait3A_165 = arith.constant 0 : i32
      %dma_wait3A_166 = arith.constant 0 : i32
      %dma_wait3A_167 = tpu.memref_slice %arg16[%dma_wait3A_165, %dma_wait3A_166] : memref<200x64xf32, #tpu.memory_space<vmem>> -> memref<128x64xf32, #tpu.memory_space<vmem>>
      %dma_wait3A_168 = arith.constant 0 : i32
      %dma_wait3A_169 = arith.constant 0 : i32
      %dma_wait3A_170 = tpu.memref_slice %arg4[%dma_wait3A_168, %dma_wait3A_169] : memref<1000000x64xf32, #tpu.memory_space<hbm>> -> memref<1000000x64xf32, #tpu.memory_space<hbm>>
      tpu.wait_indirect_dma semaphore(%arg25 : memref<!tpu.dma_semaphore, #tpu.memory_space<semaphore_mem>>) src(%dma_wait3A_170 : memref<1000000x64xf32, #tpu.memory_space<hbm>>) dst(%dma_wait3A_167 : memref<128x64xf32, #tpu.memory_space<vmem>>)
      %dma_wait3A_171 = arith.constant 128 : i32
      %dma_wait3A_172 = arith.constant 0 : i32
      %dma_wait3A_173 = tpu.memref_slice %arg16[%dma_wait3A_171, %dma_wait3A_172] : memref<200x64xf32, #tpu.memory_space<vmem>> -> memref<72x64xf32, #tpu.memory_space<vmem>>
      %dma_wait3A_174 = arith.constant 0 : i32
      %dma_wait3A_175 = arith.constant 0 : i32
      %dma_wait3A_176 = tpu.memref_slice %arg4[%dma_wait3A_174, %dma_wait3A_175] : memref<1000000x64xf32, #tpu.memory_space<hbm>> -> memref<1000000x64xf32, #tpu.memory_space<hbm>>
      tpu.wait_indirect_dma semaphore(%arg25 : memref<!tpu.dma_semaphore, #tpu.memory_space<semaphore_mem>>) src(%dma_wait3A_176 : memref<1000000x64xf32, #tpu.memory_space<hbm>>) dst(%dma_wait3A_173 : memref<72x64xf32, #tpu.memory_space<vmem>>)
      %dma_wait3A_177 = arith.constant 0 : i32
      %dma_wait3A_178 = arith.constant 0 : i32
      %dma_wait3A_179 = tpu.memref_slice %arg17[%dma_wait3A_177, %dma_wait3A_178] : memref<200x64xf32, #tpu.memory_space<vmem>> -> memref<128x64xf32, #tpu.memory_space<vmem>>
      %dma_wait3A_180 = arith.constant 0 : i32
      %dma_wait3A_181 = arith.constant 0 : i32
      %dma_wait3A_182 = tpu.memref_slice %arg4[%dma_wait3A_180, %dma_wait3A_181] : memref<1000000x64xf32, #tpu.memory_space<hbm>> -> memref<1000000x64xf32, #tpu.memory_space<hbm>>
      tpu.wait_indirect_dma semaphore(%arg26 : memref<!tpu.dma_semaphore, #tpu.memory_space<semaphore_mem>>) src(%dma_wait3A_182 : memref<1000000x64xf32, #tpu.memory_space<hbm>>) dst(%dma_wait3A_179 : memref<128x64xf32, #tpu.memory_space<vmem>>)
      %dma_wait3A_183 = arith.constant 128 : i32
      %dma_wait3A_184 = arith.constant 0 : i32
      %dma_wait3A_185 = tpu.memref_slice %arg17[%dma_wait3A_183, %dma_wait3A_184] : memref<200x64xf32, #tpu.memory_space<vmem>> -> memref<72x64xf32, #tpu.memory_space<vmem>>
      %dma_wait3A_186 = arith.constant 0 : i32
      %dma_wait3A_187 = arith.constant 0 : i32
      %dma_wait3A_188 = tpu.memref_slice %arg4[%dma_wait3A_186, %dma_wait3A_187] : memref<1000000x64xf32, #tpu.memory_space<hbm>> -> memref<1000000x64xf32, #tpu.memory_space<hbm>>
      tpu.wait_indirect_dma semaphore(%arg26 : memref<!tpu.dma_semaphore, #tpu.memory_space<semaphore_mem>>) src(%dma_wait3A_188 : memref<1000000x64xf32, #tpu.memory_space<hbm>>) dst(%dma_wait3A_185 : memref<72x64xf32, #tpu.memory_space<vmem>>)
      %dma_wait3A_189 = arith.constant 0 : i32
      %dma_wait3A_190 = arith.constant 0 : i32
      %dma_wait3A_191 = tpu.memref_slice %arg2[%dma_wait3A_189, %dma_wait3A_190] : memref<4096x200xi32, #tpu.memory_space<hbm>> -> memref<1x128xi32, #tpu.memory_space<hbm>>
      %dma_wait3A_192 = tpu.memref_squeeze %dma_wait3A_191 : memref<1x128xi32, #tpu.memory_space<hbm>> -> memref<128xi32, #tpu.memory_space<hbm>>
      %dma_wait3A_193 = arith.constant 0 : i32
      %dma_wait3A_194 = tpu.memref_slice %arg2[%dma_wait3A_189, %dma_wait3A_193] : memref<4096x200xi32, #tpu.memory_space<hbm>> -> memref<1x128xi32, #tpu.memory_space<hbm>>
      %dma_wait3A_195 = tpu.memref_squeeze %dma_wait3A_194 : memref<1x128xi32, #tpu.memory_space<hbm>> -> memref<128xi32, #tpu.memory_space<hbm>>
      tpu.wait_dma2 semaphore(%arg23 : memref<!tpu.dma_semaphore, #tpu.memory_space<semaphore_mem>>) src(%dma_wait3A_195 : memref<128xi32, #tpu.memory_space<hbm>>) dst(%arg10 : memref<128xi32, #tpu.memory_space<vmem>>)
      %dma_wait3A_196 = arith.constant 0 : i32
      %dma_wait3A_197 = arith.constant 128 : i32
      %dma_wait3A_198 = tpu.memref_slice %arg2[%dma_wait3A_196, %dma_wait3A_197] : memref<4096x200xi32, #tpu.memory_space<hbm>> -> memref<1x72xi32, #tpu.memory_space<hbm>>
      %dma_wait3A_199 = tpu.memref_squeeze %dma_wait3A_198 : memref<1x72xi32, #tpu.memory_space<hbm>> -> memref<72xi32, #tpu.memory_space<hbm>>
      %dma_wait3A_200 = arith.constant 128 : i32
      %dma_wait3A_201 = tpu.memref_slice %arg2[%dma_wait3A_196, %dma_wait3A_200] : memref<4096x200xi32, #tpu.memory_space<hbm>> -> memref<1x72xi32, #tpu.memory_space<hbm>>
      %dma_wait3A_202 = tpu.memref_squeeze %dma_wait3A_201 : memref<1x72xi32, #tpu.memory_space<hbm>> -> memref<72xi32, #tpu.memory_space<hbm>>
      tpu.wait_dma2 semaphore(%arg23 : memref<!tpu.dma_semaphore, #tpu.memory_space<semaphore_mem>>) src(%dma_wait3A_202 : memref<72xi32, #tpu.memory_space<hbm>>) dst(%arg14 : memref<72xi32, #tpu.memory_space<vmem>>)
      "tpu.region"() ({
        %run_scoped3A = tpu.sem_alloc : memref<!tpu.dma_semaphore, #tpu.memory_space<semaphore_mem>>
        %dma_start3A_203 = arith.constant 0 : i32
        %dma_start3A_204 = tpu.memref_slice %arg5[%mul3A_8, %dma_start3A_203] : memref<4096x64xf32, #tpu.memory_space<hbm>> -> memref<256x64xf32, #tpu.memory_space<hbm>>
        %dma_start3A_205 = arith.constant 0 : i32
        %dma_start3A_206 = tpu.memref_slice %arg5[%mul3A_8, %dma_start3A_205] : memref<4096x64xf32, #tpu.memory_space<hbm>> -> memref<256x64xf32, #tpu.memory_space<hbm>>
        tpu.enqueue_dma source(%arg19 : memref<256x64xf32, #tpu.memory_space<vmem>>) target(%dma_start3A_206 : memref<256x64xf32, #tpu.memory_space<hbm>>) target_semaphore(%run_scoped3A : memref<!tpu.dma_semaphore, #tpu.memory_space<semaphore_mem>>)
        %dma_wait3A_207 = arith.constant 0 : i32
        %dma_wait3A_208 = tpu.memref_slice %arg5[%mul3A_8, %dma_wait3A_207] : memref<4096x64xf32, #tpu.memory_space<hbm>> -> memref<256x64xf32, #tpu.memory_space<hbm>>
        %dma_wait3A_209 = arith.constant 0 : i32
        %dma_wait3A_210 = tpu.memref_slice %arg5[%mul3A_8, %dma_wait3A_209] : memref<4096x64xf32, #tpu.memory_space<hbm>> -> memref<256x64xf32, #tpu.memory_space<hbm>>
        tpu.wait_dma2 semaphore(%run_scoped3A : memref<!tpu.dma_semaphore, #tpu.memory_space<semaphore_mem>>) src(%arg19 : memref<256x64xf32, #tpu.memory_space<vmem>>) dst(%dma_wait3A_210 : memref<256x64xf32, #tpu.memory_space<hbm>>)
        tpu.yield
      }) : () -> ()
    } else {
    }
    %ge3A = arith.constant 16 : i32
    %ge3A_3 = arith.cmpi sge, %add3A, %ge3A : i32
    %convert_element_type3A_4 = arith.extui %ge3A_3 : i1 to i32
    %cond3A_5 = arith.constant 0 : i32
    %cond3A_6 = arith.cmpi ne, %convert_element_type3A_4, %cond3A_5 : i32
    scf.if %cond3A_6 {
      %sub3A = arith.constant 16 : i32
      %sub3A_7 = arith.subi %add3A, %sub3A : i32
      %mul3A_8 = arith.constant 256 : i32
      %mul3A_9 = arith.muli %sub3A_7, %mul3A_8 : i32
      %rem3A = arith.constant 0 : i32
      %rem3A_10 = arith.constant 256 : i32
      %rem3A_11 = arith.remsi %rem3A, %rem3A_10 : i32
      %add3A_12 = arith.addi %mul3A_9, %rem3A_11 : i32
      %dma_start3A = arith.constant 0 : i32
      %dma_start3A_13 = tpu.memref_slice %arg3[%add3A_12, %dma_start3A] : memref<4096x200xi32, #tpu.memory_space<hbm>> -> memref<1x128xi32, #tpu.memory_space<hbm>>
      %dma_start3A_14 = tpu.memref_squeeze %dma_start3A_13 : memref<1x128xi32, #tpu.memory_space<hbm>> -> memref<128xi32, #tpu.memory_space<hbm>>
      %dma_start3A_15 = arith.constant 0 : i32
      %dma_start3A_16 = tpu.memref_slice %arg3[%add3A_12, %dma_start3A_15] : memref<4096x200xi32, #tpu.memory_space<hbm>> -> memref<1x128xi32, #tpu.memory_space<hbm>>
      %dma_start3A_17 = tpu.memref_squeeze %dma_start3A_16 : memref<1x128xi32, #tpu.memory_space<hbm>> -> memref<128xi32, #tpu.memory_space<hbm>>
      tpu.enqueue_dma source(%dma_start3A_17 : memref<128xi32, #tpu.memory_space<hbm>>) target(%arg7 : memref<128xi32, #tpu.memory_space<vmem>>) target_semaphore(%arg20 : memref<!tpu.dma_semaphore, #tpu.memory_space<semaphore_mem>>)
      %dma_start3A_18 = arith.constant 128 : i32
      %dma_start3A_19 = tpu.memref_slice %arg3[%add3A_12, %dma_start3A_18] : memref<4096x200xi32, #tpu.memory_space<hbm>> -> memref<1x72xi32, #tpu.memory_space<hbm>>
      %dma_start3A_20 = tpu.memref_squeeze %dma_start3A_19 : memref<1x72xi32, #tpu.memory_space<hbm>> -> memref<72xi32, #tpu.memory_space<hbm>>
      %dma_start3A_21 = arith.constant 128 : i32
      %dma_start3A_22 = tpu.memref_slice %arg3[%add3A_12, %dma_start3A_21] : memref<4096x200xi32, #tpu.memory_space<hbm>> -> memref<1x72xi32, #tpu.memory_space<hbm>>
      %dma_start3A_23 = tpu.memref_squeeze %dma_start3A_22 : memref<1x72xi32, #tpu.memory_space<hbm>> -> memref<72xi32, #tpu.memory_space<hbm>>
      tpu.enqueue_dma source(%dma_start3A_23 : memref<72xi32, #tpu.memory_space<hbm>>) target(%arg11 : memref<72xi32, #tpu.memory_space<vmem>>) target_semaphore(%arg20 : memref<!tpu.dma_semaphore, #tpu.memory_space<semaphore_mem>>)
      %rem3A_24 = arith.constant 1 : i32
      %rem3A_25 = arith.constant 256 : i32
      %rem3A_26 = arith.remsi %rem3A_24, %rem3A_25 : i32
      %add3A_27 = arith.addi %mul3A_9, %rem3A_26 : i32
      %dma_start3A_28 = arith.constant 0 : i32
      %dma_start3A_29 = tpu.memref_slice %arg3[%add3A_27, %dma_start3A_28] : memref<4096x200xi32, #tpu.memory_space<hbm>> -> memref<1x128xi32, #tpu.memory_space<hbm>>
      %dma_start3A_30 = tpu.memref_squeeze %dma_start3A_29 : memref<1x128xi32, #tpu.memory_space<hbm>> -> memref<128xi32, #tpu.memory_space<hbm>>
      %dma_start3A_31 = arith.constant 0 : i32
      %dma_start3A_32 = tpu.memref_slice %arg3[%add3A_27, %dma_start3A_31] : memref<4096x200xi32, #tpu.memory_space<hbm>> -> memref<1x128xi32, #tpu.memory_space<hbm>>
      %dma_start3A_33 = tpu.memref_squeeze %dma_start3A_32 : memref<1x128xi32, #tpu.memory_space<hbm>> -> memref<128xi32, #tpu.memory_space<hbm>>
      tpu.enqueue_dma source(%dma_start3A_33 : memref<128xi32, #tpu.memory_space<hbm>>) target(%arg8 : memref<128xi32, #tpu.memory_space<vmem>>) target_semaphore(%arg21 : memref<!tpu.dma_semaphore, #tpu.memory_space<semaphore_mem>>)
      %dma_start3A_34 = arith.constant 128 : i32
      %dma_start3A_35 = tpu.memref_slice %arg3[%add3A_27, %dma_start3A_34] : memref<4096x200xi32, #tpu.memory_space<hbm>> -> memref<1x72xi32, #tpu.memory_space<hbm>>
      %dma_start3A_36 = tpu.memref_squeeze %dma_start3A_35 : memref<1x72xi32, #tpu.memory_space<hbm>> -> memref<72xi32, #tpu.memory_space<hbm>>
      %dma_start3A_37 = arith.constant 128 : i32
      %dma_start3A_38 = tpu.memref_slice %arg3[%add3A_27, %dma_start3A_37] : memref<4096x200xi32, #tpu.memory_space<hbm>> -> memref<1x72xi32, #tpu.memory_space<hbm>>
      %dma_start3A_39 = tpu.memref_squeeze %dma_start3A_38 : memref<1x72xi32, #tpu.memory_space<hbm>> -> memref<72xi32, #tpu.memory_space<hbm>>
      tpu.enqueue_dma source(%dma_start3A_39 : memref<72xi32, #tpu.memory_space<hbm>>) target(%arg12 : memref<72xi32, #tpu.memory_space<vmem>>) target_semaphore(%arg21 : memref<!tpu.dma_semaphore, #tpu.memory_space<semaphore_mem>>)
      %rem3A_40 = arith.constant 2 : i32
      %rem3A_41 = arith.constant 256 : i32
      %rem3A_42 = arith.remsi %rem3A_40, %rem3A_41 : i32
      %add3A_43 = arith.addi %mul3A_9, %rem3A_42 : i32
      %dma_start3A_44 = arith.constant 0 : i32
      %dma_start3A_45 = tpu.memref_slice %arg3[%add3A_43, %dma_start3A_44] : memref<4096x200xi32, #tpu.memory_space<hbm>> -> memref<1x128xi32, #tpu.memory_space<hbm>>
      %dma_start3A_46 = tpu.memref_squeeze %dma_start3A_45 : memref<1x128xi32, #tpu.memory_space<hbm>> -> memref<128xi32, #tpu.memory_space<hbm>>
      %dma_start3A_47 = arith.constant 0 : i32
      %dma_start3A_48 = tpu.memref_slice %arg3[%add3A_43, %dma_start3A_47] : memref<4096x200xi32, #tpu.memory_space<hbm>> -> memref<1x128xi32, #tpu.memory_space<hbm>>
      %dma_start3A_49 = tpu.memref_squeeze %dma_start3A_48 : memref<1x128xi32, #tpu.memory_space<hbm>> -> memref<128xi32, #tpu.memory_space<hbm>>
      tpu.enqueue_dma source(%dma_start3A_49 : memref<128xi32, #tpu.memory_space<hbm>>) target(%arg9 : memref<128xi32, #tpu.memory_space<vmem>>) target_semaphore(%arg22 : memref<!tpu.dma_semaphore, #tpu.memory_space<semaphore_mem>>)
      %dma_start3A_50 = arith.constant 128 : i32
      %dma_start3A_51 = tpu.memref_slice %arg3[%add3A_43, %dma_start3A_50] : memref<4096x200xi32, #tpu.memory_space<hbm>> -> memref<1x72xi32, #tpu.memory_space<hbm>>
      %dma_start3A_52 = tpu.memref_squeeze %dma_start3A_51 : memref<1x72xi32, #tpu.memory_space<hbm>> -> memref<72xi32, #tpu.memory_space<hbm>>
      %dma_start3A_53 = arith.constant 128 : i32
      %dma_start3A_54 = tpu.memref_slice %arg3[%add3A_43, %dma_start3A_53] : memref<4096x200xi32, #tpu.memory_space<hbm>> -> memref<1x72xi32, #tpu.memory_space<hbm>>
      %dma_start3A_55 = tpu.memref_squeeze %dma_start3A_54 : memref<1x72xi32, #tpu.memory_space<hbm>> -> memref<72xi32, #tpu.memory_space<hbm>>
      tpu.enqueue_dma source(%dma_start3A_55 : memref<72xi32, #tpu.memory_space<hbm>>) target(%arg13 : memref<72xi32, #tpu.memory_space<vmem>>) target_semaphore(%arg22 : memref<!tpu.dma_semaphore, #tpu.memory_space<semaphore_mem>>)
      %rem3A_56 = arith.constant 3 : i32
      %rem3A_57 = arith.constant 256 : i32
      %rem3A_58 = arith.remsi %rem3A_56, %rem3A_57 : i32
      %add3A_59 = arith.addi %mul3A_9, %rem3A_58 : i32
      %dma_start3A_60 = arith.constant 0 : i32
      %dma_start3A_61 = tpu.memref_slice %arg3[%add3A_59, %dma_start3A_60] : memref<4096x200xi32, #tpu.memory_space<hbm>> -> memref<1x128xi32, #tpu.memory_space<hbm>>
      %dma_start3A_62 = tpu.memref_squeeze %dma_start3A_61 : memref<1x128xi32, #tpu.memory_space<hbm>> -> memref<128xi32, #tpu.memory_space<hbm>>
      %dma_start3A_63 = arith.constant 0 : i32
      %dma_start3A_64 = tpu.memref_slice %arg3[%add3A_59, %dma_start3A_63] : memref<4096x200xi32, #tpu.memory_space<hbm>> -> memref<1x128xi32, #tpu.memory_space<hbm>>
      %dma_start3A_65 = tpu.memref_squeeze %dma_start3A_64 : memref<1x128xi32, #tpu.memory_space<hbm>> -> memref<128xi32, #tpu.memory_space<hbm>>
      tpu.enqueue_dma source(%dma_start3A_65 : memref<128xi32, #tpu.memory_space<hbm>>) target(%arg10 : memref<128xi32, #tpu.memory_space<vmem>>) target_semaphore(%arg23 : memref<!tpu.dma_semaphore, #tpu.memory_space<semaphore_mem>>)
      %dma_start3A_66 = arith.constant 128 : i32
      %dma_start3A_67 = tpu.memref_slice %arg3[%add3A_59, %dma_start3A_66] : memref<4096x200xi32, #tpu.memory_space<hbm>> -> memref<1x72xi32, #tpu.memory_space<hbm>>
      %dma_start3A_68 = tpu.memref_squeeze %dma_start3A_67 : memref<1x72xi32, #tpu.memory_space<hbm>> -> memref<72xi32, #tpu.memory_space<hbm>>
      %dma_start3A_69 = arith.constant 128 : i32
      %dma_start3A_70 = tpu.memref_slice %arg3[%add3A_59, %dma_start3A_69] : memref<4096x200xi32, #tpu.memory_space<hbm>> -> memref<1x72xi32, #tpu.memory_space<hbm>>
      %dma_start3A_71 = tpu.memref_squeeze %dma_start3A_70 : memref<1x72xi32, #tpu.memory_space<hbm>> -> memref<72xi32, #tpu.memory_space<hbm>>
      tpu.enqueue_dma source(%dma_start3A_71 : memref<72xi32, #tpu.memory_space<hbm>>) target(%arg14 : memref<72xi32, #tpu.memory_space<vmem>>) target_semaphore(%arg23 : memref<!tpu.dma_semaphore, #tpu.memory_space<semaphore_mem>>)
      %dma_wait3A = arith.constant 0 : i32
      %dma_wait3A_72 = arith.constant 0 : i32
      %dma_wait3A_73 = tpu.memref_slice %arg3[%dma_wait3A, %dma_wait3A_72] : memref<4096x200xi32, #tpu.memory_space<hbm>> -> memref<1x128xi32, #tpu.memory_space<hbm>>
      %dma_wait3A_74 = tpu.memref_squeeze %dma_wait3A_73 : memref<1x128xi32, #tpu.memory_space<hbm>> -> memref<128xi32, #tpu.memory_space<hbm>>
      %dma_wait3A_75 = arith.constant 0 : i32
      %dma_wait3A_76 = tpu.memref_slice %arg3[%dma_wait3A, %dma_wait3A_75] : memref<4096x200xi32, #tpu.memory_space<hbm>> -> memref<1x128xi32, #tpu.memory_space<hbm>>
      %dma_wait3A_77 = tpu.memref_squeeze %dma_wait3A_76 : memref<1x128xi32, #tpu.memory_space<hbm>> -> memref<128xi32, #tpu.memory_space<hbm>>
      tpu.wait_dma2 semaphore(%arg20 : memref<!tpu.dma_semaphore, #tpu.memory_space<semaphore_mem>>) src(%dma_wait3A_77 : memref<128xi32, #tpu.memory_space<hbm>>) dst(%arg7 : memref<128xi32, #tpu.memory_space<vmem>>)
      %dma_wait3A_78 = arith.constant 0 : i32
      %dma_wait3A_79 = arith.constant 128 : i32
      %dma_wait3A_80 = tpu.memref_slice %arg3[%dma_wait3A_78, %dma_wait3A_79] : memref<4096x200xi32, #tpu.memory_space<hbm>> -> memref<1x72xi32, #tpu.memory_space<hbm>>
      %dma_wait3A_81 = tpu.memref_squeeze %dma_wait3A_80 : memref<1x72xi32, #tpu.memory_space<hbm>> -> memref<72xi32, #tpu.memory_space<hbm>>
      %dma_wait3A_82 = arith.constant 128 : i32
      %dma_wait3A_83 = tpu.memref_slice %arg3[%dma_wait3A_78, %dma_wait3A_82] : memref<4096x200xi32, #tpu.memory_space<hbm>> -> memref<1x72xi32, #tpu.memory_space<hbm>>
      %dma_wait3A_84 = tpu.memref_squeeze %dma_wait3A_83 : memref<1x72xi32, #tpu.memory_space<hbm>> -> memref<72xi32, #tpu.memory_space<hbm>>
      tpu.wait_dma2 semaphore(%arg20 : memref<!tpu.dma_semaphore, #tpu.memory_space<semaphore_mem>>) src(%dma_wait3A_84 : memref<72xi32, #tpu.memory_space<hbm>>) dst(%arg11 : memref<72xi32, #tpu.memory_space<vmem>>)
      %dma_start3A_85 = arith.constant 0 : i32
      %dma_start3A_86 = arith.constant 0 : i32
      %dma_start3A_87 = tpu.memref_slice %arg15[%dma_start3A_85, %dma_start3A_86] : memref<200x64xf32, #tpu.memory_space<vmem>> -> memref<128x64xf32, #tpu.memory_space<vmem>>
      %dma_start3A_88 = arith.constant 0 : i32
      %dma_start3A_89 = arith.constant 0 : i32
      %dma_start3A_90 = tpu.memref_slice %arg4[%dma_start3A_88, %dma_start3A_89] : memref<1000000x64xf32, #tpu.memory_space<hbm>> -> memref<1000000x64xf32, #tpu.memory_space<hbm>>
      tpu.enqueue_indirect_dma source(%dma_start3A_90 : memref<1000000x64xf32, #tpu.memory_space<hbm>>) target(%dma_start3A_87 : memref<128x64xf32, #tpu.memory_space<vmem>>) offsets(%arg7 : memref<128xi32, #tpu.memory_space<vmem>>) semaphore(%arg24 : memref<!tpu.dma_semaphore, #tpu.memory_space<semaphore_mem>>)
      %dma_start3A_91 = arith.constant 128 : i32
      %dma_start3A_92 = arith.constant 0 : i32
      %dma_start3A_93 = tpu.memref_slice %arg15[%dma_start3A_91, %dma_start3A_92] : memref<200x64xf32, #tpu.memory_space<vmem>> -> memref<72x64xf32, #tpu.memory_space<vmem>>
      %dma_start3A_94 = arith.constant 0 : i32
      %dma_start3A_95 = arith.constant 0 : i32
      %dma_start3A_96 = tpu.memref_slice %arg4[%dma_start3A_94, %dma_start3A_95] : memref<1000000x64xf32, #tpu.memory_space<hbm>> -> memref<1000000x64xf32, #tpu.memory_space<hbm>>
      tpu.enqueue_indirect_dma source(%dma_start3A_96 : memref<1000000x64xf32, #tpu.memory_space<hbm>>) target(%dma_start3A_93 : memref<72x64xf32, #tpu.memory_space<vmem>>) offsets(%arg11 : memref<72xi32, #tpu.memory_space<vmem>>) semaphore(%arg24 : memref<!tpu.dma_semaphore, #tpu.memory_space<semaphore_mem>>)
      %dma_wait3A_97 = arith.constant 0 : i32
      %dma_wait3A_98 = arith.constant 0 : i32
      %dma_wait3A_99 = tpu.memref_slice %arg3[%dma_wait3A_97, %dma_wait3A_98] : memref<4096x200xi32, #tpu.memory_space<hbm>> -> memref<1x128xi32, #tpu.memory_space<hbm>>
      %dma_wait3A_100 = tpu.memref_squeeze %dma_wait3A_99 : memref<1x128xi32, #tpu.memory_space<hbm>> -> memref<128xi32, #tpu.memory_space<hbm>>
      %dma_wait3A_101 = arith.constant 0 : i32
      %dma_wait3A_102 = tpu.memref_slice %arg3[%dma_wait3A_97, %dma_wait3A_101] : memref<4096x200xi32, #tpu.memory_space<hbm>> -> memref<1x128xi32, #tpu.memory_space<hbm>>
      %dma_wait3A_103 = tpu.memref_squeeze %dma_wait3A_102 : memref<1x128xi32, #tpu.memory_space<hbm>> -> memref<128xi32, #tpu.memory_space<hbm>>
      tpu.wait_dma2 semaphore(%arg21 : memref<!tpu.dma_semaphore, #tpu.memory_space<semaphore_mem>>) src(%dma_wait3A_103 : memref<128xi32, #tpu.memory_space<hbm>>) dst(%arg8 : memref<128xi32, #tpu.memory_space<vmem>>)
      %dma_wait3A_104 = arith.constant 0 : i32
      %dma_wait3A_105 = arith.constant 128 : i32
      %dma_wait3A_106 = tpu.memref_slice %arg3[%dma_wait3A_104, %dma_wait3A_105] : memref<4096x200xi32, #tpu.memory_space<hbm>> -> memref<1x72xi32, #tpu.memory_space<hbm>>
      %dma_wait3A_107 = tpu.memref_squeeze %dma_wait3A_106 : memref<1x72xi32, #tpu.memory_space<hbm>> -> memref<72xi32, #tpu.memory_space<hbm>>
      %dma_wait3A_108 = arith.constant 128 : i32
      %dma_wait3A_109 = tpu.memref_slice %arg3[%dma_wait3A_104, %dma_wait3A_108] : memref<4096x200xi32, #tpu.memory_space<hbm>> -> memref<1x72xi32, #tpu.memory_space<hbm>>
      %dma_wait3A_110 = tpu.memref_squeeze %dma_wait3A_109 : memref<1x72xi32, #tpu.memory_space<hbm>> -> memref<72xi32, #tpu.memory_space<hbm>>
      tpu.wait_dma2 semaphore(%arg21 : memref<!tpu.dma_semaphore, #tpu.memory_space<semaphore_mem>>) src(%dma_wait3A_110 : memref<72xi32, #tpu.memory_space<hbm>>) dst(%arg12 : memref<72xi32, #tpu.memory_space<vmem>>)
      %dma_start3A_111 = arith.constant 0 : i32
      %dma_start3A_112 = arith.constant 0 : i32
      %dma_start3A_113 = tpu.memref_slice %arg16[%dma_start3A_111, %dma_start3A_112] : memref<200x64xf32, #tpu.memory_space<vmem>> -> memref<128x64xf32, #tpu.memory_space<vmem>>
      %dma_start3A_114 = arith.constant 0 : i32
      %dma_start3A_115 = arith.constant 0 : i32
      %dma_start3A_116 = tpu.memref_slice %arg4[%dma_start3A_114, %dma_start3A_115] : memref<1000000x64xf32, #tpu.memory_space<hbm>> -> memref<1000000x64xf32, #tpu.memory_space<hbm>>
      tpu.enqueue_indirect_dma source(%dma_start3A_116 : memref<1000000x64xf32, #tpu.memory_space<hbm>>) target(%dma_start3A_113 : memref<128x64xf32, #tpu.memory_space<vmem>>) offsets(%arg8 : memref<128xi32, #tpu.memory_space<vmem>>) semaphore(%arg25 : memref<!tpu.dma_semaphore, #tpu.memory_space<semaphore_mem>>)
      %dma_start3A_117 = arith.constant 128 : i32
      %dma_start3A_118 = arith.constant 0 : i32
      %dma_start3A_119 = tpu.memref_slice %arg16[%dma_start3A_117, %dma_start3A_118] : memref<200x64xf32, #tpu.memory_space<vmem>> -> memref<72x64xf32, #tpu.memory_space<vmem>>
      %dma_start3A_120 = arith.constant 0 : i32
      %dma_start3A_121 = arith.constant 0 : i32
      %dma_start3A_122 = tpu.memref_slice %arg4[%dma_start3A_120, %dma_start3A_121] : memref<1000000x64xf32, #tpu.memory_space<hbm>> -> memref<1000000x64xf32, #tpu.memory_space<hbm>>
      tpu.enqueue_indirect_dma source(%dma_start3A_122 : memref<1000000x64xf32, #tpu.memory_space<hbm>>) target(%dma_start3A_119 : memref<72x64xf32, #tpu.memory_space<vmem>>) offsets(%arg12 : memref<72xi32, #tpu.memory_space<vmem>>) semaphore(%arg25 : memref<!tpu.dma_semaphore, #tpu.memory_space<semaphore_mem>>)
      %dma_wait3A_123 = arith.constant 0 : i32
      %dma_wait3A_124 = arith.constant 0 : i32
      %dma_wait3A_125 = tpu.memref_slice %arg3[%dma_wait3A_123, %dma_wait3A_124] : memref<4096x200xi32, #tpu.memory_space<hbm>> -> memref<1x128xi32, #tpu.memory_space<hbm>>
      %dma_wait3A_126 = tpu.memref_squeeze %dma_wait3A_125 : memref<1x128xi32, #tpu.memory_space<hbm>> -> memref<128xi32, #tpu.memory_space<hbm>>
      %dma_wait3A_127 = arith.constant 0 : i32
      %dma_wait3A_128 = tpu.memref_slice %arg3[%dma_wait3A_123, %dma_wait3A_127] : memref<4096x200xi32, #tpu.memory_space<hbm>> -> memref<1x128xi32, #tpu.memory_space<hbm>>
      %dma_wait3A_129 = tpu.memref_squeeze %dma_wait3A_128 : memref<1x128xi32, #tpu.memory_space<hbm>> -> memref<128xi32, #tpu.memory_space<hbm>>
      tpu.wait_dma2 semaphore(%arg22 : memref<!tpu.dma_semaphore, #tpu.memory_space<semaphore_mem>>) src(%dma_wait3A_129 : memref<128xi32, #tpu.memory_space<hbm>>) dst(%arg9 : memref<128xi32, #tpu.memory_space<vmem>>)
      %dma_wait3A_130 = arith.constant 0 : i32
      %dma_wait3A_131 = arith.constant 128 : i32
      %dma_wait3A_132 = tpu.memref_slice %arg3[%dma_wait3A_130, %dma_wait3A_131] : memref<4096x200xi32, #tpu.memory_space<hbm>> -> memref<1x72xi32, #tpu.memory_space<hbm>>
      %dma_wait3A_133 = tpu.memref_squeeze %dma_wait3A_132 : memref<1x72xi32, #tpu.memory_space<hbm>> -> memref<72xi32, #tpu.memory_space<hbm>>
      %dma_wait3A_134 = arith.constant 128 : i32
      %dma_wait3A_135 = tpu.memref_slice %arg3[%dma_wait3A_130, %dma_wait3A_134] : memref<4096x200xi32, #tpu.memory_space<hbm>> -> memref<1x72xi32, #tpu.memory_space<hbm>>
      %dma_wait3A_136 = tpu.memref_squeeze %dma_wait3A_135 : memref<1x72xi32, #tpu.memory_space<hbm>> -> memref<72xi32, #tpu.memory_space<hbm>>
      tpu.wait_dma2 semaphore(%arg22 : memref<!tpu.dma_semaphore, #tpu.memory_space<semaphore_mem>>) src(%dma_wait3A_136 : memref<72xi32, #tpu.memory_space<hbm>>) dst(%arg13 : memref<72xi32, #tpu.memory_space<vmem>>)
      %dma_start3A_137 = arith.constant 0 : i32
      %dma_start3A_138 = arith.constant 0 : i32
      %dma_start3A_139 = tpu.memref_slice %arg17[%dma_start3A_137, %dma_start3A_138] : memref<200x64xf32, #tpu.memory_space<vmem>> -> memref<128x64xf32, #tpu.memory_space<vmem>>
      %dma_start3A_140 = arith.constant 0 : i32
      %dma_start3A_141 = arith.constant 0 : i32
      %dma_start3A_142 = tpu.memref_slice %arg4[%dma_start3A_140, %dma_start3A_141] : memref<1000000x64xf32, #tpu.memory_space<hbm>> -> memref<1000000x64xf32, #tpu.memory_space<hbm>>
      tpu.enqueue_indirect_dma source(%dma_start3A_142 : memref<1000000x64xf32, #tpu.memory_space<hbm>>) target(%dma_start3A_139 : memref<128x64xf32, #tpu.memory_space<vmem>>) offsets(%arg9 : memref<128xi32, #tpu.memory_space<vmem>>) semaphore(%arg26 : memref<!tpu.dma_semaphore, #tpu.memory_space<semaphore_mem>>)
      %dma_start3A_143 = arith.constant 128 : i32
      %dma_start3A_144 = arith.constant 0 : i32
      %dma_start3A_145 = tpu.memref_slice %arg17[%dma_start3A_143, %dma_start3A_144] : memref<200x64xf32, #tpu.memory_space<vmem>> -> memref<72x64xf32, #tpu.memory_space<vmem>>
      %dma_start3A_146 = arith.constant 0 : i32
      %dma_start3A_147 = arith.constant 0 : i32
      %dma_start3A_148 = tpu.memref_slice %arg4[%dma_start3A_146, %dma_start3A_147] : memref<1000000x64xf32, #tpu.memory_space<hbm>> -> memref<1000000x64xf32, #tpu.memory_space<hbm>>
      tpu.enqueue_indirect_dma source(%dma_start3A_148 : memref<1000000x64xf32, #tpu.memory_space<hbm>>) target(%dma_start3A_145 : memref<72x64xf32, #tpu.memory_space<vmem>>) offsets(%arg13 : memref<72xi32, #tpu.memory_space<vmem>>) semaphore(%arg26 : memref<!tpu.dma_semaphore, #tpu.memory_space<semaphore_mem>>)
      %scan3A = arith.constant 0 : i32
      %scan3A_149 = arith.constant 0 : i32
      %scan3A_150 = arith.constant 64 : i32
      %scan3A_151 = arith.addi %scan3A_149, %scan3A_150 : i32
      %scan3A_152 = arith.constant 1 : i32
      scf.for %scan3A_204 = %scan3A_149 to %scan3A_151 step %scan3A_152  : i32 {
        %mul3A_205 = arith.constant 4 : i32
        %mul3A_206 = arith.muli %mul3A_205, %scan3A_204 : i32
        %add3A_207 = arith.constant 0 : i32
        %add3A_208 = arith.addi %mul3A_206, %add3A_207 : i32
        %dma_wait3A_209 = arith.constant 0 : i32
        %dma_wait3A_210 = arith.constant 0 : i32
        %dma_wait3A_211 = tpu.memref_slice %arg15[%dma_wait3A_209, %dma_wait3A_210] : memref<200x64xf32, #tpu.memory_space<vmem>> -> memref<128x64xf32, #tpu.memory_space<vmem>>
        %dma_wait3A_212 = arith.constant 0 : i32
        %dma_wait3A_213 = arith.constant 0 : i32
        %dma_wait3A_214 = tpu.memref_slice %arg4[%dma_wait3A_212, %dma_wait3A_213] : memref<1000000x64xf32, #tpu.memory_space<hbm>> -> memref<1000000x64xf32, #tpu.memory_space<hbm>>
        tpu.wait_indirect_dma semaphore(%arg24 : memref<!tpu.dma_semaphore, #tpu.memory_space<semaphore_mem>>) src(%dma_wait3A_214 : memref<1000000x64xf32, #tpu.memory_space<hbm>>) dst(%dma_wait3A_211 : memref<128x64xf32, #tpu.memory_space<vmem>>)
        %dma_wait3A_215 = arith.constant 128 : i32
        %dma_wait3A_216 = arith.constant 0 : i32
        %dma_wait3A_217 = tpu.memref_slice %arg15[%dma_wait3A_215, %dma_wait3A_216] : memref<200x64xf32, #tpu.memory_space<vmem>> -> memref<72x64xf32, #tpu.memory_space<vmem>>
        %dma_wait3A_218 = arith.constant 0 : i32
        %dma_wait3A_219 = arith.constant 0 : i32
        %dma_wait3A_220 = tpu.memref_slice %arg4[%dma_wait3A_218, %dma_wait3A_219] : memref<1000000x64xf32, #tpu.memory_space<hbm>> -> memref<1000000x64xf32, #tpu.memory_space<hbm>>
        tpu.wait_indirect_dma semaphore(%arg24 : memref<!tpu.dma_semaphore, #tpu.memory_space<semaphore_mem>>) src(%dma_wait3A_220 : memref<1000000x64xf32, #tpu.memory_space<hbm>>) dst(%dma_wait3A_217 : memref<72x64xf32, #tpu.memory_space<vmem>>)
        %add3A_221 = arith.constant 4 : i32
        %add3A_222 = arith.addi %add3A_208, %add3A_221 : i32
        %rem3A_223 = arith.constant 256 : i32
        %rem3A_224 = arith.remsi %add3A_222, %rem3A_223 : i32
        %add3A_225 = arith.addi %mul3A_9, %rem3A_224 : i32
        %dma_start3A_226 = arith.constant 0 : i32
        %dma_start3A_227 = tpu.memref_slice %arg3[%add3A_225, %dma_start3A_226] : memref<4096x200xi32, #tpu.memory_space<hbm>> -> memref<1x128xi32, #tpu.memory_space<hbm>>
        %dma_start3A_228 = tpu.memref_squeeze %dma_start3A_227 : memref<1x128xi32, #tpu.memory_space<hbm>> -> memref<128xi32, #tpu.memory_space<hbm>>
        %dma_start3A_229 = arith.constant 0 : i32
        %dma_start3A_230 = tpu.memref_slice %arg3[%add3A_225, %dma_start3A_229] : memref<4096x200xi32, #tpu.memory_space<hbm>> -> memref<1x128xi32, #tpu.memory_space<hbm>>
        %dma_start3A_231 = tpu.memref_squeeze %dma_start3A_230 : memref<1x128xi32, #tpu.memory_space<hbm>> -> memref<128xi32, #tpu.memory_space<hbm>>
        tpu.enqueue_dma source(%dma_start3A_231 : memref<128xi32, #tpu.memory_space<hbm>>) target(%arg7 : memref<128xi32, #tpu.memory_space<vmem>>) target_semaphore(%arg20 : memref<!tpu.dma_semaphore, #tpu.memory_space<semaphore_mem>>)
        %dma_start3A_232 = arith.constant 128 : i32
        %dma_start3A_233 = tpu.memref_slice %arg3[%add3A_225, %dma_start3A_232] : memref<4096x200xi32, #tpu.memory_space<hbm>> -> memref<1x72xi32, #tpu.memory_space<hbm>>
        %dma_start3A_234 = tpu.memref_squeeze %dma_start3A_233 : memref<1x72xi32, #tpu.memory_space<hbm>> -> memref<72xi32, #tpu.memory_space<hbm>>
        %dma_start3A_235 = arith.constant 128 : i32
        %dma_start3A_236 = tpu.memref_slice %arg3[%add3A_225, %dma_start3A_235] : memref<4096x200xi32, #tpu.memory_space<hbm>> -> memref<1x72xi32, #tpu.memory_space<hbm>>
        %dma_start3A_237 = tpu.memref_squeeze %dma_start3A_236 : memref<1x72xi32, #tpu.memory_space<hbm>> -> memref<72xi32, #tpu.memory_space<hbm>>
        tpu.enqueue_dma source(%dma_start3A_237 : memref<72xi32, #tpu.memory_space<hbm>>) target(%arg11 : memref<72xi32, #tpu.memory_space<vmem>>) target_semaphore(%arg20 : memref<!tpu.dma_semaphore, #tpu.memory_space<semaphore_mem>>)
        %dma_wait3A_238 = arith.constant 0 : i32
        %dma_wait3A_239 = arith.constant 0 : i32
        %dma_wait3A_240 = tpu.memref_slice %arg3[%dma_wait3A_238, %dma_wait3A_239] : memref<4096x200xi32, #tpu.memory_space<hbm>> -> memref<1x128xi32, #tpu.memory_space<hbm>>
        %dma_wait3A_241 = tpu.memref_squeeze %dma_wait3A_240 : memref<1x128xi32, #tpu.memory_space<hbm>> -> memref<128xi32, #tpu.memory_space<hbm>>
        %dma_wait3A_242 = arith.constant 0 : i32
        %dma_wait3A_243 = tpu.memref_slice %arg3[%dma_wait3A_238, %dma_wait3A_242] : memref<4096x200xi32, #tpu.memory_space<hbm>> -> memref<1x128xi32, #tpu.memory_space<hbm>>
        %dma_wait3A_244 = tpu.memref_squeeze %dma_wait3A_243 : memref<1x128xi32, #tpu.memory_space<hbm>> -> memref<128xi32, #tpu.memory_space<hbm>>
        tpu.wait_dma2 semaphore(%arg23 : memref<!tpu.dma_semaphore, #tpu.memory_space<semaphore_mem>>) src(%dma_wait3A_244 : memref<128xi32, #tpu.memory_space<hbm>>) dst(%arg10 : memref<128xi32, #tpu.memory_space<vmem>>)
        %dma_wait3A_245 = arith.constant 0 : i32
        %dma_wait3A_246 = arith.constant 128 : i32
        %dma_wait3A_247 = tpu.memref_slice %arg3[%dma_wait3A_245, %dma_wait3A_246] : memref<4096x200xi32, #tpu.memory_space<hbm>> -> memref<1x72xi32, #tpu.memory_space<hbm>>
        %dma_wait3A_248 = tpu.memref_squeeze %dma_wait3A_247 : memref<1x72xi32, #tpu.memory_space<hbm>> -> memref<72xi32, #tpu.memory_space<hbm>>
        %dma_wait3A_249 = arith.constant 128 : i32
        %dma_wait3A_250 = tpu.memref_slice %arg3[%dma_wait3A_245, %dma_wait3A_249] : memref<4096x200xi32, #tpu.memory_space<hbm>> -> memref<1x72xi32, #tpu.memory_space<hbm>>
        %dma_wait3A_251 = tpu.memref_squeeze %dma_wait3A_250 : memref<1x72xi32, #tpu.memory_space<hbm>> -> memref<72xi32, #tpu.memory_space<hbm>>
        tpu.wait_dma2 semaphore(%arg23 : memref<!tpu.dma_semaphore, #tpu.memory_space<semaphore_mem>>) src(%dma_wait3A_251 : memref<72xi32, #tpu.memory_space<hbm>>) dst(%arg14 : memref<72xi32, #tpu.memory_space<vmem>>)
        %dma_start3A_252 = arith.constant 0 : i32
        %dma_start3A_253 = arith.constant 0 : i32
        %dma_start3A_254 = tpu.memref_slice %arg18[%dma_start3A_252, %dma_start3A_253] : memref<200x64xf32, #tpu.memory_space<vmem>> -> memref<128x64xf32, #tpu.memory_space<vmem>>
        %dma_start3A_255 = arith.constant 0 : i32
        %dma_start3A_256 = arith.constant 0 : i32
        %dma_start3A_257 = tpu.memref_slice %arg4[%dma_start3A_255, %dma_start3A_256] : memref<1000000x64xf32, #tpu.memory_space<hbm>> -> memref<1000000x64xf32, #tpu.memory_space<hbm>>
        tpu.enqueue_indirect_dma source(%dma_start3A_257 : memref<1000000x64xf32, #tpu.memory_space<hbm>>) target(%dma_start3A_254 : memref<128x64xf32, #tpu.memory_space<vmem>>) offsets(%arg10 : memref<128xi32, #tpu.memory_space<vmem>>) semaphore(%arg27 : memref<!tpu.dma_semaphore, #tpu.memory_space<semaphore_mem>>)
        %dma_start3A_258 = arith.constant 128 : i32
        %dma_start3A_259 = arith.constant 0 : i32
        %dma_start3A_260 = tpu.memref_slice %arg18[%dma_start3A_258, %dma_start3A_259] : memref<200x64xf32, #tpu.memory_space<vmem>> -> memref<72x64xf32, #tpu.memory_space<vmem>>
        %dma_start3A_261 = arith.constant 0 : i32
        %dma_start3A_262 = arith.constant 0 : i32
        %dma_start3A_263 = tpu.memref_slice %arg4[%dma_start3A_261, %dma_start3A_262] : memref<1000000x64xf32, #tpu.memory_space<hbm>> -> memref<1000000x64xf32, #tpu.memory_space<hbm>>
        tpu.enqueue_indirect_dma source(%dma_start3A_263 : memref<1000000x64xf32, #tpu.memory_space<hbm>>) target(%dma_start3A_260 : memref<72x64xf32, #tpu.memory_space<vmem>>) offsets(%arg14 : memref<72xi32, #tpu.memory_space<vmem>>) semaphore(%arg27 : memref<!tpu.dma_semaphore, #tpu.memory_space<semaphore_mem>>)
        %broadcast_in_dim3A = arith.constant 0.000000e+00 : f32
        %broadcast_in_dim3A_264 = vector.broadcast %broadcast_in_dim3A : f32 to vector<16xf32>
        %scan3A_265 = arith.constant 0 : i32
        %scan3A_266 = arith.constant 25 : i32
        %scan3A_267 = arith.addi %scan3A_265, %scan3A_266 : i32
        %scan3A_268 = arith.constant 1 : i32
        %scan3A_269:4 = scf.for %scan3A_545 = %scan3A_265 to %scan3A_267 step %scan3A_268 iter_args(%scan3A_546 = %broadcast_in_dim3A_264, %scan3A_547 = %broadcast_in_dim3A_264, %scan3A_548 = %broadcast_in_dim3A_264, %scan3A_549 = %broadcast_in_dim3A_264) -> (vector<16xf32>, vector<16xf32>, vector<16xf32>, vector<16xf32>)  : i32 {
          %mul3A_550 = arith.constant 8 : i32
          %mul3A_551 = arith.muli %scan3A_545, %mul3A_550 : i32
          %add3A_552 = arith.constant 0 : i32
          %add3A_553 = arith.addi %mul3A_551, %add3A_552 : i32
          %get3A = arith.index_cast %add3A_553 : i32 to index
          %get3A_554 = arith.constant 0 : index
          %get3A_555 = tpu.vector_load %arg15[%get3A, %get3A_554] {strides = array<i32>} : memref<200x64xf32, #tpu.memory_space<vmem>>, vector<1x16xf32>,
          %get3A_556 = vector.shape_cast %get3A_555 : vector<1x16xf32> to vector<16xf32>
          %add3A_557 = arith.constant 1 : i32
          %add3A_558 = arith.addi %mul3A_551, %add3A_557 : i32
          %get3A_559 = arith.index_cast %add3A_558 : i32 to index
          %get3A_560 = arith.constant 0 : index
          %get3A_561 = tpu.vector_load %arg15[%get3A_559, %get3A_560] {strides = array<i32>} : memref<200x64xf32, #tpu.memory_space<vmem>>, vector<1x16xf32>,
          %get3A_562 = vector.shape_cast %get3A_561 : vector<1x16xf32> to vector<16xf32>
          %add3A_563 = arith.constant 2 : i32
          %add3A_564 = arith.addi %mul3A_551, %add3A_563 : i32
          %get3A_565 = arith.index_cast %add3A_564 : i32 to index
          %get3A_566 = arith.constant 0 : index
          %get3A_567 = tpu.vector_load %arg15[%get3A_565, %get3A_566] {strides = array<i32>} : memref<200x64xf32, #tpu.memory_space<vmem>>, vector<1x16xf32>,
          %get3A_568 = vector.shape_cast %get3A_567 : vector<1x16xf32> to vector<16xf32>
          %add3A_569 = arith.constant 3 : i32
          %add3A_570 = arith.addi %mul3A_551, %add3A_569 : i32
          %get3A_571 = arith.index_cast %add3A_570 : i32 to index
          %get3A_572 = arith.constant 0 : index
          %get3A_573 = tpu.vector_load %arg15[%get3A_571, %get3A_572] {strides = array<i32>} : memref<200x64xf32, #tpu.memory_space<vmem>>, vector<1x16xf32>,
          %get3A_574 = vector.shape_cast %get3A_573 : vector<1x16xf32> to vector<16xf32>
          %add3A_575 = arith.constant 4 : i32
          %add3A_576 = arith.addi %mul3A_551, %add3A_575 : i32
          %get3A_577 = arith.index_cast %add3A_576 : i32 to index
          %get3A_578 = arith.constant 0 : index
          %get3A_579 = tpu.vector_load %arg15[%get3A_577, %get3A_578] {strides = array<i32>} : memref<200x64xf32, #tpu.memory_space<vmem>>, vector<1x16xf32>,
          %get3A_580 = vector.shape_cast %get3A_579 : vector<1x16xf32> to vector<16xf32>
          %add3A_581 = arith.constant 5 : i32
          %add3A_582 = arith.addi %mul3A_551, %add3A_581 : i32
          %get3A_583 = arith.index_cast %add3A_582 : i32 to index
          %get3A_584 = arith.constant 0 : index
          %get3A_585 = tpu.vector_load %arg15[%get3A_583, %get3A_584] {strides = array<i32>} : memref<200x64xf32, #tpu.memory_space<vmem>>, vector<1x16xf32>,
          %get3A_586 = vector.shape_cast %get3A_585 : vector<1x16xf32> to vector<16xf32>
          %add3A_587 = arith.constant 6 : i32
          %add3A_588 = arith.addi %mul3A_551, %add3A_587 : i32
          %get3A_589 = arith.index_cast %add3A_588 : i32 to index
          %get3A_590 = arith.constant 0 : index
          %get3A_591 = tpu.vector_load %arg15[%get3A_589, %get3A_590] {strides = array<i32>} : memref<200x64xf32, #tpu.memory_space<vmem>>, vector<1x16xf32>,
          %get3A_592 = vector.shape_cast %get3A_591 : vector<1x16xf32> to vector<16xf32>
          %add3A_593 = arith.constant 7 : i32
          %add3A_594 = arith.addi %mul3A_551, %add3A_593 : i32
          %get3A_595 = arith.index_cast %add3A_594 : i32 to index
          %get3A_596 = arith.constant 0 : index
          %get3A_597 = tpu.vector_load %arg15[%get3A_595, %get3A_596] {strides = array<i32>} : memref<200x64xf32, #tpu.memory_space<vmem>>, vector<1x16xf32>,
          %get3A_598 = vector.shape_cast %get3A_597 : vector<1x16xf32> to vector<16xf32>
          %add3A_599 = arith.addf %get3A_556, %get3A_562 : vector<16xf32>
          %add3A_600 = arith.addf %get3A_568, %get3A_574 : vector<16xf32>
          %add3A_601 = arith.addf %get3A_580, %get3A_586 : vector<16xf32>
          %add3A_602 = arith.addf %get3A_592, %get3A_598 : vector<16xf32>
          %add3A_603 = arith.addf %add3A_599, %add3A_600 : vector<16xf32>
          %add3A_604 = arith.addf %add3A_601, %add3A_602 : vector<16xf32>
          %add3A_605 = arith.addf %add3A_603, %add3A_604 : vector<16xf32>
          %add3A_606 = arith.addf %scan3A_546, %add3A_605 : vector<16xf32>
          %add3A_607 = arith.constant 0 : i32
          %add3A_608 = arith.addi %mul3A_551, %add3A_607 : i32
          %get3A_609 = arith.index_cast %add3A_608 : i32 to index
          %get3A_610 = arith.constant 16 : index
          %get3A_611 = tpu.vector_load %arg15[%get3A_609, %get3A_610] {strides = array<i32>} : memref<200x64xf32, #tpu.memory_space<vmem>>, vector<1x16xf32>,
          %get3A_612 = vector.shape_cast %get3A_611 : vector<1x16xf32> to vector<16xf32>
          %add3A_613 = arith.constant 1 : i32
          %add3A_614 = arith.addi %mul3A_551, %add3A_613 : i32
          %get3A_615 = arith.index_cast %add3A_614 : i32 to index
          %get3A_616 = arith.constant 16 : index
          %get3A_617 = tpu.vector_load %arg15[%get3A_615, %get3A_616] {strides = array<i32>} : memref<200x64xf32, #tpu.memory_space<vmem>>, vector<1x16xf32>,
          %get3A_618 = vector.shape_cast %get3A_617 : vector<1x16xf32> to vector<16xf32>
          %add3A_619 = arith.constant 2 : i32
          %add3A_620 = arith.addi %mul3A_551, %add3A_619 : i32
          %get3A_621 = arith.index_cast %add3A_620 : i32 to index
          %get3A_622 = arith.constant 16 : index
          %get3A_623 = tpu.vector_load %arg15[%get3A_621, %get3A_622] {strides = array<i32>} : memref<200x64xf32, #tpu.memory_space<vmem>>, vector<1x16xf32>,
          %get3A_624 = vector.shape_cast %get3A_623 : vector<1x16xf32> to vector<16xf32>
          %add3A_625 = arith.constant 3 : i32
          %add3A_626 = arith.addi %mul3A_551, %add3A_625 : i32
          %get3A_627 = arith.index_cast %add3A_626 : i32 to index
          %get3A_628 = arith.constant 16 : index
          %get3A_629 = tpu.vector_load %arg15[%get3A_627, %get3A_628] {strides = array<i32>} : memref<200x64xf32, #tpu.memory_space<vmem>>, vector<1x16xf32>,
          %get3A_630 = vector.shape_cast %get3A_629 : vector<1x16xf32> to vector<16xf32>
          %add3A_631 = arith.constant 4 : i32
          %add3A_632 = arith.addi %mul3A_551, %add3A_631 : i32
          %get3A_633 = arith.index_cast %add3A_632 : i32 to index
          %get3A_634 = arith.constant 16 : index
          %get3A_635 = tpu.vector_load %arg15[%get3A_633, %get3A_634] {strides = array<i32>} : memref<200x64xf32, #tpu.memory_space<vmem>>, vector<1x16xf32>,
          %get3A_636 = vector.shape_cast %get3A_635 : vector<1x16xf32> to vector<16xf32>
          %add3A_637 = arith.constant 5 : i32
          %add3A_638 = arith.addi %mul3A_551, %add3A_637 : i32
          %get3A_639 = arith.index_cast %add3A_638 : i32 to index
          %get3A_640 = arith.constant 16 : index
          %get3A_641 = tpu.vector_load %arg15[%get3A_639, %get3A_640] {strides = array<i32>} : memref<200x64xf32, #tpu.memory_space<vmem>>, vector<1x16xf32>,
          %get3A_642 = vector.shape_cast %get3A_641 : vector<1x16xf32> to vector<16xf32>
          %add3A_643 = arith.constant 6 : i32
          %add3A_644 = arith.addi %mul3A_551, %add3A_643 : i32
          %get3A_645 = arith.index_cast %add3A_644 : i32 to index
          %get3A_646 = arith.constant 16 : index
          %get3A_647 = tpu.vector_load %arg15[%get3A_645, %get3A_646] {strides = array<i32>} : memref<200x64xf32, #tpu.memory_space<vmem>>, vector<1x16xf32>,
          %get3A_648 = vector.shape_cast %get3A_647 : vector<1x16xf32> to vector<16xf32>
          %add3A_649 = arith.constant 7 : i32
          %add3A_650 = arith.addi %mul3A_551, %add3A_649 : i32
          %get3A_651 = arith.index_cast %add3A_650 : i32 to index
          %get3A_652 = arith.constant 16 : index
          %get3A_653 = tpu.vector_load %arg15[%get3A_651, %get3A_652] {strides = array<i32>} : memref<200x64xf32, #tpu.memory_space<vmem>>, vector<1x16xf32>,
          %get3A_654 = vector.shape_cast %get3A_653 : vector<1x16xf32> to vector<16xf32>
          %add3A_655 = arith.addf %get3A_612, %get3A_618 : vector<16xf32>
          %add3A_656 = arith.addf %get3A_624, %get3A_630 : vector<16xf32>
          %add3A_657 = arith.addf %get3A_636, %get3A_642 : vector<16xf32>
          %add3A_658 = arith.addf %get3A_648, %get3A_654 : vector<16xf32>
          %add3A_659 = arith.addf %add3A_655, %add3A_656 : vector<16xf32>
          %add3A_660 = arith.addf %add3A_657, %add3A_658 : vector<16xf32>
          %add3A_661 = arith.addf %add3A_659, %add3A_660 : vector<16xf32>
          %add3A_662 = arith.addf %scan3A_547, %add3A_661 : vector<16xf32>
          %add3A_663 = arith.constant 0 : i32
          %add3A_664 = arith.addi %mul3A_551, %add3A_663 : i32
          %get3A_665 = arith.index_cast %add3A_664 : i32 to index
          %get3A_666 = arith.constant 32 : index
          %get3A_667 = tpu.vector_load %arg15[%get3A_665, %get3A_666] {strides = array<i32>} : memref<200x64xf32, #tpu.memory_space<vmem>>, vector<1x16xf32>,
          %get3A_668 = vector.shape_cast %get3A_667 : vector<1x16xf32> to vector<16xf32>
          %add3A_669 = arith.constant 1 : i32
          %add3A_670 = arith.addi %mul3A_551, %add3A_669 : i32
          %get3A_671 = arith.index_cast %add3A_670 : i32 to index
          %get3A_672 = arith.constant 32 : index
          %get3A_673 = tpu.vector_load %arg15[%get3A_671, %get3A_672] {strides = array<i32>} : memref<200x64xf32, #tpu.memory_space<vmem>>, vector<1x16xf32>,
          %get3A_674 = vector.shape_cast %get3A_673 : vector<1x16xf32> to vector<16xf32>
          %add3A_675 = arith.constant 2 : i32
          %add3A_676 = arith.addi %mul3A_551, %add3A_675 : i32
          %get3A_677 = arith.index_cast %add3A_676 : i32 to index
          %get3A_678 = arith.constant 32 : index
          %get3A_679 = tpu.vector_load %arg15[%get3A_677, %get3A_678] {strides = array<i32>} : memref<200x64xf32, #tpu.memory_space<vmem>>, vector<1x16xf32>,
          %get3A_680 = vector.shape_cast %get3A_679 : vector<1x16xf32> to vector<16xf32>
          %add3A_681 = arith.constant 3 : i32
          %add3A_682 = arith.addi %mul3A_551, %add3A_681 : i32
          %get3A_683 = arith.index_cast %add3A_682 : i32 to index
          %get3A_684 = arith.constant 32 : index
          %get3A_685 = tpu.vector_load %arg15[%get3A_683, %get3A_684] {strides = array<i32>} : memref<200x64xf32, #tpu.memory_space<vmem>>, vector<1x16xf32>,
          %get3A_686 = vector.shape_cast %get3A_685 : vector<1x16xf32> to vector<16xf32>
          %add3A_687 = arith.constant 4 : i32
          %add3A_688 = arith.addi %mul3A_551, %add3A_687 : i32
          %get3A_689 = arith.index_cast %add3A_688 : i32 to index
          %get3A_690 = arith.constant 32 : index
          %get3A_691 = tpu.vector_load %arg15[%get3A_689, %get3A_690] {strides = array<i32>} : memref<200x64xf32, #tpu.memory_space<vmem>>, vector<1x16xf32>,
          %get3A_692 = vector.shape_cast %get3A_691 : vector<1x16xf32> to vector<16xf32>
          %add3A_693 = arith.constant 5 : i32
          %add3A_694 = arith.addi %mul3A_551, %add3A_693 : i32
          %get3A_695 = arith.index_cast %add3A_694 : i32 to index
          %get3A_696 = arith.constant 32 : index
          %get3A_697 = tpu.vector_load %arg15[%get3A_695, %get3A_696] {strides = array<i32>} : memref<200x64xf32, #tpu.memory_space<vmem>>, vector<1x16xf32>,
          %get3A_698 = vector.shape_cast %get3A_697 : vector<1x16xf32> to vector<16xf32>
          %add3A_699 = arith.constant 6 : i32
          %add3A_700 = arith.addi %mul3A_551, %add3A_699 : i32
          %get3A_701 = arith.index_cast %add3A_700 : i32 to index
          %get3A_702 = arith.constant 32 : index
          %get3A_703 = tpu.vector_load %arg15[%get3A_701, %get3A_702] {strides = array<i32>} : memref<200x64xf32, #tpu.memory_space<vmem>>, vector<1x16xf32>,
          %get3A_704 = vector.shape_cast %get3A_703 : vector<1x16xf32> to vector<16xf32>
          %add3A_705 = arith.constant 7 : i32
          %add3A_706 = arith.addi %mul3A_551, %add3A_705 : i32
          %get3A_707 = arith.index_cast %add3A_706 : i32 to index
          %get3A_708 = arith.constant 32 : index
          %get3A_709 = tpu.vector_load %arg15[%get3A_707, %get3A_708] {strides = array<i32>} : memref<200x64xf32, #tpu.memory_space<vmem>>, vector<1x16xf32>,
          %get3A_710 = vector.shape_cast %get3A_709 : vector<1x16xf32> to vector<16xf32>
          %add3A_711 = arith.addf %get3A_668, %get3A_674 : vector<16xf32>
          %add3A_712 = arith.addf %get3A_680, %get3A_686 : vector<16xf32>
          %add3A_713 = arith.addf %get3A_692, %get3A_698 : vector<16xf32>
          %add3A_714 = arith.addf %get3A_704, %get3A_710 : vector<16xf32>
          %add3A_715 = arith.addf %add3A_711, %add3A_712 : vector<16xf32>
          %add3A_716 = arith.addf %add3A_713, %add3A_714 : vector<16xf32>
          %add3A_717 = arith.addf %add3A_715, %add3A_716 : vector<16xf32>
          %add3A_718 = arith.addf %scan3A_548, %add3A_717 : vector<16xf32>
          %add3A_719 = arith.constant 0 : i32
          %add3A_720 = arith.addi %mul3A_551, %add3A_719 : i32
          %get3A_721 = arith.index_cast %add3A_720 : i32 to index
          %get3A_722 = arith.constant 48 : index
          %get3A_723 = tpu.vector_load %arg15[%get3A_721, %get3A_722] {strides = array<i32>} : memref<200x64xf32, #tpu.memory_space<vmem>>, vector<1x16xf32>,
          %get3A_724 = vector.shape_cast %get3A_723 : vector<1x16xf32> to vector<16xf32>
          %add3A_725 = arith.constant 1 : i32
          %add3A_726 = arith.addi %mul3A_551, %add3A_725 : i32
          %get3A_727 = arith.index_cast %add3A_726 : i32 to index
          %get3A_728 = arith.constant 48 : index
          %get3A_729 = tpu.vector_load %arg15[%get3A_727, %get3A_728] {strides = array<i32>} : memref<200x64xf32, #tpu.memory_space<vmem>>, vector<1x16xf32>,
          %get3A_730 = vector.shape_cast %get3A_729 : vector<1x16xf32> to vector<16xf32>
          %add3A_731 = arith.constant 2 : i32
          %add3A_732 = arith.addi %mul3A_551, %add3A_731 : i32
          %get3A_733 = arith.index_cast %add3A_732 : i32 to index
          %get3A_734 = arith.constant 48 : index
          %get3A_735 = tpu.vector_load %arg15[%get3A_733, %get3A_734] {strides = array<i32>} : memref<200x64xf32, #tpu.memory_space<vmem>>, vector<1x16xf32>,
          %get3A_736 = vector.shape_cast %get3A_735 : vector<1x16xf32> to vector<16xf32>
          %add3A_737 = arith.constant 3 : i32
          %add3A_738 = arith.addi %mul3A_551, %add3A_737 : i32
          %get3A_739 = arith.index_cast %add3A_738 : i32 to index
          %get3A_740 = arith.constant 48 : index
          %get3A_741 = tpu.vector_load %arg15[%get3A_739, %get3A_740] {strides = array<i32>} : memref<200x64xf32, #tpu.memory_space<vmem>>, vector<1x16xf32>,
          %get3A_742 = vector.shape_cast %get3A_741 : vector<1x16xf32> to vector<16xf32>
          %add3A_743 = arith.constant 4 : i32
          %add3A_744 = arith.addi %mul3A_551, %add3A_743 : i32
          %get3A_745 = arith.index_cast %add3A_744 : i32 to index
          %get3A_746 = arith.constant 48 : index
          %get3A_747 = tpu.vector_load %arg15[%get3A_745, %get3A_746] {strides = array<i32>} : memref<200x64xf32, #tpu.memory_space<vmem>>, vector<1x16xf32>,
          %get3A_748 = vector.shape_cast %get3A_747 : vector<1x16xf32> to vector<16xf32>
          %add3A_749 = arith.constant 5 : i32
          %add3A_750 = arith.addi %mul3A_551, %add3A_749 : i32
          %get3A_751 = arith.index_cast %add3A_750 : i32 to index
          %get3A_752 = arith.constant 48 : index
          %get3A_753 = tpu.vector_load %arg15[%get3A_751, %get3A_752] {strides = array<i32>} : memref<200x64xf32, #tpu.memory_space<vmem>>, vector<1x16xf32>,
          %get3A_754 = vector.shape_cast %get3A_753 : vector<1x16xf32> to vector<16xf32>
          %add3A_755 = arith.constant 6 : i32
          %add3A_756 = arith.addi %mul3A_551, %add3A_755 : i32
          %get3A_757 = arith.index_cast %add3A_756 : i32 to index
          %get3A_758 = arith.constant 48 : index
          %get3A_759 = tpu.vector_load %arg15[%get3A_757, %get3A_758] {strides = array<i32>} : memref<200x64xf32, #tpu.memory_space<vmem>>, vector<1x16xf32>,
          %get3A_760 = vector.shape_cast %get3A_759 : vector<1x16xf32> to vector<16xf32>
          %add3A_761 = arith.constant 7 : i32
          %add3A_762 = arith.addi %mul3A_551, %add3A_761 : i32
          %get3A_763 = arith.index_cast %add3A_762 : i32 to index
          %get3A_764 = arith.constant 48 : index
          %get3A_765 = tpu.vector_load %arg15[%get3A_763, %get3A_764] {strides = array<i32>} : memref<200x64xf32, #tpu.memory_space<vmem>>, vector<1x16xf32>,
          %get3A_766 = vector.shape_cast %get3A_765 : vector<1x16xf32> to vector<16xf32>
          %add3A_767 = arith.addf %get3A_724, %get3A_730 : vector<16xf32>
          %add3A_768 = arith.addf %get3A_736, %get3A_742 : vector<16xf32>
          %add3A_769 = arith.addf %get3A_748, %get3A_754 : vector<16xf32>
          %add3A_770 = arith.addf %get3A_760, %get3A_766 : vector<16xf32>
          %add3A_771 = arith.addf %add3A_767, %add3A_768 : vector<16xf32>
          %add3A_772 = arith.addf %add3A_769, %add3A_770 : vector<16xf32>
          %add3A_773 = arith.addf %add3A_771, %add3A_772 : vector<16xf32>
          %add3A_774 = arith.addf %scan3A_549, %add3A_773 : vector<16xf32>
          scf.yield %add3A_606, %add3A_662, %add3A_718, %add3A_774 : vector<16xf32>, vector<16xf32>, vector<16xf32>, vector<16xf32>
        }
        %scan3A_270 = arith.constant 25 : i32
        %swap3A = arith.index_cast %add3A_208 : i32 to index
        %swap3A_271 = arith.constant 0 : index
        %swap3A_272 = tpu.vector_load %arg19[%swap3A, %swap3A_271] {strides = array<i32>} : memref<256x64xf32, #tpu.memory_space<vmem>>, vector<1x16xf32>,
        %swap3A_273 = vector.shape_cast %swap3A_272 : vector<1x16xf32> to vector<16xf32>
        %swap3A_274 = vector.shape_cast %scan3A_269#0 : vector<16xf32> to vector<1x16xf32>
        tpu.vector_store %arg19[%swap3A, %swap3A_271], %swap3A_274 {strides = array<i32>} : memref<256x64xf32, #tpu.memory_space<vmem>>, vector<1x16xf32>,
        %swap3A_275 = arith.index_cast %add3A_208 : i32 to index
        %swap3A_276 = arith.constant 16 : index
        %swap3A_277 = tpu.vector_load %arg19[%swap3A_275, %swap3A_276] {strides = array<i32>} : memref<256x64xf32, #tpu.memory_space<vmem>>, vector<1x16xf32>,
        %swap3A_278 = vector.shape_cast %swap3A_277 : vector<1x16xf32> to vector<16xf32>
        %swap3A_279 = vector.shape_cast %scan3A_269#1 : vector<16xf32> to vector<1x16xf32>
        tpu.vector_store %arg19[%swap3A_275, %swap3A_276], %swap3A_279 {strides = array<i32>} : memref<256x64xf32, #tpu.memory_space<vmem>>, vector<1x16xf32>,
        %swap3A_280 = arith.index_cast %add3A_208 : i32 to index
        %swap3A_281 = arith.constant 32 : index
        %swap3A_282 = tpu.vector_load %arg19[%swap3A_280, %swap3A_281] {strides = array<i32>} : memref<256x64xf32, #tpu.memory_space<vmem>>, vector<1x16xf32>,
        %swap3A_283 = vector.shape_cast %swap3A_282 : vector<1x16xf32> to vector<16xf32>
        %swap3A_284 = vector.shape_cast %scan3A_269#2 : vector<16xf32> to vector<1x16xf32>
        tpu.vector_store %arg19[%swap3A_280, %swap3A_281], %swap3A_284 {strides = array<i32>} : memref<256x64xf32, #tpu.memory_space<vmem>>, vector<1x16xf32>,
        %swap3A_285 = arith.index_cast %add3A_208 : i32 to index
        %swap3A_286 = arith.constant 48 : index
        %swap3A_287 = tpu.vector_load %arg19[%swap3A_285, %swap3A_286] {strides = array<i32>} : memref<256x64xf32, #tpu.memory_space<vmem>>, vector<1x16xf32>,
        %swap3A_288 = vector.shape_cast %swap3A_287 : vector<1x16xf32> to vector<16xf32>
        %swap3A_289 = vector.shape_cast %scan3A_269#3 : vector<16xf32> to vector<1x16xf32>
        tpu.vector_store %arg19[%swap3A_285, %swap3A_286], %swap3A_289 {strides = array<i32>} : memref<256x64xf32, #tpu.memory_space<vmem>>, vector<1x16xf32>,
        %add3A_290 = arith.constant 1 : i32
        %add3A_291 = arith.addi %mul3A_206, %add3A_290 : i32
        %dma_wait3A_292 = arith.constant 0 : i32
        %dma_wait3A_293 = arith.constant 0 : i32
        %dma_wait3A_294 = tpu.memref_slice %arg16[%dma_wait3A_292, %dma_wait3A_293] : memref<200x64xf32, #tpu.memory_space<vmem>> -> memref<128x64xf32, #tpu.memory_space<vmem>>
        %dma_wait3A_295 = arith.constant 0 : i32
        %dma_wait3A_296 = arith.constant 0 : i32
        %dma_wait3A_297 = tpu.memref_slice %arg4[%dma_wait3A_295, %dma_wait3A_296] : memref<1000000x64xf32, #tpu.memory_space<hbm>> -> memref<1000000x64xf32, #tpu.memory_space<hbm>>
        tpu.wait_indirect_dma semaphore(%arg25 : memref<!tpu.dma_semaphore, #tpu.memory_space<semaphore_mem>>) src(%dma_wait3A_297 : memref<1000000x64xf32, #tpu.memory_space<hbm>>) dst(%dma_wait3A_294 : memref<128x64xf32, #tpu.memory_space<vmem>>)
        %dma_wait3A_298 = arith.constant 128 : i32
        %dma_wait3A_299 = arith.constant 0 : i32
        %dma_wait3A_300 = tpu.memref_slice %arg16[%dma_wait3A_298, %dma_wait3A_299] : memref<200x64xf32, #tpu.memory_space<vmem>> -> memref<72x64xf32, #tpu.memory_space<vmem>>
        %dma_wait3A_301 = arith.constant 0 : i32
        %dma_wait3A_302 = arith.constant 0 : i32
        %dma_wait3A_303 = tpu.memref_slice %arg4[%dma_wait3A_301, %dma_wait3A_302] : memref<1000000x64xf32, #tpu.memory_space<hbm>> -> memref<1000000x64xf32, #tpu.memory_space<hbm>>
        tpu.wait_indirect_dma semaphore(%arg25 : memref<!tpu.dma_semaphore, #tpu.memory_space<semaphore_mem>>) src(%dma_wait3A_303 : memref<1000000x64xf32, #tpu.memory_space<hbm>>) dst(%dma_wait3A_300 : memref<72x64xf32, #tpu.memory_space<vmem>>)
        %add3A_304 = arith.constant 4 : i32
        %add3A_305 = arith.addi %add3A_291, %add3A_304 : i32
        %rem3A_306 = arith.constant 256 : i32
        %rem3A_307 = arith.remsi %add3A_305, %rem3A_306 : i32
        %add3A_308 = arith.addi %mul3A_9, %rem3A_307 : i32
        %dma_start3A_309 = arith.constant 0 : i32
        %dma_start3A_310 = tpu.memref_slice %arg3[%add3A_308, %dma_start3A_309] : memref<4096x200xi32, #tpu.memory_space<hbm>> -> memref<1x128xi32, #tpu.memory_space<hbm>>
        %dma_start3A_311 = tpu.memref_squeeze %dma_start3A_310 : memref<1x128xi32, #tpu.memory_space<hbm>> -> memref<128xi32, #tpu.memory_space<hbm>>
        %dma_start3A_312 = arith.constant 0 : i32
        %dma_start3A_313 = tpu.memref_slice %arg3[%add3A_308, %dma_start3A_312] : memref<4096x200xi32, #tpu.memory_space<hbm>> -> memref<1x128xi32, #tpu.memory_space<hbm>>
        %dma_start3A_314 = tpu.memref_squeeze %dma_start3A_313 : memref<1x128xi32, #tpu.memory_space<hbm>> -> memref<128xi32, #tpu.memory_space<hbm>>
        tpu.enqueue_dma source(%dma_start3A_314 : memref<128xi32, #tpu.memory_space<hbm>>) target(%arg8 : memref<128xi32, #tpu.memory_space<vmem>>) target_semaphore(%arg21 : memref<!tpu.dma_semaphore, #tpu.memory_space<semaphore_mem>>)
        %dma_start3A_315 = arith.constant 128 : i32
        %dma_start3A_316 = tpu.memref_slice %arg3[%add3A_308, %dma_start3A_315] : memref<4096x200xi32, #tpu.memory_space<hbm>> -> memref<1x72xi32, #tpu.memory_space<hbm>>
        %dma_start3A_317 = tpu.memref_squeeze %dma_start3A_316 : memref<1x72xi32, #tpu.memory_space<hbm>> -> memref<72xi32, #tpu.memory_space<hbm>>
        %dma_start3A_318 = arith.constant 128 : i32
        %dma_start3A_319 = tpu.memref_slice %arg3[%add3A_308, %dma_start3A_318] : memref<4096x200xi32, #tpu.memory_space<hbm>> -> memref<1x72xi32, #tpu.memory_space<hbm>>
        %dma_start3A_320 = tpu.memref_squeeze %dma_start3A_319 : memref<1x72xi32, #tpu.memory_space<hbm>> -> memref<72xi32, #tpu.memory_space<hbm>>
        tpu.enqueue_dma source(%dma_start3A_320 : memref<72xi32, #tpu.memory_space<hbm>>) target(%arg12 : memref<72xi32, #tpu.memory_space<vmem>>) target_semaphore(%arg21 : memref<!tpu.dma_semaphore, #tpu.memory_space<semaphore_mem>>)
        %dma_wait3A_321 = arith.constant 0 : i32
        %dma_wait3A_322 = arith.constant 0 : i32
        %dma_wait3A_323 = tpu.memref_slice %arg3[%dma_wait3A_321, %dma_wait3A_322] : memref<4096x200xi32, #tpu.memory_space<hbm>> -> memref<1x128xi32, #tpu.memory_space<hbm>>
        %dma_wait3A_324 = tpu.memref_squeeze %dma_wait3A_323 : memref<1x128xi32, #tpu.memory_space<hbm>> -> memref<128xi32, #tpu.memory_space<hbm>>
        %dma_wait3A_325 = arith.constant 0 : i32
        %dma_wait3A_326 = tpu.memref_slice %arg3[%dma_wait3A_321, %dma_wait3A_325] : memref<4096x200xi32, #tpu.memory_space<hbm>> -> memref<1x128xi32, #tpu.memory_space<hbm>>
        %dma_wait3A_327 = tpu.memref_squeeze %dma_wait3A_326 : memref<1x128xi32, #tpu.memory_space<hbm>> -> memref<128xi32, #tpu.memory_space<hbm>>
        tpu.wait_dma2 semaphore(%arg20 : memref<!tpu.dma_semaphore, #tpu.memory_space<semaphore_mem>>) src(%dma_wait3A_327 : memref<128xi32, #tpu.memory_space<hbm>>) dst(%arg7 : memref<128xi32, #tpu.memory_space<vmem>>)
        %dma_wait3A_328 = arith.constant 0 : i32
        %dma_wait3A_329 = arith.constant 128 : i32
        %dma_wait3A_330 = tpu.memref_slice %arg3[%dma_wait3A_328, %dma_wait3A_329] : memref<4096x200xi32, #tpu.memory_space<hbm>> -> memref<1x72xi32, #tpu.memory_space<hbm>>
        %dma_wait3A_331 = tpu.memref_squeeze %dma_wait3A_330 : memref<1x72xi32, #tpu.memory_space<hbm>> -> memref<72xi32, #tpu.memory_space<hbm>>
        %dma_wait3A_332 = arith.constant 128 : i32
        %dma_wait3A_333 = tpu.memref_slice %arg3[%dma_wait3A_328, %dma_wait3A_332] : memref<4096x200xi32, #tpu.memory_space<hbm>> -> memref<1x72xi32, #tpu.memory_space<hbm>>
        %dma_wait3A_334 = tpu.memref_squeeze %dma_wait3A_333 : memref<1x72xi32, #tpu.memory_space<hbm>> -> memref<72xi32, #tpu.memory_space<hbm>>
        tpu.wait_dma2 semaphore(%arg20 : memref<!tpu.dma_semaphore, #tpu.memory_space<semaphore_mem>>) src(%dma_wait3A_334 : memref<72xi32, #tpu.memory_space<hbm>>) dst(%arg11 : memref<72xi32, #tpu.memory_space<vmem>>)
        %dma_start3A_335 = arith.constant 0 : i32
        %dma_start3A_336 = arith.constant 0 : i32
        %dma_start3A_337 = tpu.memref_slice %arg15[%dma_start3A_335, %dma_start3A_336] : memref<200x64xf32, #tpu.memory_space<vmem>> -> memref<128x64xf32, #tpu.memory_space<vmem>>
        %dma_start3A_338 = arith.constant 0 : i32
        %dma_start3A_339 = arith.constant 0 : i32
        %dma_start3A_340 = tpu.memref_slice %arg4[%dma_start3A_338, %dma_start3A_339] : memref<1000000x64xf32, #tpu.memory_space<hbm>> -> memref<1000000x64xf32, #tpu.memory_space<hbm>>
        tpu.enqueue_indirect_dma source(%dma_start3A_340 : memref<1000000x64xf32, #tpu.memory_space<hbm>>) target(%dma_start3A_337 : memref<128x64xf32, #tpu.memory_space<vmem>>) offsets(%arg7 : memref<128xi32, #tpu.memory_space<vmem>>) semaphore(%arg24 : memref<!tpu.dma_semaphore, #tpu.memory_space<semaphore_mem>>)
        %dma_start3A_341 = arith.constant 128 : i32
        %dma_start3A_342 = arith.constant 0 : i32
        %dma_start3A_343 = tpu.memref_slice %arg15[%dma_start3A_341, %dma_start3A_342] : memref<200x64xf32, #tpu.memory_space<vmem>> -> memref<72x64xf32, #tpu.memory_space<vmem>>
        %dma_start3A_344 = arith.constant 0 : i32
        %dma_start3A_345 = arith.constant 0 : i32
        %dma_start3A_346 = tpu.memref_slice %arg4[%dma_start3A_344, %dma_start3A_345] : memref<1000000x64xf32, #tpu.memory_space<hbm>> -> memref<1000000x64xf32, #tpu.memory_space<hbm>>
        tpu.enqueue_indirect_dma source(%dma_start3A_346 : memref<1000000x64xf32, #tpu.memory_space<hbm>>) target(%dma_start3A_343 : memref<72x64xf32, #tpu.memory_space<vmem>>) offsets(%arg11 : memref<72xi32, #tpu.memory_space<vmem>>) semaphore(%arg24 : memref<!tpu.dma_semaphore, #tpu.memory_space<semaphore_mem>>)
        %broadcast_in_dim3A_347 = arith.constant 0.000000e+00 : f32
        %broadcast_in_dim3A_348 = vector.broadcast %broadcast_in_dim3A_347 : f32 to vector<16xf32>
        %scan3A_349 = arith.constant 0 : i32
        %scan3A_350 = arith.constant 25 : i32
        %scan3A_351 = arith.addi %scan3A_349, %scan3A_350 : i32
        %scan3A_352 = arith.constant 1 : i32
        %scan3A_353:4 = scf.for %scan3A_545 = %scan3A_349 to %scan3A_351 step %scan3A_352 iter_args(%scan3A_546 = %broadcast_in_dim3A_348, %scan3A_547 = %broadcast_in_dim3A_348, %scan3A_548 = %broadcast_in_dim3A_348, %scan3A_549 = %broadcast_in_dim3A_348) -> (vector<16xf32>, vector<16xf32>, vector<16xf32>, vector<16xf32>)  : i32 {
          %mul3A_550 = arith.constant 8 : i32
          %mul3A_551 = arith.muli %scan3A_545, %mul3A_550 : i32
          %add3A_552 = arith.constant 0 : i32
          %add3A_553 = arith.addi %mul3A_551, %add3A_552 : i32
          %get3A = arith.index_cast %add3A_553 : i32 to index
          %get3A_554 = arith.constant 0 : index
          %get3A_555 = tpu.vector_load %arg16[%get3A, %get3A_554] {strides = array<i32>} : memref<200x64xf32, #tpu.memory_space<vmem>>, vector<1x16xf32>,
          %get3A_556 = vector.shape_cast %get3A_555 : vector<1x16xf32> to vector<16xf32>
          %add3A_557 = arith.constant 1 : i32
          %add3A_558 = arith.addi %mul3A_551, %add3A_557 : i32
          %get3A_559 = arith.index_cast %add3A_558 : i32 to index
          %get3A_560 = arith.constant 0 : index
          %get3A_561 = tpu.vector_load %arg16[%get3A_559, %get3A_560] {strides = array<i32>} : memref<200x64xf32, #tpu.memory_space<vmem>>, vector<1x16xf32>,
          %get3A_562 = vector.shape_cast %get3A_561 : vector<1x16xf32> to vector<16xf32>
          %add3A_563 = arith.constant 2 : i32
          %add3A_564 = arith.addi %mul3A_551, %add3A_563 : i32
          %get3A_565 = arith.index_cast %add3A_564 : i32 to index
          %get3A_566 = arith.constant 0 : index
          %get3A_567 = tpu.vector_load %arg16[%get3A_565, %get3A_566] {strides = array<i32>} : memref<200x64xf32, #tpu.memory_space<vmem>>, vector<1x16xf32>,
          %get3A_568 = vector.shape_cast %get3A_567 : vector<1x16xf32> to vector<16xf32>
          %add3A_569 = arith.constant 3 : i32
          %add3A_570 = arith.addi %mul3A_551, %add3A_569 : i32
          %get3A_571 = arith.index_cast %add3A_570 : i32 to index
          %get3A_572 = arith.constant 0 : index
          %get3A_573 = tpu.vector_load %arg16[%get3A_571, %get3A_572] {strides = array<i32>} : memref<200x64xf32, #tpu.memory_space<vmem>>, vector<1x16xf32>,
          %get3A_574 = vector.shape_cast %get3A_573 : vector<1x16xf32> to vector<16xf32>
          %add3A_575 = arith.constant 4 : i32
          %add3A_576 = arith.addi %mul3A_551, %add3A_575 : i32
          %get3A_577 = arith.index_cast %add3A_576 : i32 to index
          %get3A_578 = arith.constant 0 : index
          %get3A_579 = tpu.vector_load %arg16[%get3A_577, %get3A_578] {strides = array<i32>} : memref<200x64xf32, #tpu.memory_space<vmem>>, vector<1x16xf32>,
          %get3A_580 = vector.shape_cast %get3A_579 : vector<1x16xf32> to vector<16xf32>
          %add3A_581 = arith.constant 5 : i32
          %add3A_582 = arith.addi %mul3A_551, %add3A_581 : i32
          %get3A_583 = arith.index_cast %add3A_582 : i32 to index
          %get3A_584 = arith.constant 0 : index
          %get3A_585 = tpu.vector_load %arg16[%get3A_583, %get3A_584] {strides = array<i32>} : memref<200x64xf32, #tpu.memory_space<vmem>>, vector<1x16xf32>,
          %get3A_586 = vector.shape_cast %get3A_585 : vector<1x16xf32> to vector<16xf32>
          %add3A_587 = arith.constant 6 : i32
          %add3A_588 = arith.addi %mul3A_551, %add3A_587 : i32
          %get3A_589 = arith.index_cast %add3A_588 : i32 to index
          %get3A_590 = arith.constant 0 : index
          %get3A_591 = tpu.vector_load %arg16[%get3A_589, %get3A_590] {strides = array<i32>} : memref<200x64xf32, #tpu.memory_space<vmem>>, vector<1x16xf32>,
          %get3A_592 = vector.shape_cast %get3A_591 : vector<1x16xf32> to vector<16xf32>
          %add3A_593 = arith.constant 7 : i32
          %add3A_594 = arith.addi %mul3A_551, %add3A_593 : i32
          %get3A_595 = arith.index_cast %add3A_594 : i32 to index
          %get3A_596 = arith.constant 0 : index
          %get3A_597 = tpu.vector_load %arg16[%get3A_595, %get3A_596] {strides = array<i32>} : memref<200x64xf32, #tpu.memory_space<vmem>>, vector<1x16xf32>,
          %get3A_598 = vector.shape_cast %get3A_597 : vector<1x16xf32> to vector<16xf32>
          %add3A_599 = arith.addf %get3A_556, %get3A_562 : vector<16xf32>
          %add3A_600 = arith.addf %get3A_568, %get3A_574 : vector<16xf32>
          %add3A_601 = arith.addf %get3A_580, %get3A_586 : vector<16xf32>
          %add3A_602 = arith.addf %get3A_592, %get3A_598 : vector<16xf32>
          %add3A_603 = arith.addf %add3A_599, %add3A_600 : vector<16xf32>
          %add3A_604 = arith.addf %add3A_601, %add3A_602 : vector<16xf32>
          %add3A_605 = arith.addf %add3A_603, %add3A_604 : vector<16xf32>
          %add3A_606 = arith.addf %scan3A_546, %add3A_605 : vector<16xf32>
          %add3A_607 = arith.constant 0 : i32
          %add3A_608 = arith.addi %mul3A_551, %add3A_607 : i32
          %get3A_609 = arith.index_cast %add3A_608 : i32 to index
          %get3A_610 = arith.constant 16 : index
          %get3A_611 = tpu.vector_load %arg16[%get3A_609, %get3A_610] {strides = array<i32>} : memref<200x64xf32, #tpu.memory_space<vmem>>, vector<1x16xf32>,
          %get3A_612 = vector.shape_cast %get3A_611 : vector<1x16xf32> to vector<16xf32>
          %add3A_613 = arith.constant 1 : i32
          %add3A_614 = arith.addi %mul3A_551, %add3A_613 : i32
          %get3A_615 = arith.index_cast %add3A_614 : i32 to index
          %get3A_616 = arith.constant 16 : index
          %get3A_617 = tpu.vector_load %arg16[%get3A_615, %get3A_616] {strides = array<i32>} : memref<200x64xf32, #tpu.memory_space<vmem>>, vector<1x16xf32>,
          %get3A_618 = vector.shape_cast %get3A_617 : vector<1x16xf32> to vector<16xf32>
          %add3A_619 = arith.constant 2 : i32
          %add3A_620 = arith.addi %mul3A_551, %add3A_619 : i32
          %get3A_621 = arith.index_cast %add3A_620 : i32 to index
          %get3A_622 = arith.constant 16 : index
          %get3A_623 = tpu.vector_load %arg16[%get3A_621, %get3A_622] {strides = array<i32>} : memref<200x64xf32, #tpu.memory_space<vmem>>, vector<1x16xf32>,
          %get3A_624 = vector.shape_cast %get3A_623 : vector<1x16xf32> to vector<16xf32>
          %add3A_625 = arith.constant 3 : i32
          %add3A_626 = arith.addi %mul3A_551, %add3A_625 : i32
          %get3A_627 = arith.index_cast %add3A_626 : i32 to index
          %get3A_628 = arith.constant 16 : index
          %get3A_629 = tpu.vector_load %arg16[%get3A_627, %get3A_628] {strides = array<i32>} : memref<200x64xf32, #tpu.memory_space<vmem>>, vector<1x16xf32>,
          %get3A_630 = vector.shape_cast %get3A_629 : vector<1x16xf32> to vector<16xf32>
          %add3A_631 = arith.constant 4 : i32
          %add3A_632 = arith.addi %mul3A_551, %add3A_631 : i32
          %get3A_633 = arith.index_cast %add3A_632 : i32 to index
          %get3A_634 = arith.constant 16 : index
          %get3A_635 = tpu.vector_load %arg16[%get3A_633, %get3A_634] {strides = array<i32>} : memref<200x64xf32, #tpu.memory_space<vmem>>, vector<1x16xf32>,
          %get3A_636 = vector.shape_cast %get3A_635 : vector<1x16xf32> to vector<16xf32>
          %add3A_637 = arith.constant 5 : i32
          %add3A_638 = arith.addi %mul3A_551, %add3A_637 : i32
          %get3A_639 = arith.index_cast %add3A_638 : i32 to index
          %get3A_640 = arith.constant 16 : index
          %get3A_641 = tpu.vector_load %arg16[%get3A_639, %get3A_640] {strides = array<i32>} : memref<200x64xf32, #tpu.memory_space<vmem>>, vector<1x16xf32>,
          %get3A_642 = vector.shape_cast %get3A_641 : vector<1x16xf32> to vector<16xf32>
          %add3A_643 = arith.constant 6 : i32
          %add3A_644 = arith.addi %mul3A_551, %add3A_643 : i32
          %get3A_645 = arith.index_cast %add3A_644 : i32 to index
          %get3A_646 = arith.constant 16 : index
          %get3A_647 = tpu.vector_load %arg16[%get3A_645, %get3A_646] {strides = array<i32>} : memref<200x64xf32, #tpu.memory_space<vmem>>, vector<1x16xf32>,
          %get3A_648 = vector.shape_cast %get3A_647 : vector<1x16xf32> to vector<16xf32>
          %add3A_649 = arith.constant 7 : i32
          %add3A_650 = arith.addi %mul3A_551, %add3A_649 : i32
          %get3A_651 = arith.index_cast %add3A_650 : i32 to index
          %get3A_652 = arith.constant 16 : index
          %get3A_653 = tpu.vector_load %arg16[%get3A_651, %get3A_652] {strides = array<i32>} : memref<200x64xf32, #tpu.memory_space<vmem>>, vector<1x16xf32>,
          %get3A_654 = vector.shape_cast %get3A_653 : vector<1x16xf32> to vector<16xf32>
          %add3A_655 = arith.addf %get3A_612, %get3A_618 : vector<16xf32>
          %add3A_656 = arith.addf %get3A_624, %get3A_630 : vector<16xf32>
          %add3A_657 = arith.addf %get3A_636, %get3A_642 : vector<16xf32>
          %add3A_658 = arith.addf %get3A_648, %get3A_654 : vector<16xf32>
          %add3A_659 = arith.addf %add3A_655, %add3A_656 : vector<16xf32>
          %add3A_660 = arith.addf %add3A_657, %add3A_658 : vector<16xf32>
          %add3A_661 = arith.addf %add3A_659, %add3A_660 : vector<16xf32>
          %add3A_662 = arith.addf %scan3A_547, %add3A_661 : vector<16xf32>
          %add3A_663 = arith.constant 0 : i32
          %add3A_664 = arith.addi %mul3A_551, %add3A_663 : i32
          %get3A_665 = arith.index_cast %add3A_664 : i32 to index
          %get3A_666 = arith.constant 32 : index
          %get3A_667 = tpu.vector_load %arg16[%get3A_665, %get3A_666] {strides = array<i32>} : memref<200x64xf32, #tpu.memory_space<vmem>>, vector<1x16xf32>,
          %get3A_668 = vector.shape_cast %get3A_667 : vector<1x16xf32> to vector<16xf32>
          %add3A_669 = arith.constant 1 : i32
          %add3A_670 = arith.addi %mul3A_551, %add3A_669 : i32
          %get3A_671 = arith.index_cast %add3A_670 : i32 to index
          %get3A_672 = arith.constant 32 : index
          %get3A_673 = tpu.vector_load %arg16[%get3A_671, %get3A_672] {strides = array<i32>} : memref<200x64xf32, #tpu.memory_space<vmem>>, vector<1x16xf32>,
          %get3A_674 = vector.shape_cast %get3A_673 : vector<1x16xf32> to vector<16xf32>
          %add3A_675 = arith.constant 2 : i32
          %add3A_676 = arith.addi %mul3A_551, %add3A_675 : i32
          %get3A_677 = arith.index_cast %add3A_676 : i32 to index
          %get3A_678 = arith.constant 32 : index
          %get3A_679 = tpu.vector_load %arg16[%get3A_677, %get3A_678] {strides = array<i32>} : memref<200x64xf32, #tpu.memory_space<vmem>>, vector<1x16xf32>,
          %get3A_680 = vector.shape_cast %get3A_679 : vector<1x16xf32> to vector<16xf32>
          %add3A_681 = arith.constant 3 : i32
          %add3A_682 = arith.addi %mul3A_551, %add3A_681 : i32
          %get3A_683 = arith.index_cast %add3A_682 : i32 to index
          %get3A_684 = arith.constant 32 : index
          %get3A_685 = tpu.vector_load %arg16[%get3A_683, %get3A_684] {strides = array<i32>} : memref<200x64xf32, #tpu.memory_space<vmem>>, vector<1x16xf32>,
          %get3A_686 = vector.shape_cast %get3A_685 : vector<1x16xf32> to vector<16xf32>
          %add3A_687 = arith.constant 4 : i32
          %add3A_688 = arith.addi %mul3A_551, %add3A_687 : i32
          %get3A_689 = arith.index_cast %add3A_688 : i32 to index
          %get3A_690 = arith.constant 32 : index
          %get3A_691 = tpu.vector_load %arg16[%get3A_689, %get3A_690] {strides = array<i32>} : memref<200x64xf32, #tpu.memory_space<vmem>>, vector<1x16xf32>,
          %get3A_692 = vector.shape_cast %get3A_691 : vector<1x16xf32> to vector<16xf32>
          %add3A_693 = arith.constant 5 : i32
          %add3A_694 = arith.addi %mul3A_551, %add3A_693 : i32
          %get3A_695 = arith.index_cast %add3A_694 : i32 to index
          %get3A_696 = arith.constant 32 : index
          %get3A_697 = tpu.vector_load %arg16[%get3A_695, %get3A_696] {strides = array<i32>} : memref<200x64xf32, #tpu.memory_space<vmem>>, vector<1x16xf32>,
          %get3A_698 = vector.shape_cast %get3A_697 : vector<1x16xf32> to vector<16xf32>
          %add3A_699 = arith.constant 6 : i32
          %add3A_700 = arith.addi %mul3A_551, %add3A_699 : i32
          %get3A_701 = arith.index_cast %add3A_700 : i32 to index
          %get3A_702 = arith.constant 32 : index
          %get3A_703 = tpu.vector_load %arg16[%get3A_701, %get3A_702] {strides = array<i32>} : memref<200x64xf32, #tpu.memory_space<vmem>>, vector<1x16xf32>,
          %get3A_704 = vector.shape_cast %get3A_703 : vector<1x16xf32> to vector<16xf32>
          %add3A_705 = arith.constant 7 : i32
          %add3A_706 = arith.addi %mul3A_551, %add3A_705 : i32
          %get3A_707 = arith.index_cast %add3A_706 : i32 to index
          %get3A_708 = arith.constant 32 : index
          %get3A_709 = tpu.vector_load %arg16[%get3A_707, %get3A_708] {strides = array<i32>} : memref<200x64xf32, #tpu.memory_space<vmem>>, vector<1x16xf32>,
          %get3A_710 = vector.shape_cast %get3A_709 : vector<1x16xf32> to vector<16xf32>
          %add3A_711 = arith.addf %get3A_668, %get3A_674 : vector<16xf32>
          %add3A_712 = arith.addf %get3A_680, %get3A_686 : vector<16xf32>
          %add3A_713 = arith.addf %get3A_692, %get3A_698 : vector<16xf32>
          %add3A_714 = arith.addf %get3A_704, %get3A_710 : vector<16xf32>
          %add3A_715 = arith.addf %add3A_711, %add3A_712 : vector<16xf32>
          %add3A_716 = arith.addf %add3A_713, %add3A_714 : vector<16xf32>
          %add3A_717 = arith.addf %add3A_715, %add3A_716 : vector<16xf32>
          %add3A_718 = arith.addf %scan3A_548, %add3A_717 : vector<16xf32>
          %add3A_719 = arith.constant 0 : i32
          %add3A_720 = arith.addi %mul3A_551, %add3A_719 : i32
          %get3A_721 = arith.index_cast %add3A_720 : i32 to index
          %get3A_722 = arith.constant 48 : index
          %get3A_723 = tpu.vector_load %arg16[%get3A_721, %get3A_722] {strides = array<i32>} : memref<200x64xf32, #tpu.memory_space<vmem>>, vector<1x16xf32>,
          %get3A_724 = vector.shape_cast %get3A_723 : vector<1x16xf32> to vector<16xf32>
          %add3A_725 = arith.constant 1 : i32
          %add3A_726 = arith.addi %mul3A_551, %add3A_725 : i32
          %get3A_727 = arith.index_cast %add3A_726 : i32 to index
          %get3A_728 = arith.constant 48 : index
          %get3A_729 = tpu.vector_load %arg16[%get3A_727, %get3A_728] {strides = array<i32>} : memref<200x64xf32, #tpu.memory_space<vmem>>, vector<1x16xf32>,
          %get3A_730 = vector.shape_cast %get3A_729 : vector<1x16xf32> to vector<16xf32>
          %add3A_731 = arith.constant 2 : i32
          %add3A_732 = arith.addi %mul3A_551, %add3A_731 : i32
          %get3A_733 = arith.index_cast %add3A_732 : i32 to index
          %get3A_734 = arith.constant 48 : index
          %get3A_735 = tpu.vector_load %arg16[%get3A_733, %get3A_734] {strides = array<i32>} : memref<200x64xf32, #tpu.memory_space<vmem>>, vector<1x16xf32>,
          %get3A_736 = vector.shape_cast %get3A_735 : vector<1x16xf32> to vector<16xf32>
          %add3A_737 = arith.constant 3 : i32
          %add3A_738 = arith.addi %mul3A_551, %add3A_737 : i32
          %get3A_739 = arith.index_cast %add3A_738 : i32 to index
          %get3A_740 = arith.constant 48 : index
          %get3A_741 = tpu.vector_load %arg16[%get3A_739, %get3A_740] {strides = array<i32>} : memref<200x64xf32, #tpu.memory_space<vmem>>, vector<1x16xf32>,
          %get3A_742 = vector.shape_cast %get3A_741 : vector<1x16xf32> to vector<16xf32>
          %add3A_743 = arith.constant 4 : i32
          %add3A_744 = arith.addi %mul3A_551, %add3A_743 : i32
          %get3A_745 = arith.index_cast %add3A_744 : i32 to index
          %get3A_746 = arith.constant 48 : index
          %get3A_747 = tpu.vector_load %arg16[%get3A_745, %get3A_746] {strides = array<i32>} : memref<200x64xf32, #tpu.memory_space<vmem>>, vector<1x16xf32>,
          %get3A_748 = vector.shape_cast %get3A_747 : vector<1x16xf32> to vector<16xf32>
          %add3A_749 = arith.constant 5 : i32
          %add3A_750 = arith.addi %mul3A_551, %add3A_749 : i32
          %get3A_751 = arith.index_cast %add3A_750 : i32 to index
          %get3A_752 = arith.constant 48 : index
          %get3A_753 = tpu.vector_load %arg16[%get3A_751, %get3A_752] {strides = array<i32>} : memref<200x64xf32, #tpu.memory_space<vmem>>, vector<1x16xf32>,
          %get3A_754 = vector.shape_cast %get3A_753 : vector<1x16xf32> to vector<16xf32>
          %add3A_755 = arith.constant 6 : i32
          %add3A_756 = arith.addi %mul3A_551, %add3A_755 : i32
          %get3A_757 = arith.index_cast %add3A_756 : i32 to index
          %get3A_758 = arith.constant 48 : index
          %get3A_759 = tpu.vector_load %arg16[%get3A_757, %get3A_758] {strides = array<i32>} : memref<200x64xf32, #tpu.memory_space<vmem>>, vector<1x16xf32>,
          %get3A_760 = vector.shape_cast %get3A_759 : vector<1x16xf32> to vector<16xf32>
          %add3A_761 = arith.constant 7 : i32
          %add3A_762 = arith.addi %mul3A_551, %add3A_761 : i32
          %get3A_763 = arith.index_cast %add3A_762 : i32 to index
          %get3A_764 = arith.constant 48 : index
          %get3A_765 = tpu.vector_load %arg16[%get3A_763, %get3A_764] {strides = array<i32>} : memref<200x64xf32, #tpu.memory_space<vmem>>, vector<1x16xf32>,
          %get3A_766 = vector.shape_cast %get3A_765 : vector<1x16xf32> to vector<16xf32>
          %add3A_767 = arith.addf %get3A_724, %get3A_730 : vector<16xf32>
          %add3A_768 = arith.addf %get3A_736, %get3A_742 : vector<16xf32>
          %add3A_769 = arith.addf %get3A_748, %get3A_754 : vector<16xf32>
          %add3A_770 = arith.addf %get3A_760, %get3A_766 : vector<16xf32>
          %add3A_771 = arith.addf %add3A_767, %add3A_768 : vector<16xf32>
          %add3A_772 = arith.addf %add3A_769, %add3A_770 : vector<16xf32>
          %add3A_773 = arith.addf %add3A_771, %add3A_772 : vector<16xf32>
          %add3A_774 = arith.addf %scan3A_549, %add3A_773 : vector<16xf32>
          scf.yield %add3A_606, %add3A_662, %add3A_718, %add3A_774 : vector<16xf32>, vector<16xf32>, vector<16xf32>, vector<16xf32>
        }
        %scan3A_354 = arith.constant 25 : i32
        %swap3A_355 = arith.index_cast %add3A_291 : i32 to index
        %swap3A_356 = arith.constant 0 : index
        %swap3A_357 = tpu.vector_load %arg19[%swap3A_355, %swap3A_356] {strides = array<i32>} : memref<256x64xf32, #tpu.memory_space<vmem>>, vector<1x16xf32>,
        %swap3A_358 = vector.shape_cast %swap3A_357 : vector<1x16xf32> to vector<16xf32>
        %swap3A_359 = vector.shape_cast %scan3A_353#0 : vector<16xf32> to vector<1x16xf32>
        tpu.vector_store %arg19[%swap3A_355, %swap3A_356], %swap3A_359 {strides = array<i32>} : memref<256x64xf32, #tpu.memory_space<vmem>>, vector<1x16xf32>,
        %swap3A_360 = arith.index_cast %add3A_291 : i32 to index
        %swap3A_361 = arith.constant 16 : index
        %swap3A_362 = tpu.vector_load %arg19[%swap3A_360, %swap3A_361] {strides = array<i32>} : memref<256x64xf32, #tpu.memory_space<vmem>>, vector<1x16xf32>,
        %swap3A_363 = vector.shape_cast %swap3A_362 : vector<1x16xf32> to vector<16xf32>
        %swap3A_364 = vector.shape_cast %scan3A_353#1 : vector<16xf32> to vector<1x16xf32>
        tpu.vector_store %arg19[%swap3A_360, %swap3A_361], %swap3A_364 {strides = array<i32>} : memref<256x64xf32, #tpu.memory_space<vmem>>, vector<1x16xf32>,
        %swap3A_365 = arith.index_cast %add3A_291 : i32 to index
        %swap3A_366 = arith.constant 32 : index
        %swap3A_367 = tpu.vector_load %arg19[%swap3A_365, %swap3A_366] {strides = array<i32>} : memref<256x64xf32, #tpu.memory_space<vmem>>, vector<1x16xf32>,
        %swap3A_368 = vector.shape_cast %swap3A_367 : vector<1x16xf32> to vector<16xf32>
        %swap3A_369 = vector.shape_cast %scan3A_353#2 : vector<16xf32> to vector<1x16xf32>
        tpu.vector_store %arg19[%swap3A_365, %swap3A_366], %swap3A_369 {strides = array<i32>} : memref<256x64xf32, #tpu.memory_space<vmem>>, vector<1x16xf32>,
        %swap3A_370 = arith.index_cast %add3A_291 : i32 to index
        %swap3A_371 = arith.constant 48 : index
        %swap3A_372 = tpu.vector_load %arg19[%swap3A_370, %swap3A_371] {strides = array<i32>} : memref<256x64xf32, #tpu.memory_space<vmem>>, vector<1x16xf32>,
        %swap3A_373 = vector.shape_cast %swap3A_372 : vector<1x16xf32> to vector<16xf32>
        %swap3A_374 = vector.shape_cast %scan3A_353#3 : vector<16xf32> to vector<1x16xf32>
        tpu.vector_store %arg19[%swap3A_370, %swap3A_371], %swap3A_374 {strides = array<i32>} : memref<256x64xf32, #tpu.memory_space<vmem>>, vector<1x16xf32>,
        %add3A_375 = arith.constant 2 : i32
        %add3A_376 = arith.addi %mul3A_206, %add3A_375 : i32
        %dma_wait3A_377 = arith.constant 0 : i32
        %dma_wait3A_378 = arith.constant 0 : i32
        %dma_wait3A_379 = tpu.memref_slice %arg17[%dma_wait3A_377, %dma_wait3A_378] : memref<200x64xf32, #tpu.memory_space<vmem>> -> memref<128x64xf32, #tpu.memory_space<vmem>>
        %dma_wait3A_380 = arith.constant 0 : i32
        %dma_wait3A_381 = arith.constant 0 : i32
        %dma_wait3A_382 = tpu.memref_slice %arg4[%dma_wait3A_380, %dma_wait3A_381] : memref<1000000x64xf32, #tpu.memory_space<hbm>> -> memref<1000000x64xf32, #tpu.memory_space<hbm>>
        tpu.wait_indirect_dma semaphore(%arg26 : memref<!tpu.dma_semaphore, #tpu.memory_space<semaphore_mem>>) src(%dma_wait3A_382 : memref<1000000x64xf32, #tpu.memory_space<hbm>>) dst(%dma_wait3A_379 : memref<128x64xf32, #tpu.memory_space<vmem>>)
        %dma_wait3A_383 = arith.constant 128 : i32
        %dma_wait3A_384 = arith.constant 0 : i32
        %dma_wait3A_385 = tpu.memref_slice %arg17[%dma_wait3A_383, %dma_wait3A_384] : memref<200x64xf32, #tpu.memory_space<vmem>> -> memref<72x64xf32, #tpu.memory_space<vmem>>
        %dma_wait3A_386 = arith.constant 0 : i32
        %dma_wait3A_387 = arith.constant 0 : i32
        %dma_wait3A_388 = tpu.memref_slice %arg4[%dma_wait3A_386, %dma_wait3A_387] : memref<1000000x64xf32, #tpu.memory_space<hbm>> -> memref<1000000x64xf32, #tpu.memory_space<hbm>>
        tpu.wait_indirect_dma semaphore(%arg26 : memref<!tpu.dma_semaphore, #tpu.memory_space<semaphore_mem>>) src(%dma_wait3A_388 : memref<1000000x64xf32, #tpu.memory_space<hbm>>) dst(%dma_wait3A_385 : memref<72x64xf32, #tpu.memory_space<vmem>>)
        %add3A_389 = arith.constant 4 : i32
        %add3A_390 = arith.addi %add3A_376, %add3A_389 : i32
        %rem3A_391 = arith.constant 256 : i32
        %rem3A_392 = arith.remsi %add3A_390, %rem3A_391 : i32
        %add3A_393 = arith.addi %mul3A_9, %rem3A_392 : i32
        %dma_start3A_394 = arith.constant 0 : i32
        %dma_start3A_395 = tpu.memref_slice %arg3[%add3A_393, %dma_start3A_394] : memref<4096x200xi32, #tpu.memory_space<hbm>> -> memref<1x128xi32, #tpu.memory_space<hbm>>
        %dma_start3A_396 = tpu.memref_squeeze %dma_start3A_395 : memref<1x128xi32, #tpu.memory_space<hbm>> -> memref<128xi32, #tpu.memory_space<hbm>>
        %dma_start3A_397 = arith.constant 0 : i32
        %dma_start3A_398 = tpu.memref_slice %arg3[%add3A_393, %dma_start3A_397] : memref<4096x200xi32, #tpu.memory_space<hbm>> -> memref<1x128xi32, #tpu.memory_space<hbm>>
        %dma_start3A_399 = tpu.memref_squeeze %dma_start3A_398 : memref<1x128xi32, #tpu.memory_space<hbm>> -> memref<128xi32, #tpu.memory_space<hbm>>
        tpu.enqueue_dma source(%dma_start3A_399 : memref<128xi32, #tpu.memory_space<hbm>>) target(%arg9 : memref<128xi32, #tpu.memory_space<vmem>>) target_semaphore(%arg22 : memref<!tpu.dma_semaphore, #tpu.memory_space<semaphore_mem>>)
        %dma_start3A_400 = arith.constant 128 : i32
        %dma_start3A_401 = tpu.memref_slice %arg3[%add3A_393, %dma_start3A_400] : memref<4096x200xi32, #tpu.memory_space<hbm>> -> memref<1x72xi32, #tpu.memory_space<hbm>>
        %dma_start3A_402 = tpu.memref_squeeze %dma_start3A_401 : memref<1x72xi32, #tpu.memory_space<hbm>> -> memref<72xi32, #tpu.memory_space<hbm>>
        %dma_start3A_403 = arith.constant 128 : i32
        %dma_start3A_404 = tpu.memref_slice %arg3[%add3A_393, %dma_start3A_403] : memref<4096x200xi32, #tpu.memory_space<hbm>> -> memref<1x72xi32, #tpu.memory_space<hbm>>
        %dma_start3A_405 = tpu.memref_squeeze %dma_start3A_404 : memref<1x72xi32, #tpu.memory_space<hbm>> -> memref<72xi32, #tpu.memory_space<hbm>>
        tpu.enqueue_dma source(%dma_start3A_405 : memref<72xi32, #tpu.memory_space<hbm>>) target(%arg13 : memref<72xi32, #tpu.memory_space<vmem>>) target_semaphore(%arg22 : memref<!tpu.dma_semaphore, #tpu.memory_space<semaphore_mem>>)
        %dma_wait3A_406 = arith.constant 0 : i32
        %dma_wait3A_407 = arith.constant 0 : i32
        %dma_wait3A_408 = tpu.memref_slice %arg3[%dma_wait3A_406, %dma_wait3A_407] : memref<4096x200xi32, #tpu.memory_space<hbm>> -> memref<1x128xi32, #tpu.memory_space<hbm>>
        %dma_wait3A_409 = tpu.memref_squeeze %dma_wait3A_408 : memref<1x128xi32, #tpu.memory_space<hbm>> -> memref<128xi32, #tpu.memory_space<hbm>>
        %dma_wait3A_410 = arith.constant 0 : i32
        %dma_wait3A_411 = tpu.memref_slice %arg3[%dma_wait3A_406, %dma_wait3A_410] : memref<4096x200xi32, #tpu.memory_space<hbm>> -> memref<1x128xi32, #tpu.memory_space<hbm>>
        %dma_wait3A_412 = tpu.memref_squeeze %dma_wait3A_411 : memref<1x128xi32, #tpu.memory_space<hbm>> -> memref<128xi32, #tpu.memory_space<hbm>>
        tpu.wait_dma2 semaphore(%arg21 : memref<!tpu.dma_semaphore, #tpu.memory_space<semaphore_mem>>) src(%dma_wait3A_412 : memref<128xi32, #tpu.memory_space<hbm>>) dst(%arg8 : memref<128xi32, #tpu.memory_space<vmem>>)
        %dma_wait3A_413 = arith.constant 0 : i32
        %dma_wait3A_414 = arith.constant 128 : i32
        %dma_wait3A_415 = tpu.memref_slice %arg3[%dma_wait3A_413, %dma_wait3A_414] : memref<4096x200xi32, #tpu.memory_space<hbm>> -> memref<1x72xi32, #tpu.memory_space<hbm>>
        %dma_wait3A_416 = tpu.memref_squeeze %dma_wait3A_415 : memref<1x72xi32, #tpu.memory_space<hbm>> -> memref<72xi32, #tpu.memory_space<hbm>>
        %dma_wait3A_417 = arith.constant 128 : i32
        %dma_wait3A_418 = tpu.memref_slice %arg3[%dma_wait3A_413, %dma_wait3A_417] : memref<4096x200xi32, #tpu.memory_space<hbm>> -> memref<1x72xi32, #tpu.memory_space<hbm>>
        %dma_wait3A_419 = tpu.memref_squeeze %dma_wait3A_418 : memref<1x72xi32, #tpu.memory_space<hbm>> -> memref<72xi32, #tpu.memory_space<hbm>>
        tpu.wait_dma2 semaphore(%arg21 : memref<!tpu.dma_semaphore, #tpu.memory_space<semaphore_mem>>) src(%dma_wait3A_419 : memref<72xi32, #tpu.memory_space<hbm>>) dst(%arg12 : memref<72xi32, #tpu.memory_space<vmem>>)
        %dma_start3A_420 = arith.constant 0 : i32
        %dma_start3A_421 = arith.constant 0 : i32
        %dma_start3A_422 = tpu.memref_slice %arg16[%dma_start3A_420, %dma_start3A_421] : memref<200x64xf32, #tpu.memory_space<vmem>> -> memref<128x64xf32, #tpu.memory_space<vmem>>
        %dma_start3A_423 = arith.constant 0 : i32
        %dma_start3A_424 = arith.constant 0 : i32
        %dma_start3A_425 = tpu.memref_slice %arg4[%dma_start3A_423, %dma_start3A_424] : memref<1000000x64xf32, #tpu.memory_space<hbm>> -> memref<1000000x64xf32, #tpu.memory_space<hbm>>
        tpu.enqueue_indirect_dma source(%dma_start3A_425 : memref<1000000x64xf32, #tpu.memory_space<hbm>>) target(%dma_start3A_422 : memref<128x64xf32, #tpu.memory_space<vmem>>) offsets(%arg8 : memref<128xi32, #tpu.memory_space<vmem>>) semaphore(%arg25 : memref<!tpu.dma_semaphore, #tpu.memory_space<semaphore_mem>>)
        %dma_start3A_426 = arith.constant 128 : i32
        %dma_start3A_427 = arith.constant 0 : i32
        %dma_start3A_428 = tpu.memref_slice %arg16[%dma_start3A_426, %dma_start3A_427] : memref<200x64xf32, #tpu.memory_space<vmem>> -> memref<72x64xf32, #tpu.memory_space<vmem>>
        %dma_start3A_429 = arith.constant 0 : i32
        %dma_start3A_430 = arith.constant 0 : i32
        %dma_start3A_431 = tpu.memref_slice %arg4[%dma_start3A_429, %dma_start3A_430] : memref<1000000x64xf32, #tpu.memory_space<hbm>> -> memref<1000000x64xf32, #tpu.memory_space<hbm>>
        tpu.enqueue_indirect_dma source(%dma_start3A_431 : memref<1000000x64xf32, #tpu.memory_space<hbm>>) target(%dma_start3A_428 : memref<72x64xf32, #tpu.memory_space<vmem>>) offsets(%arg12 : memref<72xi32, #tpu.memory_space<vmem>>) semaphore(%arg25 : memref<!tpu.dma_semaphore, #tpu.memory_space<semaphore_mem>>)
        %broadcast_in_dim3A_432 = arith.constant 0.000000e+00 : f32
        %broadcast_in_dim3A_433 = vector.broadcast %broadcast_in_dim3A_432 : f32 to vector<16xf32>
        %scan3A_434 = arith.constant 0 : i32
        %scan3A_435 = arith.constant 25 : i32
        %scan3A_436 = arith.addi %scan3A_434, %scan3A_435 : i32
        %scan3A_437 = arith.constant 1 : i32
        %scan3A_438:4 = scf.for %scan3A_545 = %scan3A_434 to %scan3A_436 step %scan3A_437 iter_args(%scan3A_546 = %broadcast_in_dim3A_433, %scan3A_547 = %broadcast_in_dim3A_433, %scan3A_548 = %broadcast_in_dim3A_433, %scan3A_549 = %broadcast_in_dim3A_433) -> (vector<16xf32>, vector<16xf32>, vector<16xf32>, vector<16xf32>)  : i32 {
          %mul3A_550 = arith.constant 8 : i32
          %mul3A_551 = arith.muli %scan3A_545, %mul3A_550 : i32
          %add3A_552 = arith.constant 0 : i32
          %add3A_553 = arith.addi %mul3A_551, %add3A_552 : i32
          %get3A = arith.index_cast %add3A_553 : i32 to index
          %get3A_554 = arith.constant 0 : index
          %get3A_555 = tpu.vector_load %arg17[%get3A, %get3A_554] {strides = array<i32>} : memref<200x64xf32, #tpu.memory_space<vmem>>, vector<1x16xf32>,
          %get3A_556 = vector.shape_cast %get3A_555 : vector<1x16xf32> to vector<16xf32>
          %add3A_557 = arith.constant 1 : i32
          %add3A_558 = arith.addi %mul3A_551, %add3A_557 : i32
          %get3A_559 = arith.index_cast %add3A_558 : i32 to index
          %get3A_560 = arith.constant 0 : index
          %get3A_561 = tpu.vector_load %arg17[%get3A_559, %get3A_560] {strides = array<i32>} : memref<200x64xf32, #tpu.memory_space<vmem>>, vector<1x16xf32>,
          %get3A_562 = vector.shape_cast %get3A_561 : vector<1x16xf32> to vector<16xf32>
          %add3A_563 = arith.constant 2 : i32
          %add3A_564 = arith.addi %mul3A_551, %add3A_563 : i32
          %get3A_565 = arith.index_cast %add3A_564 : i32 to index
          %get3A_566 = arith.constant 0 : index
          %get3A_567 = tpu.vector_load %arg17[%get3A_565, %get3A_566] {strides = array<i32>} : memref<200x64xf32, #tpu.memory_space<vmem>>, vector<1x16xf32>,
          %get3A_568 = vector.shape_cast %get3A_567 : vector<1x16xf32> to vector<16xf32>
          %add3A_569 = arith.constant 3 : i32
          %add3A_570 = arith.addi %mul3A_551, %add3A_569 : i32
          %get3A_571 = arith.index_cast %add3A_570 : i32 to index
          %get3A_572 = arith.constant 0 : index
          %get3A_573 = tpu.vector_load %arg17[%get3A_571, %get3A_572] {strides = array<i32>} : memref<200x64xf32, #tpu.memory_space<vmem>>, vector<1x16xf32>,
          %get3A_574 = vector.shape_cast %get3A_573 : vector<1x16xf32> to vector<16xf32>
          %add3A_575 = arith.constant 4 : i32
          %add3A_576 = arith.addi %mul3A_551, %add3A_575 : i32
          %get3A_577 = arith.index_cast %add3A_576 : i32 to index
          %get3A_578 = arith.constant 0 : index
          %get3A_579 = tpu.vector_load %arg17[%get3A_577, %get3A_578] {strides = array<i32>} : memref<200x64xf32, #tpu.memory_space<vmem>>, vector<1x16xf32>,
          %get3A_580 = vector.shape_cast %get3A_579 : vector<1x16xf32> to vector<16xf32>
          %add3A_581 = arith.constant 5 : i32
          %add3A_582 = arith.addi %mul3A_551, %add3A_581 : i32
          %get3A_583 = arith.index_cast %add3A_582 : i32 to index
          %get3A_584 = arith.constant 0 : index
          %get3A_585 = tpu.vector_load %arg17[%get3A_583, %get3A_584] {strides = array<i32>} : memref<200x64xf32, #tpu.memory_space<vmem>>, vector<1x16xf32>,
          %get3A_586 = vector.shape_cast %get3A_585 : vector<1x16xf32> to vector<16xf32>
          %add3A_587 = arith.constant 6 : i32
          %add3A_588 = arith.addi %mul3A_551, %add3A_587 : i32
          %get3A_589 = arith.index_cast %add3A_588 : i32 to index
          %get3A_590 = arith.constant 0 : index
          %get3A_591 = tpu.vector_load %arg17[%get3A_589, %get3A_590] {strides = array<i32>} : memref<200x64xf32, #tpu.memory_space<vmem>>, vector<1x16xf32>,
          %get3A_592 = vector.shape_cast %get3A_591 : vector<1x16xf32> to vector<16xf32>
          %add3A_593 = arith.constant 7 : i32
          %add3A_594 = arith.addi %mul3A_551, %add3A_593 : i32
          %get3A_595 = arith.index_cast %add3A_594 : i32 to index
          %get3A_596 = arith.constant 0 : index
          %get3A_597 = tpu.vector_load %arg17[%get3A_595, %get3A_596] {strides = array<i32>} : memref<200x64xf32, #tpu.memory_space<vmem>>, vector<1x16xf32>,
          %get3A_598 = vector.shape_cast %get3A_597 : vector<1x16xf32> to vector<16xf32>
          %add3A_599 = arith.addf %get3A_556, %get3A_562 : vector<16xf32>
          %add3A_600 = arith.addf %get3A_568, %get3A_574 : vector<16xf32>
          %add3A_601 = arith.addf %get3A_580, %get3A_586 : vector<16xf32>
          %add3A_602 = arith.addf %get3A_592, %get3A_598 : vector<16xf32>
          %add3A_603 = arith.addf %add3A_599, %add3A_600 : vector<16xf32>
          %add3A_604 = arith.addf %add3A_601, %add3A_602 : vector<16xf32>
          %add3A_605 = arith.addf %add3A_603, %add3A_604 : vector<16xf32>
          %add3A_606 = arith.addf %scan3A_546, %add3A_605 : vector<16xf32>
          %add3A_607 = arith.constant 0 : i32
          %add3A_608 = arith.addi %mul3A_551, %add3A_607 : i32
          %get3A_609 = arith.index_cast %add3A_608 : i32 to index
          %get3A_610 = arith.constant 16 : index
          %get3A_611 = tpu.vector_load %arg17[%get3A_609, %get3A_610] {strides = array<i32>} : memref<200x64xf32, #tpu.memory_space<vmem>>, vector<1x16xf32>,
          %get3A_612 = vector.shape_cast %get3A_611 : vector<1x16xf32> to vector<16xf32>
          %add3A_613 = arith.constant 1 : i32
          %add3A_614 = arith.addi %mul3A_551, %add3A_613 : i32
          %get3A_615 = arith.index_cast %add3A_614 : i32 to index
          %get3A_616 = arith.constant 16 : index
          %get3A_617 = tpu.vector_load %arg17[%get3A_615, %get3A_616] {strides = array<i32>} : memref<200x64xf32, #tpu.memory_space<vmem>>, vector<1x16xf32>,
          %get3A_618 = vector.shape_cast %get3A_617 : vector<1x16xf32> to vector<16xf32>
          %add3A_619 = arith.constant 2 : i32
          %add3A_620 = arith.addi %mul3A_551, %add3A_619 : i32
          %get3A_621 = arith.index_cast %add3A_620 : i32 to index
          %get3A_622 = arith.constant 16 : index
          %get3A_623 = tpu.vector_load %arg17[%get3A_621, %get3A_622] {strides = array<i32>} : memref<200x64xf32, #tpu.memory_space<vmem>>, vector<1x16xf32>,
          %get3A_624 = vector.shape_cast %get3A_623 : vector<1x16xf32> to vector<16xf32>
          %add3A_625 = arith.constant 3 : i32
          %add3A_626 = arith.addi %mul3A_551, %add3A_625 : i32
          %get3A_627 = arith.index_cast %add3A_626 : i32 to index
          %get3A_628 = arith.constant 16 : index
          %get3A_629 = tpu.vector_load %arg17[%get3A_627, %get3A_628] {strides = array<i32>} : memref<200x64xf32, #tpu.memory_space<vmem>>, vector<1x16xf32>,
          %get3A_630 = vector.shape_cast %get3A_629 : vector<1x16xf32> to vector<16xf32>
          %add3A_631 = arith.constant 4 : i32
          %add3A_632 = arith.addi %mul3A_551, %add3A_631 : i32
          %get3A_633 = arith.index_cast %add3A_632 : i32 to index
          %get3A_634 = arith.constant 16 : index
          %get3A_635 = tpu.vector_load %arg17[%get3A_633, %get3A_634] {strides = array<i32>} : memref<200x64xf32, #tpu.memory_space<vmem>>, vector<1x16xf32>,
          %get3A_636 = vector.shape_cast %get3A_635 : vector<1x16xf32> to vector<16xf32>
          %add3A_637 = arith.constant 5 : i32
          %add3A_638 = arith.addi %mul3A_551, %add3A_637 : i32
          %get3A_639 = arith.index_cast %add3A_638 : i32 to index
          %get3A_640 = arith.constant 16 : index
          %get3A_641 = tpu.vector_load %arg17[%get3A_639, %get3A_640] {strides = array<i32>} : memref<200x64xf32, #tpu.memory_space<vmem>>, vector<1x16xf32>,
          %get3A_642 = vector.shape_cast %get3A_641 : vector<1x16xf32> to vector<16xf32>
          %add3A_643 = arith.constant 6 : i32
          %add3A_644 = arith.addi %mul3A_551, %add3A_643 : i32
          %get3A_645 = arith.index_cast %add3A_644 : i32 to index
          %get3A_646 = arith.constant 16 : index
          %get3A_647 = tpu.vector_load %arg17[%get3A_645, %get3A_646] {strides = array<i32>} : memref<200x64xf32, #tpu.memory_space<vmem>>, vector<1x16xf32>,
          %get3A_648 = vector.shape_cast %get3A_647 : vector<1x16xf32> to vector<16xf32>
          %add3A_649 = arith.constant 7 : i32
          %add3A_650 = arith.addi %mul3A_551, %add3A_649 : i32
          %get3A_651 = arith.index_cast %add3A_650 : i32 to index
          %get3A_652 = arith.constant 16 : index
          %get3A_653 = tpu.vector_load %arg17[%get3A_651, %get3A_652] {strides = array<i32>} : memref<200x64xf32, #tpu.memory_space<vmem>>, vector<1x16xf32>,
          %get3A_654 = vector.shape_cast %get3A_653 : vector<1x16xf32> to vector<16xf32>
          %add3A_655 = arith.addf %get3A_612, %get3A_618 : vector<16xf32>
          %add3A_656 = arith.addf %get3A_624, %get3A_630 : vector<16xf32>
          %add3A_657 = arith.addf %get3A_636, %get3A_642 : vector<16xf32>
          %add3A_658 = arith.addf %get3A_648, %get3A_654 : vector<16xf32>
          %add3A_659 = arith.addf %add3A_655, %add3A_656 : vector<16xf32>
          %add3A_660 = arith.addf %add3A_657, %add3A_658 : vector<16xf32>
          %add3A_661 = arith.addf %add3A_659, %add3A_660 : vector<16xf32>
          %add3A_662 = arith.addf %scan3A_547, %add3A_661 : vector<16xf32>
          %add3A_663 = arith.constant 0 : i32
          %add3A_664 = arith.addi %mul3A_551, %add3A_663 : i32
          %get3A_665 = arith.index_cast %add3A_664 : i32 to index
          %get3A_666 = arith.constant 32 : index
          %get3A_667 = tpu.vector_load %arg17[%get3A_665, %get3A_666] {strides = array<i32>} : memref<200x64xf32, #tpu.memory_space<vmem>>, vector<1x16xf32>,
          %get3A_668 = vector.shape_cast %get3A_667 : vector<1x16xf32> to vector<16xf32>
          %add3A_669 = arith.constant 1 : i32
          %add3A_670 = arith.addi %mul3A_551, %add3A_669 : i32
          %get3A_671 = arith.index_cast %add3A_670 : i32 to index
          %get3A_672 = arith.constant 32 : index
          %get3A_673 = tpu.vector_load %arg17[%get3A_671, %get3A_672] {strides = array<i32>} : memref<200x64xf32, #tpu.memory_space<vmem>>, vector<1x16xf32>,
          %get3A_674 = vector.shape_cast %get3A_673 : vector<1x16xf32> to vector<16xf32>
          %add3A_675 = arith.constant 2 : i32
          %add3A_676 = arith.addi %mul3A_551, %add3A_675 : i32
          %get3A_677 = arith.index_cast %add3A_676 : i32 to index
          %get3A_678 = arith.constant 32 : index
          %get3A_679 = tpu.vector_load %arg17[%get3A_677, %get3A_678] {strides = array<i32>} : memref<200x64xf32, #tpu.memory_space<vmem>>, vector<1x16xf32>,
          %get3A_680 = vector.shape_cast %get3A_679 : vector<1x16xf32> to vector<16xf32>
          %add3A_681 = arith.constant 3 : i32
          %add3A_682 = arith.addi %mul3A_551, %add3A_681 : i32
          %get3A_683 = arith.index_cast %add3A_682 : i32 to index
          %get3A_684 = arith.constant 32 : index
          %get3A_685 = tpu.vector_load %arg17[%get3A_683, %get3A_684] {strides = array<i32>} : memref<200x64xf32, #tpu.memory_space<vmem>>, vector<1x16xf32>,
          %get3A_686 = vector.shape_cast %get3A_685 : vector<1x16xf32> to vector<16xf32>
          %add3A_687 = arith.constant 4 : i32
          %add3A_688 = arith.addi %mul3A_551, %add3A_687 : i32
          %get3A_689 = arith.index_cast %add3A_688 : i32 to index
          %get3A_690 = arith.constant 32 : index
          %get3A_691 = tpu.vector_load %arg17[%get3A_689, %get3A_690] {strides = array<i32>} : memref<200x64xf32, #tpu.memory_space<vmem>>, vector<1x16xf32>,
          %get3A_692 = vector.shape_cast %get3A_691 : vector<1x16xf32> to vector<16xf32>
          %add3A_693 = arith.constant 5 : i32
          %add3A_694 = arith.addi %mul3A_551, %add3A_693 : i32
          %get3A_695 = arith.index_cast %add3A_694 : i32 to index
          %get3A_696 = arith.constant 32 : index
          %get3A_697 = tpu.vector_load %arg17[%get3A_695, %get3A_696] {strides = array<i32>} : memref<200x64xf32, #tpu.memory_space<vmem>>, vector<1x16xf32>,
          %get3A_698 = vector.shape_cast %get3A_697 : vector<1x16xf32> to vector<16xf32>
          %add3A_699 = arith.constant 6 : i32
          %add3A_700 = arith.addi %mul3A_551, %add3A_699 : i32
          %get3A_701 = arith.index_cast %add3A_700 : i32 to index
          %get3A_702 = arith.constant 32 : index
          %get3A_703 = tpu.vector_load %arg17[%get3A_701, %get3A_702] {strides = array<i32>} : memref<200x64xf32, #tpu.memory_space<vmem>>, vector<1x16xf32>,
          %get3A_704 = vector.shape_cast %get3A_703 : vector<1x16xf32> to vector<16xf32>
          %add3A_705 = arith.constant 7 : i32
          %add3A_706 = arith.addi %mul3A_551, %add3A_705 : i32
          %get3A_707 = arith.index_cast %add3A_706 : i32 to index
          %get3A_708 = arith.constant 32 : index
          %get3A_709 = tpu.vector_load %arg17[%get3A_707, %get3A_708] {strides = array<i32>} : memref<200x64xf32, #tpu.memory_space<vmem>>, vector<1x16xf32>,
          %get3A_710 = vector.shape_cast %get3A_709 : vector<1x16xf32> to vector<16xf32>
          %add3A_711 = arith.addf %get3A_668, %get3A_674 : vector<16xf32>
          %add3A_712 = arith.addf %get3A_680, %get3A_686 : vector<16xf32>
          %add3A_713 = arith.addf %get3A_692, %get3A_698 : vector<16xf32>
          %add3A_714 = arith.addf %get3A_704, %get3A_710 : vector<16xf32>
          %add3A_715 = arith.addf %add3A_711, %add3A_712 : vector<16xf32>
          %add3A_716 = arith.addf %add3A_713, %add3A_714 : vector<16xf32>
          %add3A_717 = arith.addf %add3A_715, %add3A_716 : vector<16xf32>
          %add3A_718 = arith.addf %scan3A_548, %add3A_717 : vector<16xf32>
          %add3A_719 = arith.constant 0 : i32
          %add3A_720 = arith.addi %mul3A_551, %add3A_719 : i32
          %get3A_721 = arith.index_cast %add3A_720 : i32 to index
          %get3A_722 = arith.constant 48 : index
          %get3A_723 = tpu.vector_load %arg17[%get3A_721, %get3A_722] {strides = array<i32>} : memref<200x64xf32, #tpu.memory_space<vmem>>, vector<1x16xf32>,
          %get3A_724 = vector.shape_cast %get3A_723 : vector<1x16xf32> to vector<16xf32>
          %add3A_725 = arith.constant 1 : i32
          %add3A_726 = arith.addi %mul3A_551, %add3A_725 : i32
          %get3A_727 = arith.index_cast %add3A_726 : i32 to index
          %get3A_728 = arith.constant 48 : index
          %get3A_729 = tpu.vector_load %arg17[%get3A_727, %get3A_728] {strides = array<i32>} : memref<200x64xf32, #tpu.memory_space<vmem>>, vector<1x16xf32>,
          %get3A_730 = vector.shape_cast %get3A_729 : vector<1x16xf32> to vector<16xf32>
          %add3A_731 = arith.constant 2 : i32
          %add3A_732 = arith.addi %mul3A_551, %add3A_731 : i32
          %get3A_733 = arith.index_cast %add3A_732 : i32 to index
          %get3A_734 = arith.constant 48 : index
          %get3A_735 = tpu.vector_load %arg17[%get3A_733, %get3A_734] {strides = array<i32>} : memref<200x64xf32, #tpu.memory_space<vmem>>, vector<1x16xf32>,
          %get3A_736 = vector.shape_cast %get3A_735 : vector<1x16xf32> to vector<16xf32>
          %add3A_737 = arith.constant 3 : i32
          %add3A_738 = arith.addi %mul3A_551, %add3A_737 : i32
          %get3A_739 = arith.index_cast %add3A_738 : i32 to index
          %get3A_740 = arith.constant 48 : index
          %get3A_741 = tpu.vector_load %arg17[%get3A_739, %get3A_740] {strides = array<i32>} : memref<200x64xf32, #tpu.memory_space<vmem>>, vector<1x16xf32>,
          %get3A_742 = vector.shape_cast %get3A_741 : vector<1x16xf32> to vector<16xf32>
          %add3A_743 = arith.constant 4 : i32
          %add3A_744 = arith.addi %mul3A_551, %add3A_743 : i32
          %get3A_745 = arith.index_cast %add3A_744 : i32 to index
          %get3A_746 = arith.constant 48 : index
          %get3A_747 = tpu.vector_load %arg17[%get3A_745, %get3A_746] {strides = array<i32>} : memref<200x64xf32, #tpu.memory_space<vmem>>, vector<1x16xf32>,
          %get3A_748 = vector.shape_cast %get3A_747 : vector<1x16xf32> to vector<16xf32>
          %add3A_749 = arith.constant 5 : i32
          %add3A_750 = arith.addi %mul3A_551, %add3A_749 : i32
          %get3A_751 = arith.index_cast %add3A_750 : i32 to index
          %get3A_752 = arith.constant 48 : index
          %get3A_753 = tpu.vector_load %arg17[%get3A_751, %get3A_752] {strides = array<i32>} : memref<200x64xf32, #tpu.memory_space<vmem>>, vector<1x16xf32>,
          %get3A_754 = vector.shape_cast %get3A_753 : vector<1x16xf32> to vector<16xf32>
          %add3A_755 = arith.constant 6 : i32
          %add3A_756 = arith.addi %mul3A_551, %add3A_755 : i32
          %get3A_757 = arith.index_cast %add3A_756 : i32 to index
          %get3A_758 = arith.constant 48 : index
          %get3A_759 = tpu.vector_load %arg17[%get3A_757, %get3A_758] {strides = array<i32>} : memref<200x64xf32, #tpu.memory_space<vmem>>, vector<1x16xf32>,
          %get3A_760 = vector.shape_cast %get3A_759 : vector<1x16xf32> to vector<16xf32>
          %add3A_761 = arith.constant 7 : i32
          %add3A_762 = arith.addi %mul3A_551, %add3A_761 : i32
          %get3A_763 = arith.index_cast %add3A_762 : i32 to index
          %get3A_764 = arith.constant 48 : index
          %get3A_765 = tpu.vector_load %arg17[%get3A_763, %get3A_764] {strides = array<i32>} : memref<200x64xf32, #tpu.memory_space<vmem>>, vector<1x16xf32>,
          %get3A_766 = vector.shape_cast %get3A_765 : vector<1x16xf32> to vector<16xf32>
          %add3A_767 = arith.addf %get3A_724, %get3A_730 : vector<16xf32>
          %add3A_768 = arith.addf %get3A_736, %get3A_742 : vector<16xf32>
          %add3A_769 = arith.addf %get3A_748, %get3A_754 : vector<16xf32>
          %add3A_770 = arith.addf %get3A_760, %get3A_766 : vector<16xf32>
          %add3A_771 = arith.addf %add3A_767, %add3A_768 : vector<16xf32>
          %add3A_772 = arith.addf %add3A_769, %add3A_770 : vector<16xf32>
          %add3A_773 = arith.addf %add3A_771, %add3A_772 : vector<16xf32>
          %add3A_774 = arith.addf %scan3A_549, %add3A_773 : vector<16xf32>
          scf.yield %add3A_606, %add3A_662, %add3A_718, %add3A_774 : vector<16xf32>, vector<16xf32>, vector<16xf32>, vector<16xf32>
        }
        %scan3A_439 = arith.constant 25 : i32
        %swap3A_440 = arith.index_cast %add3A_376 : i32 to index
        %swap3A_441 = arith.constant 0 : index
        %swap3A_442 = tpu.vector_load %arg19[%swap3A_440, %swap3A_441] {strides = array<i32>} : memref<256x64xf32, #tpu.memory_space<vmem>>, vector<1x16xf32>,
        %swap3A_443 = vector.shape_cast %swap3A_442 : vector<1x16xf32> to vector<16xf32>
        %swap3A_444 = vector.shape_cast %scan3A_438#0 : vector<16xf32> to vector<1x16xf32>
        tpu.vector_store %arg19[%swap3A_440, %swap3A_441], %swap3A_444 {strides = array<i32>} : memref<256x64xf32, #tpu.memory_space<vmem>>, vector<1x16xf32>,
        %swap3A_445 = arith.index_cast %add3A_376 : i32 to index
        %swap3A_446 = arith.constant 16 : index
        %swap3A_447 = tpu.vector_load %arg19[%swap3A_445, %swap3A_446] {strides = array<i32>} : memref<256x64xf32, #tpu.memory_space<vmem>>, vector<1x16xf32>,
        %swap3A_448 = vector.shape_cast %swap3A_447 : vector<1x16xf32> to vector<16xf32>
        %swap3A_449 = vector.shape_cast %scan3A_438#1 : vector<16xf32> to vector<1x16xf32>
        tpu.vector_store %arg19[%swap3A_445, %swap3A_446], %swap3A_449 {strides = array<i32>} : memref<256x64xf32, #tpu.memory_space<vmem>>, vector<1x16xf32>,
        %swap3A_450 = arith.index_cast %add3A_376 : i32 to index
        %swap3A_451 = arith.constant 32 : index
        %swap3A_452 = tpu.vector_load %arg19[%swap3A_450, %swap3A_451] {strides = array<i32>} : memref<256x64xf32, #tpu.memory_space<vmem>>, vector<1x16xf32>,
        %swap3A_453 = vector.shape_cast %swap3A_452 : vector<1x16xf32> to vector<16xf32>
        %swap3A_454 = vector.shape_cast %scan3A_438#2 : vector<16xf32> to vector<1x16xf32>
        tpu.vector_store %arg19[%swap3A_450, %swap3A_451], %swap3A_454 {strides = array<i32>} : memref<256x64xf32, #tpu.memory_space<vmem>>, vector<1x16xf32>,
        %swap3A_455 = arith.index_cast %add3A_376 : i32 to index
        %swap3A_456 = arith.constant 48 : index
        %swap3A_457 = tpu.vector_load %arg19[%swap3A_455, %swap3A_456] {strides = array<i32>} : memref<256x64xf32, #tpu.memory_space<vmem>>, vector<1x16xf32>,
        %swap3A_458 = vector.shape_cast %swap3A_457 : vector<1x16xf32> to vector<16xf32>
        %swap3A_459 = vector.shape_cast %scan3A_438#3 : vector<16xf32> to vector<1x16xf32>
        tpu.vector_store %arg19[%swap3A_455, %swap3A_456], %swap3A_459 {strides = array<i32>} : memref<256x64xf32, #tpu.memory_space<vmem>>, vector<1x16xf32>,
        %add3A_460 = arith.constant 3 : i32
        %add3A_461 = arith.addi %mul3A_206, %add3A_460 : i32
        %dma_wait3A_462 = arith.constant 0 : i32
        %dma_wait3A_463 = arith.constant 0 : i32
        %dma_wait3A_464 = tpu.memref_slice %arg18[%dma_wait3A_462, %dma_wait3A_463] : memref<200x64xf32, #tpu.memory_space<vmem>> -> memref<128x64xf32, #tpu.memory_space<vmem>>
        %dma_wait3A_465 = arith.constant 0 : i32
        %dma_wait3A_466 = arith.constant 0 : i32
        %dma_wait3A_467 = tpu.memref_slice %arg4[%dma_wait3A_465, %dma_wait3A_466] : memref<1000000x64xf32, #tpu.memory_space<hbm>> -> memref<1000000x64xf32, #tpu.memory_space<hbm>>
        tpu.wait_indirect_dma semaphore(%arg27 : memref<!tpu.dma_semaphore, #tpu.memory_space<semaphore_mem>>) src(%dma_wait3A_467 : memref<1000000x64xf32, #tpu.memory_space<hbm>>) dst(%dma_wait3A_464 : memref<128x64xf32, #tpu.memory_space<vmem>>)
        %dma_wait3A_468 = arith.constant 128 : i32
        %dma_wait3A_469 = arith.constant 0 : i32
        %dma_wait3A_470 = tpu.memref_slice %arg18[%dma_wait3A_468, %dma_wait3A_469] : memref<200x64xf32, #tpu.memory_space<vmem>> -> memref<72x64xf32, #tpu.memory_space<vmem>>
        %dma_wait3A_471 = arith.constant 0 : i32
        %dma_wait3A_472 = arith.constant 0 : i32
        %dma_wait3A_473 = tpu.memref_slice %arg4[%dma_wait3A_471, %dma_wait3A_472] : memref<1000000x64xf32, #tpu.memory_space<hbm>> -> memref<1000000x64xf32, #tpu.memory_space<hbm>>
        tpu.wait_indirect_dma semaphore(%arg27 : memref<!tpu.dma_semaphore, #tpu.memory_space<semaphore_mem>>) src(%dma_wait3A_473 : memref<1000000x64xf32, #tpu.memory_space<hbm>>) dst(%dma_wait3A_470 : memref<72x64xf32, #tpu.memory_space<vmem>>)
        %add3A_474 = arith.constant 4 : i32
        %add3A_475 = arith.addi %add3A_461, %add3A_474 : i32
        %rem3A_476 = arith.constant 256 : i32
        %rem3A_477 = arith.remsi %add3A_475, %rem3A_476 : i32
        %add3A_478 = arith.addi %mul3A_9, %rem3A_477 : i32
        %dma_start3A_479 = arith.constant 0 : i32
        %dma_start3A_480 = tpu.memref_slice %arg3[%add3A_478, %dma_start3A_479] : memref<4096x200xi32, #tpu.memory_space<hbm>> -> memref<1x128xi32, #tpu.memory_space<hbm>>
        %dma_start3A_481 = tpu.memref_squeeze %dma_start3A_480 : memref<1x128xi32, #tpu.memory_space<hbm>> -> memref<128xi32, #tpu.memory_space<hbm>>
        %dma_start3A_482 = arith.constant 0 : i32
        %dma_start3A_483 = tpu.memref_slice %arg3[%add3A_478, %dma_start3A_482] : memref<4096x200xi32, #tpu.memory_space<hbm>> -> memref<1x128xi32, #tpu.memory_space<hbm>>
        %dma_start3A_484 = tpu.memref_squeeze %dma_start3A_483 : memref<1x128xi32, #tpu.memory_space<hbm>> -> memref<128xi32, #tpu.memory_space<hbm>>
        tpu.enqueue_dma source(%dma_start3A_484 : memref<128xi32, #tpu.memory_space<hbm>>) target(%arg10 : memref<128xi32, #tpu.memory_space<vmem>>) target_semaphore(%arg23 : memref<!tpu.dma_semaphore, #tpu.memory_space<semaphore_mem>>)
        %dma_start3A_485 = arith.constant 128 : i32
        %dma_start3A_486 = tpu.memref_slice %arg3[%add3A_478, %dma_start3A_485] : memref<4096x200xi32, #tpu.memory_space<hbm>> -> memref<1x72xi32, #tpu.memory_space<hbm>>
        %dma_start3A_487 = tpu.memref_squeeze %dma_start3A_486 : memref<1x72xi32, #tpu.memory_space<hbm>> -> memref<72xi32, #tpu.memory_space<hbm>>
        %dma_start3A_488 = arith.constant 128 : i32
        %dma_start3A_489 = tpu.memref_slice %arg3[%add3A_478, %dma_start3A_488] : memref<4096x200xi32, #tpu.memory_space<hbm>> -> memref<1x72xi32, #tpu.memory_space<hbm>>
        %dma_start3A_490 = tpu.memref_squeeze %dma_start3A_489 : memref<1x72xi32, #tpu.memory_space<hbm>> -> memref<72xi32, #tpu.memory_space<hbm>>
        tpu.enqueue_dma source(%dma_start3A_490 : memref<72xi32, #tpu.memory_space<hbm>>) target(%arg14 : memref<72xi32, #tpu.memory_space<vmem>>) target_semaphore(%arg23 : memref<!tpu.dma_semaphore, #tpu.memory_space<semaphore_mem>>)
        %dma_wait3A_491 = arith.constant 0 : i32
        %dma_wait3A_492 = arith.constant 0 : i32
        %dma_wait3A_493 = tpu.memref_slice %arg3[%dma_wait3A_491, %dma_wait3A_492] : memref<4096x200xi32, #tpu.memory_space<hbm>> -> memref<1x128xi32, #tpu.memory_space<hbm>>
        %dma_wait3A_494 = tpu.memref_squeeze %dma_wait3A_493 : memref<1x128xi32, #tpu.memory_space<hbm>> -> memref<128xi32, #tpu.memory_space<hbm>>
        %dma_wait3A_495 = arith.constant 0 : i32
        %dma_wait3A_496 = tpu.memref_slice %arg3[%dma_wait3A_491, %dma_wait3A_495] : memref<4096x200xi32, #tpu.memory_space<hbm>> -> memref<1x128xi32, #tpu.memory_space<hbm>>
        %dma_wait3A_497 = tpu.memref_squeeze %dma_wait3A_496 : memref<1x128xi32, #tpu.memory_space<hbm>> -> memref<128xi32, #tpu.memory_space<hbm>>
        tpu.wait_dma2 semaphore(%arg22 : memref<!tpu.dma_semaphore, #tpu.memory_space<semaphore_mem>>) src(%dma_wait3A_497 : memref<128xi32, #tpu.memory_space<hbm>>) dst(%arg9 : memref<128xi32, #tpu.memory_space<vmem>>)
        %dma_wait3A_498 = arith.constant 0 : i32
        %dma_wait3A_499 = arith.constant 128 : i32
        %dma_wait3A_500 = tpu.memref_slice %arg3[%dma_wait3A_498, %dma_wait3A_499] : memref<4096x200xi32, #tpu.memory_space<hbm>> -> memref<1x72xi32, #tpu.memory_space<hbm>>
        %dma_wait3A_501 = tpu.memref_squeeze %dma_wait3A_500 : memref<1x72xi32, #tpu.memory_space<hbm>> -> memref<72xi32, #tpu.memory_space<hbm>>
        %dma_wait3A_502 = arith.constant 128 : i32
        %dma_wait3A_503 = tpu.memref_slice %arg3[%dma_wait3A_498, %dma_wait3A_502] : memref<4096x200xi32, #tpu.memory_space<hbm>> -> memref<1x72xi32, #tpu.memory_space<hbm>>
        %dma_wait3A_504 = tpu.memref_squeeze %dma_wait3A_503 : memref<1x72xi32, #tpu.memory_space<hbm>> -> memref<72xi32, #tpu.memory_space<hbm>>
        tpu.wait_dma2 semaphore(%arg22 : memref<!tpu.dma_semaphore, #tpu.memory_space<semaphore_mem>>) src(%dma_wait3A_504 : memref<72xi32, #tpu.memory_space<hbm>>) dst(%arg13 : memref<72xi32, #tpu.memory_space<vmem>>)
        %dma_start3A_505 = arith.constant 0 : i32
        %dma_start3A_506 = arith.constant 0 : i32
        %dma_start3A_507 = tpu.memref_slice %arg17[%dma_start3A_505, %dma_start3A_506] : memref<200x64xf32, #tpu.memory_space<vmem>> -> memref<128x64xf32, #tpu.memory_space<vmem>>
        %dma_start3A_508 = arith.constant 0 : i32
        %dma_start3A_509 = arith.constant 0 : i32
        %dma_start3A_510 = tpu.memref_slice %arg4[%dma_start3A_508, %dma_start3A_509] : memref<1000000x64xf32, #tpu.memory_space<hbm>> -> memref<1000000x64xf32, #tpu.memory_space<hbm>>
        tpu.enqueue_indirect_dma source(%dma_start3A_510 : memref<1000000x64xf32, #tpu.memory_space<hbm>>) target(%dma_start3A_507 : memref<128x64xf32, #tpu.memory_space<vmem>>) offsets(%arg9 : memref<128xi32, #tpu.memory_space<vmem>>) semaphore(%arg26 : memref<!tpu.dma_semaphore, #tpu.memory_space<semaphore_mem>>)
        %dma_start3A_511 = arith.constant 128 : i32
        %dma_start3A_512 = arith.constant 0 : i32
        %dma_start3A_513 = tpu.memref_slice %arg17[%dma_start3A_511, %dma_start3A_512] : memref<200x64xf32, #tpu.memory_space<vmem>> -> memref<72x64xf32, #tpu.memory_space<vmem>>
        %dma_start3A_514 = arith.constant 0 : i32
        %dma_start3A_515 = arith.constant 0 : i32
        %dma_start3A_516 = tpu.memref_slice %arg4[%dma_start3A_514, %dma_start3A_515] : memref<1000000x64xf32, #tpu.memory_space<hbm>> -> memref<1000000x64xf32, #tpu.memory_space<hbm>>
        tpu.enqueue_indirect_dma source(%dma_start3A_516 : memref<1000000x64xf32, #tpu.memory_space<hbm>>) target(%dma_start3A_513 : memref<72x64xf32, #tpu.memory_space<vmem>>) offsets(%arg13 : memref<72xi32, #tpu.memory_space<vmem>>) semaphore(%arg26 : memref<!tpu.dma_semaphore, #tpu.memory_space<semaphore_mem>>)
        %broadcast_in_dim3A_517 = arith.constant 0.000000e+00 : f32
        %broadcast_in_dim3A_518 = vector.broadcast %broadcast_in_dim3A_517 : f32 to vector<16xf32>
        %scan3A_519 = arith.constant 0 : i32
        %scan3A_520 = arith.constant 25 : i32
        %scan3A_521 = arith.addi %scan3A_519, %scan3A_520 : i32
        %scan3A_522 = arith.constant 1 : i32
        %scan3A_523:4 = scf.for %scan3A_545 = %scan3A_519 to %scan3A_521 step %scan3A_522 iter_args(%scan3A_546 = %broadcast_in_dim3A_518, %scan3A_547 = %broadcast_in_dim3A_518, %scan3A_548 = %broadcast_in_dim3A_518, %scan3A_549 = %broadcast_in_dim3A_518) -> (vector<16xf32>, vector<16xf32>, vector<16xf32>, vector<16xf32>)  : i32 {
          %mul3A_550 = arith.constant 8 : i32
          %mul3A_551 = arith.muli %scan3A_545, %mul3A_550 : i32
          %add3A_552 = arith.constant 0 : i32
          %add3A_553 = arith.addi %mul3A_551, %add3A_552 : i32
          %get3A = arith.index_cast %add3A_553 : i32 to index
          %get3A_554 = arith.constant 0 : index
          %get3A_555 = tpu.vector_load %arg18[%get3A, %get3A_554] {strides = array<i32>} : memref<200x64xf32, #tpu.memory_space<vmem>>, vector<1x16xf32>,
          %get3A_556 = vector.shape_cast %get3A_555 : vector<1x16xf32> to vector<16xf32>
          %add3A_557 = arith.constant 1 : i32
          %add3A_558 = arith.addi %mul3A_551, %add3A_557 : i32
          %get3A_559 = arith.index_cast %add3A_558 : i32 to index
          %get3A_560 = arith.constant 0 : index
          %get3A_561 = tpu.vector_load %arg18[%get3A_559, %get3A_560] {strides = array<i32>} : memref<200x64xf32, #tpu.memory_space<vmem>>, vector<1x16xf32>,
          %get3A_562 = vector.shape_cast %get3A_561 : vector<1x16xf32> to vector<16xf32>
          %add3A_563 = arith.constant 2 : i32
          %add3A_564 = arith.addi %mul3A_551, %add3A_563 : i32
          %get3A_565 = arith.index_cast %add3A_564 : i32 to index
          %get3A_566 = arith.constant 0 : index
          %get3A_567 = tpu.vector_load %arg18[%get3A_565, %get3A_566] {strides = array<i32>} : memref<200x64xf32, #tpu.memory_space<vmem>>, vector<1x16xf32>,
          %get3A_568 = vector.shape_cast %get3A_567 : vector<1x16xf32> to vector<16xf32>
          %add3A_569 = arith.constant 3 : i32
          %add3A_570 = arith.addi %mul3A_551, %add3A_569 : i32
          %get3A_571 = arith.index_cast %add3A_570 : i32 to index
          %get3A_572 = arith.constant 0 : index
          %get3A_573 = tpu.vector_load %arg18[%get3A_571, %get3A_572] {strides = array<i32>} : memref<200x64xf32, #tpu.memory_space<vmem>>, vector<1x16xf32>,
          %get3A_574 = vector.shape_cast %get3A_573 : vector<1x16xf32> to vector<16xf32>
          %add3A_575 = arith.constant 4 : i32
          %add3A_576 = arith.addi %mul3A_551, %add3A_575 : i32
          %get3A_577 = arith.index_cast %add3A_576 : i32 to index
          %get3A_578 = arith.constant 0 : index
          %get3A_579 = tpu.vector_load %arg18[%get3A_577, %get3A_578] {strides = array<i32>} : memref<200x64xf32, #tpu.memory_space<vmem>>, vector<1x16xf32>,
          %get3A_580 = vector.shape_cast %get3A_579 : vector<1x16xf32> to vector<16xf32>
          %add3A_581 = arith.constant 5 : i32
          %add3A_582 = arith.addi %mul3A_551, %add3A_581 : i32
          %get3A_583 = arith.index_cast %add3A_582 : i32 to index
          %get3A_584 = arith.constant 0 : index
          %get3A_585 = tpu.vector_load %arg18[%get3A_583, %get3A_584] {strides = array<i32>} : memref<200x64xf32, #tpu.memory_space<vmem>>, vector<1x16xf32>,
          %get3A_586 = vector.shape_cast %get3A_585 : vector<1x16xf32> to vector<16xf32>
          %add3A_587 = arith.constant 6 : i32
          %add3A_588 = arith.addi %mul3A_551, %add3A_587 : i32
          %get3A_589 = arith.index_cast %add3A_588 : i32 to index
          %get3A_590 = arith.constant 0 : index
          %get3A_591 = tpu.vector_load %arg18[%get3A_589, %get3A_590] {strides = array<i32>} : memref<200x64xf32, #tpu.memory_space<vmem>>, vector<1x16xf32>,
          %get3A_592 = vector.shape_cast %get3A_591 : vector<1x16xf32> to vector<16xf32>
          %add3A_593 = arith.constant 7 : i32
          %add3A_594 = arith.addi %mul3A_551, %add3A_593 : i32
          %get3A_595 = arith.index_cast %add3A_594 : i32 to index
          %get3A_596 = arith.constant 0 : index
          %get3A_597 = tpu.vector_load %arg18[%get3A_595, %get3A_596] {strides = array<i32>} : memref<200x64xf32, #tpu.memory_space<vmem>>, vector<1x16xf32>,
          %get3A_598 = vector.shape_cast %get3A_597 : vector<1x16xf32> to vector<16xf32>
          %add3A_599 = arith.addf %get3A_556, %get3A_562 : vector<16xf32>
          %add3A_600 = arith.addf %get3A_568, %get3A_574 : vector<16xf32>
          %add3A_601 = arith.addf %get3A_580, %get3A_586 : vector<16xf32>
          %add3A_602 = arith.addf %get3A_592, %get3A_598 : vector<16xf32>
          %add3A_603 = arith.addf %add3A_599, %add3A_600 : vector<16xf32>
          %add3A_604 = arith.addf %add3A_601, %add3A_602 : vector<16xf32>
          %add3A_605 = arith.addf %add3A_603, %add3A_604 : vector<16xf32>
          %add3A_606 = arith.addf %scan3A_546, %add3A_605 : vector<16xf32>
          %add3A_607 = arith.constant 0 : i32
          %add3A_608 = arith.addi %mul3A_551, %add3A_607 : i32
          %get3A_609 = arith.index_cast %add3A_608 : i32 to index
          %get3A_610 = arith.constant 16 : index
          %get3A_611 = tpu.vector_load %arg18[%get3A_609, %get3A_610] {strides = array<i32>} : memref<200x64xf32, #tpu.memory_space<vmem>>, vector<1x16xf32>,
          %get3A_612 = vector.shape_cast %get3A_611 : vector<1x16xf32> to vector<16xf32>
          %add3A_613 = arith.constant 1 : i32
          %add3A_614 = arith.addi %mul3A_551, %add3A_613 : i32
          %get3A_615 = arith.index_cast %add3A_614 : i32 to index
          %get3A_616 = arith.constant 16 : index
          %get3A_617 = tpu.vector_load %arg18[%get3A_615, %get3A_616] {strides = array<i32>} : memref<200x64xf32, #tpu.memory_space<vmem>>, vector<1x16xf32>,
          %get3A_618 = vector.shape_cast %get3A_617 : vector<1x16xf32> to vector<16xf32>
          %add3A_619 = arith.constant 2 : i32
          %add3A_620 = arith.addi %mul3A_551, %add3A_619 : i32
          %get3A_621 = arith.index_cast %add3A_620 : i32 to index
          %get3A_622 = arith.constant 16 : index
          %get3A_623 = tpu.vector_load %arg18[%get3A_621, %get3A_622] {strides = array<i32>} : memref<200x64xf32, #tpu.memory_space<vmem>>, vector<1x16xf32>,
          %get3A_624 = vector.shape_cast %get3A_623 : vector<1x16xf32> to vector<16xf32>
          %add3A_625 = arith.constant 3 : i32
          %add3A_626 = arith.addi %mul3A_551, %add3A_625 : i32
          %get3A_627 = arith.index_cast %add3A_626 : i32 to index
          %get3A_628 = arith.constant 16 : index
          %get3A_629 = tpu.vector_load %arg18[%get3A_627, %get3A_628] {strides = array<i32>} : memref<200x64xf32, #tpu.memory_space<vmem>>, vector<1x16xf32>,
          %get3A_630 = vector.shape_cast %get3A_629 : vector<1x16xf32> to vector<16xf32>
          %add3A_631 = arith.constant 4 : i32
          %add3A_632 = arith.addi %mul3A_551, %add3A_631 : i32
          %get3A_633 = arith.index_cast %add3A_632 : i32 to index
          %get3A_634 = arith.constant 16 : index
          %get3A_635 = tpu.vector_load %arg18[%get3A_633, %get3A_634] {strides = array<i32>} : memref<200x64xf32, #tpu.memory_space<vmem>>, vector<1x16xf32>,
          %get3A_636 = vector.shape_cast %get3A_635 : vector<1x16xf32> to vector<16xf32>
          %add3A_637 = arith.constant 5 : i32
          %add3A_638 = arith.addi %mul3A_551, %add3A_637 : i32
          %get3A_639 = arith.index_cast %add3A_638 : i32 to index
          %get3A_640 = arith.constant 16 : index
          %get3A_641 = tpu.vector_load %arg18[%get3A_639, %get3A_640] {strides = array<i32>} : memref<200x64xf32, #tpu.memory_space<vmem>>, vector<1x16xf32>,
          %get3A_642 = vector.shape_cast %get3A_641 : vector<1x16xf32> to vector<16xf32>
          %add3A_643 = arith.constant 6 : i32
          %add3A_644 = arith.addi %mul3A_551, %add3A_643 : i32
          %get3A_645 = arith.index_cast %add3A_644 : i32 to index
          %get3A_646 = arith.constant 16 : index
          %get3A_647 = tpu.vector_load %arg18[%get3A_645, %get3A_646] {strides = array<i32>} : memref<200x64xf32, #tpu.memory_space<vmem>>, vector<1x16xf32>,
          %get3A_648 = vector.shape_cast %get3A_647 : vector<1x16xf32> to vector<16xf32>
          %add3A_649 = arith.constant 7 : i32
          %add3A_650 = arith.addi %mul3A_551, %add3A_649 : i32
          %get3A_651 = arith.index_cast %add3A_650 : i32 to index
          %get3A_652 = arith.constant 16 : index
          %get3A_653 = tpu.vector_load %arg18[%get3A_651, %get3A_652] {strides = array<i32>} : memref<200x64xf32, #tpu.memory_space<vmem>>, vector<1x16xf32>,
          %get3A_654 = vector.shape_cast %get3A_653 : vector<1x16xf32> to vector<16xf32>
          %add3A_655 = arith.addf %get3A_612, %get3A_618 : vector<16xf32>
          %add3A_656 = arith.addf %get3A_624, %get3A_630 : vector<16xf32>
          %add3A_657 = arith.addf %get3A_636, %get3A_642 : vector<16xf32>
          %add3A_658 = arith.addf %get3A_648, %get3A_654 : vector<16xf32>
          %add3A_659 = arith.addf %add3A_655, %add3A_656 : vector<16xf32>
          %add3A_660 = arith.addf %add3A_657, %add3A_658 : vector<16xf32>
          %add3A_661 = arith.addf %add3A_659, %add3A_660 : vector<16xf32>
          %add3A_662 = arith.addf %scan3A_547, %add3A_661 : vector<16xf32>
          %add3A_663 = arith.constant 0 : i32
          %add3A_664 = arith.addi %mul3A_551, %add3A_663 : i32
          %get3A_665 = arith.index_cast %add3A_664 : i32 to index
          %get3A_666 = arith.constant 32 : index
          %get3A_667 = tpu.vector_load %arg18[%get3A_665, %get3A_666] {strides = array<i32>} : memref<200x64xf32, #tpu.memory_space<vmem>>, vector<1x16xf32>,
          %get3A_668 = vector.shape_cast %get3A_667 : vector<1x16xf32> to vector<16xf32>
          %add3A_669 = arith.constant 1 : i32
          %add3A_670 = arith.addi %mul3A_551, %add3A_669 : i32
          %get3A_671 = arith.index_cast %add3A_670 : i32 to index
          %get3A_672 = arith.constant 32 : index
          %get3A_673 = tpu.vector_load %arg18[%get3A_671, %get3A_672] {strides = array<i32>} : memref<200x64xf32, #tpu.memory_space<vmem>>, vector<1x16xf32>,
          %get3A_674 = vector.shape_cast %get3A_673 : vector<1x16xf32> to vector<16xf32>
          %add3A_675 = arith.constant 2 : i32
          %add3A_676 = arith.addi %mul3A_551, %add3A_675 : i32
          %get3A_677 = arith.index_cast %add3A_676 : i32 to index
          %get3A_678 = arith.constant 32 : index
          %get3A_679 = tpu.vector_load %arg18[%get3A_677, %get3A_678] {strides = array<i32>} : memref<200x64xf32, #tpu.memory_space<vmem>>, vector<1x16xf32>,
          %get3A_680 = vector.shape_cast %get3A_679 : vector<1x16xf32> to vector<16xf32>
          %add3A_681 = arith.constant 3 : i32
          %add3A_682 = arith.addi %mul3A_551, %add3A_681 : i32
          %get3A_683 = arith.index_cast %add3A_682 : i32 to index
          %get3A_684 = arith.constant 32 : index
          %get3A_685 = tpu.vector_load %arg18[%get3A_683, %get3A_684] {strides = array<i32>} : memref<200x64xf32, #tpu.memory_space<vmem>>, vector<1x16xf32>,
          %get3A_686 = vector.shape_cast %get3A_685 : vector<1x16xf32> to vector<16xf32>
          %add3A_687 = arith.constant 4 : i32
          %add3A_688 = arith.addi %mul3A_551, %add3A_687 : i32
          %get3A_689 = arith.index_cast %add3A_688 : i32 to index
          %get3A_690 = arith.constant 32 : index
          %get3A_691 = tpu.vector_load %arg18[%get3A_689, %get3A_690] {strides = array<i32>} : memref<200x64xf32, #tpu.memory_space<vmem>>, vector<1x16xf32>,
          %get3A_692 = vector.shape_cast %get3A_691 : vector<1x16xf32> to vector<16xf32>
          %add3A_693 = arith.constant 5 : i32
          %add3A_694 = arith.addi %mul3A_551, %add3A_693 : i32
          %get3A_695 = arith.index_cast %add3A_694 : i32 to index
          %get3A_696 = arith.constant 32 : index
          %get3A_697 = tpu.vector_load %arg18[%get3A_695, %get3A_696] {strides = array<i32>} : memref<200x64xf32, #tpu.memory_space<vmem>>, vector<1x16xf32>,
          %get3A_698 = vector.shape_cast %get3A_697 : vector<1x16xf32> to vector<16xf32>
          %add3A_699 = arith.constant 6 : i32
          %add3A_700 = arith.addi %mul3A_551, %add3A_699 : i32
          %get3A_701 = arith.index_cast %add3A_700 : i32 to index
          %get3A_702 = arith.constant 32 : index
          %get3A_703 = tpu.vector_load %arg18[%get3A_701, %get3A_702] {strides = array<i32>} : memref<200x64xf32, #tpu.memory_space<vmem>>, vector<1x16xf32>,
          %get3A_704 = vector.shape_cast %get3A_703 : vector<1x16xf32> to vector<16xf32>
          %add3A_705 = arith.constant 7 : i32
          %add3A_706 = arith.addi %mul3A_551, %add3A_705 : i32
          %get3A_707 = arith.index_cast %add3A_706 : i32 to index
          %get3A_708 = arith.constant 32 : index
          %get3A_709 = tpu.vector_load %arg18[%get3A_707, %get3A_708] {strides = array<i32>} : memref<200x64xf32, #tpu.memory_space<vmem>>, vector<1x16xf32>,
          %get3A_710 = vector.shape_cast %get3A_709 : vector<1x16xf32> to vector<16xf32>
          %add3A_711 = arith.addf %get3A_668, %get3A_674 : vector<16xf32>
          %add3A_712 = arith.addf %get3A_680, %get3A_686 : vector<16xf32>
          %add3A_713 = arith.addf %get3A_692, %get3A_698 : vector<16xf32>
          %add3A_714 = arith.addf %get3A_704, %get3A_710 : vector<16xf32>
          %add3A_715 = arith.addf %add3A_711, %add3A_712 : vector<16xf32>
          %add3A_716 = arith.addf %add3A_713, %add3A_714 : vector<16xf32>
          %add3A_717 = arith.addf %add3A_715, %add3A_716 : vector<16xf32>
          %add3A_718 = arith.addf %scan3A_548, %add3A_717 : vector<16xf32>
          %add3A_719 = arith.constant 0 : i32
          %add3A_720 = arith.addi %mul3A_551, %add3A_719 : i32
          %get3A_721 = arith.index_cast %add3A_720 : i32 to index
          %get3A_722 = arith.constant 48 : index
          %get3A_723 = tpu.vector_load %arg18[%get3A_721, %get3A_722] {strides = array<i32>} : memref<200x64xf32, #tpu.memory_space<vmem>>, vector<1x16xf32>,
          %get3A_724 = vector.shape_cast %get3A_723 : vector<1x16xf32> to vector<16xf32>
          %add3A_725 = arith.constant 1 : i32
          %add3A_726 = arith.addi %mul3A_551, %add3A_725 : i32
          %get3A_727 = arith.index_cast %add3A_726 : i32 to index
          %get3A_728 = arith.constant 48 : index
          %get3A_729 = tpu.vector_load %arg18[%get3A_727, %get3A_728] {strides = array<i32>} : memref<200x64xf32, #tpu.memory_space<vmem>>, vector<1x16xf32>,
          %get3A_730 = vector.shape_cast %get3A_729 : vector<1x16xf32> to vector<16xf32>
          %add3A_731 = arith.constant 2 : i32
          %add3A_732 = arith.addi %mul3A_551, %add3A_731 : i32
          %get3A_733 = arith.index_cast %add3A_732 : i32 to index
          %get3A_734 = arith.constant 48 : index
          %get3A_735 = tpu.vector_load %arg18[%get3A_733, %get3A_734] {strides = array<i32>} : memref<200x64xf32, #tpu.memory_space<vmem>>, vector<1x16xf32>,
          %get3A_736 = vector.shape_cast %get3A_735 : vector<1x16xf32> to vector<16xf32>
          %add3A_737 = arith.constant 3 : i32
          %add3A_738 = arith.addi %mul3A_551, %add3A_737 : i32
          %get3A_739 = arith.index_cast %add3A_738 : i32 to index
          %get3A_740 = arith.constant 48 : index
          %get3A_741 = tpu.vector_load %arg18[%get3A_739, %get3A_740] {strides = array<i32>} : memref<200x64xf32, #tpu.memory_space<vmem>>, vector<1x16xf32>,
          %get3A_742 = vector.shape_cast %get3A_741 : vector<1x16xf32> to vector<16xf32>
          %add3A_743 = arith.constant 4 : i32
          %add3A_744 = arith.addi %mul3A_551, %add3A_743 : i32
          %get3A_745 = arith.index_cast %add3A_744 : i32 to index
          %get3A_746 = arith.constant 48 : index
          %get3A_747 = tpu.vector_load %arg18[%get3A_745, %get3A_746] {strides = array<i32>} : memref<200x64xf32, #tpu.memory_space<vmem>>, vector<1x16xf32>,
          %get3A_748 = vector.shape_cast %get3A_747 : vector<1x16xf32> to vector<16xf32>
          %add3A_749 = arith.constant 5 : i32
          %add3A_750 = arith.addi %mul3A_551, %add3A_749 : i32
          %get3A_751 = arith.index_cast %add3A_750 : i32 to index
          %get3A_752 = arith.constant 48 : index
          %get3A_753 = tpu.vector_load %arg18[%get3A_751, %get3A_752] {strides = array<i32>} : memref<200x64xf32, #tpu.memory_space<vmem>>, vector<1x16xf32>,
          %get3A_754 = vector.shape_cast %get3A_753 : vector<1x16xf32> to vector<16xf32>
          %add3A_755 = arith.constant 6 : i32
          %add3A_756 = arith.addi %mul3A_551, %add3A_755 : i32
          %get3A_757 = arith.index_cast %add3A_756 : i32 to index
          %get3A_758 = arith.constant 48 : index
          %get3A_759 = tpu.vector_load %arg18[%get3A_757, %get3A_758] {strides = array<i32>} : memref<200x64xf32, #tpu.memory_space<vmem>>, vector<1x16xf32>,
          %get3A_760 = vector.shape_cast %get3A_759 : vector<1x16xf32> to vector<16xf32>
          %add3A_761 = arith.constant 7 : i32
          %add3A_762 = arith.addi %mul3A_551, %add3A_761 : i32
          %get3A_763 = arith.index_cast %add3A_762 : i32 to index
          %get3A_764 = arith.constant 48 : index
          %get3A_765 = tpu.vector_load %arg18[%get3A_763, %get3A_764] {strides = array<i32>} : memref<200x64xf32, #tpu.memory_space<vmem>>, vector<1x16xf32>,
          %get3A_766 = vector.shape_cast %get3A_765 : vector<1x16xf32> to vector<16xf32>
          %add3A_767 = arith.addf %get3A_724, %get3A_730 : vector<16xf32>
          %add3A_768 = arith.addf %get3A_736, %get3A_742 : vector<16xf32>
          %add3A_769 = arith.addf %get3A_748, %get3A_754 : vector<16xf32>
          %add3A_770 = arith.addf %get3A_760, %get3A_766 : vector<16xf32>
          %add3A_771 = arith.addf %add3A_767, %add3A_768 : vector<16xf32>
          %add3A_772 = arith.addf %add3A_769, %add3A_770 : vector<16xf32>
          %add3A_773 = arith.addf %add3A_771, %add3A_772 : vector<16xf32>
          %add3A_774 = arith.addf %scan3A_549, %add3A_773 : vector<16xf32>
          scf.yield %add3A_606, %add3A_662, %add3A_718, %add3A_774 : vector<16xf32>, vector<16xf32>, vector<16xf32>, vector<16xf32>
        }
        %scan3A_524 = arith.constant 25 : i32
        %swap3A_525 = arith.index_cast %add3A_461 : i32 to index
        %swap3A_526 = arith.constant 0 : index
        %swap3A_527 = tpu.vector_load %arg19[%swap3A_525, %swap3A_526] {strides = array<i32>} : memref<256x64xf32, #tpu.memory_space<vmem>>, vector<1x16xf32>,
        %swap3A_528 = vector.shape_cast %swap3A_527 : vector<1x16xf32> to vector<16xf32>
        %swap3A_529 = vector.shape_cast %scan3A_523#0 : vector<16xf32> to vector<1x16xf32>
        tpu.vector_store %arg19[%swap3A_525, %swap3A_526], %swap3A_529 {strides = array<i32>} : memref<256x64xf32, #tpu.memory_space<vmem>>, vector<1x16xf32>,
        %swap3A_530 = arith.index_cast %add3A_461 : i32 to index
        %swap3A_531 = arith.constant 16 : index
        %swap3A_532 = tpu.vector_load %arg19[%swap3A_530, %swap3A_531] {strides = array<i32>} : memref<256x64xf32, #tpu.memory_space<vmem>>, vector<1x16xf32>,
        %swap3A_533 = vector.shape_cast %swap3A_532 : vector<1x16xf32> to vector<16xf32>
        %swap3A_534 = vector.shape_cast %scan3A_523#1 : vector<16xf32> to vector<1x16xf32>
        tpu.vector_store %arg19[%swap3A_530, %swap3A_531], %swap3A_534 {strides = array<i32>} : memref<256x64xf32, #tpu.memory_space<vmem>>, vector<1x16xf32>,
        %swap3A_535 = arith.index_cast %add3A_461 : i32 to index
        %swap3A_536 = arith.constant 32 : index
        %swap3A_537 = tpu.vector_load %arg19[%swap3A_535, %swap3A_536] {strides = array<i32>} : memref<256x64xf32, #tpu.memory_space<vmem>>, vector<1x16xf32>,
        %swap3A_538 = vector.shape_cast %swap3A_537 : vector<1x16xf32> to vector<16xf32>
        %swap3A_539 = vector.shape_cast %scan3A_523#2 : vector<16xf32> to vector<1x16xf32>
        tpu.vector_store %arg19[%swap3A_535, %swap3A_536], %swap3A_539 {strides = array<i32>} : memref<256x64xf32, #tpu.memory_space<vmem>>, vector<1x16xf32>,
        %swap3A_540 = arith.index_cast %add3A_461 : i32 to index
        %swap3A_541 = arith.constant 48 : index
        %swap3A_542 = tpu.vector_load %arg19[%swap3A_540, %swap3A_541] {strides = array<i32>} : memref<256x64xf32, #tpu.memory_space<vmem>>, vector<1x16xf32>,
        %swap3A_543 = vector.shape_cast %swap3A_542 : vector<1x16xf32> to vector<16xf32>
        %swap3A_544 = vector.shape_cast %scan3A_523#3 : vector<16xf32> to vector<1x16xf32>
        tpu.vector_store %arg19[%swap3A_540, %swap3A_541], %swap3A_544 {strides = array<i32>} : memref<256x64xf32, #tpu.memory_space<vmem>>, vector<1x16xf32>,
      }
      %scan3A_153 = arith.constant 64 : i32
      %dma_wait3A_154 = arith.constant 0 : i32
      %dma_wait3A_155 = arith.constant 0 : i32
      %dma_wait3A_156 = tpu.memref_slice %arg15[%dma_wait3A_154, %dma_wait3A_155] : memref<200x64xf32, #tpu.memory_space<vmem>> -> memref<128x64xf32, #tpu.memory_space<vmem>>
      %dma_wait3A_157 = arith.constant 0 : i32
      %dma_wait3A_158 = arith.constant 0 : i32
      %dma_wait3A_159 = tpu.memref_slice %arg4[%dma_wait3A_157, %dma_wait3A_158] : memref<1000000x64xf32, #tpu.memory_space<hbm>> -> memref<1000000x64xf32, #tpu.memory_space<hbm>>
      tpu.wait_indirect_dma semaphore(%arg24 : memref<!tpu.dma_semaphore, #tpu.memory_space<semaphore_mem>>) src(%dma_wait3A_159 : memref<1000000x64xf32, #tpu.memory_space<hbm>>) dst(%dma_wait3A_156 : memref<128x64xf32, #tpu.memory_space<vmem>>)
      %dma_wait3A_160 = arith.constant 128 : i32
      %dma_wait3A_161 = arith.constant 0 : i32
      %dma_wait3A_162 = tpu.memref_slice %arg15[%dma_wait3A_160, %dma_wait3A_161] : memref<200x64xf32, #tpu.memory_space<vmem>> -> memref<72x64xf32, #tpu.memory_space<vmem>>
      %dma_wait3A_163 = arith.constant 0 : i32
      %dma_wait3A_164 = arith.constant 0 : i32
      %dma_wait3A_165 = tpu.memref_slice %arg4[%dma_wait3A_163, %dma_wait3A_164] : memref<1000000x64xf32, #tpu.memory_space<hbm>> -> memref<1000000x64xf32, #tpu.memory_space<hbm>>
      tpu.wait_indirect_dma semaphore(%arg24 : memref<!tpu.dma_semaphore, #tpu.memory_space<semaphore_mem>>) src(%dma_wait3A_165 : memref<1000000x64xf32, #tpu.memory_space<hbm>>) dst(%dma_wait3A_162 : memref<72x64xf32, #tpu.memory_space<vmem>>)
      %dma_wait3A_166 = arith.constant 0 : i32
      %dma_wait3A_167 = arith.constant 0 : i32
      %dma_wait3A_168 = tpu.memref_slice %arg16[%dma_wait3A_166, %dma_wait3A_167] : memref<200x64xf32, #tpu.memory_space<vmem>> -> memref<128x64xf32, #tpu.memory_space<vmem>>
      %dma_wait3A_169 = arith.constant 0 : i32
      %dma_wait3A_170 = arith.constant 0 : i32
      %dma_wait3A_171 = tpu.memref_slice %arg4[%dma_wait3A_169, %dma_wait3A_170] : memref<1000000x64xf32, #tpu.memory_space<hbm>> -> memref<1000000x64xf32, #tpu.memory_space<hbm>>
      tpu.wait_indirect_dma semaphore(%arg25 : memref<!tpu.dma_semaphore, #tpu.memory_space<semaphore_mem>>) src(%dma_wait3A_171 : memref<1000000x64xf32, #tpu.memory_space<hbm>>) dst(%dma_wait3A_168 : memref<128x64xf32, #tpu.memory_space<vmem>>)
      %dma_wait3A_172 = arith.constant 128 : i32
      %dma_wait3A_173 = arith.constant 0 : i32
      %dma_wait3A_174 = tpu.memref_slice %arg16[%dma_wait3A_172, %dma_wait3A_173] : memref<200x64xf32, #tpu.memory_space<vmem>> -> memref<72x64xf32, #tpu.memory_space<vmem>>
      %dma_wait3A_175 = arith.constant 0 : i32
      %dma_wait3A_176 = arith.constant 0 : i32
      %dma_wait3A_177 = tpu.memref_slice %arg4[%dma_wait3A_175, %dma_wait3A_176] : memref<1000000x64xf32, #tpu.memory_space<hbm>> -> memref<1000000x64xf32, #tpu.memory_space<hbm>>
      tpu.wait_indirect_dma semaphore(%arg25 : memref<!tpu.dma_semaphore, #tpu.memory_space<semaphore_mem>>) src(%dma_wait3A_177 : memref<1000000x64xf32, #tpu.memory_space<hbm>>) dst(%dma_wait3A_174 : memref<72x64xf32, #tpu.memory_space<vmem>>)
      %dma_wait3A_178 = arith.constant 0 : i32
      %dma_wait3A_179 = arith.constant 0 : i32
      %dma_wait3A_180 = tpu.memref_slice %arg17[%dma_wait3A_178, %dma_wait3A_179] : memref<200x64xf32, #tpu.memory_space<vmem>> -> memref<128x64xf32, #tpu.memory_space<vmem>>
      %dma_wait3A_181 = arith.constant 0 : i32
      %dma_wait3A_182 = arith.constant 0 : i32
      %dma_wait3A_183 = tpu.memref_slice %arg4[%dma_wait3A_181, %dma_wait3A_182] : memref<1000000x64xf32, #tpu.memory_space<hbm>> -> memref<1000000x64xf32, #tpu.memory_space<hbm>>
      tpu.wait_indirect_dma semaphore(%arg26 : memref<!tpu.dma_semaphore, #tpu.memory_space<semaphore_mem>>) src(%dma_wait3A_183 : memref<1000000x64xf32, #tpu.memory_space<hbm>>) dst(%dma_wait3A_180 : memref<128x64xf32, #tpu.memory_space<vmem>>)
      %dma_wait3A_184 = arith.constant 128 : i32
      %dma_wait3A_185 = arith.constant 0 : i32
      %dma_wait3A_186 = tpu.memref_slice %arg17[%dma_wait3A_184, %dma_wait3A_185] : memref<200x64xf32, #tpu.memory_space<vmem>> -> memref<72x64xf32, #tpu.memory_space<vmem>>
      %dma_wait3A_187 = arith.constant 0 : i32
      %dma_wait3A_188 = arith.constant 0 : i32
      %dma_wait3A_189 = tpu.memref_slice %arg4[%dma_wait3A_187, %dma_wait3A_188] : memref<1000000x64xf32, #tpu.memory_space<hbm>> -> memref<1000000x64xf32, #tpu.memory_space<hbm>>
      tpu.wait_indirect_dma semaphore(%arg26 : memref<!tpu.dma_semaphore, #tpu.memory_space<semaphore_mem>>) src(%dma_wait3A_189 : memref<1000000x64xf32, #tpu.memory_space<hbm>>) dst(%dma_wait3A_186 : memref<72x64xf32, #tpu.memory_space<vmem>>)
      %dma_wait3A_190 = arith.constant 0 : i32
      %dma_wait3A_191 = arith.constant 0 : i32
      %dma_wait3A_192 = tpu.memref_slice %arg3[%dma_wait3A_190, %dma_wait3A_191] : memref<4096x200xi32, #tpu.memory_space<hbm>> -> memref<1x128xi32, #tpu.memory_space<hbm>>
      %dma_wait3A_193 = tpu.memref_squeeze %dma_wait3A_192 : memref<1x128xi32, #tpu.memory_space<hbm>> -> memref<128xi32, #tpu.memory_space<hbm>>
      %dma_wait3A_194 = arith.constant 0 : i32
      %dma_wait3A_195 = tpu.memref_slice %arg3[%dma_wait3A_190, %dma_wait3A_194] : memref<4096x200xi32, #tpu.memory_space<hbm>> -> memref<1x128xi32, #tpu.memory_space<hbm>>
      %dma_wait3A_196 = tpu.memref_squeeze %dma_wait3A_195 : memref<1x128xi32, #tpu.memory_space<hbm>> -> memref<128xi32, #tpu.memory_space<hbm>>
      tpu.wait_dma2 semaphore(%arg23 : memref<!tpu.dma_semaphore, #tpu.memory_space<semaphore_mem>>) src(%dma_wait3A_196 : memref<128xi32, #tpu.memory_space<hbm>>) dst(%arg10 : memref<128xi32, #tpu.memory_space<vmem>>)
      %dma_wait3A_197 = arith.constant 0 : i32
      %dma_wait3A_198 = arith.constant 128 : i32
      %dma_wait3A_199 = tpu.memref_slice %arg3[%dma_wait3A_197, %dma_wait3A_198] : memref<4096x200xi32, #tpu.memory_space<hbm>> -> memref<1x72xi32, #tpu.memory_space<hbm>>
      %dma_wait3A_200 = tpu.memref_squeeze %dma_wait3A_199 : memref<1x72xi32, #tpu.memory_space<hbm>> -> memref<72xi32, #tpu.memory_space<hbm>>
      %dma_wait3A_201 = arith.constant 128 : i32
      %dma_wait3A_202 = tpu.memref_slice %arg3[%dma_wait3A_197, %dma_wait3A_201] : memref<4096x200xi32, #tpu.memory_space<hbm>> -> memref<1x72xi32, #tpu.memory_space<hbm>>
      %dma_wait3A_203 = tpu.memref_squeeze %dma_wait3A_202 : memref<1x72xi32, #tpu.memory_space<hbm>> -> memref<72xi32, #tpu.memory_space<hbm>>
      tpu.wait_dma2 semaphore(%arg23 : memref<!tpu.dma_semaphore, #tpu.memory_space<semaphore_mem>>) src(%dma_wait3A_203 : memref<72xi32, #tpu.memory_space<hbm>>) dst(%arg14 : memref<72xi32, #tpu.memory_space<vmem>>)
      "tpu.region"() ({
        %run_scoped3A = tpu.sem_alloc : memref<!tpu.dma_semaphore, #tpu.memory_space<semaphore_mem>>
        %dma_start3A_204 = arith.constant 0 : i32
        %dma_start3A_205 = tpu.memref_slice %arg6[%mul3A_9, %dma_start3A_204] : memref<4096x64xf32, #tpu.memory_space<hbm>> -> memref<256x64xf32, #tpu.memory_space<hbm>>
        %dma_start3A_206 = arith.constant 0 : i32
        %dma_start3A_207 = tpu.memref_slice %arg6[%mul3A_9, %dma_start3A_206] : memref<4096x64xf32, #tpu.memory_space<hbm>> -> memref<256x64xf32, #tpu.memory_space<hbm>>
        tpu.enqueue_dma source(%arg19 : memref<256x64xf32, #tpu.memory_space<vmem>>) target(%dma_start3A_207 : memref<256x64xf32, #tpu.memory_space<hbm>>) target_semaphore(%run_scoped3A : memref<!tpu.dma_semaphore, #tpu.memory_space<semaphore_mem>>)
        %dma_wait3A_208 = arith.constant 0 : i32
        %dma_wait3A_209 = tpu.memref_slice %arg6[%mul3A_9, %dma_wait3A_208] : memref<4096x64xf32, #tpu.memory_space<hbm>> -> memref<256x64xf32, #tpu.memory_space<hbm>>
        %dma_wait3A_210 = arith.constant 0 : i32
        %dma_wait3A_211 = tpu.memref_slice %arg6[%mul3A_9, %dma_wait3A_210] : memref<4096x64xf32, #tpu.memory_space<hbm>> -> memref<256x64xf32, #tpu.memory_space<hbm>>
        tpu.wait_dma2 semaphore(%run_scoped3A : memref<!tpu.dma_semaphore, #tpu.memory_space<semaphore_mem>>) src(%arg19 : memref<256x64xf32, #tpu.memory_space<vmem>>) dst(%dma_wait3A_211 : memref<256x64xf32, #tpu.memory_space<hbm>>)
        tpu.yield
      }) : () -> ()
    } else {
    }
    return
  }
}

</mosaic_0001>

<sc_bundles>
// kernel: kernel.3.cloned.1.call-start
scs
__scs_entry_jumppad:
0x0: {  	(pc) =	sbr.rel $0x88, $3  }
0x1: {  	(tag) =	ssettag $0x0;
	lr =	simm.s32 $0x1  }
0x2: {  	[smem:$0x3F9E] =	sst lr;
	_ =	strace $0xD0000000  }
0x3: {  	_ = 	snop  }
0x4: {  	_ = 	snop  }
0x5: {  	_ = 	snop  }
0x6: {  	_ = 	snop  }
0x7: {  	_ = 	snop  }
__scs_overlays_trampoline_lowered:
0x8: {  	[smem:$0x3FAD] =	sst s0  }
0x9: {  	[smem:$0x3FAE] =	sst s1  }
0xa: {  	[smem:$0x3FAF] =	sst s2  }
0xb: {  	[smem:$0x3FB0] =	sst s3  }
0xc: {  	[smem:$0x3FB1] =	sst s4  }
0xd: {  	[smem:$0x3FB2] =	sst s5  }
0xe: {  	[smem:$0x3FB3] =	sst s6  }
0xf: {  	[smem:$0x3FB4] =	sst s7  }
0x10: {  	[smem:$0x3FB5] =	sst s8  }
0x11: {  	[smem:$0x3FB6] =	sst s9;
	s0 =	simm.s32 @!p0 $0x0  }
0x12: {  	s1 =	sld [smem:$0x3F9C];
	s0 =	simm.s32 @p0 $0x1  }
0x13: {  	[smem:$0x3FB7] =	sst s0;
	s0 =	simm.s32 @!p1 $0x0  }
0x14: {  	s2 =	sld [smem:$0x3F9B];
	s0 =	simm.s32 @p1 $0x1  }
0x15: {  	[smem:$0x3FB8] =	sst s0;
	s0 =	simm.s32 @!p2 $0x0  }
0x16: {  	s3 =	sld [smem:$0x3FDB];
	s0 =	simm.s32 @p2 $0x1  }
0x17: {  	s4 =	simm.s32 $0x1BF5;
	[smem:$0x3FBA] =	sst s0  }
0x18: {  	s0 =	sld [smem:$0x3F9D];
	_ =	swait.ge [sflag:s4], $0x0  }
0x19: {  	s7 =	sld [smem:$0x3F9E]  }
0x1a: {  	s8 =	sadd.s32 $0xFFFFE003, lr  }
0x1b: {  	s9 =	sadd.s32 $0xFFFFFEF7, lr;
	s5 =	simm.s32 $0xFFFFFFFF;
	p2 =	slt.u32 s8, $0xFFFFF086  }
0x1c: {  	p1 =	slt.u32 s9, $0xF7A;
	s5 =	simm.s32 @!p2 $0x0  }
0x1d: {  	s5 =	simm.s32 @p1 $0x1;
	p0 =	seq.s32 s7, s2  }
0x1e: {  	s7 =	smul.u32 @!p0 $0xF7A, s2;
	p2 =	seq.s32 @!p0 s5, $0x0  }
0x1f: {  	s9 =	smul.u32 $0xF7A, s1;
	s8 =	simm.s32 @!p0 $0x1BF5;
	p2 =	por !p2, p0  }
0x20: {  	[sflag:s8] =	ssyncset.s32 @!p0 $0xFFFFF086;
	s6 =	sadd.s32 @!p0 s3, s7;
	s7 =	simm.s32 @!p0 $0x108  }
0x21: {  	s3 =	sadd.s32 s3, s9;
	s6 =	sadd.s32 @!p0 $0x88, s6;
	s7 =	simm.s32 @p2 $0x1082  }
0x22: {  	[simem:s7], [sflag:s8] =	dma.local @!p0 [hbm:s6], $0xF7A  }
0x23: {  	s9 =	sor.u32 $0xD0000000, s2;
	s6 =	simm.s32 $0x108;
	_ =	swait.ge @!p0 [sflag:s8], $0x0  }
0x24: {  	s3 =	sadd.s32 $0x88, s3;
	s6 =	simm.s32 @!p1 $0x1082;
	[sflag:s4] =	ssyncset.s32 $0xFFFFF086  }
0x25: {  	[simem:s6], [sflag:s4] =	dma.local [hbm:s3], $0xF7A  }
0x26: {  	[smem:$0x3F9E] =	sst s1;
	(tag) =	ssettag s2;
	_ =	strace s9  }
0x27: {  	s1 =	sld [smem:$0x3FAE]  }
0x28: {  	s2 =	sld [smem:$0x3FAF]  }
0x29: {  	s4 =	sld [smem:$0x3FB1]  }
0x2a: {  	p0 =	seq.s32 s5, $0x0;
	s5 =	sld [smem:$0x3FB2]  }
0x2b: {  	s6 =	sld [smem:$0x3FB3]  }
0x2c: {  	s7 =	sld [smem:$0x3FB4]  }
0x2d: {  	s3 =	simm.s32 $0x108;
	s8 =	sld [smem:$0x3FB5]  }
0x2e: {  	s3 =	simm.s32 @!p0 $0x1082;
	s9 =	sld [smem:$0x3FB6]  }
0x2f: {  	lr =	sadd.s32 s0, s3;
	s0 =	sld [smem:$0x3FAD]  }
0x30: {  	s3 =	sld [smem:$0x3FB0]  }
0x31: {  	[smem:$0x3FB9] =	sst s10  }
0x32: {  	s10 =	sld [smem:$0x3FB7];
	_ =	sdelay $0x3  }
0x33: {  	p0 =	seq.s32 s10, $0x1;
	s10 =	sld [smem:$0x3FB9];
	_ =	sdelay $0x3  }
0x34: {  	[smem:$0x3FB9] =	sst s10  }
0x35: {  	s10 =	sld [smem:$0x3FB8];
	_ =	sdelay $0x3  }
0x36: {  	p1 =	seq.s32 s10, $0x1;
	s10 =	sld [smem:$0x3FB9];
	_ =	sdelay $0x3  }
0x37: {  	[smem:$0x3FB9] =	sst s10  }
0x38: {  	s10 =	sld [smem:$0x3FBA]  }
0x39: {  	_ = 	snop;
	(pc) =	sbr.ind lr, $3  }
0x3a: {  	_ = 	snop  }
0x3b: {  	_ = 	snop  }
0x3c: {  	p2 =	seq.s32 s10, $0x1;
	s10 =	sld [smem:$0x3FB9]  }
0x3d: {  	_ =	shalt  }
0x3e: {  	_ =	shalt  }
0x3f: {  	_ =	shalt  }
0x40: {  	_ =	shalt  }
0x41: {  	_ =	shalt  }
0x42: {  	_ =	shalt  }
0x43: {  	_ =	shalt  }
0x44: {  	_ =	shalt  }
0x45: {  	_ =	shalt  }
0x46: {  	_ =	shalt  }
0x47: {  	_ =	shalt  }
0x48: {  	_ =	shalt  }
0x49: {  	_ =	shalt  }
0x4a: {  	_ =	shalt  }
0x4b: {  	_ =	shalt  }
0x4c: {  	_ =	shalt  }
0x4d: {  	_ =	shalt  }
0x4e: {  	_ =	shalt  }
0x4f: {  	_ =	shalt  }
0x50: {  	_ =	shalt  }
0x51: {  	_ =	shalt  }
0x52: {  	_ =	shalt  }
0x53: {  	_ =	shalt  }
0x54: {  	_ =	shalt  }
0x55: {  	_ =	shalt  }
0x56: {  	_ =	shalt  }
0x57: {  	_ =	shalt  }
0x58: {  	_ =	shalt  }
0x59: {  	_ =	shalt  }
0x5a: {  	_ =	shalt  }
0x5b: {  	_ =	shalt  }
0x5c: {  	_ =	shalt  }
0x5d: {  	_ =	shalt  }
0x5e: {  	_ =	shalt  }
0x5f: {  	_ =	shalt  }
0x60: {  	_ =	shalt  }
0x61: {  	_ =	shalt  }
0x62: {  	_ =	shalt  }
0x63: {  	_ =	shalt  }
0x64: {  	_ =	shalt  }
0x65: {  	_ =	shalt  }
0x66: {  	_ =	shalt  }
0x67: {  	_ =	shalt  }
0x68: {  	_ =	shalt  }
0x69: {  	_ =	shalt  }
0x6a: {  	_ =	shalt  }
0x6b: {  	_ =	shalt  }
0x6c: {  	_ =	shalt  }
0x6d: {  	_ =	shalt  }
0x6e: {  	_ =	shalt  }
0x6f: {  	_ =	shalt  }
0x70: {  	_ =	shalt  }
0x71: {  	_ =	shalt  }
0x72: {  	_ =	shalt  }
0x73: {  	_ =	shalt  }
0x74: {  	_ =	shalt  }
0x75: {  	_ =	shalt  }
0x76: {  	_ =	shalt  }
0x77: {  	_ =	shalt  }
0x78: {  	_ =	shalt  }
0x79: {  	_ =	shalt  }
0x7a: {  	_ =	shalt  }
0x7b: {  	_ =	shalt  }
0x7c: {  	_ =	shalt  }
0x7d: {  	_ =	shalt  }
0x7e: {  	_ =	shalt  }
0x7f: {  	_ =	shalt  }
0x80: {  	_ =	shalt  }
0x81: {  	_ =	shalt  }
0x82: {  	_ =	shalt  }
0x83: {  	_ =	shalt  }
0x84: {  	_ =	shalt  }
0x85: {  	_ =	shalt  }
0x86: {  	_ =	shalt  }
0x87: {  	_ =	shalt  }
.Lfunc_end0:
.L_simem_size_0:
called_computation_lowered:
.L_overlay_start_0:
0x88: {  	s2 =	sld [smem:$0x3FD9]  }
0x89: {  	s3 =	sld [smem:$0x3FFE];
	_ =	sdelay $0x1  }
0x8a: {  	s1 =	srdreg.scid  }
0x8b: {  	s0 =	sand.u32 $0x1, s1  }
0x8c: {  	s14 =	sshll.u32 s0, $0xA;
	s2 =	sadd.s32 s3, s2  }
0x8d: {  	s2 =	sadd.s32 s2, s14  }
0x8e: {  	[smem:$0x3FC5] =	sst s2  }
0x8f: {  	_ = 	snop  }
0x90: {  	s2 =	sld [smem:$0x3FD0];
	_ =	sdelay $0x2  }
0x91: {  	s15 =	simm.s32 $0xA;
	s4 =	simm.s32 $0x10  }
0x92: {  	[smem:s4], [sflag:s15] =	dma.local [hbm:s2], $0x1  }
0x93: {  	_ =	swait.eq [sflag:s15], $0x1  }
0x94: {  	[sflag:s15] =	ssyncset.done $0x0  }
0x95: {  	[sflag:s15] =	ssyncadd.s32 $0xFFFFFFFF  }
0x96: {  	s16 =	sld [smem:$0x11];
	(tm) =	ssettm $0x1  }
0x97: {  	s17 =	sld [smem:$0x3FFB];
	_ =	sdelay $0x3  }
0x98: {  	_ =	strace s17  }
0x99: {  	s3 =	sld [smem:$0x3FFC];
	_ =	sdelay $0x3  }
0x9a: {  	_ =	strace s3  }
0x9b: {  	s3 =	sld [smem:$0x3FFD];
	_ =	sdelay $0x3  }
0x9c: {  	_ =	strace s3  }
0x9d: {  	_ =	strace $0x8FFFFFFF  }
0x9e: {  	s18 =	sld [smem:$0x3FDB];
	_ =	sdelay $0x1  }
0x9f: {  	s19 =	simm.s32 $_scs_section_size  }
0xa0: {  	s5 =	simm.s32 $_size__tile_overlayer_lowered;
	s6 =	simm.s32 $_tile_overlayer_lowered  }
0xa1: {  	s22 =	simm.s32 $0x1BFF;
	s21 =	sshll.u32 s6, $0x1;
	s3 =	sadd.s32 s19, s18  }
0xa2: {  	s7 =	simm.s32 $0x0;
	s20 =	sshll.u32 s5, $0x1;
	s5 =	sadd.s32 s21, s3  }
0xa3: {  	[timem:s7], [sflag:s22] =	dma.local [hbm:s5], s20  }
0xa4: {  	_ =	swait.ge [sflag:s22], s20  }
0xa5: {  	s4 =	ssub.s32 $0x0, s20;
	[sflag:s22] =	ssyncset.done $0x0  }
0xa6: {  	[sflag:s22] =	ssyncadd.s32 s4;
	_ =	sdelay $0x1  }
0xa7: {  	s23 =	simm.s32 $0x1B8B  }
0xa8: {  	_ =	swait.ge [sflag:s23], $0x1  }
0xa9: {  	[sflag:s23] =	ssyncset.done $0x0  }
0xaa: {  	s25 =	simm.s32 $0x1B8E;
	s24 =	sld [smem:$0x3FFE];
	[sflag:s23] =	ssyncadd.s32 $0xFFFFFFFF  }
0xab: {  	s26 =	simm.s32 $execute0_lowered;
	[smem:$0x3FD2] =	sst s25  }
0xac: {  	s5 =	sshll.u32 s26, $0x1;
	_ =	strace $0x80000046;
	[dreg:$0x1] =	wrdreg $0xFFFFFFFF  }
0xad: {  	s28 =	simm.s32 $_size_execute0_lowered;
	s3 =	sadd.s32 s3, s5;
	[dreg:$0x0] =	wrdreg $0x0  }
0xae: {  	s5 =	sshll.u32 s28, $0x1;
	[dreg:$0x2] =	wrdreg s3  }
0xaf: {  	[dreg:$0x3] =	wrdreg s5  }
0xb0: {  	[dreg:$0x4] =	wrdreg $0xC0  }
0xb1: {  	_ =	task [dreg:s7], $0x5FFFF  }
0xb2: {  	[dreg:$0x1] =	wrdreg $0xFFFFFFFF  }
0xb3: {  	[dreg:$0x0] =	wrdreg $0x60  }
0xb4: {  	[dreg:$0x2] =	wrdreg s24  }
0xb5: {  	[dreg:$0x3] =	wrdreg s16  }
0xb6: {  	[dreg:$0x4] =	wrdreg $0x9  }
0xb7: {  	_ =	task.clear_ibuf [dreg:s7], $0x5FFFF;
	_ =	strace $0x90000046  }
0xb8: {  	s29 =	simm.s32 $0x9;
	_ =	strace $0x80000048  }
0xb9: {  	_ =	swait.ge [sflag:s29], $0x1  }
0xba: {  	[sflag:s29] =	ssyncadd.s32 $0xFFFFFFFF  }
0xbb: {  	_ =	strace $0x90000048  }
0xbc: {  	_ =	sfence  }
0xbd: {  	s30 =	sld [smem:$0x0];
	_ =	sdelay $0x2  }
0xbe: {  	s31 =	sshll.u32 s1, $0xD;
	s1 =	sshrl.u32 s1, $0x2  }
0xbf: {  	s3 =	sand.u32 $0x4000, s31;
	s1 =	sadd.s32 s1, s30  }
0xc0: {  	s0 =	sor.u32 s3, s0;
	s1 =	sshll.u32 s1, $0x11  }
0xc1: {  	s0 =	sor.u32 s1, s0  }
0xc2: {  	s0 =	sadd.s32 $0x8F2B, s0  }
0xc3: {  	[sflag:s0] =	ssyncadd.remote.s32 $0x1  }
0xc4: {  	_ =	sfence.sel $0xFFFF  }
0xc5: {  	[dreg:$0x0] =	wrdreg $0xFFFFFFFF;
	(pc) =	sbr.abs _section_cstart, $3  }
0xc6: {  	[dreg:$0x1] =	wrdreg $0xFFFFFFFF  }
0xc7: {  	_ =	task.clear_ibuf [dreg:s7], $0x2FFFF;
	_ =	strace $0x9FFFFFFF  }
0xc8: {  	(tm) =	ssettm $0x7FFFFFFF  }
0xc9: {  	_ =	shalt  }
tec
execute0_lowered:
.L_overlay_start_1:
0x0: {  	(tag) =	ssettag $0x1  }
0x1: {  	s0 =	rddreg [dreg:$0x0];
	s1 =	srdreg.scid  }
0x2: {  	s13 =	stileid.u32;
	s2 =	rddreg [dreg:$0x1];
	s4 =	simm.s32 $0x0  }
0x3: {  	s28 =	simm.s32 $0x200;
	s29 =	simm.s32 $0x80;
	s30 =	simm.s32 $0x248  }
0x4: {  	s31 =	simm.s32 $0x100;
	s1 =	sand.u32 $0x1, s1;
	s3 =	sshll.u32 s13, $0x1  }
0x5: {  	[smem:$0x7FF] =	sst s4;
	s5 =	sadd.s32 $0x19E00, s0;
	s6 =	sadd.s32 $0xE00, s0  }
0x6: {  	p0 =	sgt.u32 s13, $0x7;
	s13 =	simm.s32 $0x2;
	s8 =	sor.u32 s1, s3  }
0x7: {  	_ =	strace $0x80000047;
	s1 =	ssub.s32 $0x2, s1;
	s3 =	sshll.u32 s8, $0x8  }
0x8: {  	s11 =	smul.u32 $0xC800, s8;
	s17 =	sshrl.u32 s1, $0x1;
	s4 =	sadd.s32 $0xFFFFF000, s3  }
0x9: {  	s26 =	smul.u32 $0x1900, s8;
	s1 =	ssub.s32 s1, s17;
	s7 =	sshll.u32 s4, $0x3  }
0xa: {  	s9 =	smul.u32 $0x19, s4;
	s18 =	sadd.s32 $0xFFF380C8, s11;
	s20 =	sadd.s32 $0xFFF38148, s11  }
0xb: {  	s21 =	sadd.s32 $0xFFF38190, s11;
	s22 =	sadd.s32 $0xFFF38210, s11;
	s25 =	sadd.s32 $0xFFF38258, s11  }
0xc: {  	s11 =	sadd.s32 $0xFFF382D8, s11;
	s17 =	sadd.s32 s5, s26;
	s10 =	sand.u32 $0x1FFFF800, s7  }
0xd: {  	s7 =	sadd.s32 $0xF43200, s0;
	s24 =	sshrl.u32 s22, $0x3;
	s14 =	sshrl.u32 s25, $0x3  }
0xe: {  	s15 =	sshrl.u32 s11, $0x3;
	s25 =	smax.u32 s1, $0x1;
	[dreg:$0xb] =	wrdreg s17  }
0xf: {  	s22 =	sshll.u32 s8, $0xB;
	s26 =	sadd.s32 $0x5B, s17;
	[dreg:$0x14] =	wrdreg s25  }
0x10: {  	s1 =	simm.s32 $0x290;
	s12 =	sadd.s32 s6, s9;
	[dreg:$0x15] =	wrdreg s26  }
0x11: {  	s0 =	sadd.s32 s10, s0;
	s16 =	sadd.s32 s6, s15;
	[dreg:$0x3] =	wrdreg s12  }
0x12: {  	s9 =	sshrl.u32 s18, $0x3;
	s18 =	sadd.s32 $0x10, s17;
	[dreg:$0xa] =	wrdreg s16  }
0x13: {  	s10 =	sshrl.u32 s21, $0x3;
	s21 =	sadd.s32 $0x32, s17;
	[dreg:$0xd] =	wrdreg s18  }
0x14: {  	s11 =	simm.s32 $0x48;
	s19 =	sadd.s32 $0x10, s12;
	[dreg:$0x10] =	wrdreg s21  }
0x15: {  	s8 =	simm.s32 $0x8;
	s9 =	sadd.s32 s6, s9;
	[dreg:$0x4] =	wrdreg s19  }
0x16: {  	s15 =	simm.s32 $0x5520;
	s23 =	sadd.s32 s6, s10;
	[dreg:$0x5] =	wrdreg s9  }
0x17: {  	s0 =	sadd.s32 $0x32E00, s0;
	s18 =	simm.s32 $0x3;
	[dreg:$0x7] =	wrdreg s23  }
0x18: {  	s21 =	simm.s32 $0x5;
	[dreg:$0xc] =	wrdreg s0;
	s19 =	sadd.s32 $0x19, s17  }
0x19: {  	s9 =	sshrl.u32 s20, $0x3;
	s20 =	sadd.s32 $0x29, s17;
	[dreg:$0xe] =	wrdreg s19  }
0x1a: {  	s23 =	sadd.s32 $0x42, s17;
	s0 =	sadd.s32 s2, s22;
	[dreg:$0xf] =	wrdreg s20  }
0x1b: {  	s2 =	simm.s32 $0x2D8;
	s22 =	simm.s32 $0x4;
	[dreg:$0x11] =	wrdreg s23  }
0x1c: {  	s9 =	sadd.s32 s6, s9;
	[dreg:$0x12] =	wrdreg s0;
	s0 =	simm.s32 $0x180  }
.Ltmp0:
0x1d: {  	s19 =	simm.s32 $0x6720;
	s20 =	simm.s32 $0x8720;
	(pc) =	sbr.rel .LBB2_1-.Ltmp0, $4  }
0x1e: {  	s23 =	simm.s32 $0x7;
	[dreg:$0x6] =	wrdreg s9;
	s9 =	sadd.s32 s6, s24  }
0x1f: {  	s24 =	sadd.s32 $0x4B, s17;
	s17 =	simm.s32 $0x6;
	[dreg:$0x8] =	wrdreg s9  }
0x20: {  	s9 =	sadd.s32 s6, s14;
	[dreg:$0x13] =	wrdreg s24;
	s14 =	simm.s32 $0x9920  }
0x21: {  	s24 =	simm.s32 $0x0;
	[dreg:$0x9] =	wrdreg s9;
	s9 =	simm.s32 $0x1  }
.LBB2_24:
0x22: {  	_ =	swait.ge [sflag:s21], $0x2000  }
0x23: {  	[sflag:s21] =	ssyncset.done $0x0  }
0x24: {  	[sflag:s21] =	ssyncadd.s32 $0xFFFFE000  }
0x25: {  	_ =	swait.ge [sflag:s21], $0x1200  }
0x26: {  	[sflag:s21] =	ssyncset.done $0x0  }
0x27: {  	[sflag:s21] =	ssyncadd.s32 $0xFFFFEE00  }
0x28: {  	_ =	swait.ge [sflag:s17], $0x2000  }
0x29: {  	[sflag:s17] =	ssyncset.done $0x0  }
0x2a: {  	[sflag:s17] =	ssyncadd.s32 $0xFFFFE000  }
0x2b: {  	_ =	swait.ge [sflag:s17], $0x1200  }
0x2c: {  	[sflag:s17] =	ssyncset.done $0x0  }
0x2d: {  	[sflag:s17] =	ssyncadd.s32 $0xFFFFEE00  }
0x2e: {  	_ =	swait.ge [sflag:s23], $0x2000  }
0x2f: {  	[sflag:s23] =	ssyncset.done $0x0  }
0x30: {  	[sflag:s23] =	ssyncadd.s32 $0xFFFFE000  }
0x31: {  	_ =	swait.ge [sflag:s23], $0x1200  }
0x32: {  	[sflag:s23] =	ssyncset.done $0x0  }
0x33: {  	[sflag:s23] =	ssyncadd.s32 $0xFFFFEE00  }
0x34: {  	_ =	swait.ge [sflag:s22], $0x80  }
0x35: {  	[sflag:s22] =	ssyncset.done $0x0  }
0x36: {  	[sflag:s22] =	ssyncadd.s32 $0xFFFFFF80  }
0x37: {  	_ =	swait.ge [sflag:s22], $0x48  }
0x38: {  	s12 =	simm.s32 $0x0;
	[sflag:s22] =	ssyncset.done $0x0  }
0x39: {  	s16 =	simm.s32 $0xCB20;
	s25 =	simm.s32 $0x9;
	[sflag:s22] =	ssyncadd.s32 $0xFFFFFFB8  }
0x3a: {  	[hbm4b:s10+s12] =	stream.linear.scatter [tilespmem:s16], [sflag:$0x9], $0x4000, $0x38;
	[tilespmem:$0x10B20] =	vst v63  }
0x3b: {  	_ =	swait.ge [sflag:s25], $0x4000  }
0x3c: {  	s24 =	sadd.s32 $0x1, s24;
	s26 =	rddreg [dreg:$0x14]  }
0x3d: {  	p1 =	sne.s32 s24, s26  }
.Ltmp1:
0x3e: {  	_ = 	snop;
	(pc) =	sbr.rel @!p1 .LBB2_25-.Ltmp1, $3  }
0x3f: {  	_ =	sdelay $0x1  }
0x40: {  	[sflag:s25] =	ssyncset.done $0x0  }
0x41: {  	[sflag:s25] =	ssyncadd.s32 $0xFFFFC000  }
.LBB2_1:
.Ltmp2:
0x42: {  	(pc) =	sbr.rel @p0 .LBB2_13-.Ltmp2, $2  }
0x43: {  	_ =	sdelay $0x2  }
0x44: {  	[dreg:$0x16] =	wrdreg s24;
	s16 =	simm.s32 $0x0  }
0x45: {  	s10 =	rddreg [dreg:$0xb]  }
0x46: {  	[tilespmem:s16], [sflag:$0x1] =	stream.linear.gather [hbm4b:s10+s16], $0x80, $0x38;
	[tilespmem:$0x10B20] =	vst v63  }
0x47: {  	s25 =	rddreg [dreg:$0xd]  }
0x48: {  	[tilespmem:s28], [sflag:$0x1] =	stream.linear.gather [hbm4b:s25+s16], $0x48, $0x38;
	[tilespmem:$0x10B20] =	vst v63  }
0x49: {  	s26 =	rddreg [dreg:$0xe]  }
0x4a: {  	[tilespmem:s29], [sflag:$0x2] =	stream.linear.gather [hbm4b:s26+s16], $0x80, $0x38;
	[tilespmem:$0x10B20] =	vst v63  }
0x4b: {  	s12 =	rddreg [dreg:$0xf]  }
0x4c: {  	[tilespmem:s30], [sflag:$0x2] =	stream.linear.gather [hbm4b:s12+s16], $0x48, $0x38;
	[tilespmem:$0x10B20] =	vst v63  }
0x4d: {  	s24 =	rddreg [dreg:$0x10]  }
0x4e: {  	[tilespmem:s31], [sflag:$0x3] =	stream.linear.gather [hbm4b:s24+s16], $0x80, $0x38;
	[tilespmem:$0x10B20] =	vst v63  }
0x4f: {  	s25 =	rddreg [dreg:$0x11]  }
0x50: {  	[tilespmem:s1], [sflag:$0x3] =	stream.linear.gather [hbm4b:s25+s16], $0x48, $0x38;
	[tilespmem:$0x10B20] =	vst v63  }
0x51: {  	s26 =	rddreg [dreg:$0x13]  }
0x52: {  	[tilespmem:s0], [sflag:$0x4] =	stream.linear.gather [hbm4b:s26+s16], $0x80, $0x38;
	[tilespmem:$0x10B20] =	vst v63  }
0x53: {  	s12 =	rddreg [dreg:$0x15]  }
0x54: {  	[tilespmem:s2], [sflag:$0x4] =	stream.linear.gather [hbm4b:s12+s16], $0x48, $0x38;
	[tilespmem:$0x10B20] =	vst v63  }
0x55: {  	_ =	swait.ge [sflag:s9], $0x80  }
0x56: {  	[sflag:s9] =	ssyncset.done $0x0  }
0x57: {  	[sflag:s9] =	ssyncadd.s32 $0xFFFFFF80  }
0x58: {  	_ =	swait.ge [sflag:s9], $0x48  }
0x59: {  	[sflag:s9] =	ssyncset.done $0x0  }
0x5a: {  	s24 =	simm.s32 $0x320;
	[sflag:s9] =	ssyncadd.s32 $0xFFFFFFB8  }
0x5b: {  	[tilespmem:s24], [sflag:$0x5] =	stream.indirect.gather [hbm4b:s7+s29], $0x40, s16, s29, $0xb8;
	[tilespmem:$0x10B20] =	vst v63  }
0x5c: {  	s25 =	simm.s32 $0x2320  }
0x5d: {  	[tilespmem:s25], [sflag:$0x5] =	stream.indirect.gather [hbm4b:s7+s11], $0x40, s28, s11, $0xb8;
	[tilespmem:$0x10B20] =	vst v63  }
0x5e: {  	_ =	swait.ge [sflag:s13], $0x80  }
0x5f: {  	[sflag:s13] =	ssyncset.done $0x0  }
0x60: {  	[sflag:s13] =	ssyncadd.s32 $0xFFFFFF80  }
0x61: {  	_ =	swait.ge [sflag:s13], $0x48  }
0x62: {  	[sflag:s13] =	ssyncset.done $0x0  }
0x63: {  	s26 =	simm.s32 $0x3520;
	[sflag:s13] =	ssyncadd.s32 $0xFFFFFFB8  }
0x64: {  	[tilespmem:s26], [sflag:$0x6] =	stream.indirect.gather [hbm4b:s7+s29], $0x40, s29, s29, $0xb8;
	[tilespmem:$0x10B20] =	vst v63  }
0x65: {  	_ = 	snop  }
0x66: {  	[tilespmem:s15], [sflag:$0x6] =	stream.indirect.gather [hbm4b:s7+s11], $0x40, s30, s11, $0xb8;
	[tilespmem:$0x10B20] =	vst v63  }
0x67: {  	_ =	swait.ge [sflag:s18], $0x80  }
0x68: {  	[sflag:s18] =	ssyncset.done $0x0  }
0x69: {  	[sflag:s18] =	ssyncadd.s32 $0xFFFFFF80  }
0x6a: {  	_ =	swait.ge [sflag:s18], $0x48  }
0x6b: {  	[sflag:s18] =	ssyncset.done $0x0  }
0x6c: {  	[sflag:s18] =	ssyncadd.s32 $0xFFFFFFB8  }
0x6d: {  	[tilespmem:s19], [sflag:$0x7] =	stream.indirect.gather [hbm4b:s7+s29], $0x40, s31, s29, $0xb8;
	[tilespmem:$0x10B20] =	vst v63  }
0x6e: {  	s25 =	simm.s32 $0x0  }
0x6f: {  	[tilespmem:s20], [sflag:$0x7] =	stream.indirect.gather [hbm4b:s7+s11], $0x40, s1, s11, $0xb8;
	[tilespmem:$0x10B20] =	vst v63  }
.LBB2_3:
0x70: {  	s26 =	sshll.u32 s25, $0x2  }
0x71: {  	s10 =	sadd.s32 $0x4, s26  }
0x72: {  	_ =	swait.ge [sflag:s21], $0x2000;
	s10 =	sand.u32 $0xFC, s10  }
0x73: {  	[sflag:s21] =	ssyncset.done $0x0;
	s10 =	sor.u32 s3, s10  }
0x74: {  	[sflag:s21] =	ssyncadd.s32 $0xFFFFE000;
	s10 =	smul.u32 $0xC8, s10  }
0x75: {  	_ =	swait.ge [sflag:s21], $0x1200  }
0x76: {  	[sflag:s21] =	ssyncset.done $0x0;
	s10 =	sshrl.u32 s10, $0x3  }
0x77: {  	[sflag:s21] =	ssyncadd.s32 $0xFFFFEE00;
	s10 =	sadd.s32 s5, s10  }
0x78: {  	[tilespmem:s16], [sflag:$0x1] =	stream.linear.gather [hbm4b:s10+s16], $0x80, $0x38;
	[tilespmem:$0x10B20] =	vst v63  }
0x79: {  	s10 =	sadd.s32 $0x10, s10  }
0x7a: {  	[tilespmem:s28], [sflag:$0x1] =	stream.linear.gather [hbm4b:s10+s16], $0x48, $0x38;
	[tilespmem:$0x10B20] =	vst v63  }
0x7b: {  	_ =	swait.ge [sflag:s22], $0x80  }
0x7c: {  	[sflag:s22] =	ssyncset.done $0x0  }
0x7d: {  	[sflag:s22] =	ssyncadd.s32 $0xFFFFFF80  }
0x7e: {  	_ =	swait.ge [sflag:s22], $0x48  }
0x7f: {  	[sflag:s22] =	ssyncset.done $0x0  }
0x80: {  	[sflag:s22] =	ssyncadd.s32 $0xFFFFFFB8  }
0x81: {  	[tilespmem:s14], [sflag:$0x8] =	stream.indirect.gather [hbm4b:s7+s29], $0x40, s0, s29, $0xb8;
	[tilespmem:$0x10B20] =	vst v63  }
0x82: {  	s24 =	simm.s32 $0xB920;
	s12 =	simm.s32 $0x0  }
0x83: {  	[tilespmem:s24], [sflag:$0x8] =	stream.indirect.gather [hbm4b:s7+s11], $0x40, s2, s11, $0xb8;
	[tilespmem:$0x10B20] =	vst v63  }
0x84: {  	v0 =	vld [tilespmem:s12+$0x350]  }
0x85: {  	v1 =	vld [tilespmem:s12+$0x390]  }
0x86: {  	v2 =	vld [tilespmem:s12+$0x3D0]  }
0x87: {  	v3 =	vld [tilespmem:s12+$0x410]  }
0x88: {  	v4 =	vld [tilespmem:s12+$0x450]  }
0x89: {  	v5 =	vld [tilespmem:s12+$0x490]  }
0x8a: {  	v6 =	vld [tilespmem:s12+$0x4D0]  }
0x8b: {  	v7 =	vld [tilespmem:s12+$0x510]  }
0x8c: {  	v8 =	vld [tilespmem:s12+$0x320]  }
0x8d: {  	v9 =	vld [tilespmem:s12+$0x360]  }
0x8e: {  	v10 =	vld [tilespmem:s12+$0x3A0]  }
0x8f: {  	v11 =	vld [tilespmem:s12+$0x3E0]  }
0x90: {  	v12 =	vld [tilespmem:s12+$0x420]  }
0x91: {  	v13 =	vld [tilespmem:s12+$0x460]  }
0x92: {  	v14 =	vld [tilespmem:s12+$0x4A0]  }
0x93: {  	v15 =	vld [tilespmem:s12+$0x4E0]  }
0x94: {  	v16 =	vld [tilespmem:s12+$0x330]  }
0x95: {  	v17 =	vld [tilespmem:s12+$0x370]  }
0x96: {  	v18 =	vld [tilespmem:s12+$0x3B0]  }
0x97: {  	v19 =	vld [tilespmem:s12+$0x3F0]  }
0x98: {  	v20 =	vld [tilespmem:s12+$0x430]  }
0x99: {  	v21 =	vld [tilespmem:s12+$0x470]  }
0x9a: {  	v22 =	vld [tilespmem:s12+$0x4B0]  }
0x9b: {  	v23 =	vld [tilespmem:s12+$0x3C0];
	v0 =	vadd.f32 v1, v0  }
0x9c: {  	v1 =	vadd.f32 v3, v2;
	v2 =	vld [tilespmem:s12+$0x4F0];
	v3 =	vadd.f32 v5, v4  }
0x9d: {  	v4 =	vadd.f32 v7, v6;
	v6 =	vld [tilespmem:s12+$0x340];
	v5 =	vadd.f32 v13, v12  }
0x9e: {  	v7 =	vld [tilespmem:s12+$0x380];
	v12 =	vadd.f32 v19, v18;
	v0 =	vadd.f32 v1, v0  }
0x9f: {  	v13 =	vld [tilespmem:s12+$0x480];
	v1 =	vadd.f32 v4, v3;
	v3 =	vadd.f32 v9, v8  }
0xa0: {  	v4 =	vadd.f32 v11, v10;
	v8 =	vld [tilespmem:s12+$0x400];
	v9 =	vadd.f32 v15, v14  }
0xa1: {  	v10 =	vld [tilespmem:s12+$0x440];
	v11 =	vadd.f32 v17, v16;
	v14 =	vadd.f32 v21, v20  }
0xa2: {  	v15 =	vld [tilespmem:s12+$0x4C0];
	v3 =	vadd.f32 v4, v3;
	v5 =	vadd.f32 v9, v5  }
0xa3: {  	s24 =	simm.s32 $0x200;
	v9 =	vld [tilespmem:s12+$0x500];
	v11 =	vadd.f32 v12, v11;
	v2 =	vadd.f32 v2, v22  }
0xa4: {  	v4 =	vld [tilespmem:s24+$0x350];
	v0 =	vadd.f32 v1, v0;
	v12 =	vadd.f32 v7, v6  }
0xa5: {  	v6 =	vld [tilespmem:s24+$0x3D0];
	v1 =	vadd.f32 v5, v3;
	v3 =	vimm.f32 $0.0e+00;
	v2 =	vadd.f32 v2, v14  }
0xa6: {  	v7 =	vld [tilespmem:s24+$0x450];
	v0 =	vadd.f32 v0, v3  }
0xa7: {  	v5 =	vld [tilespmem:s24+$0x390];
	v14 =	vadd.f32 v2, v11;
	v11 =	vadd.f32 v8, v23  }
0xa8: {  	v13 =	vadd.f32 v13, v10;
	v10 =	vld [tilespmem:s24+$0x4D0];
	v15 =	vadd.f32 v9, v15  }
0xa9: {  	v8 =	vld [tilespmem:s24+$0x410];
	v2 =	vadd.f32 v1, v3;
	v11 =	vadd.f32 v11, v12  }
0xaa: {  	s10 =	simm.s32 $0x1000;
	v9 =	vld [tilespmem:s24+$0x490];
	v1 =	vadd.f32 v14, v3;
	v12 =	vadd.f32 v15, v13  }
.LBB2_4:
0xab: {  	p1 =	sne.s32 s10, $0xC000;
	v13 =	vld [tilespmem:s24+$0x510]  }
0xac: {  	v14 =	vld [tilespmem:s24+$0x320];
	v11 =	vadd.f32 v12, v11  }
0xad: {  	v12 =	vld [tilespmem:s24+$0x360]  }
0xae: {  	v15 =	vld [tilespmem:s24+$0x3A0];
	v3 =	vadd.f32 v11, v3  }
0xaf: {  	v4 =	vadd.f32 v5, v4;
	v5 =	vadd.f32 v8, v6;
	v11 =	vld [tilespmem:s24+$0x3E0]  }
0xb0: {  	v7 =	vadd.f32 v9, v7;
	v6 =	vld [tilespmem:s24+$0x420];
	v8 =	vadd.f32 v13, v10  }
0xb1: {  	v9 =	vld [tilespmem:s24+$0x460]  }
0xb2: {  	v4 =	vadd.f32 v5, v4;
	v10 =	vld [tilespmem:s24+$0x4A0];
	v5 =	vadd.f32 v8, v7  }
0xb3: {  	v8 =	vadd.f32 v12, v14;
	v7 =	vld [tilespmem:s24+$0x4E0]  }
0xb4: {  	v11 =	vadd.f32 v11, v15;
	v12 =	vld [tilespmem:s24+$0x330];
	v4 =	vadd.f32 v5, v4  }
0xb5: {  	v5 =	vld [tilespmem:s24+$0x370]  }
0xb6: {  	v6 =	vadd.f32 v9, v6;
	v9 =	vld [tilespmem:s24+$0x3B0];
	v0 =	vadd.f32 v4, v0  }
0xb7: {  	v4 =	vadd.f32 v11, v8;
	v8 =	vld [tilespmem:s24+$0x3F0]  }
0xb8: {  	v7 =	vadd.f32 v7, v10;
	v10 =	vld [tilespmem:s24+$0x430]  }
0xb9: {  	v11 =	vld [tilespmem:s24+$0x470]  }
0xba: {  	v6 =	vadd.f32 v7, v6;
	v7 =	vld [tilespmem:s24+$0x4B0];
	v5 =	vadd.f32 v5, v12  }
0xbb: {  	v12 =	vld [tilespmem:s24+$0x4F0]  }
0xbc: {  	v4 =	vadd.f32 v6, v4;
	v6 =	vadd.f32 v8, v9;
	v8 =	vld [tilespmem:s24+$0x340]  }
0xbd: {  	v9 =	vld [tilespmem:s24+$0x380]  }
0xbe: {  	v10 =	vadd.f32 v11, v10;
	v5 =	vadd.f32 v6, v5;
	v6 =	vld [tilespmem:s24+$0x3C0]  }
0xbf: {  	v2 =	vadd.f32 v4, v2;
	v11 =	vld [tilespmem:s24+$0x400]  }
0xc0: {  	v4 =	vadd.f32 v12, v7;
	v7 =	vld [tilespmem:s24+$0x440]  }
0xc1: {  	v12 =	vld [tilespmem:s24+$0x480]  }
0xc2: {  	v10 =	vadd.f32 v4, v10;
	v13 =	vld [tilespmem:s24+$0x4C0];
	v8 =	vadd.f32 v9, v8  }
0xc3: {  	v9 =	vld [tilespmem:s24+$0x500];
	s24 =	sshra.s32 s10, $0x2  }
0xc4: {  	v4 =	vld [tilespmem:s24+$0x350];
	v10 =	vadd.f32 v10, v5;
	v11 =	vadd.f32 v11, v6  }
0xc5: {  	v5 =	vld [tilespmem:s24+$0x390]  }
.Ltmp3:
0xc6: {  	v6 =	vld [tilespmem:s24+$0x3D0];
	v12 =	vadd.f32 v12, v7;
	v11 =	vadd.f32 v11, v8;
	(pc) =	sbr.rel @p1 .LBB2_4-.Ltmp3, $4  }
0xc7: {  	v1 =	vadd.f32 v10, v1;
	v8 =	vld [tilespmem:s24+$0x410]  }
0xc8: {  	v7 =	vld [tilespmem:s24+$0x450];
	v13 =	vadd.f32 v9, v13  }
0xc9: {  	v9 =	vld [tilespmem:s24+$0x490]  }
0xca: {  	s10 =	sadd.s32 $0x800, s10;
	v10 =	vld [tilespmem:s24+$0x4D0];
	v12 =	vadd.f32 v13, v12  }
0xcb: {  	v13 =	vld [tilespmem:s24+$0x510]  }
0xcc: {  	v14 =	vld [tilespmem:s24+$0x320]  }
0xcd: {  	v15 =	vld [tilespmem:s24+$0x360]  }
0xce: {  	v16 =	vld [tilespmem:s24+$0x3A0]  }
0xcf: {  	v17 =	vld [tilespmem:s24+$0x3E0]  }
0xd0: {  	v18 =	vld [tilespmem:s24+$0x420]  }
0xd1: {  	v19 =	vld [tilespmem:s24+$0x460]  }
0xd2: {  	v20 =	vld [tilespmem:s24+$0x4A0]  }
0xd3: {  	v21 =	vld [tilespmem:s24+$0x4E0]  }
0xd4: {  	v22 =	vld [tilespmem:s24+$0x330]  }
0xd5: {  	v23 =	vld [tilespmem:s24+$0x370]  }
0xd6: {  	v24 =	vld [tilespmem:s24+$0x3B0]  }
0xd7: {  	v25 =	vld [tilespmem:s24+$0x3F0]  }
0xd8: {  	v26 =	vld [tilespmem:s24+$0x430]  }
0xd9: {  	v27 =	vld [tilespmem:s24+$0x470]  }
0xda: {  	v28 =	vld [tilespmem:s24+$0x4B0]  }
0xdb: {  	v29 =	vld [tilespmem:s24+$0x4F0]  }
0xdc: {  	v30 =	vld [tilespmem:s24+$0x380];
	v11 =	vadd.f32 v12, v11  }
0xdd: {  	v4 =	vadd.f32 v5, v4;
	v53 =	vld [tilespmem:s24+$0x480];
	v5 =	vadd.f32 v8, v6  }
0xde: {  	v12 =	vld [tilespmem:s24+$0x340];
	v3 =	vadd.f32 v11, v3  }
0xdf: {  	v6 =	vld [tilespmem:s24+$0x400];
	v7 =	vadd.f32 v9, v7;
	v4 =	vadd.f32 v5, v4  }
0xe0: {  	v11 =	vld [tilespmem:s24+$0x3C0];
	v8 =	vadd.f32 v15, v14;
	v14 =	vadd.f32 v17, v16  }
0xe1: {  	v15 =	vld [tilespmem:s24+$0x440];
	v51 =	vadd.f32 v19, v18;
	v52 =	vadd.f32 v21, v20  }
0xe2: {  	v9 =	vadd.f32 v13, v10;
	v10 =	vld [tilespmem:s24+$0x4C0];
	v5 =	vadd.f32 v23, v22  }
0xe3: {  	v54 =	vadd.f32 v27, v26;
	v8 =	vadd.f32 v14, v8;
	v14 =	vld [tilespmem:s24+$0x500]  }
0xe4: {  	v55 =	vadd.f32 v29, v28;
	v13 =	vadd.f32 v52, v51  }
0xe5: {  	v12 =	vadd.f32 v30, v12;
	v7 =	vadd.f32 v9, v7  }
0xe6: {  	v6 =	vadd.f32 v6, v11;
	v8 =	vadd.f32 v13, v8  }
0xe7: {  	v13 =	vadd.f32 v25, v24;
	v4 =	vadd.f32 v7, v4  }
0xe8: {  	v11 =	vadd.f32 v53, v15;
	v10 =	vadd.f32 v14, v10  }
0xe9: {  	v5 =	vadd.f32 v13, v5;
	v13 =	vadd.f32 v55, v54  }
0xea: {  	v6 =	vadd.f32 v6, v12;
	v10 =	vadd.f32 v10, v11  }
0xeb: {  	s10 =	sshll.u32 s25, $0x8;
	v2 =	vadd.f32 v8, v2;
	v5 =	vadd.f32 v13, v5  }
0xec: {  	s24 =	sand.u32 $0x3FFFFF00, s10;
	v0 =	vadd.f32 v4, v0;
	v6 =	vadd.f32 v10, v6  }
0xed: {  	[tilespmem:s24+$0xCB20] =	vst v2;
	v1 =	vadd.f32 v5, v1  }
0xee: {  	[tilespmem:s24+$0xCB50] =	vst v0;
	v3 =	vadd.f32 v6, v3  }
0xef: {  	[tilespmem:s24+$0xCB30] =	vst v1  }
0xf0: {  	s12 =	sadd.s32 $0x5, s26;
	[tilespmem:s24+$0xCB40] =	vst v3  }
0xf1: {  	s10 =	sand.u32 $0xFD, s12;
	_ =	swait.ge [sflag:s17], $0x2000  }
0xf2: {  	s10 =	sor.u32 s3, s10;
	[sflag:s17] =	ssyncset.done $0x0  }
0xf3: {  	s10 =	smul.u32 $0xC8, s10;
	[sflag:s17] =	ssyncadd.s32 $0xFFFFE000  }
0xf4: {  	_ =	swait.ge [sflag:s17], $0x1200  }
0xf5: {  	s10 =	sshrl.u32 s10, $0x3;
	[sflag:s17] =	ssyncset.done $0x0  }
0xf6: {  	s12 =	simm.s32 $0x0;
	s10 =	sadd.s32 s5, s10;
	[sflag:s17] =	ssyncadd.s32 $0xFFFFEE00  }
0xf7: {  	[tilespmem:s29], [sflag:$0x2] =	stream.linear.gather [hbm4b:s10+s12], $0x80, $0x38;
	[tilespmem:$0x10B20] =	vst v63  }
0xf8: {  	s10 =	sadd.s32 $0x10, s10  }
0xf9: {  	[tilespmem:s30], [sflag:$0x2] =	stream.linear.gather [hbm4b:s10+s12], $0x48, $0x38;
	[tilespmem:$0x10B20] =	vst v63  }
0xfa: {  	_ =	swait.ge [sflag:s9], $0x80  }
0xfb: {  	[sflag:s9] =	ssyncset.done $0x0  }
0xfc: {  	[sflag:s9] =	ssyncadd.s32 $0xFFFFFF80  }
0xfd: {  	_ =	swait.ge [sflag:s9], $0x48  }
0xfe: {  	[sflag:s9] =	ssyncset.done $0x0  }
0xff: {  	s10 =	simm.s32 $0x320;
	[sflag:s9] =	ssyncadd.s32 $0xFFFFFFB8  }
0x100: {  	[tilespmem:s10], [sflag:$0x5] =	stream.indirect.gather [hbm4b:s7+s29], $0x40, s12, s29, $0xb8;
	[tilespmem:$0x10B20] =	vst v63  }
0x101: {  	s12 =	simm.s32 $0x2320  }
0x102: {  	[tilespmem:s12], [sflag:$0x5] =	stream.indirect.gather [hbm4b:s7+s11], $0x40, s28, s11, $0xb8;
	[tilespmem:$0x10B20] =	vst v63  }
0x103: {  	s12 =	simm.s32 $0x0  }
0x104: {  	v0 =	vld [tilespmem:s12+$0x3550]  }
0x105: {  	v1 =	vld [tilespmem:s12+$0x3590]  }
0x106: {  	v2 =	vld [tilespmem:s12+$0x35D0]  }
0x107: {  	v3 =	vld [tilespmem:s12+$0x3610]  }
0x108: {  	v4 =	vld [tilespmem:s12+$0x3650]  }
0x109: {  	v5 =	vld [tilespmem:s12+$0x3690]  }
0x10a: {  	v6 =	vld [tilespmem:s12+$0x36D0]  }
0x10b: {  	v7 =	vld [tilespmem:s12+$0x3710]  }
0x10c: {  	v8 =	vld [tilespmem:s12+$0x3520]  }
0x10d: {  	v9 =	vld [tilespmem:s12+$0x3560]  }
0x10e: {  	v10 =	vld [tilespmem:s12+$0x35A0]  }
0x10f: {  	v11 =	vld [tilespmem:s12+$0x35E0]  }
0x110: {  	v12 =	vld [tilespmem:s12+$0x3620]  }
0x111: {  	v13 =	vld [tilespmem:s12+$0x3660]  }
0x112: {  	v14 =	vld [tilespmem:s12+$0x36A0]  }
0x113: {  	v15 =	vld [tilespmem:s12+$0x36E0]  }
0x114: {  	v56 =	vld [tilespmem:s12+$0x3530]  }
0x115: {  	v57 =	vld [tilespmem:s12+$0x3570]  }
0x116: {  	v58 =	vld [tilespmem:s12+$0x35B0]  }
0x117: {  	v59 =	vld [tilespmem:s12+$0x35F0]  }
0x118: {  	v60 =	vld [tilespmem:s12+$0x3630]  }
0x119: {  	v61 =	vld [tilespmem:s12+$0x3670]  }
0x11a: {  	v62 =	vld [tilespmem:s12+$0x36B0]  }
0x11b: {  	v63 =	vld [tilespmem:s12+$0x35C0];
	v0 =	vadd.f32 v1, v0;
	v1 =	vadd.f32 v3, v2  }
0x11c: {  	v2 =	vld [tilespmem:s12+$0x36F0];
	v3 =	vadd.f32 v5, v4;
	v4 =	vadd.f32 v7, v6  }
0x11d: {  	v6 =	vld [tilespmem:s12+$0x3540]  }
0x11e: {  	v7 =	vld [tilespmem:s12+$0x3580];
	v0 =	vadd.f32 v1, v0;
	v1 =	vadd.f32 v4, v3  }
0x11f: {  	v3 =	vadd.f32 v9, v8;
	v4 =	vadd.f32 v11, v10;
	v8 =	vld [tilespmem:s12+$0x3600]  }
0x120: {  	v5 =	vadd.f32 v59, v58;
	v9 =	vld [tilespmem:s12+$0x3640];
	v0 =	vadd.f32 v1, v0  }
0x121: {  	v11 =	vld [tilespmem:s12+$0x3680];
	v1 =	vadd.f32 v13, v12;
	v10 =	vadd.f32 v4, v3  }
0x122: {  	v3 =	vadd.f32 v15, v14;
	v4 =	vadd.f32 v57, v56;
	v12 =	vld [tilespmem:s12+$0x36C0]  }
0x123: {  	s10 =	simm.s32 $0x200;
	v13 =	vadd.f32 v61, v60;
	v14 =	vld [tilespmem:s12+$0x3700];
	v2 =	vadd.f32 v2, v62  }
0x124: {  	v1 =	vadd.f32 v3, v1;
	v3 =	vimm.f32 $0.0e+00;
	v15 =	vadd.f32 v5, v4;
	v4 =	vld [tilespmem:s10+$0x3550]  }
0x125: {  	v5 =	vld [tilespmem:s10+$0x3590];
	v0 =	vadd.f32 v0, v3;
	v2 =	vadd.f32 v2, v13  }
0x126: {  	v13 =	vadd.f32 v8, v63;
	v8 =	vld [tilespmem:s10+$0x3610];
	v1 =	vadd.f32 v1, v10  }
0x127: {  	v10 =	vadd.f32 v7, v6;
	v6 =	vld [tilespmem:s10+$0x35D0];
	v2 =	vadd.f32 v2, v15  }
0x128: {  	v7 =	vld [tilespmem:s10+$0x3650];
	v15 =	vadd.f32 v11, v9;
	v12 =	vadd.f32 v14, v12  }
0x129: {  	v9 =	vld [tilespmem:s10+$0x3690];
	v1 =	vadd.f32 v1, v3;
	v11 =	vadd.f32 v13, v10  }
0x12a: {  	s12 =	simm.s32 $0x1000;
	v10 =	vld [tilespmem:s10+$0x36D0];
	v2 =	vadd.f32 v2, v3;
	v12 =	vadd.f32 v12, v15  }
.LBB2_6:
0x12b: {  	p1 =	sne.s32 s12, $0xC000;
	v13 =	vld [tilespmem:s10+$0x3710]  }
0x12c: {  	v14 =	vld [tilespmem:s10+$0x3520];
	v11 =	vadd.f32 v12, v11  }
0x12d: {  	v12 =	vld [tilespmem:s10+$0x3560]  }
0x12e: {  	v15 =	vld [tilespmem:s10+$0x35A0];
	v3 =	vadd.f32 v11, v3  }
0x12f: {  	v4 =	vadd.f32 v5, v4;
	v5 =	vadd.f32 v8, v6;
	v11 =	vld [tilespmem:s10+$0x35E0]  }
0x130: {  	v7 =	vadd.f32 v9, v7;
	v6 =	vld [tilespmem:s10+$0x3620];
	v8 =	vadd.f32 v13, v10  }
0x131: {  	v9 =	vld [tilespmem:s10+$0x3660]  }
0x132: {  	v4 =	vadd.f32 v5, v4;
	v10 =	vld [tilespmem:s10+$0x36A0];
	v5 =	vadd.f32 v8, v7  }
0x133: {  	v8 =	vadd.f32 v12, v14;
	v7 =	vld [tilespmem:s10+$0x36E0]  }
0x134: {  	v11 =	vadd.f32 v11, v15;
	v12 =	vld [tilespmem:s10+$0x3530];
	v4 =	vadd.f32 v5, v4  }
0x135: {  	v5 =	vld [tilespmem:s10+$0x3570]  }
0x136: {  	v6 =	vadd.f32 v9, v6;
	v9 =	vld [tilespmem:s10+$0x35B0];
	v0 =	vadd.f32 v4, v0  }
0x137: {  	v4 =	vadd.f32 v11, v8;
	v8 =	vld [tilespmem:s10+$0x35F0]  }
0x138: {  	v7 =	vadd.f32 v7, v10;
	v10 =	vld [tilespmem:s10+$0x3630]  }
0x139: {  	v11 =	vld [tilespmem:s10+$0x3670]  }
0x13a: {  	v6 =	vadd.f32 v7, v6;
	v7 =	vld [tilespmem:s10+$0x36B0];
	v5 =	vadd.f32 v5, v12  }
0x13b: {  	v12 =	vld [tilespmem:s10+$0x36F0]  }
0x13c: {  	v4 =	vadd.f32 v6, v4;
	v6 =	vadd.f32 v8, v9;
	v8 =	vld [tilespmem:s10+$0x3540]  }
0x13d: {  	v9 =	vld [tilespmem:s10+$0x3580]  }
0x13e: {  	v10 =	vadd.f32 v11, v10;
	v5 =	vadd.f32 v6, v5;
	v6 =	vld [tilespmem:s10+$0x35C0]  }
0x13f: {  	v1 =	vadd.f32 v4, v1;
	v11 =	vld [tilespmem:s10+$0x3600]  }
0x140: {  	v4 =	vadd.f32 v12, v7;
	v7 =	vld [tilespmem:s10+$0x3640]  }
0x141: {  	v12 =	vld [tilespmem:s10+$0x3680]  }
0x142: {  	v10 =	vadd.f32 v4, v10;
	v13 =	vld [tilespmem:s10+$0x36C0];
	v8 =	vadd.f32 v9, v8  }
0x143: {  	v9 =	vld [tilespmem:s10+$0x3700];
	s10 =	sshra.s32 s12, $0x2  }
0x144: {  	v4 =	vld [tilespmem:s10+$0x3550];
	v10 =	vadd.f32 v10, v5;
	v11 =	vadd.f32 v11, v6  }
0x145: {  	v5 =	vld [tilespmem:s10+$0x3590]  }
.Ltmp4:
0x146: {  	v6 =	vld [tilespmem:s10+$0x35D0];
	v12 =	vadd.f32 v12, v7;
	v11 =	vadd.f32 v11, v8;
	(pc) =	sbr.rel @p1 .LBB2_6-.Ltmp4, $4  }
0x147: {  	v2 =	vadd.f32 v10, v2;
	v8 =	vld [tilespmem:s10+$0x3610]  }
0x148: {  	v7 =	vld [tilespmem:s10+$0x3650];
	v13 =	vadd.f32 v9, v13  }
0x149: {  	v9 =	vld [tilespmem:s10+$0x3690]  }
0x14a: {  	s12 =	sadd.s32 $0x800, s12;
	v10 =	vld [tilespmem:s10+$0x36D0];
	v12 =	vadd.f32 v13, v12  }
0x14b: {  	v13 =	vld [tilespmem:s10+$0x3710]  }
0x14c: {  	v14 =	vld [tilespmem:s10+$0x3520]  }
0x14d: {  	v15 =	vld [tilespmem:s10+$0x3560]  }
0x14e: {  	v16 =	vld [tilespmem:s10+$0x35A0]  }
0x14f: {  	v17 =	vld [tilespmem:s10+$0x35E0]  }
0x150: {  	v18 =	vld [tilespmem:s10+$0x3620]  }
0x151: {  	v19 =	vld [tilespmem:s10+$0x3660]  }
0x152: {  	v20 =	vld [tilespmem:s10+$0x36A0]  }
0x153: {  	v21 =	vld [tilespmem:s10+$0x36E0]  }
0x154: {  	v22 =	vld [tilespmem:s10+$0x3530]  }
0x155: {  	v23 =	vld [tilespmem:s10+$0x3570]  }
0x156: {  	v24 =	vld [tilespmem:s10+$0x35B0]  }
0x157: {  	v25 =	vld [tilespmem:s10+$0x35F0]  }
0x158: {  	v26 =	vld [tilespmem:s10+$0x3630]  }
0x159: {  	v27 =	vld [tilespmem:s10+$0x3670]  }
0x15a: {  	v28 =	vld [tilespmem:s10+$0x36B0]  }
0x15b: {  	v29 =	vld [tilespmem:s10+$0x36F0]  }
0x15c: {  	v30 =	vld [tilespmem:s10+$0x3580];
	v11 =	vadd.f32 v12, v11  }
0x15d: {  	v4 =	vadd.f32 v5, v4;
	v53 =	vld [tilespmem:s10+$0x3680];
	v5 =	vadd.f32 v8, v6  }
0x15e: {  	v12 =	vld [tilespmem:s10+$0x3540];
	v3 =	vadd.f32 v11, v3  }
0x15f: {  	v6 =	vld [tilespmem:s10+$0x3600];
	v7 =	vadd.f32 v9, v7;
	v4 =	vadd.f32 v5, v4  }
0x160: {  	v11 =	vld [tilespmem:s10+$0x35C0];
	v8 =	vadd.f32 v15, v14;
	v14 =	vadd.f32 v17, v16  }
0x161: {  	v15 =	vld [tilespmem:s10+$0x3640];
	v51 =	vadd.f32 v19, v18;
	v52 =	vadd.f32 v21, v20  }
0x162: {  	v9 =	vadd.f32 v13, v10;
	v10 =	vld [tilespmem:s10+$0x36C0];
	v5 =	vadd.f32 v23, v22  }
0x163: {  	v54 =	vadd.f32 v27, v26;
	v8 =	vadd.f32 v14, v8;
	v14 =	vld [tilespmem:s10+$0x3700]  }
0x164: {  	v55 =	vadd.f32 v29, v28;
	v13 =	vadd.f32 v52, v51  }
0x165: {  	v12 =	vadd.f32 v30, v12;
	v7 =	vadd.f32 v9, v7  }
0x166: {  	v6 =	vadd.f32 v6, v11;
	v8 =	vadd.f32 v13, v8  }
0x167: {  	v13 =	vadd.f32 v25, v24;
	v4 =	vadd.f32 v7, v4  }
0x168: {  	v11 =	vadd.f32 v53, v15;
	v10 =	vadd.f32 v14, v10  }
0x169: {  	v5 =	vadd.f32 v13, v5;
	v13 =	vadd.f32 v55, v54  }
0x16a: {  	v6 =	vadd.f32 v6, v12;
	v10 =	vadd.f32 v10, v11  }
0x16b: {  	v1 =	vadd.f32 v8, v1;
	v5 =	vadd.f32 v13, v5  }
0x16c: {  	v0 =	vadd.f32 v4, v0;
	v6 =	vadd.f32 v10, v6  }
0x16d: {  	[tilespmem:s24+$0xCB60] =	vst v1;
	v2 =	vadd.f32 v5, v2  }
0x16e: {  	[tilespmem:s24+$0xCB90] =	vst v0;
	v3 =	vadd.f32 v6, v3  }
0x16f: {  	[tilespmem:s24+$0xCB70] =	vst v2  }
0x170: {  	s12 =	sadd.s32 $0x6, s26;
	[tilespmem:s24+$0xCB80] =	vst v3  }
0x171: {  	s10 =	sand.u32 $0xFE, s12;
	_ =	swait.ge [sflag:s23], $0x2000  }
0x172: {  	s10 =	sor.u32 s3, s10;
	[sflag:s23] =	ssyncset.done $0x0  }
0x173: {  	s10 =	smul.u32 $0xC8, s10;
	[sflag:s23] =	ssyncadd.s32 $0xFFFFE000  }
0x174: {  	_ =	swait.ge [sflag:s23], $0x1200  }
0x175: {  	s10 =	sshrl.u32 s10, $0x3;
	[sflag:s23] =	ssyncset.done $0x0  }
0x176: {  	s12 =	simm.s32 $0x0;
	s10 =	sadd.s32 s5, s10;
	[sflag:s23] =	ssyncadd.s32 $0xFFFFEE00  }
0x177: {  	[tilespmem:s31], [sflag:$0x3] =	stream.linear.gather [hbm4b:s10+s12], $0x80, $0x38;
	[tilespmem:$0x10B20] =	vst v63  }
0x178: {  	s10 =	sadd.s32 $0x10, s10  }
0x179: {  	[tilespmem:s1], [sflag:$0x3] =	stream.linear.gather [hbm4b:s10+s12], $0x48, $0x38;
	[tilespmem:$0x10B20] =	vst v63  }
0x17a: {  	_ =	swait.ge [sflag:s13], $0x80  }
0x17b: {  	[sflag:s13] =	ssyncset.done $0x0  }
0x17c: {  	[sflag:s13] =	ssyncadd.s32 $0xFFFFFF80  }
0x17d: {  	_ =	swait.ge [sflag:s13], $0x48  }
0x17e: {  	[sflag:s13] =	ssyncset.done $0x0  }
0x17f: {  	s12 =	simm.s32 $0x3520;
	[sflag:s13] =	ssyncadd.s32 $0xFFFFFFB8  }
0x180: {  	[tilespmem:s12], [sflag:$0x6] =	stream.indirect.gather [hbm4b:s7+s29], $0x40, s29, s29, $0xb8;
	[tilespmem:$0x10B20] =	vst v63  }
0x181: {  	s12 =	simm.s32 $0x0  }
0x182: {  	[tilespmem:s15], [sflag:$0x6] =	stream.indirect.gather [hbm4b:s7+s11], $0x40, s30, s11, $0xb8;
	[tilespmem:$0x10B20] =	vst v63  }
0x183: {  	v0 =	vld [tilespmem:s12+$0x6750]  }
0x184: {  	v1 =	vld [tilespmem:s12+$0x6790]  }
0x185: {  	v2 =	vld [tilespmem:s12+$0x67D0]  }
0x186: {  	v3 =	vld [tilespmem:s12+$0x6810]  }
0x187: {  	v4 =	vld [tilespmem:s12+$0x6850]  }
0x188: {  	v5 =	vld [tilespmem:s12+$0x6890]  }
0x189: {  	v6 =	vld [tilespmem:s12+$0x68D0]  }
0x18a: {  	v7 =	vld [tilespmem:s12+$0x6910]  }
0x18b: {  	v8 =	vld [tilespmem:s12+$0x6720]  }
0x18c: {  	v9 =	vld [tilespmem:s12+$0x6760]  }
0x18d: {  	v10 =	vld [tilespmem:s12+$0x67A0]  }
0x18e: {  	v11 =	vld [tilespmem:s12+$0x67E0]  }
0x18f: {  	v12 =	vld [tilespmem:s12+$0x6820]  }
0x190: {  	v13 =	vld [tilespmem:s12+$0x6860]  }
0x191: {  	v14 =	vld [tilespmem:s12+$0x68A0]  }
0x192: {  	v15 =	vld [tilespmem:s12+$0x68E0]  }
0x193: {  	v56 =	vld [tilespmem:s12+$0x6730]  }
0x194: {  	v57 =	vld [tilespmem:s12+$0x6770]  }
0x195: {  	v58 =	vld [tilespmem:s12+$0x67B0]  }
0x196: {  	v59 =	vld [tilespmem:s12+$0x67F0]  }
0x197: {  	v60 =	vld [tilespmem:s12+$0x6830]  }
0x198: {  	v61 =	vld [tilespmem:s12+$0x6870]  }
0x199: {  	v62 =	vld [tilespmem:s12+$0x68B0]  }
0x19a: {  	v63 =	vld [tilespmem:s12+$0x67C0];
	v0 =	vadd.f32 v1, v0;
	v1 =	vadd.f32 v3, v2  }
0x19b: {  	v2 =	vld [tilespmem:s12+$0x68F0];
	v3 =	vadd.f32 v5, v4;
	v4 =	vadd.f32 v7, v6  }
0x19c: {  	v6 =	vld [tilespmem:s12+$0x6740]  }
0x19d: {  	v7 =	vld [tilespmem:s12+$0x6780];
	v0 =	vadd.f32 v1, v0;
	v1 =	vadd.f32 v4, v3  }
0x19e: {  	v3 =	vadd.f32 v9, v8;
	v4 =	vadd.f32 v11, v10;
	v8 =	vld [tilespmem:s12+$0x6800]  }
0x19f: {  	v5 =	vadd.f32 v59, v58;
	v9 =	vld [tilespmem:s12+$0x6840];
	v0 =	vadd.f32 v1, v0  }
0x1a0: {  	v11 =	vld [tilespmem:s12+$0x6880];
	v1 =	vadd.f32 v13, v12;
	v10 =	vadd.f32 v4, v3  }
0x1a1: {  	v3 =	vadd.f32 v15, v14;
	v4 =	vadd.f32 v57, v56;
	v12 =	vld [tilespmem:s12+$0x68C0]  }
0x1a2: {  	s10 =	simm.s32 $0x200;
	v13 =	vadd.f32 v61, v60;
	v14 =	vld [tilespmem:s12+$0x6900];
	v2 =	vadd.f32 v2, v62  }
0x1a3: {  	v1 =	vadd.f32 v3, v1;
	v3 =	vimm.f32 $0.0e+00;
	v15 =	vadd.f32 v5, v4;
	v4 =	vld [tilespmem:s10+$0x6750]  }
0x1a4: {  	v5 =	vld [tilespmem:s10+$0x6790];
	v0 =	vadd.f32 v0, v3;
	v2 =	vadd.f32 v2, v13  }
0x1a5: {  	v13 =	vadd.f32 v8, v63;
	v8 =	vld [tilespmem:s10+$0x6810];
	v1 =	vadd.f32 v1, v10  }
0x1a6: {  	v10 =	vadd.f32 v7, v6;
	v6 =	vld [tilespmem:s10+$0x67D0];
	v2 =	vadd.f32 v2, v15  }
0x1a7: {  	v7 =	vld [tilespmem:s10+$0x6850];
	v15 =	vadd.f32 v11, v9;
	v12 =	vadd.f32 v14, v12  }
0x1a8: {  	v9 =	vld [tilespmem:s10+$0x6890];
	v1 =	vadd.f32 v1, v3;
	v11 =	vadd.f32 v13, v10  }
0x1a9: {  	s12 =	simm.s32 $0x1000;
	v10 =	vld [tilespmem:s10+$0x68D0];
	v2 =	vadd.f32 v2, v3;
	v12 =	vadd.f32 v12, v15  }
.LBB2_8:
0x1aa: {  	p1 =	sne.s32 s12, $0xC000;
	v13 =	vld [tilespmem:s10+$0x6910]  }
0x1ab: {  	v14 =	vld [tilespmem:s10+$0x6720];
	v11 =	vadd.f32 v12, v11  }
0x1ac: {  	v12 =	vld [tilespmem:s10+$0x6760]  }
0x1ad: {  	v15 =	vld [tilespmem:s10+$0x67A0];
	v3 =	vadd.f32 v11, v3  }
0x1ae: {  	v4 =	vadd.f32 v5, v4;
	v5 =	vadd.f32 v8, v6;
	v11 =	vld [tilespmem:s10+$0x67E0]  }
0x1af: {  	v7 =	vadd.f32 v9, v7;
	v6 =	vld [tilespmem:s10+$0x6820];
	v8 =	vadd.f32 v13, v10  }
0x1b0: {  	v9 =	vld [tilespmem:s10+$0x6860]  }
0x1b1: {  	v4 =	vadd.f32 v5, v4;
	v10 =	vld [tilespmem:s10+$0x68A0];
	v5 =	vadd.f32 v8, v7  }
0x1b2: {  	v8 =	vadd.f32 v12, v14;
	v7 =	vld [tilespmem:s10+$0x68E0]  }
0x1b3: {  	v11 =	vadd.f32 v11, v15;
	v12 =	vld [tilespmem:s10+$0x6730];
	v4 =	vadd.f32 v5, v4  }
0x1b4: {  	v5 =	vld [tilespmem:s10+$0x6770]  }
0x1b5: {  	v6 =	vadd.f32 v9, v6;
	v9 =	vld [tilespmem:s10+$0x67B0];
	v0 =	vadd.f32 v4, v0  }
0x1b6: {  	v4 =	vadd.f32 v11, v8;
	v8 =	vld [tilespmem:s10+$0x67F0]  }
0x1b7: {  	v7 =	vadd.f32 v7, v10;
	v10 =	vld [tilespmem:s10+$0x6830]  }
0x1b8: {  	v11 =	vld [tilespmem:s10+$0x6870]  }
0x1b9: {  	v6 =	vadd.f32 v7, v6;
	v7 =	vld [tilespmem:s10+$0x68B0];
	v5 =	vadd.f32 v5, v12  }
0x1ba: {  	v12 =	vld [tilespmem:s10+$0x68F0]  }
0x1bb: {  	v4 =	vadd.f32 v6, v4;
	v6 =	vadd.f32 v8, v9;
	v8 =	vld [tilespmem:s10+$0x6740]  }
0x1bc: {  	v9 =	vld [tilespmem:s10+$0x6780]  }
0x1bd: {  	v10 =	vadd.f32 v11, v10;
	v5 =	vadd.f32 v6, v5;
	v6 =	vld [tilespmem:s10+$0x67C0]  }
0x1be: {  	v1 =	vadd.f32 v4, v1;
	v11 =	vld [tilespmem:s10+$0x6800]  }
0x1bf: {  	v4 =	vadd.f32 v12, v7;
	v7 =	vld [tilespmem:s10+$0x6840]  }
0x1c0: {  	v12 =	vld [tilespmem:s10+$0x6880]  }
0x1c1: {  	v10 =	vadd.f32 v4, v10;
	v13 =	vld [tilespmem:s10+$0x68C0];
	v8 =	vadd.f32 v9, v8  }
0x1c2: {  	v9 =	vld [tilespmem:s10+$0x6900];
	s10 =	sshra.s32 s12, $0x2  }
0x1c3: {  	v4 =	vld [tilespmem:s10+$0x6750];
	v10 =	vadd.f32 v10, v5;
	v11 =	vadd.f32 v11, v6  }
0x1c4: {  	v5 =	vld [tilespmem:s10+$0x6790]  }
.Ltmp5:
0x1c5: {  	v6 =	vld [tilespmem:s10+$0x67D0];
	v12 =	vadd.f32 v12, v7;
	v11 =	vadd.f32 v11, v8;
	(pc) =	sbr.rel @p1 .LBB2_8-.Ltmp5, $4  }
0x1c6: {  	v2 =	vadd.f32 v10, v2;
	v8 =	vld [tilespmem:s10+$0x6810]  }
0x1c7: {  	v7 =	vld [tilespmem:s10+$0x6850];
	v13 =	vadd.f32 v9, v13  }
0x1c8: {  	v9 =	vld [tilespmem:s10+$0x6890]  }
0x1c9: {  	s12 =	sadd.s32 $0x800, s12;
	v10 =	vld [tilespmem:s10+$0x68D0];
	v12 =	vadd.f32 v13, v12  }
0x1ca: {  	v13 =	vld [tilespmem:s10+$0x6910]  }
0x1cb: {  	v14 =	vld [tilespmem:s10+$0x6720]  }
0x1cc: {  	v15 =	vld [tilespmem:s10+$0x6760]  }
0x1cd: {  	v16 =	vld [tilespmem:s10+$0x67A0]  }
0x1ce: {  	v17 =	vld [tilespmem:s10+$0x67E0]  }
0x1cf: {  	v18 =	vld [tilespmem:s10+$0x6820]  }
0x1d0: {  	v19 =	vld [tilespmem:s10+$0x6860]  }
0x1d1: {  	v20 =	vld [tilespmem:s10+$0x68A0]  }
0x1d2: {  	v21 =	vld [tilespmem:s10+$0x68E0]  }
0x1d3: {  	v22 =	vld [tilespmem:s10+$0x6730]  }
0x1d4: {  	v23 =	vld [tilespmem:s10+$0x6770]  }
0x1d5: {  	v24 =	vld [tilespmem:s10+$0x67B0]  }
0x1d6: {  	v25 =	vld [tilespmem:s10+$0x67F0]  }
0x1d7: {  	v26 =	vld [tilespmem:s10+$0x6830]  }
0x1d8: {  	v27 =	vld [tilespmem:s10+$0x6870]  }
0x1d9: {  	v28 =	vld [tilespmem:s10+$0x68B0]  }
0x1da: {  	v29 =	vld [tilespmem:s10+$0x68F0]  }
0x1db: {  	v30 =	vld [tilespmem:s10+$0x6780];
	v11 =	vadd.f32 v12, v11  }
0x1dc: {  	v4 =	vadd.f32 v5, v4;
	v53 =	vld [tilespmem:s10+$0x6880];
	v5 =	vadd.f32 v8, v6  }
0x1dd: {  	v12 =	vld [tilespmem:s10+$0x6740];
	v3 =	vadd.f32 v11, v3  }
0x1de: {  	v6 =	vld [tilespmem:s10+$0x6800];
	v7 =	vadd.f32 v9, v7;
	v4 =	vadd.f32 v5, v4  }
0x1df: {  	v11 =	vld [tilespmem:s10+$0x67C0];
	v8 =	vadd.f32 v15, v14;
	v14 =	vadd.f32 v17, v16  }
0x1e0: {  	v15 =	vld [tilespmem:s10+$0x6840];
	v51 =	vadd.f32 v19, v18;
	v52 =	vadd.f32 v21, v20  }
0x1e1: {  	v9 =	vadd.f32 v13, v10;
	v10 =	vld [tilespmem:s10+$0x68C0];
	v5 =	vadd.f32 v23, v22  }
0x1e2: {  	v54 =	vadd.f32 v27, v26;
	v8 =	vadd.f32 v14, v8;
	v14 =	vld [tilespmem:s10+$0x6900]  }
0x1e3: {  	v55 =	vadd.f32 v29, v28;
	v13 =	vadd.f32 v52, v51  }
0x1e4: {  	v12 =	vadd.f32 v30, v12;
	v7 =	vadd.f32 v9, v7  }
0x1e5: {  	v6 =	vadd.f32 v6, v11;
	v8 =	vadd.f32 v13, v8  }
0x1e6: {  	v13 =	vadd.f32 v25, v24;
	v4 =	vadd.f32 v7, v4  }
0x1e7: {  	v11 =	vadd.f32 v53, v15;
	v10 =	vadd.f32 v14, v10  }
0x1e8: {  	v5 =	vadd.f32 v13, v5;
	v13 =	vadd.f32 v55, v54  }
0x1e9: {  	v6 =	vadd.f32 v6, v12;
	v10 =	vadd.f32 v10, v11  }
0x1ea: {  	v1 =	vadd.f32 v8, v1;
	v5 =	vadd.f32 v13, v5  }
0x1eb: {  	v0 =	vadd.f32 v4, v0;
	v6 =	vadd.f32 v10, v6  }
0x1ec: {  	[tilespmem:s24+$0xCBA0] =	vst v1;
	v2 =	vadd.f32 v5, v2  }
0x1ed: {  	[tilespmem:s24+$0xCBD0] =	vst v0;
	v3 =	vadd.f32 v6, v3  }
0x1ee: {  	[tilespmem:s24+$0xCBB0] =	vst v2  }
0x1ef: {  	s12 =	sadd.s32 $0x7, s26;
	[tilespmem:s24+$0xCBC0] =	vst v3  }
0x1f0: {  	s10 =	sand.u32 $0xFF, s12;
	_ =	swait.ge [sflag:s8], $0x2000  }
0x1f1: {  	s10 =	sor.u32 s3, s10;
	[sflag:s8] =	ssyncset.done $0x0  }
0x1f2: {  	s10 =	smul.u32 $0xC8, s10;
	[sflag:s8] =	ssyncadd.s32 $0xFFFFE000  }
0x1f3: {  	_ =	swait.ge [sflag:s8], $0x1200  }
0x1f4: {  	s10 =	sshrl.u32 s10, $0x3;
	[sflag:s8] =	ssyncset.done $0x0  }
0x1f5: {  	s12 =	simm.s32 $0x0;
	s10 =	sadd.s32 s5, s10;
	[sflag:s8] =	ssyncadd.s32 $0xFFFFEE00  }
0x1f6: {  	[tilespmem:s0], [sflag:$0x4] =	stream.linear.gather [hbm4b:s10+s12], $0x80, $0x38;
	[tilespmem:$0x10B20] =	vst v63  }
0x1f7: {  	s10 =	sadd.s32 $0x10, s10  }
0x1f8: {  	[tilespmem:s2], [sflag:$0x4] =	stream.linear.gather [hbm4b:s10+s12], $0x48, $0x38;
	[tilespmem:$0x10B20] =	vst v63  }
0x1f9: {  	_ =	swait.ge [sflag:s18], $0x80  }
0x1fa: {  	[sflag:s18] =	ssyncset.done $0x0  }
0x1fb: {  	[sflag:s18] =	ssyncadd.s32 $0xFFFFFF80  }
0x1fc: {  	_ =	swait.ge [sflag:s18], $0x48  }
0x1fd: {  	[sflag:s18] =	ssyncset.done $0x0  }
0x1fe: {  	[sflag:s18] =	ssyncadd.s32 $0xFFFFFFB8  }
0x1ff: {  	[tilespmem:s19], [sflag:$0x7] =	stream.indirect.gather [hbm4b:s7+s29], $0x40, s31, s29, $0xb8;
	[tilespmem:$0x10B20] =	vst v63  }
0x200: {  	s26 =	simm.s32 $0x0  }
0x201: {  	[tilespmem:s20], [sflag:$0x7] =	stream.indirect.gather [hbm4b:s7+s11], $0x40, s1, s11, $0xb8;
	[tilespmem:$0x10B20] =	vst v63  }
0x202: {  	v0 =	vld [tilespmem:s26+$0x9950]  }
0x203: {  	v1 =	vld [tilespmem:s26+$0x9990]  }
0x204: {  	v2 =	vld [tilespmem:s26+$0x99D0]  }
0x205: {  	v3 =	vld [tilespmem:s26+$0x9A10]  }
0x206: {  	v4 =	vld [tilespmem:s26+$0x9A50]  }
0x207: {  	v5 =	vld [tilespmem:s26+$0x9A90]  }
0x208: {  	v6 =	vld [tilespmem:s26+$0x9AD0]  }
0x209: {  	v7 =	vld [tilespmem:s26+$0x9B10]  }
0x20a: {  	v8 =	vld [tilespmem:s26+$0x9920]  }
0x20b: {  	v9 =	vld [tilespmem:s26+$0x9960]  }
0x20c: {  	v10 =	vld [tilespmem:s26+$0x99A0]  }
0x20d: {  	v11 =	vld [tilespmem:s26+$0x99E0]  }
0x20e: {  	v12 =	vld [tilespmem:s26+$0x9A20]  }
0x20f: {  	v13 =	vld [tilespmem:s26+$0x9A60]  }
0x210: {  	v14 =	vld [tilespmem:s26+$0x9AA0]  }
0x211: {  	v15 =	vld [tilespmem:s26+$0x9AE0]  }
0x212: {  	v56 =	vld [tilespmem:s26+$0x9930]  }
0x213: {  	v57 =	vld [tilespmem:s26+$0x9970]  }
0x214: {  	v58 =	vld [tilespmem:s26+$0x99B0]  }
0x215: {  	v59 =	vld [tilespmem:s26+$0x99F0]  }
0x216: {  	v60 =	vld [tilespmem:s26+$0x9A30]  }
0x217: {  	v61 =	vld [tilespmem:s26+$0x9A70]  }
0x218: {  	v62 =	vld [tilespmem:s26+$0x9AB0]  }
0x219: {  	v63 =	vld [tilespmem:s26+$0x99C0];
	v0 =	vadd.f32 v1, v0;
	v1 =	vadd.f32 v3, v2  }
0x21a: {  	v2 =	vld [tilespmem:s26+$0x9AF0];
	v3 =	vadd.f32 v5, v4;
	v4 =	vadd.f32 v7, v6  }
0x21b: {  	v6 =	vld [tilespmem:s26+$0x9940]  }
0x21c: {  	v7 =	vld [tilespmem:s26+$0x9980];
	v0 =	vadd.f32 v1, v0;
	v1 =	vadd.f32 v4, v3  }
0x21d: {  	v3 =	vadd.f32 v9, v8;
	v4 =	vadd.f32 v11, v10;
	v8 =	vld [tilespmem:s26+$0x9A00]  }
0x21e: {  	v5 =	vadd.f32 v59, v58;
	v9 =	vld [tilespmem:s26+$0x9A40];
	v0 =	vadd.f32 v1, v0  }
0x21f: {  	v11 =	vld [tilespmem:s26+$0x9A80];
	v1 =	vadd.f32 v13, v12;
	v10 =	vadd.f32 v4, v3  }
0x220: {  	v3 =	vadd.f32 v15, v14;
	v4 =	vadd.f32 v57, v56;
	v12 =	vld [tilespmem:s26+$0x9AC0]  }
0x221: {  	s10 =	simm.s32 $0x200;
	v13 =	vadd.f32 v61, v60;
	v14 =	vld [tilespmem:s26+$0x9B00];
	v2 =	vadd.f32 v2, v62  }
0x222: {  	v1 =	vadd.f32 v3, v1;
	v3 =	vimm.f32 $0.0e+00;
	v15 =	vadd.f32 v5, v4;
	v4 =	vld [tilespmem:s10+$0x9950]  }
0x223: {  	v5 =	vld [tilespmem:s10+$0x9990];
	v0 =	vadd.f32 v0, v3;
	v2 =	vadd.f32 v2, v13  }
0x224: {  	v13 =	vadd.f32 v8, v63;
	v8 =	vld [tilespmem:s10+$0x9A10];
	v1 =	vadd.f32 v1, v10  }
0x225: {  	v10 =	vadd.f32 v7, v6;
	v6 =	vld [tilespmem:s10+$0x99D0];
	v2 =	vadd.f32 v2, v15  }
0x226: {  	v7 =	vld [tilespmem:s10+$0x9A50];
	v15 =	vadd.f32 v11, v9;
	v12 =	vadd.f32 v14, v12  }
0x227: {  	v9 =	vld [tilespmem:s10+$0x9A90];
	v1 =	vadd.f32 v1, v3;
	v11 =	vadd.f32 v13, v10  }
0x228: {  	s12 =	simm.s32 $0x1000;
	v10 =	vld [tilespmem:s10+$0x9AD0];
	v2 =	vadd.f32 v2, v3;
	v12 =	vadd.f32 v12, v15  }
.LBB2_10:
0x229: {  	p1 =	sne.s32 s12, $0xC000;
	v13 =	vld [tilespmem:s10+$0x9B10]  }
0x22a: {  	v14 =	vld [tilespmem:s10+$0x9920];
	v11 =	vadd.f32 v12, v11  }
0x22b: {  	v12 =	vld [tilespmem:s10+$0x9960]  }
0x22c: {  	v15 =	vld [tilespmem:s10+$0x99A0];
	v3 =	vadd.f32 v11, v3  }
0x22d: {  	v4 =	vadd.f32 v5, v4;
	v5 =	vadd.f32 v8, v6;
	v11 =	vld [tilespmem:s10+$0x99E0]  }
0x22e: {  	v7 =	vadd.f32 v9, v7;
	v6 =	vld [tilespmem:s10+$0x9A20];
	v8 =	vadd.f32 v13, v10  }
0x22f: {  	v9 =	vld [tilespmem:s10+$0x9A60]  }
0x230: {  	v4 =	vadd.f32 v5, v4;
	v10 =	vld [tilespmem:s10+$0x9AA0];
	v5 =	vadd.f32 v8, v7  }
0x231: {  	v8 =	vadd.f32 v12, v14;
	v7 =	vld [tilespmem:s10+$0x9AE0]  }
0x232: {  	v11 =	vadd.f32 v11, v15;
	v12 =	vld [tilespmem:s10+$0x9930];
	v4 =	vadd.f32 v5, v4  }
0x233: {  	v5 =	vld [tilespmem:s10+$0x9970]  }
0x234: {  	v6 =	vadd.f32 v9, v6;
	v9 =	vld [tilespmem:s10+$0x99B0];
	v0 =	vadd.f32 v4, v0  }
0x235: {  	v4 =	vadd.f32 v11, v8;
	v8 =	vld [tilespmem:s10+$0x99F0]  }
0x236: {  	v7 =	vadd.f32 v7, v10;
	v10 =	vld [tilespmem:s10+$0x9A30]  }
0x237: {  	v11 =	vld [tilespmem:s10+$0x9A70]  }
0x238: {  	v6 =	vadd.f32 v7, v6;
	v7 =	vld [tilespmem:s10+$0x9AB0];
	v5 =	vadd.f32 v5, v12  }
0x239: {  	v12 =	vld [tilespmem:s10+$0x9AF0]  }
0x23a: {  	v4 =	vadd.f32 v6, v4;
	v6 =	vadd.f32 v8, v9;
	v8 =	vld [tilespmem:s10+$0x9940]  }
0x23b: {  	v9 =	vld [tilespmem:s10+$0x9980]  }
0x23c: {  	v10 =	vadd.f32 v11, v10;
	v5 =	vadd.f32 v6, v5;
	v6 =	vld [tilespmem:s10+$0x99C0]  }
0x23d: {  	v1 =	vadd.f32 v4, v1;
	v11 =	vld [tilespmem:s10+$0x9A00]  }
0x23e: {  	v4 =	vadd.f32 v12, v7;
	v7 =	vld [tilespmem:s10+$0x9A40]  }
0x23f: {  	v12 =	vld [tilespmem:s10+$0x9A80]  }
0x240: {  	v10 =	vadd.f32 v4, v10;
	v13 =	vld [tilespmem:s10+$0x9AC0];
	v8 =	vadd.f32 v9, v8  }
0x241: {  	v9 =	vld [tilespmem:s10+$0x9B00];
	s10 =	sshra.s32 s12, $0x2  }
0x242: {  	v4 =	vld [tilespmem:s10+$0x9950];
	v10 =	vadd.f32 v10, v5;
	v11 =	vadd.f32 v11, v6  }
0x243: {  	v5 =	vld [tilespmem:s10+$0x9990]  }
.Ltmp6:
0x244: {  	v6 =	vld [tilespmem:s10+$0x99D0];
	v12 =	vadd.f32 v12, v7;
	v11 =	vadd.f32 v11, v8;
	(pc) =	sbr.rel @p1 .LBB2_10-.Ltmp6, $4  }
0x245: {  	v2 =	vadd.f32 v10, v2;
	v8 =	vld [tilespmem:s10+$0x9A10]  }
0x246: {  	v7 =	vld [tilespmem:s10+$0x9A50];
	v13 =	vadd.f32 v9, v13  }
0x247: {  	v9 =	vld [tilespmem:s10+$0x9A90]  }
0x248: {  	s12 =	sadd.s32 $0x800, s12;
	v10 =	vld [tilespmem:s10+$0x9AD0];
	v12 =	vadd.f32 v13, v12  }
0x249: {  	v13 =	vld [tilespmem:s10+$0x9B10]  }
0x24a: {  	v14 =	vld [tilespmem:s10+$0x9920]  }
0x24b: {  	v15 =	vld [tilespmem:s10+$0x9960]  }
0x24c: {  	v16 =	vld [tilespmem:s10+$0x99A0]  }
0x24d: {  	v17 =	vld [tilespmem:s10+$0x99E0]  }
0x24e: {  	v18 =	vld [tilespmem:s10+$0x9A20]  }
0x24f: {  	v19 =	vld [tilespmem:s10+$0x9A60]  }
0x250: {  	v20 =	vld [tilespmem:s10+$0x9AA0]  }
0x251: {  	v21 =	vld [tilespmem:s10+$0x9AE0]  }
0x252: {  	v22 =	vld [tilespmem:s10+$0x9930]  }
0x253: {  	v23 =	vld [tilespmem:s10+$0x9970]  }
0x254: {  	v24 =	vld [tilespmem:s10+$0x99B0]  }
0x255: {  	v25 =	vld [tilespmem:s10+$0x99F0]  }
0x256: {  	v26 =	vld [tilespmem:s10+$0x9A30]  }
0x257: {  	v27 =	vld [tilespmem:s10+$0x9A70]  }
0x258: {  	v28 =	vld [tilespmem:s10+$0x9AB0]  }
0x259: {  	v29 =	vld [tilespmem:s10+$0x9AF0]  }
0x25a: {  	v44 =	vld [tilespmem:s10+$0x9940]  }
0x25b: {  	v30 =	vld [tilespmem:s10+$0x9980]  }
0x25c: {  	v45 =	vld [tilespmem:s10+$0x99C0];
	v11 =	vadd.f32 v12, v11  }
0x25d: {  	v4 =	vadd.f32 v5, v4;
	v47 =	vld [tilespmem:s10+$0x9A00];
	v46 =	vadd.f32 v8, v6  }
0x25e: {  	v50 =	vld [tilespmem:s10+$0x9A40];
	v3 =	vadd.f32 v11, v3  }
0x25f: {  	v53 =	vld [tilespmem:s10+$0x9A80];
	v7 =	vadd.f32 v9, v7;
	v4 =	vadd.f32 v46, v4  }
0x260: {  	v55 =	vld [tilespmem:s10+$0x9AC0];
	v48 =	vadd.f32 v15, v14;
	v49 =	vadd.f32 v17, v16  }
0x261: {  	v57 =	vld [tilespmem:s10+$0x9B00];
	v51 =	vadd.f32 v19, v18;
	v52 =	vadd.f32 v21, v20  }
0x262: {  	v54 =	vadd.f32 v13, v10;
	v58 =	vadd.f32 v23, v22  }
0x263: {  	v59 =	vadd.f32 v25, v24;
	v60 =	vadd.f32 v27, v26  }
0x264: {  	v61 =	vadd.f32 v29, v28;
	v12 =	vadd.f32 v30, v44  }
0x265: {  	v6 =	vadd.f32 v47, v45;
	v62 =	vadd.f32 v53, v50  }
0x266: {  	v10 =	vadd.f32 v57, v55;
	v8 =	vadd.f32 v49, v48  }
0x267: {  	v56 =	vadd.f32 v52, v51;
	v5 =	vadd.f32 v59, v58  }
0x268: {  	v63 =	vadd.f32 v61, v60;
	v6 =	vadd.f32 v6, v12  }
0x269: {  	v10 =	vadd.f32 v10, v62;
	v8 =	vadd.f32 v56, v8  }
0x26a: {  	s25 =	sadd.s32 $0x1, s25;
	v7 =	vadd.f32 v54, v7;
	v5 =	vadd.f32 v63, v5  }
0x26b: {  	p1 =	seq.s32 s25, $0x40;
	v6 =	vadd.f32 v10, v6;
	v1 =	vadd.f32 v8, v1  }
.Ltmp7:
0x26c: {  	v4 =	vadd.f32 v7, v4;
	v2 =	vadd.f32 v5, v2;
	(pc) =	sbr.rel @!p1 .LBB2_3-.Ltmp7, $4  }
0x26d: {  	v3 =	vadd.f32 v6, v3;
	[tilespmem:s24+$0xCBE0] =	vst v1  }
0x26e: {  	v0 =	vadd.f32 v4, v0;
	[tilespmem:s24+$0xCBF0] =	vst v2  }
0x26f: {  	[tilespmem:s24+$0xCC00] =	vst v3  }
0x270: {  	[tilespmem:s24+$0xCC10] =	vst v0  }
.Ltmp8:
0x271: {  	(pc) =	sbr.rel .LBB2_24-.Ltmp8, $3  }
0x272: {  	_ =	sdelay $0x1  }
0x273: {  	s10 =	rddreg [dreg:$0x12]  }
0x274: {  	s24 =	rddreg [dreg:$0x16]  }
.LBB2_13:
0x275: {  	s10 =	rddreg [dreg:$0x3]  }
0x276: {  	[tilespmem:s16], [sflag:$0x1] =	stream.linear.gather [hbm4b:s10+s16], $0x80, $0x38;
	[tilespmem:$0x10B20] =	vst v63  }
0x277: {  	s25 =	rddreg [dreg:$0x4]  }
0x278: {  	[tilespmem:s28], [sflag:$0x1] =	stream.linear.gather [hbm4b:s25+s16], $0x48, $0x38;
	[tilespmem:$0x10B20] =	vst v63  }
0x279: {  	s26 =	rddreg [dreg:$0x5]  }
0x27a: {  	[tilespmem:s29], [sflag:$0x2] =	stream.linear.gather [hbm4b:s26+s16], $0x80, $0x38;
	[tilespmem:$0x10B20] =	vst v63  }
0x27b: {  	s12 =	rddreg [dreg:$0x6]  }
0x27c: {  	[tilespmem:s30], [sflag:$0x2] =	stream.linear.gather [hbm4b:s12+s16], $0x48, $0x38;
	[tilespmem:$0x10B20] =	vst v63  }
0x27d: {  	s24 =	rddreg [dreg:$0x7]  }
0x27e: {  	[tilespmem:s31], [sflag:$0x3] =	stream.linear.gather [hbm4b:s24+s16], $0x80, $0x38;
	[tilespmem:$0x10B20] =	vst v63  }
0x27f: {  	s25 =	rddreg [dreg:$0x8]  }
0x280: {  	[tilespmem:s1], [sflag:$0x3] =	stream.linear.gather [hbm4b:s25+s16], $0x48, $0x38;
	[tilespmem:$0x10B20] =	vst v63  }
0x281: {  	s26 =	rddreg [dreg:$0x9]  }
0x282: {  	[tilespmem:s0], [sflag:$0x4] =	stream.linear.gather [hbm4b:s26+s16], $0x80, $0x38;
	[tilespmem:$0x10B20] =	vst v63  }
0x283: {  	s12 =	rddreg [dreg:$0xa]  }
0x284: {  	[tilespmem:s2], [sflag:$0x4] =	stream.linear.gather [hbm4b:s12+s16], $0x48, $0x38;
	[tilespmem:$0x10B20] =	vst v63  }
0x285: {  	_ =	swait.ge [sflag:s9], $0x80  }
0x286: {  	[sflag:s9] =	ssyncset.done $0x0  }
0x287: {  	[sflag:s9] =	ssyncadd.s32 $0xFFFFFF80  }
0x288: {  	_ =	swait.ge [sflag:s9], $0x48  }
0x289: {  	[sflag:s9] =	ssyncset.done $0x0  }
0x28a: {  	s24 =	simm.s32 $0x320;
	[sflag:s9] =	ssyncadd.s32 $0xFFFFFFB8  }
0x28b: {  	[tilespmem:s24], [sflag:$0x5] =	stream.indirect.gather [hbm4b:s7+s29], $0x40, s16, s29, $0xb8;
	[tilespmem:$0x10B20] =	vst v63  }
0x28c: {  	s25 =	simm.s32 $0x2320  }
0x28d: {  	[tilespmem:s25], [sflag:$0x5] =	stream.indirect.gather [hbm4b:s7+s11], $0x40, s28, s11, $0xb8;
	[tilespmem:$0x10B20] =	vst v63  }
0x28e: {  	_ =	swait.ge [sflag:s13], $0x80  }
0x28f: {  	[sflag:s13] =	ssyncset.done $0x0  }
0x290: {  	[sflag:s13] =	ssyncadd.s32 $0xFFFFFF80  }
0x291: {  	_ =	swait.ge [sflag:s13], $0x48  }
0x292: {  	[sflag:s13] =	ssyncset.done $0x0  }
0x293: {  	s26 =	simm.s32 $0x3520;
	[sflag:s13] =	ssyncadd.s32 $0xFFFFFFB8  }
0x294: {  	[tilespmem:s26], [sflag:$0x6] =	stream.indirect.gather [hbm4b:s7+s29], $0x40, s29, s29, $0xb8;
	[tilespmem:$0x10B20] =	vst v63  }
0x295: {  	_ = 	snop  }
0x296: {  	[tilespmem:s15], [sflag:$0x6] =	stream.indirect.gather [hbm4b:s7+s11], $0x40, s30, s11, $0xb8;
	[tilespmem:$0x10B20] =	vst v63  }
0x297: {  	_ =	swait.ge [sflag:s18], $0x80  }
0x298: {  	[sflag:s18] =	ssyncset.done $0x0  }
0x299: {  	[sflag:s18] =	ssyncadd.s32 $0xFFFFFF80  }
0x29a: {  	_ =	swait.ge [sflag:s18], $0x48  }
0x29b: {  	[sflag:s18] =	ssyncset.done $0x0  }
0x29c: {  	[sflag:s18] =	ssyncadd.s32 $0xFFFFFFB8  }
0x29d: {  	[tilespmem:s19], [sflag:$0x7] =	stream.indirect.gather [hbm4b:s7+s29], $0x40, s31, s29, $0xb8;
	[tilespmem:$0x10B20] =	vst v63  }
0x29e: {  	s25 =	simm.s32 $0x0  }
0x29f: {  	[tilespmem:s20], [sflag:$0x7] =	stream.indirect.gather [hbm4b:s7+s11], $0x40, s1, s11, $0xb8;
	[tilespmem:$0x10B20] =	vst v63  }
.LBB2_14:
0x2a0: {  	s26 =	sshll.u32 s25, $0x2  }
0x2a1: {  	s10 =	sadd.s32 $0x4, s26  }
0x2a2: {  	_ =	swait.ge [sflag:s21], $0x2000;
	s10 =	sand.u32 $0xFC, s10  }
0x2a3: {  	[sflag:s21] =	ssyncset.done $0x0;
	s10 =	sor.u32 s4, s10  }
0x2a4: {  	[sflag:s21] =	ssyncadd.s32 $0xFFFFE000;
	s10 =	smul.u32 $0xC8, s10  }
0x2a5: {  	_ =	swait.ge [sflag:s21], $0x1200  }
0x2a6: {  	[sflag:s21] =	ssyncset.done $0x0;
	s12 =	sshrl.u32 s10, $0x3;
	s10 =	sadd.s32 $0x80, s10  }
0x2a7: {  	[sflag:s21] =	ssyncadd.s32 $0xFFFFEE00;
	s12 =	sadd.s32 s6, s12;
	s10 =	sshrl.u32 s10, $0x3  }
0x2a8: {  	[tilespmem:s16], [sflag:$0x1] =	stream.linear.gather [hbm4b:s12+s16], $0x80, $0x38;
	[tilespmem:$0x10B20] =	vst v63  }
0x2a9: {  	s10 =	sadd.s32 s6, s10  }
0x2aa: {  	[tilespmem:s28], [sflag:$0x1] =	stream.linear.gather [hbm4b:s10+s16], $0x48, $0x38;
	[tilespmem:$0x10B20] =	vst v63  }
0x2ab: {  	_ =	swait.ge [sflag:s22], $0x80  }
0x2ac: {  	[sflag:s22] =	ssyncset.done $0x0  }
0x2ad: {  	[sflag:s22] =	ssyncadd.s32 $0xFFFFFF80  }
0x2ae: {  	_ =	swait.ge [sflag:s22], $0x48  }
0x2af: {  	[sflag:s22] =	ssyncset.done $0x0  }
0x2b0: {  	[sflag:s22] =	ssyncadd.s32 $0xFFFFFFB8  }
0x2b1: {  	[tilespmem:s14], [sflag:$0x8] =	stream.indirect.gather [hbm4b:s7+s29], $0x40, s0, s29, $0xb8;
	[tilespmem:$0x10B20] =	vst v63  }
0x2b2: {  	s24 =	simm.s32 $0x0;
	s14 =	simm.s32 $0xB920  }
0x2b3: {  	[tilespmem:s14], [sflag:$0x8] =	stream.indirect.gather [hbm4b:s7+s11], $0x40, s2, s11, $0xb8;
	[tilespmem:$0x10B20] =	vst v63  }
0x2b4: {  	v0 =	vld [tilespmem:s24+$0x350]  }
0x2b5: {  	v1 =	vld [tilespmem:s24+$0x390]  }
0x2b6: {  	v2 =	vld [tilespmem:s24+$0x3D0]  }
0x2b7: {  	v3 =	vld [tilespmem:s24+$0x410]  }
0x2b8: {  	v4 =	vld [tilespmem:s24+$0x450]  }
0x2b9: {  	v5 =	vld [tilespmem:s24+$0x490]  }
0x2ba: {  	v6 =	vld [tilespmem:s24+$0x4D0]  }
0x2bb: {  	v7 =	vld [tilespmem:s24+$0x510]  }
0x2bc: {  	v8 =	vld [tilespmem:s24+$0x320]  }
0x2bd: {  	v9 =	vld [tilespmem:s24+$0x360]  }
0x2be: {  	v10 =	vld [tilespmem:s24+$0x3A0]  }
0x2bf: {  	v11 =	vld [tilespmem:s24+$0x3E0]  }
0x2c0: {  	v12 =	vld [tilespmem:s24+$0x420]  }
0x2c1: {  	v13 =	vld [tilespmem:s24+$0x460]  }
0x2c2: {  	v14 =	vld [tilespmem:s24+$0x4A0]  }
0x2c3: {  	v15 =	vld [tilespmem:s24+$0x4E0]  }
0x2c4: {  	v16 =	vld [tilespmem:s24+$0x330]  }
0x2c5: {  	v17 =	vld [tilespmem:s24+$0x370]  }
0x2c6: {  	v18 =	vld [tilespmem:s24+$0x3B0]  }
0x2c7: {  	v19 =	vld [tilespmem:s24+$0x3F0]  }
0x2c8: {  	v20 =	vld [tilespmem:s24+$0x430]  }
0x2c9: {  	v21 =	vld [tilespmem:s24+$0x470]  }
0x2ca: {  	v22 =	vld [tilespmem:s24+$0x4B0]  }
0x2cb: {  	v23 =	vld [tilespmem:s24+$0x3C0];
	v0 =	vadd.f32 v1, v0  }
0x2cc: {  	v1 =	vadd.f32 v3, v2;
	v2 =	vld [tilespmem:s24+$0x4F0];
	v3 =	vadd.f32 v5, v4  }
0x2cd: {  	v4 =	vadd.f32 v7, v6;
	v6 =	vld [tilespmem:s24+$0x340];
	v5 =	vadd.f32 v13, v12  }
0x2ce: {  	v7 =	vld [tilespmem:s24+$0x380];
	v12 =	vadd.f32 v19, v18;
	v0 =	vadd.f32 v1, v0  }
0x2cf: {  	v13 =	vld [tilespmem:s24+$0x480];
	v1 =	vadd.f32 v4, v3;
	v3 =	vadd.f32 v9, v8  }
0x2d0: {  	v4 =	vadd.f32 v11, v10;
	v8 =	vld [tilespmem:s24+$0x400];
	v9 =	vadd.f32 v15, v14  }
0x2d1: {  	v10 =	vld [tilespmem:s24+$0x440];
	v11 =	vadd.f32 v17, v16;
	v14 =	vadd.f32 v21, v20  }
0x2d2: {  	v15 =	vld [tilespmem:s24+$0x4C0];
	v3 =	vadd.f32 v4, v3;
	v5 =	vadd.f32 v9, v5  }
0x2d3: {  	s10 =	simm.s32 $0x200;
	v9 =	vld [tilespmem:s24+$0x500];
	v11 =	vadd.f32 v12, v11;
	v2 =	vadd.f32 v2, v22  }
0x2d4: {  	v4 =	vld [tilespmem:s10+$0x350];
	v0 =	vadd.f32 v1, v0;
	v12 =	vadd.f32 v7, v6  }
0x2d5: {  	v6 =	vld [tilespmem:s10+$0x3D0];
	v1 =	vadd.f32 v5, v3;
	v3 =	vimm.f32 $0.0e+00;
	v2 =	vadd.f32 v2, v14  }
0x2d6: {  	v7 =	vld [tilespmem:s10+$0x450];
	v0 =	vadd.f32 v0, v3  }
0x2d7: {  	v5 =	vld [tilespmem:s10+$0x390];
	v14 =	vadd.f32 v2, v11;
	v11 =	vadd.f32 v8, v23  }
0x2d8: {  	v13 =	vadd.f32 v13, v10;
	v10 =	vld [tilespmem:s10+$0x4D0];
	v15 =	vadd.f32 v9, v15  }
0x2d9: {  	v8 =	vld [tilespmem:s10+$0x410];
	v2 =	vadd.f32 v1, v3;
	v11 =	vadd.f32 v11, v12  }
0x2da: {  	s12 =	simm.s32 $0x1000;
	v9 =	vld [tilespmem:s10+$0x490];
	v1 =	vadd.f32 v14, v3;
	v12 =	vadd.f32 v15, v13  }
.LBB2_15:
0x2db: {  	p1 =	sne.s32 s12, $0xC000;
	v13 =	vld [tilespmem:s10+$0x510]  }
0x2dc: {  	v14 =	vld [tilespmem:s10+$0x320];
	v11 =	vadd.f32 v12, v11  }
0x2dd: {  	v12 =	vld [tilespmem:s10+$0x360]  }
0x2de: {  	v15 =	vld [tilespmem:s10+$0x3A0];
	v3 =	vadd.f32 v11, v3  }
0x2df: {  	v4 =	vadd.f32 v5, v4;
	v5 =	vadd.f32 v8, v6;
	v11 =	vld [tilespmem:s10+$0x3E0]  }
0x2e0: {  	v7 =	vadd.f32 v9, v7;
	v6 =	vld [tilespmem:s10+$0x420];
	v8 =	vadd.f32 v13, v10  }
0x2e1: {  	v9 =	vld [tilespmem:s10+$0x460]  }
0x2e2: {  	v4 =	vadd.f32 v5, v4;
	v10 =	vld [tilespmem:s10+$0x4A0];
	v5 =	vadd.f32 v8, v7  }
0x2e3: {  	v8 =	vadd.f32 v12, v14;
	v7 =	vld [tilespmem:s10+$0x4E0]  }
0x2e4: {  	v11 =	vadd.f32 v11, v15;
	v12 =	vld [tilespmem:s10+$0x330];
	v4 =	vadd.f32 v5, v4  }
0x2e5: {  	v5 =	vld [tilespmem:s10+$0x370]  }
0x2e6: {  	v6 =	vadd.f32 v9, v6;
	v9 =	vld [tilespmem:s10+$0x3B0];
	v0 =	vadd.f32 v4, v0  }
0x2e7: {  	v4 =	vadd.f32 v11, v8;
	v8 =	vld [tilespmem:s10+$0x3F0]  }
0x2e8: {  	v7 =	vadd.f32 v7, v10;
	v10 =	vld [tilespmem:s10+$0x430]  }
0x2e9: {  	v11 =	vld [tilespmem:s10+$0x470]  }
0x2ea: {  	v6 =	vadd.f32 v7, v6;
	v7 =	vld [tilespmem:s10+$0x4B0];
	v5 =	vadd.f32 v5, v12  }
0x2eb: {  	v12 =	vld [tilespmem:s10+$0x4F0]  }
0x2ec: {  	v4 =	vadd.f32 v6, v4;
	v6 =	vadd.f32 v8, v9;
	v8 =	vld [tilespmem:s10+$0x340]  }
0x2ed: {  	v9 =	vld [tilespmem:s10+$0x380]  }
0x2ee: {  	v10 =	vadd.f32 v11, v10;
	v5 =	vadd.f32 v6, v5;
	v6 =	vld [tilespmem:s10+$0x3C0]  }
0x2ef: {  	v2 =	vadd.f32 v4, v2;
	v11 =	vld [tilespmem:s10+$0x400]  }
0x2f0: {  	v4 =	vadd.f32 v12, v7;
	v7 =	vld [tilespmem:s10+$0x440]  }
0x2f1: {  	v12 =	vld [tilespmem:s10+$0x480]  }
0x2f2: {  	v10 =	vadd.f32 v4, v10;
	v13 =	vld [tilespmem:s10+$0x4C0];
	v8 =	vadd.f32 v9, v8  }
0x2f3: {  	v9 =	vld [tilespmem:s10+$0x500];
	s10 =	sshra.s32 s12, $0x2  }
0x2f4: {  	v4 =	vld [tilespmem:s10+$0x350];
	v10 =	vadd.f32 v10, v5;
	v11 =	vadd.f32 v11, v6  }
0x2f5: {  	v5 =	vld [tilespmem:s10+$0x390]  }
.Ltmp9:
0x2f6: {  	v6 =	vld [tilespmem:s10+$0x3D0];
	v12 =	vadd.f32 v12, v7;
	v11 =	vadd.f32 v11, v8;
	(pc) =	sbr.rel @p1 .LBB2_15-.Ltmp9, $4  }
0x2f7: {  	v1 =	vadd.f32 v10, v1;
	v8 =	vld [tilespmem:s10+$0x410]  }
0x2f8: {  	v7 =	vld [tilespmem:s10+$0x450];
	v13 =	vadd.f32 v9, v13  }
0x2f9: {  	v9 =	vld [tilespmem:s10+$0x490]  }
0x2fa: {  	s12 =	sadd.s32 $0x800, s12;
	v10 =	vld [tilespmem:s10+$0x4D0];
	v12 =	vadd.f32 v13, v12  }
0x2fb: {  	v13 =	vld [tilespmem:s10+$0x510]  }
0x2fc: {  	v14 =	vld [tilespmem:s10+$0x320]  }
0x2fd: {  	v15 =	vld [tilespmem:s10+$0x360]  }
0x2fe: {  	v16 =	vld [tilespmem:s10+$0x3A0]  }
0x2ff: {  	v17 =	vld [tilespmem:s10+$0x3E0]  }
0x300: {  	v18 =	vld [tilespmem:s10+$0x420]  }
0x301: {  	v19 =	vld [tilespmem:s10+$0x460]  }
0x302: {  	v20 =	vld [tilespmem:s10+$0x4A0]  }
0x303: {  	v21 =	vld [tilespmem:s10+$0x4E0]  }
0x304: {  	v22 =	vld [tilespmem:s10+$0x330]  }
0x305: {  	v23 =	vld [tilespmem:s10+$0x370]  }
0x306: {  	v24 =	vld [tilespmem:s10+$0x3B0]  }
0x307: {  	v25 =	vld [tilespmem:s10+$0x3F0]  }
0x308: {  	v26 =	vld [tilespmem:s10+$0x430]  }
0x309: {  	v27 =	vld [tilespmem:s10+$0x470]  }
0x30a: {  	v28 =	vld [tilespmem:s10+$0x4B0]  }
0x30b: {  	v29 =	vld [tilespmem:s10+$0x4F0]  }
0x30c: {  	v30 =	vld [tilespmem:s10+$0x380];
	v11 =	vadd.f32 v12, v11  }
0x30d: {  	v4 =	vadd.f32 v5, v4;
	v53 =	vld [tilespmem:s10+$0x480];
	v5 =	vadd.f32 v8, v6  }
0x30e: {  	v12 =	vld [tilespmem:s10+$0x340];
	v3 =	vadd.f32 v11, v3  }
0x30f: {  	v6 =	vld [tilespmem:s10+$0x400];
	v7 =	vadd.f32 v9, v7;
	v4 =	vadd.f32 v5, v4  }
0x310: {  	v11 =	vld [tilespmem:s10+$0x3C0];
	v8 =	vadd.f32 v15, v14;
	v14 =	vadd.f32 v17, v16  }
0x311: {  	v15 =	vld [tilespmem:s10+$0x440];
	v51 =	vadd.f32 v19, v18;
	v52 =	vadd.f32 v21, v20  }
0x312: {  	v9 =	vadd.f32 v13, v10;
	v10 =	vld [tilespmem:s10+$0x4C0];
	v5 =	vadd.f32 v23, v22  }
0x313: {  	v54 =	vadd.f32 v27, v26;
	v8 =	vadd.f32 v14, v8;
	v14 =	vld [tilespmem:s10+$0x500]  }
0x314: {  	v55 =	vadd.f32 v29, v28;
	v13 =	vadd.f32 v52, v51  }
0x315: {  	v12 =	vadd.f32 v30, v12;
	v7 =	vadd.f32 v9, v7  }
0x316: {  	v6 =	vadd.f32 v6, v11;
	v8 =	vadd.f32 v13, v8  }
0x317: {  	v13 =	vadd.f32 v25, v24;
	v4 =	vadd.f32 v7, v4  }
0x318: {  	v11 =	vadd.f32 v53, v15;
	v10 =	vadd.f32 v14, v10  }
0x319: {  	v5 =	vadd.f32 v13, v5;
	v13 =	vadd.f32 v55, v54  }
0x31a: {  	v6 =	vadd.f32 v6, v12;
	v10 =	vadd.f32 v10, v11  }
0x31b: {  	s12 =	sshll.u32 s25, $0x8;
	v2 =	vadd.f32 v8, v2;
	v5 =	vadd.f32 v13, v5  }
0x31c: {  	s24 =	sand.u32 $0x3FFFFF00, s12;
	v0 =	vadd.f32 v4, v0;
	v6 =	vadd.f32 v10, v6  }
0x31d: {  	[tilespmem:s24+$0xCB20] =	vst v2;
	v1 =	vadd.f32 v5, v1  }
0x31e: {  	[tilespmem:s24+$0xCB50] =	vst v0;
	v3 =	vadd.f32 v6, v3  }
0x31f: {  	[tilespmem:s24+$0xCB30] =	vst v1  }
0x320: {  	s14 =	sadd.s32 $0x5, s26;
	[tilespmem:s24+$0xCB40] =	vst v3  }
0x321: {  	s10 =	sand.u32 $0xFD, s14;
	_ =	swait.ge [sflag:s17], $0x2000  }
0x322: {  	s10 =	sor.u32 s4, s10;
	[sflag:s17] =	ssyncset.done $0x0  }
0x323: {  	s10 =	smul.u32 $0xC8, s10;
	[sflag:s17] =	ssyncadd.s32 $0xFFFFE000  }
0x324: {  	s14 =	simm.s32 $0x0;
	_ =	swait.ge [sflag:s17], $0x1200  }
0x325: {  	s12 =	sshrl.u32 s10, $0x3;
	s10 =	sadd.s32 $0x80, s10;
	[sflag:s17] =	ssyncset.done $0x0  }
0x326: {  	s12 =	sadd.s32 s6, s12;
	s10 =	sshrl.u32 s10, $0x3;
	[sflag:s17] =	ssyncadd.s32 $0xFFFFEE00  }
0x327: {  	[tilespmem:s29], [sflag:$0x2] =	stream.linear.gather [hbm4b:s12+s14], $0x80, $0x38;
	[tilespmem:$0x10B20] =	vst v63  }
0x328: {  	s10 =	sadd.s32 s6, s10  }
0x329: {  	[tilespmem:s30], [sflag:$0x2] =	stream.linear.gather [hbm4b:s10+s14], $0x48, $0x38;
	[tilespmem:$0x10B20] =	vst v63  }
0x32a: {  	_ =	swait.ge [sflag:s9], $0x80  }
0x32b: {  	[sflag:s9] =	ssyncset.done $0x0  }
0x32c: {  	[sflag:s9] =	ssyncadd.s32 $0xFFFFFF80  }
0x32d: {  	_ =	swait.ge [sflag:s9], $0x48  }
0x32e: {  	[sflag:s9] =	ssyncset.done $0x0  }
0x32f: {  	s12 =	simm.s32 $0x320;
	[sflag:s9] =	ssyncadd.s32 $0xFFFFFFB8  }
0x330: {  	[tilespmem:s12], [sflag:$0x5] =	stream.indirect.gather [hbm4b:s7+s29], $0x40, s14, s29, $0xb8;
	[tilespmem:$0x10B20] =	vst v63  }
0x331: {  	s12 =	simm.s32 $0x2320;
	s14 =	simm.s32 $0x0  }
0x332: {  	[tilespmem:s12], [sflag:$0x5] =	stream.indirect.gather [hbm4b:s7+s11], $0x40, s28, s11, $0xb8;
	[tilespmem:$0x10B20] =	vst v63  }
0x333: {  	v0 =	vld [tilespmem:s14+$0x3550]  }
0x334: {  	v1 =	vld [tilespmem:s14+$0x3590]  }
0x335: {  	v2 =	vld [tilespmem:s14+$0x35D0]  }
0x336: {  	v3 =	vld [tilespmem:s14+$0x3610]  }
0x337: {  	v4 =	vld [tilespmem:s14+$0x3650]  }
0x338: {  	v5 =	vld [tilespmem:s14+$0x3690]  }
0x339: {  	v6 =	vld [tilespmem:s14+$0x36D0]  }
0x33a: {  	v7 =	vld [tilespmem:s14+$0x3710]  }
0x33b: {  	v8 =	vld [tilespmem:s14+$0x3520]  }
0x33c: {  	v9 =	vld [tilespmem:s14+$0x3560]  }
0x33d: {  	v10 =	vld [tilespmem:s14+$0x35A0]  }
0x33e: {  	v11 =	vld [tilespmem:s14+$0x35E0]  }
0x33f: {  	v12 =	vld [tilespmem:s14+$0x3620]  }
0x340: {  	v13 =	vld [tilespmem:s14+$0x3660]  }
0x341: {  	v14 =	vld [tilespmem:s14+$0x36A0]  }
0x342: {  	v15 =	vld [tilespmem:s14+$0x36E0]  }
0x343: {  	v56 =	vld [tilespmem:s14+$0x3530]  }
0x344: {  	v57 =	vld [tilespmem:s14+$0x3570]  }
0x345: {  	v58 =	vld [tilespmem:s14+$0x35B0]  }
0x346: {  	v59 =	vld [tilespmem:s14+$0x35F0]  }
0x347: {  	v60 =	vld [tilespmem:s14+$0x3630]  }
0x348: {  	v61 =	vld [tilespmem:s14+$0x3670]  }
0x349: {  	v62 =	vld [tilespmem:s14+$0x36B0]  }
0x34a: {  	v63 =	vld [tilespmem:s14+$0x35C0];
	v0 =	vadd.f32 v1, v0;
	v1 =	vadd.f32 v3, v2  }
0x34b: {  	v2 =	vld [tilespmem:s14+$0x36F0];
	v3 =	vadd.f32 v5, v4;
	v4 =	vadd.f32 v7, v6  }
0x34c: {  	v6 =	vld [tilespmem:s14+$0x3540]  }
0x34d: {  	v7 =	vld [tilespmem:s14+$0x3580];
	v0 =	vadd.f32 v1, v0;
	v1 =	vadd.f32 v4, v3  }
0x34e: {  	v3 =	vadd.f32 v9, v8;
	v4 =	vadd.f32 v11, v10;
	v8 =	vld [tilespmem:s14+$0x3600]  }
0x34f: {  	v5 =	vadd.f32 v59, v58;
	v9 =	vld [tilespmem:s14+$0x3640];
	v0 =	vadd.f32 v1, v0  }
0x350: {  	v11 =	vld [tilespmem:s14+$0x3680];
	v1 =	vadd.f32 v13, v12;
	v10 =	vadd.f32 v4, v3  }
0x351: {  	v3 =	vadd.f32 v15, v14;
	v4 =	vadd.f32 v57, v56;
	v12 =	vld [tilespmem:s14+$0x36C0]  }
0x352: {  	s10 =	simm.s32 $0x200;
	v13 =	vadd.f32 v61, v60;
	v14 =	vld [tilespmem:s14+$0x3700];
	v2 =	vadd.f32 v2, v62  }
0x353: {  	v1 =	vadd.f32 v3, v1;
	v3 =	vimm.f32 $0.0e+00;
	v15 =	vadd.f32 v5, v4;
	v4 =	vld [tilespmem:s10+$0x3550]  }
0x354: {  	v5 =	vld [tilespmem:s10+$0x3590];
	v0 =	vadd.f32 v0, v3;
	v2 =	vadd.f32 v2, v13  }
0x355: {  	v13 =	vadd.f32 v8, v63;
	v8 =	vld [tilespmem:s10+$0x3610];
	v1 =	vadd.f32 v1, v10  }
0x356: {  	v10 =	vadd.f32 v7, v6;
	v6 =	vld [tilespmem:s10+$0x35D0];
	v2 =	vadd.f32 v2, v15  }
0x357: {  	v7 =	vld [tilespmem:s10+$0x3650];
	v15 =	vadd.f32 v11, v9;
	v12 =	vadd.f32 v14, v12  }
0x358: {  	v9 =	vld [tilespmem:s10+$0x3690];
	v1 =	vadd.f32 v1, v3;
	v11 =	vadd.f32 v13, v10  }
0x359: {  	s12 =	simm.s32 $0x1000;
	v10 =	vld [tilespmem:s10+$0x36D0];
	v2 =	vadd.f32 v2, v3;
	v12 =	vadd.f32 v12, v15  }
.LBB2_17:
0x35a: {  	p1 =	sne.s32 s12, $0xC000;
	v13 =	vld [tilespmem:s10+$0x3710]  }
0x35b: {  	v14 =	vld [tilespmem:s10+$0x3520];
	v11 =	vadd.f32 v12, v11  }
0x35c: {  	v12 =	vld [tilespmem:s10+$0x3560]  }
0x35d: {  	v15 =	vld [tilespmem:s10+$0x35A0];
	v3 =	vadd.f32 v11, v3  }
0x35e: {  	v4 =	vadd.f32 v5, v4;
	v5 =	vadd.f32 v8, v6;
	v11 =	vld [tilespmem:s10+$0x35E0]  }
0x35f: {  	v7 =	vadd.f32 v9, v7;
	v6 =	vld [tilespmem:s10+$0x3620];
	v8 =	vadd.f32 v13, v10  }
0x360: {  	v9 =	vld [tilespmem:s10+$0x3660]  }
0x361: {  	v4 =	vadd.f32 v5, v4;
	v10 =	vld [tilespmem:s10+$0x36A0];
	v5 =	vadd.f32 v8, v7  }
0x362: {  	v8 =	vadd.f32 v12, v14;
	v7 =	vld [tilespmem:s10+$0x36E0]  }
0x363: {  	v11 =	vadd.f32 v11, v15;
	v12 =	vld [tilespmem:s10+$0x3530];
	v4 =	vadd.f32 v5, v4  }
0x364: {  	v5 =	vld [tilespmem:s10+$0x3570]  }
0x365: {  	v6 =	vadd.f32 v9, v6;
	v9 =	vld [tilespmem:s10+$0x35B0];
	v0 =	vadd.f32 v4, v0  }
0x366: {  	v4 =	vadd.f32 v11, v8;
	v8 =	vld [tilespmem:s10+$0x35F0]  }
0x367: {  	v7 =	vadd.f32 v7, v10;
	v10 =	vld [tilespmem:s10+$0x3630]  }
0x368: {  	v11 =	vld [tilespmem:s10+$0x3670]  }
0x369: {  	v6 =	vadd.f32 v7, v6;
	v7 =	vld [tilespmem:s10+$0x36B0];
	v5 =	vadd.f32 v5, v12  }
0x36a: {  	v12 =	vld [tilespmem:s10+$0x36F0]  }
0x36b: {  	v4 =	vadd.f32 v6, v4;
	v6 =	vadd.f32 v8, v9;
	v8 =	vld [tilespmem:s10+$0x3540]  }
0x36c: {  	v9 =	vld [tilespmem:s10+$0x3580]  }
0x36d: {  	v10 =	vadd.f32 v11, v10;
	v5 =	vadd.f32 v6, v5;
	v6 =	vld [tilespmem:s10+$0x35C0]  }
0x36e: {  	v1 =	vadd.f32 v4, v1;
	v11 =	vld [tilespmem:s10+$0x3600]  }
0x36f: {  	v4 =	vadd.f32 v12, v7;
	v7 =	vld [tilespmem:s10+$0x3640]  }
0x370: {  	v12 =	vld [tilespmem:s10+$0x3680]  }
0x371: {  	v10 =	vadd.f32 v4, v10;
	v13 =	vld [tilespmem:s10+$0x36C0];
	v8 =	vadd.f32 v9, v8  }
0x372: {  	v9 =	vld [tilespmem:s10+$0x3700];
	s10 =	sshra.s32 s12, $0x2  }
0x373: {  	v4 =	vld [tilespmem:s10+$0x3550];
	v10 =	vadd.f32 v10, v5;
	v11 =	vadd.f32 v11, v6  }
0x374: {  	v5 =	vld [tilespmem:s10+$0x3590]  }
.Ltmp10:
0x375: {  	v6 =	vld [tilespmem:s10+$0x35D0];
	v12 =	vadd.f32 v12, v7;
	v11 =	vadd.f32 v11, v8;
	(pc) =	sbr.rel @p1 .LBB2_17-.Ltmp10, $4  }
0x376: {  	v2 =	vadd.f32 v10, v2;
	v8 =	vld [tilespmem:s10+$0x3610]  }
0x377: {  	v7 =	vld [tilespmem:s10+$0x3650];
	v13 =	vadd.f32 v9, v13  }
0x378: {  	v9 =	vld [tilespmem:s10+$0x3690]  }
0x379: {  	s12 =	sadd.s32 $0x800, s12;
	v10 =	vld [tilespmem:s10+$0x36D0];
	v12 =	vadd.f32 v13, v12  }
0x37a: {  	v13 =	vld [tilespmem:s10+$0x3710]  }
0x37b: {  	v14 =	vld [tilespmem:s10+$0x3520]  }
0x37c: {  	v15 =	vld [tilespmem:s10+$0x3560]  }
0x37d: {  	v16 =	vld [tilespmem:s10+$0x35A0]  }
0x37e: {  	v17 =	vld [tilespmem:s10+$0x35E0]  }
0x37f: {  	v18 =	vld [tilespmem:s10+$0x3620]  }
0x380: {  	v19 =	vld [tilespmem:s10+$0x3660]  }
0x381: {  	v20 =	vld [tilespmem:s10+$0x36A0]  }
0x382: {  	v21 =	vld [tilespmem:s10+$0x36E0]  }
0x383: {  	v22 =	vld [tilespmem:s10+$0x3530]  }
0x384: {  	v23 =	vld [tilespmem:s10+$0x3570]  }
0x385: {  	v24 =	vld [tilespmem:s10+$0x35B0]  }
0x386: {  	v25 =	vld [tilespmem:s10+$0x35F0]  }
0x387: {  	v26 =	vld [tilespmem:s10+$0x3630]  }
0x388: {  	v27 =	vld [tilespmem:s10+$0x3670]  }
0x389: {  	v28 =	vld [tilespmem:s10+$0x36B0]  }
0x38a: {  	v29 =	vld [tilespmem:s10+$0x36F0]  }
0x38b: {  	v30 =	vld [tilespmem:s10+$0x3580];
	v11 =	vadd.f32 v12, v11  }
0x38c: {  	v4 =	vadd.f32 v5, v4;
	v53 =	vld [tilespmem:s10+$0x3680];
	v5 =	vadd.f32 v8, v6  }
0x38d: {  	v12 =	vld [tilespmem:s10+$0x3540];
	v3 =	vadd.f32 v11, v3  }
0x38e: {  	v6 =	vld [tilespmem:s10+$0x3600];
	v7 =	vadd.f32 v9, v7;
	v4 =	vadd.f32 v5, v4  }
0x38f: {  	v11 =	vld [tilespmem:s10+$0x35C0];
	v8 =	vadd.f32 v15, v14;
	v14 =	vadd.f32 v17, v16  }
0x390: {  	v15 =	vld [tilespmem:s10+$0x3640];
	v51 =	vadd.f32 v19, v18;
	v52 =	vadd.f32 v21, v20  }
0x391: {  	v9 =	vadd.f32 v13, v10;
	v10 =	vld [tilespmem:s10+$0x36C0];
	v5 =	vadd.f32 v23, v22  }
0x392: {  	v54 =	vadd.f32 v27, v26;
	v8 =	vadd.f32 v14, v8;
	v14 =	vld [tilespmem:s10+$0x3700]  }
0x393: {  	v55 =	vadd.f32 v29, v28;
	v13 =	vadd.f32 v52, v51  }
0x394: {  	v12 =	vadd.f32 v30, v12;
	v7 =	vadd.f32 v9, v7  }
0x395: {  	v6 =	vadd.f32 v6, v11;
	v8 =	vadd.f32 v13, v8  }
0x396: {  	v13 =	vadd.f32 v25, v24;
	v4 =	vadd.f32 v7, v4  }
0x397: {  	v11 =	vadd.f32 v53, v15;
	v10 =	vadd.f32 v14, v10  }
0x398: {  	v5 =	vadd.f32 v13, v5;
	v13 =	vadd.f32 v55, v54  }
0x399: {  	v6 =	vadd.f32 v6, v12;
	v10 =	vadd.f32 v10, v11  }
0x39a: {  	v1 =	vadd.f32 v8, v1;
	v5 =	vadd.f32 v13, v5  }
0x39b: {  	v0 =	vadd.f32 v4, v0;
	v6 =	vadd.f32 v10, v6  }
0x39c: {  	[tilespmem:s24+$0xCB60] =	vst v1;
	v2 =	vadd.f32 v5, v2  }
0x39d: {  	[tilespmem:s24+$0xCB90] =	vst v0;
	v3 =	vadd.f32 v6, v3  }
0x39e: {  	[tilespmem:s24+$0xCB70] =	vst v2  }
0x39f: {  	s14 =	sadd.s32 $0x6, s26;
	[tilespmem:s24+$0xCB80] =	vst v3  }
0x3a0: {  	s10 =	sand.u32 $0xFE, s14;
	_ =	swait.ge [sflag:s23], $0x2000  }
0x3a1: {  	s10 =	sor.u32 s4, s10;
	[sflag:s23] =	ssyncset.done $0x0  }
0x3a2: {  	s10 =	smul.u32 $0xC8, s10;
	[sflag:s23] =	ssyncadd.s32 $0xFFFFE000  }
0x3a3: {  	s14 =	simm.s32 $0x0;
	_ =	swait.ge [sflag:s23], $0x1200  }
0x3a4: {  	s12 =	sshrl.u32 s10, $0x3;
	s10 =	sadd.s32 $0x80, s10;
	[sflag:s23] =	ssyncset.done $0x0  }
0x3a5: {  	s12 =	sadd.s32 s6, s12;
	s10 =	sshrl.u32 s10, $0x3;
	[sflag:s23] =	ssyncadd.s32 $0xFFFFEE00  }
0x3a6: {  	[tilespmem:s31], [sflag:$0x3] =	stream.linear.gather [hbm4b:s12+s14], $0x80, $0x38;
	[tilespmem:$0x10B20] =	vst v63  }
0x3a7: {  	s10 =	sadd.s32 s6, s10  }
0x3a8: {  	[tilespmem:s1], [sflag:$0x3] =	stream.linear.gather [hbm4b:s10+s14], $0x48, $0x38;
	[tilespmem:$0x10B20] =	vst v63  }
0x3a9: {  	_ =	swait.ge [sflag:s13], $0x80  }
0x3aa: {  	[sflag:s13] =	ssyncset.done $0x0  }
0x3ab: {  	[sflag:s13] =	ssyncadd.s32 $0xFFFFFF80  }
0x3ac: {  	_ =	swait.ge [sflag:s13], $0x48  }
0x3ad: {  	[sflag:s13] =	ssyncset.done $0x0  }
0x3ae: {  	s12 =	simm.s32 $0x3520;
	[sflag:s13] =	ssyncadd.s32 $0xFFFFFFB8  }
0x3af: {  	[tilespmem:s12], [sflag:$0x6] =	stream.indirect.gather [hbm4b:s7+s29], $0x40, s29, s29, $0xb8;
	[tilespmem:$0x10B20] =	vst v63  }
0x3b0: {  	s14 =	simm.s32 $0x0  }
0x3b1: {  	[tilespmem:s15], [sflag:$0x6] =	stream.indirect.gather [hbm4b:s7+s11], $0x40, s30, s11, $0xb8;
	[tilespmem:$0x10B20] =	vst v63  }
0x3b2: {  	v0 =	vld [tilespmem:s14+$0x6750]  }
0x3b3: {  	v1 =	vld [tilespmem:s14+$0x6790]  }
0x3b4: {  	v2 =	vld [tilespmem:s14+$0x67D0]  }
0x3b5: {  	v3 =	vld [tilespmem:s14+$0x6810]  }
0x3b6: {  	v4 =	vld [tilespmem:s14+$0x6850]  }
0x3b7: {  	v5 =	vld [tilespmem:s14+$0x6890]  }
0x3b8: {  	v6 =	vld [tilespmem:s14+$0x68D0]  }
0x3b9: {  	v7 =	vld [tilespmem:s14+$0x6910]  }
0x3ba: {  	v8 =	vld [tilespmem:s14+$0x6720]  }
0x3bb: {  	v9 =	vld [tilespmem:s14+$0x6760]  }
0x3bc: {  	v10 =	vld [tilespmem:s14+$0x67A0]  }
0x3bd: {  	v11 =	vld [tilespmem:s14+$0x67E0]  }
0x3be: {  	v12 =	vld [tilespmem:s14+$0x6820]  }
0x3bf: {  	v13 =	vld [tilespmem:s14+$0x6860]  }
0x3c0: {  	v14 =	vld [tilespmem:s14+$0x68A0]  }
0x3c1: {  	v15 =	vld [tilespmem:s14+$0x68E0]  }
0x3c2: {  	v56 =	vld [tilespmem:s14+$0x6730]  }
0x3c3: {  	v57 =	vld [tilespmem:s14+$0x6770]  }
0x3c4: {  	v58 =	vld [tilespmem:s14+$0x67B0]  }
0x3c5: {  	v59 =	vld [tilespmem:s14+$0x67F0]  }
0x3c6: {  	v60 =	vld [tilespmem:s14+$0x6830]  }
0x3c7: {  	v61 =	vld [tilespmem:s14+$0x6870]  }
0x3c8: {  	v62 =	vld [tilespmem:s14+$0x68B0]  }
0x3c9: {  	v63 =	vld [tilespmem:s14+$0x67C0];
	v0 =	vadd.f32 v1, v0;
	v1 =	vadd.f32 v3, v2  }
0x3ca: {  	v2 =	vld [tilespmem:s14+$0x68F0];
	v3 =	vadd.f32 v5, v4;
	v4 =	vadd.f32 v7, v6  }
0x3cb: {  	v6 =	vld [tilespmem:s14+$0x6740]  }
0x3cc: {  	v7 =	vld [tilespmem:s14+$0x6780];
	v0 =	vadd.f32 v1, v0;
	v1 =	vadd.f32 v4, v3  }
0x3cd: {  	v3 =	vadd.f32 v9, v8;
	v4 =	vadd.f32 v11, v10;
	v8 =	vld [tilespmem:s14+$0x6800]  }
0x3ce: {  	v5 =	vadd.f32 v59, v58;
	v9 =	vld [tilespmem:s14+$0x6840];
	v0 =	vadd.f32 v1, v0  }
0x3cf: {  	v11 =	vld [tilespmem:s14+$0x6880];
	v1 =	vadd.f32 v13, v12;
	v10 =	vadd.f32 v4, v3  }
0x3d0: {  	v3 =	vadd.f32 v15, v14;
	v4 =	vadd.f32 v57, v56;
	v12 =	vld [tilespmem:s14+$0x68C0]  }
0x3d1: {  	s10 =	simm.s32 $0x200;
	v13 =	vadd.f32 v61, v60;
	v14 =	vld [tilespmem:s14+$0x6900];
	v2 =	vadd.f32 v2, v62  }
0x3d2: {  	v1 =	vadd.f32 v3, v1;
	v3 =	vimm.f32 $0.0e+00;
	v15 =	vadd.f32 v5, v4;
	v4 =	vld [tilespmem:s10+$0x6750]  }
0x3d3: {  	v5 =	vld [tilespmem:s10+$0x6790];
	v0 =	vadd.f32 v0, v3;
	v2 =	vadd.f32 v2, v13  }
0x3d4: {  	v13 =	vadd.f32 v8, v63;
	v8 =	vld [tilespmem:s10+$0x6810];
	v1 =	vadd.f32 v1, v10  }
0x3d5: {  	v10 =	vadd.f32 v7, v6;
	v6 =	vld [tilespmem:s10+$0x67D0];
	v2 =	vadd.f32 v2, v15  }
0x3d6: {  	v7 =	vld [tilespmem:s10+$0x6850];
	v15 =	vadd.f32 v11, v9;
	v12 =	vadd.f32 v14, v12  }
0x3d7: {  	v9 =	vld [tilespmem:s10+$0x6890];
	v1 =	vadd.f32 v1, v3;
	v11 =	vadd.f32 v13, v10  }
0x3d8: {  	s12 =	simm.s32 $0x1000;
	v10 =	vld [tilespmem:s10+$0x68D0];
	v2 =	vadd.f32 v2, v3;
	v12 =	vadd.f32 v12, v15  }
.LBB2_19:
0x3d9: {  	p1 =	sne.s32 s12, $0xC000;
	v13 =	vld [tilespmem:s10+$0x6910]  }
0x3da: {  	v14 =	vld [tilespmem:s10+$0x6720];
	v11 =	vadd.f32 v12, v11  }
0x3db: {  	v12 =	vld [tilespmem:s10+$0x6760]  }
0x3dc: {  	v15 =	vld [tilespmem:s10+$0x67A0];
	v3 =	vadd.f32 v11, v3  }
0x3dd: {  	v4 =	vadd.f32 v5, v4;
	v5 =	vadd.f32 v8, v6;
	v11 =	vld [tilespmem:s10+$0x67E0]  }
0x3de: {  	v7 =	vadd.f32 v9, v7;
	v6 =	vld [tilespmem:s10+$0x6820];
	v8 =	vadd.f32 v13, v10  }
0x3df: {  	v9 =	vld [tilespmem:s10+$0x6860]  }
0x3e0: {  	v4 =	vadd.f32 v5, v4;
	v10 =	vld [tilespmem:s10+$0x68A0];
	v5 =	vadd.f32 v8, v7  }
0x3e1: {  	v8 =	vadd.f32 v12, v14;
	v7 =	vld [tilespmem:s10+$0x68E0]  }
0x3e2: {  	v11 =	vadd.f32 v11, v15;
	v12 =	vld [tilespmem:s10+$0x6730];
	v4 =	vadd.f32 v5, v4  }
0x3e3: {  	v5 =	vld [tilespmem:s10+$0x6770]  }
0x3e4: {  	v6 =	vadd.f32 v9, v6;
	v9 =	vld [tilespmem:s10+$0x67B0];
	v0 =	vadd.f32 v4, v0  }
0x3e5: {  	v4 =	vadd.f32 v11, v8;
	v8 =	vld [tilespmem:s10+$0x67F0]  }
0x3e6: {  	v7 =	vadd.f32 v7, v10;
	v10 =	vld [tilespmem:s10+$0x6830]  }
0x3e7: {  	v11 =	vld [tilespmem:s10+$0x6870]  }
0x3e8: {  	v6 =	vadd.f32 v7, v6;
	v7 =	vld [tilespmem:s10+$0x68B0];
	v5 =	vadd.f32 v5, v12  }
0x3e9: {  	v12 =	vld [tilespmem:s10+$0x68F0]  }
0x3ea: {  	v4 =	vadd.f32 v6, v4;
	v6 =	vadd.f32 v8, v9;
	v8 =	vld [tilespmem:s10+$0x6740]  }
0x3eb: {  	v9 =	vld [tilespmem:s10+$0x6780]  }
0x3ec: {  	v10 =	vadd.f32 v11, v10;
	v5 =	vadd.f32 v6, v5;
	v6 =	vld [tilespmem:s10+$0x67C0]  }
0x3ed: {  	v1 =	vadd.f32 v4, v1;
	v11 =	vld [tilespmem:s10+$0x6800]  }
0x3ee: {  	v4 =	vadd.f32 v12, v7;
	v7 =	vld [tilespmem:s10+$0x6840]  }
0x3ef: {  	v12 =	vld [tilespmem:s10+$0x6880]  }
0x3f0: {  	v10 =	vadd.f32 v4, v10;
	v13 =	vld [tilespmem:s10+$0x68C0];
	v8 =	vadd.f32 v9, v8  }
0x3f1: {  	v9 =	vld [tilespmem:s10+$0x6900];
	s10 =	sshra.s32 s12, $0x2  }
0x3f2: {  	v4 =	vld [tilespmem:s10+$0x6750];
	v10 =	vadd.f32 v10, v5;
	v11 =	vadd.f32 v11, v6  }
0x3f3: {  	v5 =	vld [tilespmem:s10+$0x6790]  }
.Ltmp11:
0x3f4: {  	v6 =	vld [tilespmem:s10+$0x67D0];
	v12 =	vadd.f32 v12, v7;
	v11 =	vadd.f32 v11, v8;
	(pc) =	sbr.rel @p1 .LBB2_19-.Ltmp11, $4  }
0x3f5: {  	v2 =	vadd.f32 v10, v2;
	v8 =	vld [tilespmem:s10+$0x6810]  }
0x3f6: {  	v7 =	vld [tilespmem:s10+$0x6850];
	v13 =	vadd.f32 v9, v13  }
0x3f7: {  	v9 =	vld [tilespmem:s10+$0x6890]  }
0x3f8: {  	s12 =	sadd.s32 $0x800, s12;
	v10 =	vld [tilespmem:s10+$0x68D0];
	v12 =	vadd.f32 v13, v12  }
0x3f9: {  	v13 =	vld [tilespmem:s10+$0x6910]  }
0x3fa: {  	v14 =	vld [tilespmem:s10+$0x6720]  }
0x3fb: {  	v15 =	vld [tilespmem:s10+$0x6760]  }
0x3fc: {  	v16 =	vld [tilespmem:s10+$0x67A0]  }
0x3fd: {  	v17 =	vld [tilespmem:s10+$0x67E0]  }
0x3fe: {  	v18 =	vld [tilespmem:s10+$0x6820]  }
0x3ff: {  	v19 =	vld [tilespmem:s10+$0x6860]  }
0x400: {  	v20 =	vld [tilespmem:s10+$0x68A0]  }
0x401: {  	v21 =	vld [tilespmem:s10+$0x68E0]  }
0x402: {  	v22 =	vld [tilespmem:s10+$0x6730]  }
0x403: {  	v23 =	vld [tilespmem:s10+$0x6770]  }
0x404: {  	v24 =	vld [tilespmem:s10+$0x67B0]  }
0x405: {  	v25 =	vld [tilespmem:s10+$0x67F0]  }
0x406: {  	v26 =	vld [tilespmem:s10+$0x6830]  }
0x407: {  	v27 =	vld [tilespmem:s10+$0x6870]  }
0x408: {  	v28 =	vld [tilespmem:s10+$0x68B0]  }
0x409: {  	v29 =	vld [tilespmem:s10+$0x68F0]  }
0x40a: {  	v30 =	vld [tilespmem:s10+$0x6780];
	v11 =	vadd.f32 v12, v11  }
0x40b: {  	v4 =	vadd.f32 v5, v4;
	v53 =	vld [tilespmem:s10+$0x6880];
	v5 =	vadd.f32 v8, v6  }
0x40c: {  	v12 =	vld [tilespmem:s10+$0x6740];
	v3 =	vadd.f32 v11, v3  }
0x40d: {  	v6 =	vld [tilespmem:s10+$0x6800];
	v7 =	vadd.f32 v9, v7;
	v4 =	vadd.f32 v5, v4  }
0x40e: {  	v11 =	vld [tilespmem:s10+$0x67C0];
	v8 =	vadd.f32 v15, v14;
	v14 =	vadd.f32 v17, v16  }
0x40f: {  	v15 =	vld [tilespmem:s10+$0x6840];
	v51 =	vadd.f32 v19, v18;
	v52 =	vadd.f32 v21, v20  }
0x410: {  	v9 =	vadd.f32 v13, v10;
	v10 =	vld [tilespmem:s10+$0x68C0];
	v5 =	vadd.f32 v23, v22  }
0x411: {  	v54 =	vadd.f32 v27, v26;
	v8 =	vadd.f32 v14, v8;
	v14 =	vld [tilespmem:s10+$0x6900]  }
0x412: {  	v55 =	vadd.f32 v29, v28;
	v13 =	vadd.f32 v52, v51  }
0x413: {  	v12 =	vadd.f32 v30, v12;
	v7 =	vadd.f32 v9, v7  }
0x414: {  	v6 =	vadd.f32 v6, v11;
	v8 =	vadd.f32 v13, v8  }
0x415: {  	v13 =	vadd.f32 v25, v24;
	v4 =	vadd.f32 v7, v4  }
0x416: {  	v11 =	vadd.f32 v53, v15;
	v10 =	vadd.f32 v14, v10  }
0x417: {  	v5 =	vadd.f32 v13, v5;
	v13 =	vadd.f32 v55, v54  }
0x418: {  	v6 =	vadd.f32 v6, v12;
	v10 =	vadd.f32 v10, v11  }
0x419: {  	v1 =	vadd.f32 v8, v1;
	v5 =	vadd.f32 v13, v5  }
0x41a: {  	v0 =	vadd.f32 v4, v0;
	v6 =	vadd.f32 v10, v6  }
0x41b: {  	[tilespmem:s24+$0xCBA0] =	vst v1;
	v2 =	vadd.f32 v5, v2  }
0x41c: {  	[tilespmem:s24+$0xCBD0] =	vst v0;
	v3 =	vadd.f32 v6, v3  }
0x41d: {  	[tilespmem:s24+$0xCBB0] =	vst v2  }
0x41e: {  	s14 =	sadd.s32 $0x7, s26;
	[tilespmem:s24+$0xCBC0] =	vst v3  }
0x41f: {  	s10 =	sand.u32 $0xFF, s14;
	_ =	swait.ge [sflag:s8], $0x2000  }
0x420: {  	s10 =	sor.u32 s4, s10;
	[sflag:s8] =	ssyncset.done $0x0  }
0x421: {  	s10 =	smul.u32 $0xC8, s10;
	[sflag:s8] =	ssyncadd.s32 $0xFFFFE000  }
0x422: {  	s14 =	simm.s32 $0x0;
	_ =	swait.ge [sflag:s8], $0x1200  }
0x423: {  	s12 =	sshrl.u32 s10, $0x3;
	s10 =	sadd.s32 $0x80, s10;
	[sflag:s8] =	ssyncset.done $0x0  }
0x424: {  	s12 =	sadd.s32 s6, s12;
	s10 =	sshrl.u32 s10, $0x3;
	[sflag:s8] =	ssyncadd.s32 $0xFFFFEE00  }
0x425: {  	[tilespmem:s0], [sflag:$0x4] =	stream.linear.gather [hbm4b:s12+s14], $0x80, $0x38;
	[tilespmem:$0x10B20] =	vst v63  }
0x426: {  	s10 =	sadd.s32 s6, s10  }
0x427: {  	[tilespmem:s2], [sflag:$0x4] =	stream.linear.gather [hbm4b:s10+s14], $0x48, $0x38;
	[tilespmem:$0x10B20] =	vst v63  }
0x428: {  	_ =	swait.ge [sflag:s18], $0x80  }
0x429: {  	[sflag:s18] =	ssyncset.done $0x0  }
0x42a: {  	[sflag:s18] =	ssyncadd.s32 $0xFFFFFF80  }
0x42b: {  	_ =	swait.ge [sflag:s18], $0x48  }
0x42c: {  	[sflag:s18] =	ssyncset.done $0x0  }
0x42d: {  	[sflag:s18] =	ssyncadd.s32 $0xFFFFFFB8  }
0x42e: {  	[tilespmem:s19], [sflag:$0x7] =	stream.indirect.gather [hbm4b:s7+s29], $0x40, s31, s29, $0xb8;
	[tilespmem:$0x10B20] =	vst v63  }
0x42f: {  	s26 =	simm.s32 $0x0  }
0x430: {  	[tilespmem:s20], [sflag:$0x7] =	stream.indirect.gather [hbm4b:s7+s11], $0x40, s1, s11, $0xb8;
	[tilespmem:$0x10B20] =	vst v63  }
0x431: {  	v0 =	vld [tilespmem:s26+$0x9950]  }
0x432: {  	v1 =	vld [tilespmem:s26+$0x9990]  }
0x433: {  	v2 =	vld [tilespmem:s26+$0x99D0]  }
0x434: {  	v3 =	vld [tilespmem:s26+$0x9A10]  }
0x435: {  	v4 =	vld [tilespmem:s26+$0x9A50]  }
0x436: {  	v5 =	vld [tilespmem:s26+$0x9A90]  }
0x437: {  	v6 =	vld [tilespmem:s26+$0x9AD0]  }
0x438: {  	v7 =	vld [tilespmem:s26+$0x9B10]  }
0x439: {  	v8 =	vld [tilespmem:s26+$0x9920]  }
0x43a: {  	v9 =	vld [tilespmem:s26+$0x9960]  }
0x43b: {  	v10 =	vld [tilespmem:s26+$0x99A0]  }
0x43c: {  	v11 =	vld [tilespmem:s26+$0x99E0]  }
0x43d: {  	v12 =	vld [tilespmem:s26+$0x9A20]  }
0x43e: {  	v13 =	vld [tilespmem:s26+$0x9A60]  }
0x43f: {  	v14 =	vld [tilespmem:s26+$0x9AA0]  }
0x440: {  	v15 =	vld [tilespmem:s26+$0x9AE0]  }
0x441: {  	v56 =	vld [tilespmem:s26+$0x9930]  }
0x442: {  	v57 =	vld [tilespmem:s26+$0x9970]  }
0x443: {  	v58 =	vld [tilespmem:s26+$0x99B0]  }
0x444: {  	v59 =	vld [tilespmem:s26+$0x99F0]  }
0x445: {  	v60 =	vld [tilespmem:s26+$0x9A30]  }
0x446: {  	v61 =	vld [tilespmem:s26+$0x9A70]  }
0x447: {  	v62 =	vld [tilespmem:s26+$0x9AB0]  }
0x448: {  	v63 =	vld [tilespmem:s26+$0x99C0];
	v0 =	vadd.f32 v1, v0;
	v1 =	vadd.f32 v3, v2  }
0x449: {  	v2 =	vld [tilespmem:s26+$0x9AF0];
	v3 =	vadd.f32 v5, v4;
	v4 =	vadd.f32 v7, v6  }
0x44a: {  	v6 =	vld [tilespmem:s26+$0x9940]  }
0x44b: {  	v7 =	vld [tilespmem:s26+$0x9980];
	v0 =	vadd.f32 v1, v0;
	v1 =	vadd.f32 v4, v3  }
0x44c: {  	v3 =	vadd.f32 v9, v8;
	v4 =	vadd.f32 v11, v10;
	v8 =	vld [tilespmem:s26+$0x9A00]  }
0x44d: {  	v5 =	vadd.f32 v59, v58;
	v9 =	vld [tilespmem:s26+$0x9A40];
	v0 =	vadd.f32 v1, v0  }
0x44e: {  	v11 =	vld [tilespmem:s26+$0x9A80];
	v1 =	vadd.f32 v13, v12;
	v10 =	vadd.f32 v4, v3  }
0x44f: {  	v3 =	vadd.f32 v15, v14;
	v4 =	vadd.f32 v57, v56;
	v12 =	vld [tilespmem:s26+$0x9AC0]  }
0x450: {  	s10 =	simm.s32 $0x200;
	v13 =	vadd.f32 v61, v60;
	v14 =	vld [tilespmem:s26+$0x9B00];
	v2 =	vadd.f32 v2, v62  }
0x451: {  	v1 =	vadd.f32 v3, v1;
	v3 =	vimm.f32 $0.0e+00;
	v15 =	vadd.f32 v5, v4;
	v4 =	vld [tilespmem:s10+$0x9950]  }
0x452: {  	v5 =	vld [tilespmem:s10+$0x9990];
	v0 =	vadd.f32 v0, v3;
	v2 =	vadd.f32 v2, v13  }
0x453: {  	v13 =	vadd.f32 v8, v63;
	v8 =	vld [tilespmem:s10+$0x9A10];
	v1 =	vadd.f32 v1, v10  }
0x454: {  	v10 =	vadd.f32 v7, v6;
	v6 =	vld [tilespmem:s10+$0x99D0];
	v2 =	vadd.f32 v2, v15  }
0x455: {  	v7 =	vld [tilespmem:s10+$0x9A50];
	v15 =	vadd.f32 v11, v9;
	v12 =	vadd.f32 v14, v12  }
0x456: {  	v9 =	vld [tilespmem:s10+$0x9A90];
	v1 =	vadd.f32 v1, v3;
	v11 =	vadd.f32 v13, v10  }
0x457: {  	s12 =	simm.s32 $0x1000;
	v10 =	vld [tilespmem:s10+$0x9AD0];
	v2 =	vadd.f32 v2, v3;
	v12 =	vadd.f32 v12, v15  }
.LBB2_21:
0x458: {  	p1 =	sne.s32 s12, $0xC000;
	v13 =	vld [tilespmem:s10+$0x9B10]  }
0x459: {  	v14 =	vld [tilespmem:s10+$0x9920];
	v11 =	vadd.f32 v12, v11  }
0x45a: {  	v12 =	vld [tilespmem:s10+$0x9960]  }
0x45b: {  	v15 =	vld [tilespmem:s10+$0x99A0];
	v3 =	vadd.f32 v11, v3  }
0x45c: {  	v4 =	vadd.f32 v5, v4;
	v5 =	vadd.f32 v8, v6;
	v11 =	vld [tilespmem:s10+$0x99E0]  }
0x45d: {  	v7 =	vadd.f32 v9, v7;
	v6 =	vld [tilespmem:s10+$0x9A20];
	v8 =	vadd.f32 v13, v10  }
0x45e: {  	v9 =	vld [tilespmem:s10+$0x9A60]  }
0x45f: {  	v4 =	vadd.f32 v5, v4;
	v10 =	vld [tilespmem:s10+$0x9AA0];
	v5 =	vadd.f32 v8, v7  }
0x460: {  	v8 =	vadd.f32 v12, v14;
	v7 =	vld [tilespmem:s10+$0x9AE0]  }
0x461: {  	v11 =	vadd.f32 v11, v15;
	v12 =	vld [tilespmem:s10+$0x9930];
	v4 =	vadd.f32 v5, v4  }
0x462: {  	v5 =	vld [tilespmem:s10+$0x9970]  }
0x463: {  	v6 =	vadd.f32 v9, v6;
	v9 =	vld [tilespmem:s10+$0x99B0];
	v0 =	vadd.f32 v4, v0  }
0x464: {  	v4 =	vadd.f32 v11, v8;
	v8 =	vld [tilespmem:s10+$0x99F0]  }
0x465: {  	v7 =	vadd.f32 v7, v10;
	v10 =	vld [tilespmem:s10+$0x9A30]  }
0x466: {  	v11 =	vld [tilespmem:s10+$0x9A70]  }
0x467: {  	v6 =	vadd.f32 v7, v6;
	v7 =	vld [tilespmem:s10+$0x9AB0];
	v5 =	vadd.f32 v5, v12  }
0x468: {  	v12 =	vld [tilespmem:s10+$0x9AF0]  }
0x469: {  	v4 =	vadd.f32 v6, v4;
	v6 =	vadd.f32 v8, v9;
	v8 =	vld [tilespmem:s10+$0x9940]  }
0x46a: {  	v9 =	vld [tilespmem:s10+$0x9980]  }
0x46b: {  	v10 =	vadd.f32 v11, v10;
	v5 =	vadd.f32 v6, v5;
	v6 =	vld [tilespmem:s10+$0x99C0]  }
0x46c: {  	v1 =	vadd.f32 v4, v1;
	v11 =	vld [tilespmem:s10+$0x9A00]  }
0x46d: {  	v4 =	vadd.f32 v12, v7;
	v7 =	vld [tilespmem:s10+$0x9A40]  }
0x46e: {  	v12 =	vld [tilespmem:s10+$0x9A80]  }
0x46f: {  	v10 =	vadd.f32 v4, v10;
	v13 =	vld [tilespmem:s10+$0x9AC0];
	v8 =	vadd.f32 v9, v8  }
0x470: {  	v9 =	vld [tilespmem:s10+$0x9B00];
	s10 =	sshra.s32 s12, $0x2  }
0x471: {  	v4 =	vld [tilespmem:s10+$0x9950];
	v10 =	vadd.f32 v10, v5;
	v11 =	vadd.f32 v11, v6  }
0x472: {  	v5 =	vld [tilespmem:s10+$0x9990]  }
.Ltmp12:
0x473: {  	v6 =	vld [tilespmem:s10+$0x99D0];
	v12 =	vadd.f32 v12, v7;
	v11 =	vadd.f32 v11, v8;
	(pc) =	sbr.rel @p1 .LBB2_21-.Ltmp12, $4  }
0x474: {  	v2 =	vadd.f32 v10, v2;
	v8 =	vld [tilespmem:s10+$0x9A10]  }
0x475: {  	v7 =	vld [tilespmem:s10+$0x9A50];
	v13 =	vadd.f32 v9, v13  }
0x476: {  	v9 =	vld [tilespmem:s10+$0x9A90]  }
0x477: {  	s12 =	sadd.s32 $0x800, s12;
	v10 =	vld [tilespmem:s10+$0x9AD0];
	v12 =	vadd.f32 v13, v12  }
0x478: {  	v13 =	vld [tilespmem:s10+$0x9B10]  }
0x479: {  	v14 =	vld [tilespmem:s10+$0x9920]  }
0x47a: {  	v15 =	vld [tilespmem:s10+$0x9960]  }
0x47b: {  	v16 =	vld [tilespmem:s10+$0x99A0]  }
0x47c: {  	v17 =	vld [tilespmem:s10+$0x99E0]  }
0x47d: {  	v18 =	vld [tilespmem:s10+$0x9A20]  }
0x47e: {  	v19 =	vld [tilespmem:s10+$0x9A60]  }
0x47f: {  	v20 =	vld [tilespmem:s10+$0x9AA0]  }
0x480: {  	v21 =	vld [tilespmem:s10+$0x9AE0]  }
0x481: {  	v22 =	vld [tilespmem:s10+$0x9930]  }
0x482: {  	v23 =	vld [tilespmem:s10+$0x9970]  }
0x483: {  	v24 =	vld [tilespmem:s10+$0x99B0]  }
0x484: {  	v25 =	vld [tilespmem:s10+$0x99F0]  }
0x485: {  	v26 =	vld [tilespmem:s10+$0x9A30]  }
0x486: {  	v27 =	vld [tilespmem:s10+$0x9A70]  }
0x487: {  	v28 =	vld [tilespmem:s10+$0x9AB0]  }
0x488: {  	v29 =	vld [tilespmem:s10+$0x9AF0]  }
0x489: {  	v44 =	vld [tilespmem:s10+$0x9940]  }
0x48a: {  	v30 =	vld [tilespmem:s10+$0x9980]  }
0x48b: {  	v45 =	vld [tilespmem:s10+$0x99C0];
	v11 =	vadd.f32 v12, v11  }
0x48c: {  	v4 =	vadd.f32 v5, v4;
	v47 =	vld [tilespmem:s10+$0x9A00];
	v46 =	vadd.f32 v8, v6  }
0x48d: {  	v50 =	vld [tilespmem:s10+$0x9A40];
	v3 =	vadd.f32 v11, v3  }
0x48e: {  	v53 =	vld [tilespmem:s10+$0x9A80];
	v7 =	vadd.f32 v9, v7;
	v4 =	vadd.f32 v46, v4  }
0x48f: {  	v55 =	vld [tilespmem:s10+$0x9AC0];
	v48 =	vadd.f32 v15, v14;
	v49 =	vadd.f32 v17, v16  }
0x490: {  	v57 =	vld [tilespmem:s10+$0x9B00];
	v51 =	vadd.f32 v19, v18;
	v52 =	vadd.f32 v21, v20  }
0x491: {  	v54 =	vadd.f32 v13, v10;
	v58 =	vadd.f32 v23, v22  }
0x492: {  	v59 =	vadd.f32 v25, v24;
	v60 =	vadd.f32 v27, v26  }
0x493: {  	v61 =	vadd.f32 v29, v28;
	v12 =	vadd.f32 v30, v44  }
0x494: {  	v6 =	vadd.f32 v47, v45;
	v62 =	vadd.f32 v53, v50  }
0x495: {  	v10 =	vadd.f32 v57, v55;
	v8 =	vadd.f32 v49, v48  }
0x496: {  	v56 =	vadd.f32 v52, v51;
	v5 =	vadd.f32 v59, v58  }
0x497: {  	v63 =	vadd.f32 v61, v60;
	v6 =	vadd.f32 v6, v12  }
0x498: {  	v10 =	vadd.f32 v10, v62;
	v8 =	vadd.f32 v56, v8  }
0x499: {  	s25 =	sadd.s32 $0x1, s25;
	v7 =	vadd.f32 v54, v7;
	v5 =	vadd.f32 v63, v5  }
0x49a: {  	p1 =	sne.s32 s25, $0x40;
	v6 =	vadd.f32 v10, v6;
	v1 =	vadd.f32 v8, v1  }
.Ltmp13:
0x49b: {  	v4 =	vadd.f32 v7, v4;
	v2 =	vadd.f32 v5, v2;
	(pc) =	sbr.rel @p1 .LBB2_14-.Ltmp13, $4  }
0x49c: {  	v3 =	vadd.f32 v6, v3;
	[tilespmem:s24+$0xCBE0] =	vst v1  }
0x49d: {  	v0 =	vadd.f32 v4, v0;
	[tilespmem:s24+$0xCBF0] =	vst v2  }
0x49e: {  	[tilespmem:s24+$0xCC00] =	vst v3  }
0x49f: {  	s14 =	simm.s32 $0x9920;
	[tilespmem:s24+$0xCC10] =	vst v0  }
.Ltmp14:
0x4a0: {  	(pc) =	sbr.rel .LBB2_24-.Ltmp14, $3  }
0x4a1: {  	_ =	sdelay $0x1  }
0x4a2: {  	s10 =	rddreg [dreg:$0xc]  }
0x4a3: {  	s24 =	rddreg [dreg:$0x16]  }
.LBB2_25:
0x4a4: {  	_ =	sfence.sel $0x180000  }
0x4a5: {  	[bflag:$0x0] =	sbarrier.arrive $0xFFFF  }
0x4a6: {  	_ =	strace $0x90000047  }
0x4a7: {  	s0 =	stileid.u32;
	[bflag:$0x2] =	sbarrier.arrive $0xFFFF  }
0x4a8: {  	p0 =	sne.s32 s0, $0x0;
	s0 =	rddreg [dreg:$0x2]  }
0x4a9: {  	s0 =	sadd.s32 @!p0 $0x100000, s0  }
0x4aa: {  	[sflag:s0] =	ssyncadd.tile.s32 @!p0 $0x1;
	_ =	shalt  }
.Lfunc_end2:
_tile_overlayer_lowered:
.L_overlay_start_2:
0x4ab: {  	(tag) =	ssettag $0x2  }
0x4ac: {  	s0 =	rddreg [dreg:$0x0];
	s2 =	stileid.u32  }
0x4ad: {  	s1 =	rddreg [dreg:$0x1];
	p0 =	sne.s32 s2, $0x0  }
0x4ae: {  	s3 =	rddreg [dreg:$0x2];
	[bflag:$0x3] =	sbarrier.arrive $0xFFFF;
	s2 =	simm.s32 @!p0 $0x1C09  }
0x4af: {  	[timem:s3], [sflag:s2] =	dma.local @!p0 [hbm:s0], s1  }
0x4b0: {  	s0 =	simm.s32 @!p0 $0x9  }
0x4b1: {  	_ =	swait.ge @!p0 [sflag:s0], s1  }
0x4b2: {  	s1 =	ssub.s32 @!p0 $0x0, s1;
	[sflag:s0] =	ssyncset.done @!p0 $0x0  }
0x4b3: {  	[sflag:s0] =	ssyncadd.s32 @!p0 s1  }
0x4b4: {  	[bflag:$0x3] =	sbarrier.arrive $0xFFFF  }
0x4b5: {  	_ =	shalt  }

</sc_bundles>
